<compile_context>
chip_gen: v7x
topology: tpu7x:2x2x1
jax: 0.10.2.dev20260603
libtpu: 0.0.44.dev20260713+nightly
codegen_flags: <defaults>
</compile_context>

<pallas_src>
import functools

import jax
import jax.numpy as jnp
from jax import lax
from jax.experimental import pallas as pl
from jax.experimental.pallas import tpu as pltpu
from jax.experimental.pallas import tpu_sc as plsc

B, L, D = 1024, 50, 64
NLP = 768
NR = 4
BL = B * L

NC, NS = 2, 16
NW = NC * NS
CB = 80
CPW = BL // (NW * CB)
NG = 4
NBUF = 6
LAG = 2


def _sc_gather2(exe_t, skill_t, idx_all):
    mesh = plsc.VectorSubcoreMesh(core_axis_name="c", subcore_axis_name="s")

    @functools.partial(
        pl.kernel,
        mesh=mesh,
        out_type=[jax.ShapeDtypeStruct((BL, D), jnp.float32)] * 2,
        scratch_types=[
            pltpu.VMEM((NG, CPW, CB), jnp.int32),
            *[pltpu.VMEM((CB, D), jnp.float32) for _ in range(NBUF)],
            *[pltpu.SemaphoreType.DMA for _ in range(2 * NBUF)],
        ],
        compiler_params=pltpu.CompilerParams(use_tc_tiling_on_sc=False),
    )
    def k(exe_hbm, skill_hbm, idx_hbm, genc, gout, idx_v, *bufs_and_sems):
        bufs = bufs_and_sems[:NBUF]
        gsem = bufs_and_sems[NBUF:2 * NBUF]
        wsem = bufs_and_sems[2 * NBUF:]
        wid = lax.axis_index("s") * NC + lax.axis_index("c")
        base = wid * (CPW * CB)

        pltpu.sync_copy(idx_hbm.at[wid], idx_v)

        jobs = []
        for j in range(CPW):
            jobs.append((0, 1, genc, j))
            jobs.append((2, 3, gout, j))
        nj = len(jobs)
        h1 = [None] * nj
        h2 = [None] * nj
        hw = [None] * nj

        for i in range(nj + 2 * LAG):
            if i < nj:
                s = i % NBUF
                if i >= NBUF:
                    hw[i - NBUF].wait()
                ge, _, _, j = jobs[i]
                h1[i] = pltpu.async_copy(
                    exe_hbm.at[idx_v.at[ge, j]], bufs[s], gsem[s])
            if LAG <= i < nj + LAG:
                t = i - LAG
                s = t % NBUF
                _, gs, _, j = jobs[t]
                h1[t].wait()
                h2[t] = pltpu.async_copy(
                    skill_hbm.at[idx_v.at[gs, j]], bufs[s], gsem[s],
                    add=True)
            if i >= 2 * LAG:
                t = i - 2 * LAG
                s = t % NBUF
                _, _, dst, j = jobs[t]
                h2[t].wait()
                start = pl.multiple_of(base + j * CB, 8)
                hw[t] = pltpu.async_copy(
                    bufs[s], dst.at[pl.ds(start, CB)], wsem[s])
        for t in range(nj - NBUF, nj):
            hw[t].wait()

    return k(exe_t, skill_t, idx_all)


BLK = 2


def _tc_body(x1_ref, x2_ref, el_ref, r_ref, ge_ref, go_ref,
             pos_ref, wn_ref, bn_ref, wt_ref, bt_ref, resp_ref,
             enc_ref, dec_ref, out_ref):
    w = wn_ref[...]
    bn = bn_ref[...]
    for k in range(BLK):
        pos_l = pos_ref[k].reshape(1, D)

        x1 = x1_ref[k].reshape(B, NLP)
        y1 = jnp.dot(x1, w, preferred_element_type=jnp.float32)
        enc = y1 + bn + pos_l + ge_ref[k].reshape(B, D)
        enc_ref[k] = enc.T

        el = el_ref[k].reshape(B, 1)
        r = r_ref[k].reshape(B, 1)
        onehot = (r == lax.broadcasted_iota(jnp.int32, (1, NR), 1)
                  ).astype(jnp.float32)
        dec_r = jnp.dot(onehot, resp_ref[...],
                        preferred_element_type=jnp.float32)
        dec = el * wt_ref[...] + bt_ref[...] + pos_l + dec_r
        dec_ref[k] = dec.T

        x2 = x2_ref[k].reshape(B, NLP)
        y2 = jnp.dot(x2, w, preferred_element_type=jnp.float32)
        out = y2 + bn + go_ref[k].reshape(B, D)
        out_ref[k] = out.T


def _tc_combine(x1_t, x2_t, el_t, r_t, g_enc, g_out,
                pos, w_nlp, b_nlp, w_time, b_time, resp):
    big = pl.BlockSpec((BLK, B, NLP), lambda i: (i, 0, 0))
    tok = pl.BlockSpec((BLK, B, D), lambda i: (i, 0, 0))
    row = pl.BlockSpec((BLK, 1, B), lambda i: (i, 0, 0))
    tokT = pl.BlockSpec((BLK, D, B), lambda i: (i, 0, 0))
    return pl.pallas_call(
        _tc_body,
        grid=(L // BLK,),
        in_specs=[
            big, big, row, row,
            tok, tok,
            pl.BlockSpec((BLK, 1, D), lambda i: (i, 0, 0)),
            pl.BlockSpec((NLP, D), lambda i: (0, 0)),
            pl.BlockSpec((1, D), lambda i: (0, 0)),
            pl.BlockSpec((1, D), lambda i: (0, 0)),
            pl.BlockSpec((1, D), lambda i: (0, 0)),
            pl.BlockSpec((NR, D), lambda i: (0, 0)),
        ],
        out_specs=[tokT, tokT, tokT],
        out_shape=[jax.ShapeDtypeStruct((L, D, B), jnp.float32)] * 3,
        compiler_params=pltpu.CompilerParams(
            vmem_limit_bytes=100 * 1024 * 1024),
    )(x1_t, x2_t, el_t, r_t, g_enc, g_out,
      pos, w_nlp, b_nlp, w_time, b_time, resp)


def kernel(input_nlp_embedding, input_exercise, input_skill, input_r,
           in_elapsed_time, output_nlp_embedding, out_exercise, out_skill,
           exercise_table, skill_table, response_table, position_table,
           W_time, b_time, W_nlp, b_nlp):
    def idx_t(a):
        return a.astype(jnp.int32).T.reshape(NW, CPW, CB)

    idx_all = jnp.stack(
        [idx_t(input_exercise), idx_t(input_skill),
         idx_t(out_exercise), idx_t(out_skill)], axis=1)

    g_enc, g_out = _sc_gather2(exercise_table, skill_table, idx_all)

    def tok3d(a):
        return a.reshape(L, B, D)

    enc_t, dec_t, out_t = _tc_combine(
        input_nlp_embedding.transpose(1, 0, 2),
        output_nlp_embedding.transpose(1, 0, 2),
        in_elapsed_time[:, :, 0].T.reshape(L, 1, B),
        input_r.astype(jnp.int32).T.reshape(L, 1, B),
        tok3d(g_enc), tok3d(g_out),
        position_table.reshape(L, 1, D), W_nlp, b_nlp.reshape(1, D), W_time,
        b_time.reshape(1, D), response_table)
    return (enc_t.transpose(2, 0, 1), dec_t.transpose(2, 0, 1),
            out_t.transpose(2, 0, 1))

# --- scband reference (transcript-rebuilt; emitter-appended) ---
"""Pipeline reference for scband-embedding-block-74096775791168 (READ-ONLY COPY).

The authoritative reference and input builder live on the scoring server;
editing this copy changes nothing except your own understanding.
"""

import jax, jax.numpy as jnp
import numpy as np

B, L, D = 1024, 50, 64
NQ, NS, NR = 1000000, 1000, 4
NLP = 768


def setup_inputs(seed: int = 0) -> dict:
    key = jax.random.key(seed)
    ks = jax.random.split(key, 16)
    return {
        "input_nlp_embedding": jax.random.normal(ks[0], (B, L, NLP), dtype=jnp.float32),
        "input_exercise": jax.random.randint(ks[1], (B, L), 0, NQ, dtype=jnp.int64) if jax.config.jax_enable_x64 else jax.random.randint(ks[1], (B, L), 0, NQ, dtype=jnp.int32),
        "input_skill": jax.random.randint(ks[2], (B, L), 0, NS, dtype=jnp.int32),
        "input_r": jax.random.randint(ks[3], (B, L), 0, NR, dtype=jnp.int32),
        "in_elapsed_time": jax.random.uniform(ks[4], (B, L, 1), dtype=jnp.float32),
        "output_nlp_embedding": jax.random.normal(ks[5], (B, L, NLP), dtype=jnp.float32),
        "out_exercise": jax.random.randint(ks[6], (B, L), 0, NQ, dtype=jnp.int32),
        "out_skill": jax.random.randint(ks[7], (B, L), 0, NS, dtype=jnp.int32),
        "exercise_table": jax.random.normal(ks[8], (NQ, D), dtype=jnp.float32) * 0.02,
        "skill_table": jax.random.normal(ks[9], (NS, D), dtype=jnp.float32) * 0.02,
        "response_table": jax.random.normal(ks[10], (NR, D), dtype=jnp.float32) * 0.02,
        "position_table": jax.random.normal(ks[11], (L, D), dtype=jnp.float32) * 0.02,
        "W_time": jax.random.normal(ks[12], (1, D), dtype=jnp.float32) * 0.02,
        "b_time": jnp.zeros((D,), dtype=jnp.float32),
        "W_nlp": jax.random.normal(ks[13], (NLP, D), dtype=jnp.float32) * 0.02,
        "b_nlp": jnp.zeros((D,), dtype=jnp.float32),
    }


def reference(input_nlp_embedding, input_exercise, input_skill, input_r,
              in_elapsed_time, output_nlp_embedding, out_exercise, out_skill,
              exercise_table, skill_table, response_table, position_table,
              W_time, b_time, W_nlp, b_nlp):
    # pos_encode(seq_len) -> arange(seq_len); position embedding lookup
    pos_ids = jnp.arange(L)
    _pos = jnp.take(position_table, pos_ids, axis=0)  # [L, D]
    _exe = jnp.take(exercise_table, input_exercise, axis=0)  # [B, L, D]
    _skill = jnp.take(skill_table, input_skill, axis=0)
    _input_nlp = input_nlp_embedding @ W_nlp + b_nlp
    _response = jnp.take(response_table, input_r, axis=0)
    _elapsed_time = in_elapsed_time @ W_time + b_time
    _output_nlp = output_nlp_embedding @ W_nlp + b_nlp
    _out_exe = jnp.take(exercise_table, out_exercise, axis=0)
    _out_skill = jnp.take(skill_table, out_skill, axis=0)
    input_encoder = _exe + _skill + _input_nlp + _pos[None, :, :]
    input_decoder = _response + _elapsed_time + _pos[None, :, :]
    output = _out_exe + _out_skill + _output_nlp
    return (input_encoder, input_decoder, output)

if __name__ == "__main__":
    import jax
    _d = setup_inputs()
    print(jax.jit(kernel)(*tuple(_d.values())))

</pallas_src>

<mosaic_0001>
#map = affine_map<(d0, d1) -> (0, 0)>
#map1 = affine_map<(d0, d1) -> (0, 0, 0, 0)>
module attributes {stable_mosaic.version = 14 : i64} {
  func.func @k(%arg0: i32, %arg1: i32, %arg2: memref<1000000x64xf32, #tpu.memory_space<hbm>>, %arg3: memref<1000x64xf32, #tpu.memory_space<hbm>>, %arg4: memref<32x4x20x80xi32, #tpu.memory_space<hbm>>, %arg5: memref<51200x64xf32, #tpu.memory_space<hbm>>, %arg6: memref<51200x64xf32, #tpu.memory_space<hbm>>, %arg7: memref<4x20x80xi32, #tpu.memory_space<vmem>>, %arg8: memref<80x64xf32, #tpu.memory_space<vmem>>, %arg9: memref<80x64xf32, #tpu.memory_space<vmem>>, %arg10: memref<80x64xf32, #tpu.memory_space<vmem>>, %arg11: memref<80x64xf32, #tpu.memory_space<vmem>>, %arg12: memref<80x64xf32, #tpu.memory_space<vmem>>, %arg13: memref<80x64xf32, #tpu.memory_space<vmem>>, %arg14: memref<!tpu.dma_semaphore, #tpu.memory_space<semaphore_mem>>, %arg15: memref<!tpu.dma_semaphore, #tpu.memory_space<semaphore_mem>>, %arg16: memref<!tpu.dma_semaphore, #tpu.memory_space<semaphore_mem>>, %arg17: memref<!tpu.dma_semaphore, #tpu.memory_space<semaphore_mem>>, %arg18: memref<!tpu.dma_semaphore, #tpu.memory_space<semaphore_mem>>, %arg19: memref<!tpu.dma_semaphore, #tpu.memory_space<semaphore_mem>>, %arg20: memref<!tpu.dma_semaphore, #tpu.memory_space<semaphore_mem>>, %arg21: memref<!tpu.dma_semaphore, #tpu.memory_space<semaphore_mem>>, %arg22: memref<!tpu.dma_semaphore, #tpu.memory_space<semaphore_mem>>, %arg23: memref<!tpu.dma_semaphore, #tpu.memory_space<semaphore_mem>>, %arg24: memref<!tpu.dma_semaphore, #tpu.memory_space<semaphore_mem>>, %arg25: memref<!tpu.dma_semaphore, #tpu.memory_space<semaphore_mem>>) attributes {dimension_semantics = [#tpu.dimension_semantics<core_parallel>, #tpu.dimension_semantics<subcore_parallel>], iteration_bounds = array<i64: 2, 16>, scalar_prefetch = 0 : i64, scratch_operands = 19 : i64, tpu.core_type = #tpu.core_type<sc_vector_subcore>, window_params = [{transform_indices = #map}, {transform_indices = #map}, {transform_indices = #map1}, {transform_indices = #map}, {transform_indices = #map}]} {
    %mul3A = arith.constant 2 : i32
    %mul3A_0 = arith.muli %arg1, %mul3A : i32
    %add3A = arith.addi %mul3A_0, %arg0 : i32
    %mul3A_1 = arith.constant 1600 : i32
    %mul3A_2 = arith.muli %add3A, %mul3A_1 : i32
    "tpu.region"() ({
      %run_scoped3A = tpu.sem_alloc : memref<!tpu.dma_semaphore, #tpu.memory_space<semaphore_mem>>
      %dma_start3A_1720 = arith.constant 0 : i32
      %dma_start3A_1721 = arith.constant 0 : i32
      %dma_start3A_1722 = arith.constant 0 : i32
      %dma_start3A_1723 = tpu.memref_slice %arg4[%add3A, %dma_start3A_1720, %dma_start3A_1721, %dma_start3A_1722] : memref<32x4x20x80xi32, #tpu.memory_space<hbm>> -> memref<1x4x20x80xi32, #tpu.memory_space<hbm>>
      %dma_start3A_1724 = tpu.memref_squeeze %dma_start3A_1723 : memref<1x4x20x80xi32, #tpu.memory_space<hbm>> -> memref<4x20x80xi32, #tpu.memory_space<hbm>>
      %dma_start3A_1725 = arith.constant 0 : i32
      %dma_start3A_1726 = arith.constant 0 : i32
      %dma_start3A_1727 = arith.constant 0 : i32
      %dma_start3A_1728 = tpu.memref_slice %arg4[%add3A, %dma_start3A_1725, %dma_start3A_1726, %dma_start3A_1727] : memref<32x4x20x80xi32, #tpu.memory_space<hbm>> -> memref<1x4x20x80xi32, #tpu.memory_space<hbm>>
      %dma_start3A_1729 = tpu.memref_squeeze %dma_start3A_1728 : memref<1x4x20x80xi32, #tpu.memory_space<hbm>> -> memref<4x20x80xi32, #tpu.memory_space<hbm>>
      tpu.enqueue_dma source(%dma_start3A_1729 : memref<4x20x80xi32, #tpu.memory_space<hbm>>) target(%arg7 : memref<4x20x80xi32, #tpu.memory_space<vmem>>) target_semaphore(%run_scoped3A : memref<!tpu.dma_semaphore, #tpu.memory_space<semaphore_mem>>)
      %dma_wait3A_1730 = arith.constant 0 : i32
      %dma_wait3A_1731 = arith.constant 0 : i32
      %dma_wait3A_1732 = arith.constant 0 : i32
      %dma_wait3A_1733 = tpu.memref_slice %arg4[%add3A, %dma_wait3A_1730, %dma_wait3A_1731, %dma_wait3A_1732] : memref<32x4x20x80xi32, #tpu.memory_space<hbm>> -> memref<1x4x20x80xi32, #tpu.memory_space<hbm>>
      %dma_wait3A_1734 = tpu.memref_squeeze %dma_wait3A_1733 : memref<1x4x20x80xi32, #tpu.memory_space<hbm>> -> memref<4x20x80xi32, #tpu.memory_space<hbm>>
      %dma_wait3A_1735 = arith.constant 0 : i32
      %dma_wait3A_1736 = arith.constant 0 : i32
      %dma_wait3A_1737 = arith.constant 0 : i32
      %dma_wait3A_1738 = tpu.memref_slice %arg4[%add3A, %dma_wait3A_1735, %dma_wait3A_1736, %dma_wait3A_1737] : memref<32x4x20x80xi32, #tpu.memory_space<hbm>> -> memref<1x4x20x80xi32, #tpu.memory_space<hbm>>
      %dma_wait3A_1739 = tpu.memref_squeeze %dma_wait3A_1738 : memref<1x4x20x80xi32, #tpu.memory_space<hbm>> -> memref<4x20x80xi32, #tpu.memory_space<hbm>>
      tpu.wait_dma2 semaphore(%run_scoped3A : memref<!tpu.dma_semaphore, #tpu.memory_space<semaphore_mem>>) src(%dma_wait3A_1739 : memref<4x20x80xi32, #tpu.memory_space<hbm>>) dst(%arg7 : memref<4x20x80xi32, #tpu.memory_space<vmem>>)
      tpu.yield
    }) : () -> ()
    %dma_start3A = arith.constant 0 : i32
    %dma_start3A_3 = arith.constant 0 : i32
    %dma_start3A_4 = arith.constant 0 : i32
    %dma_start3A_5 = tpu.memref_slice %arg7[%dma_start3A, %dma_start3A_3, %dma_start3A_4] : memref<4x20x80xi32, #tpu.memory_space<vmem>> -> memref<1x1x80xi32, #tpu.memory_space<vmem>>
    %dma_start3A_6 = tpu.memref_squeeze %dma_start3A_5 : memref<1x1x80xi32, #tpu.memory_space<vmem>> -> memref<80xi32, #tpu.memory_space<vmem>>
    %dma_start3A_7 = arith.constant 0 : i32
    %dma_start3A_8 = arith.constant 0 : i32
    %dma_start3A_9 = tpu.memref_slice %arg2[%dma_start3A_7, %dma_start3A_8] : memref<1000000x64xf32, #tpu.memory_space<hbm>> -> memref<1000000x64xf32, #tpu.memory_space<hbm>>
    tpu.enqueue_indirect_dma source(%dma_start3A_9 : memref<1000000x64xf32, #tpu.memory_space<hbm>>) target(%arg8 : memref<80x64xf32, #tpu.memory_space<vmem>>) offsets(%dma_start3A_6 : memref<80xi32, #tpu.memory_space<vmem>>) semaphore(%arg14 : memref<!tpu.dma_semaphore, #tpu.memory_space<semaphore_mem>>)
    %dma_start3A_10 = arith.constant 2 : i32
    %dma_start3A_11 = arith.constant 0 : i32
    %dma_start3A_12 = arith.constant 0 : i32
    %dma_start3A_13 = tpu.memref_slice %arg7[%dma_start3A_10, %dma_start3A_11, %dma_start3A_12] : memref<4x20x80xi32, #tpu.memory_space<vmem>> -> memref<1x1x80xi32, #tpu.memory_space<vmem>>
    %dma_start3A_14 = tpu.memref_squeeze %dma_start3A_13 : memref<1x1x80xi32, #tpu.memory_space<vmem>> -> memref<80xi32, #tpu.memory_space<vmem>>
    %dma_start3A_15 = arith.constant 0 : i32
    %dma_start3A_16 = arith.constant 0 : i32
    %dma_start3A_17 = tpu.memref_slice %arg2[%dma_start3A_15, %dma_start3A_16] : memref<1000000x64xf32, #tpu.memory_space<hbm>> -> memref<1000000x64xf32, #tpu.memory_space<hbm>>
    tpu.enqueue_indirect_dma source(%dma_start3A_17 : memref<1000000x64xf32, #tpu.memory_space<hbm>>) target(%arg9 : memref<80x64xf32, #tpu.memory_space<vmem>>) offsets(%dma_start3A_14 : memref<80xi32, #tpu.memory_space<vmem>>) semaphore(%arg15 : memref<!tpu.dma_semaphore, #tpu.memory_space<semaphore_mem>>)
    %dma_start3A_18 = arith.constant 0 : i32
    %dma_start3A_19 = arith.constant 1 : i32
    %dma_start3A_20 = arith.constant 0 : i32
    %dma_start3A_21 = tpu.memref_slice %arg7[%dma_start3A_18, %dma_start3A_19, %dma_start3A_20] : memref<4x20x80xi32, #tpu.memory_space<vmem>> -> memref<1x1x80xi32, #tpu.memory_space<vmem>>
    %dma_start3A_22 = tpu.memref_squeeze %dma_start3A_21 : memref<1x1x80xi32, #tpu.memory_space<vmem>> -> memref<80xi32, #tpu.memory_space<vmem>>
    %dma_start3A_23 = arith.constant 0 : i32
    %dma_start3A_24 = arith.constant 0 : i32
    %dma_start3A_25 = tpu.memref_slice %arg2[%dma_start3A_23, %dma_start3A_24] : memref<1000000x64xf32, #tpu.memory_space<hbm>> -> memref<1000000x64xf32, #tpu.memory_space<hbm>>
    tpu.enqueue_indirect_dma source(%dma_start3A_25 : memref<1000000x64xf32, #tpu.memory_space<hbm>>) target(%arg10 : memref<80x64xf32, #tpu.memory_space<vmem>>) offsets(%dma_start3A_22 : memref<80xi32, #tpu.memory_space<vmem>>) semaphore(%arg16 : memref<!tpu.dma_semaphore, #tpu.memory_space<semaphore_mem>>)
    %dma_wait3A = arith.constant 0 : i32
    %dma_wait3A_26 = arith.constant 0 : i32
    %dma_wait3A_27 = arith.constant 0 : i32
    %dma_wait3A_28 = tpu.memref_slice %arg7[%dma_wait3A, %dma_wait3A_26, %dma_wait3A_27] : memref<4x20x80xi32, #tpu.memory_space<vmem>> -> memref<1x1x80xi32, #tpu.memory_space<vmem>>
    %dma_wait3A_29 = tpu.memref_squeeze %dma_wait3A_28 : memref<1x1x80xi32, #tpu.memory_space<vmem>> -> memref<80xi32, #tpu.memory_space<vmem>>
    %dma_wait3A_30 = arith.constant 0 : i32
    %dma_wait3A_31 = arith.constant 0 : i32
    %dma_wait3A_32 = tpu.memref_slice %arg2[%dma_wait3A_30, %dma_wait3A_31] : memref<1000000x64xf32, #tpu.memory_space<hbm>> -> memref<1000000x64xf32, #tpu.memory_space<hbm>>
    tpu.wait_indirect_dma semaphore(%arg14 : memref<!tpu.dma_semaphore, #tpu.memory_space<semaphore_mem>>) src(%dma_wait3A_32 : memref<1000000x64xf32, #tpu.memory_space<hbm>>) dst(%arg8 : memref<80x64xf32, #tpu.memory_space<vmem>>)
    %dma_start3A_33 = arith.constant 1 : i32
    %dma_start3A_34 = arith.constant 0 : i32
    %dma_start3A_35 = arith.constant 0 : i32
    %dma_start3A_36 = tpu.memref_slice %arg7[%dma_start3A_33, %dma_start3A_34, %dma_start3A_35] : memref<4x20x80xi32, #tpu.memory_space<vmem>> -> memref<1x1x80xi32, #tpu.memory_space<vmem>>
    %dma_start3A_37 = tpu.memref_squeeze %dma_start3A_36 : memref<1x1x80xi32, #tpu.memory_space<vmem>> -> memref<80xi32, #tpu.memory_space<vmem>>
    %dma_start3A_38 = arith.constant 0 : i32
    %dma_start3A_39 = arith.constant 0 : i32
    %dma_start3A_40 = tpu.memref_slice %arg3[%dma_start3A_38, %dma_start3A_39] : memref<1000x64xf32, #tpu.memory_space<hbm>> -> memref<1000x64xf32, #tpu.memory_space<hbm>>
    tpu.enqueue_indirect_dma source(%dma_start3A_40 : memref<1000x64xf32, #tpu.memory_space<hbm>>) target(%arg8 : memref<80x64xf32, #tpu.memory_space<vmem>>) offsets(%dma_start3A_37 : memref<80xi32, #tpu.memory_space<vmem>>) semaphore(%arg14 : memref<!tpu.dma_semaphore, #tpu.memory_space<semaphore_mem>>) {add = true}
    %dma_start3A_41 = arith.constant 2 : i32
    %dma_start3A_42 = arith.constant 1 : i32
    %dma_start3A_43 = arith.constant 0 : i32
    %dma_start3A_44 = tpu.memref_slice %arg7[%dma_start3A_41, %dma_start3A_42, %dma_start3A_43] : memref<4x20x80xi32, #tpu.memory_space<vmem>> -> memref<1x1x80xi32, #tpu.memory_space<vmem>>
    %dma_start3A_45 = tpu.memref_squeeze %dma_start3A_44 : memref<1x1x80xi32, #tpu.memory_space<vmem>> -> memref<80xi32, #tpu.memory_space<vmem>>
    %dma_start3A_46 = arith.constant 0 : i32
    %dma_start3A_47 = arith.constant 0 : i32
    %dma_start3A_48 = tpu.memref_slice %arg2[%dma_start3A_46, %dma_start3A_47] : memref<1000000x64xf32, #tpu.memory_space<hbm>> -> memref<1000000x64xf32, #tpu.memory_space<hbm>>
    tpu.enqueue_indirect_dma source(%dma_start3A_48 : memref<1000000x64xf32, #tpu.memory_space<hbm>>) target(%arg11 : memref<80x64xf32, #tpu.memory_space<vmem>>) offsets(%dma_start3A_45 : memref<80xi32, #tpu.memory_space<vmem>>) semaphore(%arg17 : memref<!tpu.dma_semaphore, #tpu.memory_space<semaphore_mem>>)
    %dma_wait3A_49 = arith.constant 2 : i32
    %dma_wait3A_50 = arith.constant 0 : i32
    %dma_wait3A_51 = arith.constant 0 : i32
    %dma_wait3A_52 = tpu.memref_slice %arg7[%dma_wait3A_49, %dma_wait3A_50, %dma_wait3A_51] : memref<4x20x80xi32, #tpu.memory_space<vmem>> -> memref<1x1x80xi32, #tpu.memory_space<vmem>>
    %dma_wait3A_53 = tpu.memref_squeeze %dma_wait3A_52 : memref<1x1x80xi32, #tpu.memory_space<vmem>> -> memref<80xi32, #tpu.memory_space<vmem>>
    %dma_wait3A_54 = arith.constant 0 : i32
    %dma_wait3A_55 = arith.constant 0 : i32
    %dma_wait3A_56 = tpu.memref_slice %arg2[%dma_wait3A_54, %dma_wait3A_55] : memref<1000000x64xf32, #tpu.memory_space<hbm>> -> memref<1000000x64xf32, #tpu.memory_space<hbm>>
    tpu.wait_indirect_dma semaphore(%arg15 : memref<!tpu.dma_semaphore, #tpu.memory_space<semaphore_mem>>) src(%dma_wait3A_56 : memref<1000000x64xf32, #tpu.memory_space<hbm>>) dst(%arg9 : memref<80x64xf32, #tpu.memory_space<vmem>>)
    %dma_start3A_57 = arith.constant 3 : i32
    %dma_start3A_58 = arith.constant 0 : i32
    %dma_start3A_59 = arith.constant 0 : i32
    %dma_start3A_60 = tpu.memref_slice %arg7[%dma_start3A_57, %dma_start3A_58, %dma_start3A_59] : memref<4x20x80xi32, #tpu.memory_space<vmem>> -> memref<1x1x80xi32, #tpu.memory_space<vmem>>
    %dma_start3A_61 = tpu.memref_squeeze %dma_start3A_60 : memref<1x1x80xi32, #tpu.memory_space<vmem>> -> memref<80xi32, #tpu.memory_space<vmem>>
    %dma_start3A_62 = arith.constant 0 : i32
    %dma_start3A_63 = arith.constant 0 : i32
    %dma_start3A_64 = tpu.memref_slice %arg3[%dma_start3A_62, %dma_start3A_63] : memref<1000x64xf32, #tpu.memory_space<hbm>> -> memref<1000x64xf32, #tpu.memory_space<hbm>>
    tpu.enqueue_indirect_dma source(%dma_start3A_64 : memref<1000x64xf32, #tpu.memory_space<hbm>>) target(%arg9 : memref<80x64xf32, #tpu.memory_space<vmem>>) offsets(%dma_start3A_61 : memref<80xi32, #tpu.memory_space<vmem>>) semaphore(%arg15 : memref<!tpu.dma_semaphore, #tpu.memory_space<semaphore_mem>>) {add = true}
    %dma_start3A_65 = arith.constant 0 : i32
    %dma_start3A_66 = arith.constant 2 : i32
    %dma_start3A_67 = arith.constant 0 : i32
    %dma_start3A_68 = tpu.memref_slice %arg7[%dma_start3A_65, %dma_start3A_66, %dma_start3A_67] : memref<4x20x80xi32, #tpu.memory_space<vmem>> -> memref<1x1x80xi32, #tpu.memory_space<vmem>>
    %dma_start3A_69 = tpu.memref_squeeze %dma_start3A_68 : memref<1x1x80xi32, #tpu.memory_space<vmem>> -> memref<80xi32, #tpu.memory_space<vmem>>
    %dma_start3A_70 = arith.constant 0 : i32
    %dma_start3A_71 = arith.constant 0 : i32
    %dma_start3A_72 = tpu.memref_slice %arg2[%dma_start3A_70, %dma_start3A_71] : memref<1000000x64xf32, #tpu.memory_space<hbm>> -> memref<1000000x64xf32, #tpu.memory_space<hbm>>
    tpu.enqueue_indirect_dma source(%dma_start3A_72 : memref<1000000x64xf32, #tpu.memory_space<hbm>>) target(%arg12 : memref<80x64xf32, #tpu.memory_space<vmem>>) offsets(%dma_start3A_69 : memref<80xi32, #tpu.memory_space<vmem>>) semaphore(%arg18 : memref<!tpu.dma_semaphore, #tpu.memory_space<semaphore_mem>>)
    %dma_wait3A_73 = arith.constant 0 : i32
    %dma_wait3A_74 = arith.constant 1 : i32
    %dma_wait3A_75 = arith.constant 0 : i32
    %dma_wait3A_76 = tpu.memref_slice %arg7[%dma_wait3A_73, %dma_wait3A_74, %dma_wait3A_75] : memref<4x20x80xi32, #tpu.memory_space<vmem>> -> memref<1x1x80xi32, #tpu.memory_space<vmem>>
    %dma_wait3A_77 = tpu.memref_squeeze %dma_wait3A_76 : memref<1x1x80xi32, #tpu.memory_space<vmem>> -> memref<80xi32, #tpu.memory_space<vmem>>
    %dma_wait3A_78 = arith.constant 0 : i32
    %dma_wait3A_79 = arith.constant 0 : i32
    %dma_wait3A_80 = tpu.memref_slice %arg2[%dma_wait3A_78, %dma_wait3A_79] : memref<1000000x64xf32, #tpu.memory_space<hbm>> -> memref<1000000x64xf32, #tpu.memory_space<hbm>>
    tpu.wait_indirect_dma semaphore(%arg16 : memref<!tpu.dma_semaphore, #tpu.memory_space<semaphore_mem>>) src(%dma_wait3A_80 : memref<1000000x64xf32, #tpu.memory_space<hbm>>) dst(%arg10 : memref<80x64xf32, #tpu.memory_space<vmem>>)
    %dma_start3A_81 = arith.constant 1 : i32
    %dma_start3A_82 = arith.constant 1 : i32
    %dma_start3A_83 = arith.constant 0 : i32
    %dma_start3A_84 = tpu.memref_slice %arg7[%dma_start3A_81, %dma_start3A_82, %dma_start3A_83] : memref<4x20x80xi32, #tpu.memory_space<vmem>> -> memref<1x1x80xi32, #tpu.memory_space<vmem>>
    %dma_start3A_85 = tpu.memref_squeeze %dma_start3A_84 : memref<1x1x80xi32, #tpu.memory_space<vmem>> -> memref<80xi32, #tpu.memory_space<vmem>>
    %dma_start3A_86 = arith.constant 0 : i32
    %dma_start3A_87 = arith.constant 0 : i32
    %dma_start3A_88 = tpu.memref_slice %arg3[%dma_start3A_86, %dma_start3A_87] : memref<1000x64xf32, #tpu.memory_space<hbm>> -> memref<1000x64xf32, #tpu.memory_space<hbm>>
    tpu.enqueue_indirect_dma source(%dma_start3A_88 : memref<1000x64xf32, #tpu.memory_space<hbm>>) target(%arg10 : memref<80x64xf32, #tpu.memory_space<vmem>>) offsets(%dma_start3A_85 : memref<80xi32, #tpu.memory_space<vmem>>) semaphore(%arg16 : memref<!tpu.dma_semaphore, #tpu.memory_space<semaphore_mem>>) {add = true}
    %dma_wait3A_89 = arith.constant 1 : i32
    %dma_wait3A_90 = arith.constant 0 : i32
    %dma_wait3A_91 = arith.constant 0 : i32
    %dma_wait3A_92 = tpu.memref_slice %arg7[%dma_wait3A_89, %dma_wait3A_90, %dma_wait3A_91] : memref<4x20x80xi32, #tpu.memory_space<vmem>> -> memref<1x1x80xi32, #tpu.memory_space<vmem>>
    %dma_wait3A_93 = tpu.memref_squeeze %dma_wait3A_92 : memref<1x1x80xi32, #tpu.memory_space<vmem>> -> memref<80xi32, #tpu.memory_space<vmem>>
    %dma_wait3A_94 = arith.constant 0 : i32
    %dma_wait3A_95 = arith.constant 0 : i32
    %dma_wait3A_96 = tpu.memref_slice %arg3[%dma_wait3A_94, %dma_wait3A_95] : memref<1000x64xf32, #tpu.memory_space<hbm>> -> memref<1000x64xf32, #tpu.memory_space<hbm>>
    tpu.wait_indirect_dma semaphore(%arg14 : memref<!tpu.dma_semaphore, #tpu.memory_space<semaphore_mem>>) src(%dma_wait3A_96 : memref<1000x64xf32, #tpu.memory_space<hbm>>) dst(%arg8 : memref<80x64xf32, #tpu.memory_space<vmem>>)
    %add3A_97 = arith.constant 0 : i32
    %add3A_98 = arith.addi %mul3A_2, %add3A_97 : i32
    %multiple_of3A = tpu.assume_multiple %add3A_98, 8 : i32
    %dma_start3A_99 = arith.constant 0 : i32
    %dma_start3A_100 = tpu.memref_slice %arg5[%multiple_of3A, %dma_start3A_99] : memref<51200x64xf32, #tpu.memory_space<hbm>> -> memref<80x64xf32, #tpu.memory_space<hbm>>
    %dma_start3A_101 = arith.constant 0 : i32
    %dma_start3A_102 = tpu.memref_slice %arg5[%multiple_of3A, %dma_start3A_101] : memref<51200x64xf32, #tpu.memory_space<hbm>> -> memref<80x64xf32, #tpu.memory_space<hbm>>
    tpu.enqueue_dma source(%arg8 : memref<80x64xf32, #tpu.memory_space<vmem>>) target(%dma_start3A_102 : memref<80x64xf32, #tpu.memory_space<hbm>>) target_semaphore(%arg20 : memref<!tpu.dma_semaphore, #tpu.memory_space<semaphore_mem>>)
    %dma_start3A_103 = arith.constant 2 : i32
    %dma_start3A_104 = arith.constant 2 : i32
    %dma_start3A_105 = arith.constant 0 : i32
    %dma_start3A_106 = tpu.memref_slice %arg7[%dma_start3A_103, %dma_start3A_104, %dma_start3A_105] : memref<4x20x80xi32, #tpu.memory_space<vmem>> -> memref<1x1x80xi32, #tpu.memory_space<vmem>>
    %dma_start3A_107 = tpu.memref_squeeze %dma_start3A_106 : memref<1x1x80xi32, #tpu.memory_space<vmem>> -> memref<80xi32, #tpu.memory_space<vmem>>
    %dma_start3A_108 = arith.constant 0 : i32
    %dma_start3A_109 = arith.constant 0 : i32
    %dma_start3A_110 = tpu.memref_slice %arg2[%dma_start3A_108, %dma_start3A_109] : memref<1000000x64xf32, #tpu.memory_space<hbm>> -> memref<1000000x64xf32, #tpu.memory_space<hbm>>
    tpu.enqueue_indirect_dma source(%dma_start3A_110 : memref<1000000x64xf32, #tpu.memory_space<hbm>>) target(%arg13 : memref<80x64xf32, #tpu.memory_space<vmem>>) offsets(%dma_start3A_107 : memref<80xi32, #tpu.memory_space<vmem>>) semaphore(%arg19 : memref<!tpu.dma_semaphore, #tpu.memory_space<semaphore_mem>>)
    %dma_wait3A_111 = arith.constant 2 : i32
    %dma_wait3A_112 = arith.constant 1 : i32
    %dma_wait3A_113 = arith.constant 0 : i32
    %dma_wait3A_114 = tpu.memref_slice %arg7[%dma_wait3A_111, %dma_wait3A_112, %dma_wait3A_113] : memref<4x20x80xi32, #tpu.memory_space<vmem>> -> memref<1x1x80xi32, #tpu.memory_space<vmem>>
    %dma_wait3A_115 = tpu.memref_squeeze %dma_wait3A_114 : memref<1x1x80xi32, #tpu.memory_space<vmem>> -> memref<80xi32, #tpu.memory_space<vmem>>
    %dma_wait3A_116 = arith.constant 0 : i32
    %dma_wait3A_117 = arith.constant 0 : i32
    %dma_wait3A_118 = tpu.memref_slice %arg2[%dma_wait3A_116, %dma_wait3A_117] : memref<1000000x64xf32, #tpu.memory_space<hbm>> -> memref<1000000x64xf32, #tpu.memory_space<hbm>>
    tpu.wait_indirect_dma semaphore(%arg17 : memref<!tpu.dma_semaphore, #tpu.memory_space<semaphore_mem>>) src(%dma_wait3A_118 : memref<1000000x64xf32, #tpu.memory_space<hbm>>) dst(%arg11 : memref<80x64xf32, #tpu.memory_space<vmem>>)
    %dma_start3A_119 = arith.constant 3 : i32
    %dma_start3A_120 = arith.constant 1 : i32
    %dma_start3A_121 = arith.constant 0 : i32
    %dma_start3A_122 = tpu.memref_slice %arg7[%dma_start3A_119, %dma_start3A_120, %dma_start3A_121] : memref<4x20x80xi32, #tpu.memory_space<vmem>> -> memref<1x1x80xi32, #tpu.memory_space<vmem>>
    %dma_start3A_123 = tpu.memref_squeeze %dma_start3A_122 : memref<1x1x80xi32, #tpu.memory_space<vmem>> -> memref<80xi32, #tpu.memory_space<vmem>>
    %dma_start3A_124 = arith.constant 0 : i32
    %dma_start3A_125 = arith.constant 0 : i32
    %dma_start3A_126 = tpu.memref_slice %arg3[%dma_start3A_124, %dma_start3A_125] : memref<1000x64xf32, #tpu.memory_space<hbm>> -> memref<1000x64xf32, #tpu.memory_space<hbm>>
    tpu.enqueue_indirect_dma source(%dma_start3A_126 : memref<1000x64xf32, #tpu.memory_space<hbm>>) target(%arg11 : memref<80x64xf32, #tpu.memory_space<vmem>>) offsets(%dma_start3A_123 : memref<80xi32, #tpu.memory_space<vmem>>) semaphore(%arg17 : memref<!tpu.dma_semaphore, #tpu.memory_space<semaphore_mem>>) {add = true}
    %dma_wait3A_127 = arith.constant 3 : i32
    %dma_wait3A_128 = arith.constant 0 : i32
    %dma_wait3A_129 = arith.constant 0 : i32
    %dma_wait3A_130 = tpu.memref_slice %arg7[%dma_wait3A_127, %dma_wait3A_128, %dma_wait3A_129] : memref<4x20x80xi32, #tpu.memory_space<vmem>> -> memref<1x1x80xi32, #tpu.memory_space<vmem>>
    %dma_wait3A_131 = tpu.memref_squeeze %dma_wait3A_130 : memref<1x1x80xi32, #tpu.memory_space<vmem>> -> memref<80xi32, #tpu.memory_space<vmem>>
    %dma_wait3A_132 = arith.constant 0 : i32
    %dma_wait3A_133 = arith.constant 0 : i32
    %dma_wait3A_134 = tpu.memref_slice %arg3[%dma_wait3A_132, %dma_wait3A_133] : memref<1000x64xf32, #tpu.memory_space<hbm>> -> memref<1000x64xf32, #tpu.memory_space<hbm>>
    tpu.wait_indirect_dma semaphore(%arg15 : memref<!tpu.dma_semaphore, #tpu.memory_space<semaphore_mem>>) src(%dma_wait3A_134 : memref<1000x64xf32, #tpu.memory_space<hbm>>) dst(%arg9 : memref<80x64xf32, #tpu.memory_space<vmem>>)
    %add3A_135 = arith.constant 0 : i32
    %add3A_136 = arith.addi %mul3A_2, %add3A_135 : i32
    %multiple_of3A_137 = tpu.assume_multiple %add3A_136, 8 : i32
    %dma_start3A_138 = arith.constant 0 : i32
    %dma_start3A_139 = tpu.memref_slice %arg6[%multiple_of3A_137, %dma_start3A_138] : memref<51200x64xf32, #tpu.memory_space<hbm>> -> memref<80x64xf32, #tpu.memory_space<hbm>>
    %dma_start3A_140 = arith.constant 0 : i32
    %dma_start3A_141 = tpu.memref_slice %arg6[%multiple_of3A_137, %dma_start3A_140] : memref<51200x64xf32, #tpu.memory_space<hbm>> -> memref<80x64xf32, #tpu.memory_space<hbm>>
    tpu.enqueue_dma source(%arg9 : memref<80x64xf32, #tpu.memory_space<vmem>>) target(%dma_start3A_141 : memref<80x64xf32, #tpu.memory_space<hbm>>) target_semaphore(%arg21 : memref<!tpu.dma_semaphore, #tpu.memory_space<semaphore_mem>>)
    %dma_wait3A_142 = arith.constant 0 : i32
    %dma_wait3A_143 = tpu.memref_slice %arg5[%multiple_of3A, %dma_wait3A_142] : memref<51200x64xf32, #tpu.memory_space<hbm>> -> memref<80x64xf32, #tpu.memory_space<hbm>>
    %dma_wait3A_144 = arith.constant 0 : i32
    %dma_wait3A_145 = tpu.memref_slice %arg5[%multiple_of3A, %dma_wait3A_144] : memref<51200x64xf32, #tpu.memory_space<hbm>> -> memref<80x64xf32, #tpu.memory_space<hbm>>
    tpu.wait_dma2 semaphore(%arg20 : memref<!tpu.dma_semaphore, #tpu.memory_space<semaphore_mem>>) src(%arg8 : memref<80x64xf32, #tpu.memory_space<vmem>>) dst(%dma_wait3A_145 : memref<80x64xf32, #tpu.memory_space<hbm>>)
    %dma_start3A_146 = arith.constant 0 : i32
    %dma_start3A_147 = arith.constant 3 : i32
    %dma_start3A_148 = arith.constant 0 : i32
    %dma_start3A_149 = tpu.memref_slice %arg7[%dma_start3A_146, %dma_start3A_147, %dma_start3A_148] : memref<4x20x80xi32, #tpu.memory_space<vmem>> -> memref<1x1x80xi32, #tpu.memory_space<vmem>>
    %dma_start3A_150 = tpu.memref_squeeze %dma_start3A_149 : memref<1x1x80xi32, #tpu.memory_space<vmem>> -> memref<80xi32, #tpu.memory_space<vmem>>
    %dma_start3A_151 = arith.constant 0 : i32
    %dma_start3A_152 = arith.constant 0 : i32
    %dma_start3A_153 = tpu.memref_slice %arg2[%dma_start3A_151, %dma_start3A_152] : memref<1000000x64xf32, #tpu.memory_space<hbm>> -> memref<1000000x64xf32, #tpu.memory_space<hbm>>
    tpu.enqueue_indirect_dma source(%dma_start3A_153 : memref<1000000x64xf32, #tpu.memory_space<hbm>>) target(%arg8 : memref<80x64xf32, #tpu.memory_space<vmem>>) offsets(%dma_start3A_150 : memref<80xi32, #tpu.memory_space<vmem>>) semaphore(%arg14 : memref<!tpu.dma_semaphore, #tpu.memory_space<semaphore_mem>>)
    %dma_wait3A_154 = arith.constant 0 : i32
    %dma_wait3A_155 = arith.constant 2 : i32
    %dma_wait3A_156 = arith.constant 0 : i32
    %dma_wait3A_157 = tpu.memref_slice %arg7[%dma_wait3A_154, %dma_wait3A_155, %dma_wait3A_156] : memref<4x20x80xi32, #tpu.memory_space<vmem>> -> memref<1x1x80xi32, #tpu.memory_space<vmem>>
    %dma_wait3A_158 = tpu.memref_squeeze %dma_wait3A_157 : memref<1x1x80xi32, #tpu.memory_space<vmem>> -> memref<80xi32, #tpu.memory_space<vmem>>
    %dma_wait3A_159 = arith.constant 0 : i32
    %dma_wait3A_160 = arith.constant 0 : i32
    %dma_wait3A_161 = tpu.memref_slice %arg2[%dma_wait3A_159, %dma_wait3A_160] : memref<1000000x64xf32, #tpu.memory_space<hbm>> -> memref<1000000x64xf32, #tpu.memory_space<hbm>>
    tpu.wait_indirect_dma semaphore(%arg18 : memref<!tpu.dma_semaphore, #tpu.memory_space<semaphore_mem>>) src(%dma_wait3A_161 : memref<1000000x64xf32, #tpu.memory_space<hbm>>) dst(%arg12 : memref<80x64xf32, #tpu.memory_space<vmem>>)
    %dma_start3A_162 = arith.constant 1 : i32
    %dma_start3A_163 = arith.constant 2 : i32
    %dma_start3A_164 = arith.constant 0 : i32
    %dma_start3A_165 = tpu.memref_slice %arg7[%dma_start3A_162, %dma_start3A_163, %dma_start3A_164] : memref<4x20x80xi32, #tpu.memory_space<vmem>> -> memref<1x1x80xi32, #tpu.memory_space<vmem>>
    %dma_start3A_166 = tpu.memref_squeeze %dma_start3A_165 : memref<1x1x80xi32, #tpu.memory_space<vmem>> -> memref<80xi32, #tpu.memory_space<vmem>>
    %dma_start3A_167 = arith.constant 0 : i32
    %dma_start3A_168 = arith.constant 0 : i32
    %dma_start3A_169 = tpu.memref_slice %arg3[%dma_start3A_167, %dma_start3A_168] : memref<1000x64xf32, #tpu.memory_space<hbm>> -> memref<1000x64xf32, #tpu.memory_space<hbm>>
    tpu.enqueue_indirect_dma source(%dma_start3A_169 : memref<1000x64xf32, #tpu.memory_space<hbm>>) target(%arg12 : memref<80x64xf32, #tpu.memory_space<vmem>>) offsets(%dma_start3A_166 : memref<80xi32, #tpu.memory_space<vmem>>) semaphore(%arg18 : memref<!tpu.dma_semaphore, #tpu.memory_space<semaphore_mem>>) {add = true}
    %dma_wait3A_170 = arith.constant 1 : i32
    %dma_wait3A_171 = arith.constant 1 : i32
    %dma_wait3A_172 = arith.constant 0 : i32
    %dma_wait3A_173 = tpu.memref_slice %arg7[%dma_wait3A_170, %dma_wait3A_171, %dma_wait3A_172] : memref<4x20x80xi32, #tpu.memory_space<vmem>> -> memref<1x1x80xi32, #tpu.memory_space<vmem>>
    %dma_wait3A_174 = tpu.memref_squeeze %dma_wait3A_173 : memref<1x1x80xi32, #tpu.memory_space<vmem>> -> memref<80xi32, #tpu.memory_space<vmem>>
    %dma_wait3A_175 = arith.constant 0 : i32
    %dma_wait3A_176 = arith.constant 0 : i32
    %dma_wait3A_177 = tpu.memref_slice %arg3[%dma_wait3A_175, %dma_wait3A_176] : memref<1000x64xf32, #tpu.memory_space<hbm>> -> memref<1000x64xf32, #tpu.memory_space<hbm>>
    tpu.wait_indirect_dma semaphore(%arg16 : memref<!tpu.dma_semaphore, #tpu.memory_space<semaphore_mem>>) src(%dma_wait3A_177 : memref<1000x64xf32, #tpu.memory_space<hbm>>) dst(%arg10 : memref<80x64xf32, #tpu.memory_space<vmem>>)
    %add3A_178 = arith.constant 80 : i32
    %add3A_179 = arith.addi %mul3A_2, %add3A_178 : i32
    %multiple_of3A_180 = tpu.assume_multiple %add3A_179, 8 : i32
    %dma_start3A_181 = arith.constant 0 : i32
    %dma_start3A_182 = tpu.memref_slice %arg5[%multiple_of3A_180, %dma_start3A_181] : memref<51200x64xf32, #tpu.memory_space<hbm>> -> memref<80x64xf32, #tpu.memory_space<hbm>>
    %dma_start3A_183 = arith.constant 0 : i32
    %dma_start3A_184 = tpu.memref_slice %arg5[%multiple_of3A_180, %dma_start3A_183] : memref<51200x64xf32, #tpu.memory_space<hbm>> -> memref<80x64xf32, #tpu.memory_space<hbm>>
    tpu.enqueue_dma source(%arg10 : memref<80x64xf32, #tpu.memory_space<vmem>>) target(%dma_start3A_184 : memref<80x64xf32, #tpu.memory_space<hbm>>) target_semaphore(%arg22 : memref<!tpu.dma_semaphore, #tpu.memory_space<semaphore_mem>>)
    %dma_wait3A_185 = arith.constant 0 : i32
    %dma_wait3A_186 = tpu.memref_slice %arg6[%multiple_of3A_137, %dma_wait3A_185] : memref<51200x64xf32, #tpu.memory_space<hbm>> -> memref<80x64xf32, #tpu.memory_space<hbm>>
    %dma_wait3A_187 = arith.constant 0 : i32
    %dma_wait3A_188 = tpu.memref_slice %arg6[%multiple_of3A_137, %dma_wait3A_187] : memref<51200x64xf32, #tpu.memory_space<hbm>> -> memref<80x64xf32, #tpu.memory_space<hbm>>
    tpu.wait_dma2 semaphore(%arg21 : memref<!tpu.dma_semaphore, #tpu.memory_space<semaphore_mem>>) src(%arg9 : memref<80x64xf32, #tpu.memory_space<vmem>>) dst(%dma_wait3A_188 : memref<80x64xf32, #tpu.memory_space<hbm>>)
    %dma_start3A_189 = arith.constant 2 : i32
    %dma_start3A_190 = arith.constant 3 : i32
    %dma_start3A_191 = arith.constant 0 : i32
    %dma_start3A_192 = tpu.memref_slice %arg7[%dma_start3A_189, %dma_start3A_190, %dma_start3A_191] : memref<4x20x80xi32, #tpu.memory_space<vmem>> -> memref<1x1x80xi32, #tpu.memory_space<vmem>>
    %dma_start3A_193 = tpu.memref_squeeze %dma_start3A_192 : memref<1x1x80xi32, #tpu.memory_space<vmem>> -> memref<80xi32, #tpu.memory_space<vmem>>
    %dma_start3A_194 = arith.constant 0 : i32
    %dma_start3A_195 = arith.constant 0 : i32
    %dma_start3A_196 = tpu.memref_slice %arg2[%dma_start3A_194, %dma_start3A_195] : memref<1000000x64xf32, #tpu.memory_space<hbm>> -> memref<1000000x64xf32, #tpu.memory_space<hbm>>
    tpu.enqueue_indirect_dma source(%dma_start3A_196 : memref<1000000x64xf32, #tpu.memory_space<hbm>>) target(%arg9 : memref<80x64xf32, #tpu.memory_space<vmem>>) offsets(%dma_start3A_193 : memref<80xi32, #tpu.memory_space<vmem>>) semaphore(%arg15 : memref<!tpu.dma_semaphore, #tpu.memory_space<semaphore_mem>>)
    %dma_wait3A_197 = arith.constant 2 : i32
    %dma_wait3A_198 = arith.constant 2 : i32
    %dma_wait3A_199 = arith.constant 0 : i32
    %dma_wait3A_200 = tpu.memref_slice %arg7[%dma_wait3A_197, %dma_wait3A_198, %dma_wait3A_199] : memref<4x20x80xi32, #tpu.memory_space<vmem>> -> memref<1x1x80xi32, #tpu.memory_space<vmem>>
    %dma_wait3A_201 = tpu.memref_squeeze %dma_wait3A_200 : memref<1x1x80xi32, #tpu.memory_space<vmem>> -> memref<80xi32, #tpu.memory_space<vmem>>
    %dma_wait3A_202 = arith.constant 0 : i32
    %dma_wait3A_203 = arith.constant 0 : i32
    %dma_wait3A_204 = tpu.memref_slice %arg2[%dma_wait3A_202, %dma_wait3A_203] : memref<1000000x64xf32, #tpu.memory_space<hbm>> -> memref<1000000x64xf32, #tpu.memory_space<hbm>>
    tpu.wait_indirect_dma semaphore(%arg19 : memref<!tpu.dma_semaphore, #tpu.memory_space<semaphore_mem>>) src(%dma_wait3A_204 : memref<1000000x64xf32, #tpu.memory_space<hbm>>) dst(%arg13 : memref<80x64xf32, #tpu.memory_space<vmem>>)
    %dma_start3A_205 = arith.constant 3 : i32
    %dma_start3A_206 = arith.constant 2 : i32
    %dma_start3A_207 = arith.constant 0 : i32
    %dma_start3A_208 = tpu.memref_slice %arg7[%dma_start3A_205, %dma_start3A_206, %dma_start3A_207] : memref<4x20x80xi32, #tpu.memory_space<vmem>> -> memref<1x1x80xi32, #tpu.memory_space<vmem>>
    %dma_start3A_209 = tpu.memref_squeeze %dma_start3A_208 : memref<1x1x80xi32, #tpu.memory_space<vmem>> -> memref<80xi32, #tpu.memory_space<vmem>>
    %dma_start3A_210 = arith.constant 0 : i32
    %dma_start3A_211 = arith.constant 0 : i32
    %dma_start3A_212 = tpu.memref_slice %arg3[%dma_start3A_210, %dma_start3A_211] : memref<1000x64xf32, #tpu.memory_space<hbm>> -> memref<1000x64xf32, #tpu.memory_space<hbm>>
    tpu.enqueue_indirect_dma source(%dma_start3A_212 : memref<1000x64xf32, #tpu.memory_space<hbm>>) target(%arg13 : memref<80x64xf32, #tpu.memory_space<vmem>>) offsets(%dma_start3A_209 : memref<80xi32, #tpu.memory_space<vmem>>) semaphore(%arg19 : memref<!tpu.dma_semaphore, #tpu.memory_space<semaphore_mem>>) {add = true}
    %dma_wait3A_213 = arith.constant 3 : i32
    %dma_wait3A_214 = arith.constant 1 : i32
    %dma_wait3A_215 = arith.constant 0 : i32
    %dma_wait3A_216 = tpu.memref_slice %arg7[%dma_wait3A_213, %dma_wait3A_214, %dma_wait3A_215] : memref<4x20x80xi32, #tpu.memory_space<vmem>> -> memref<1x1x80xi32, #tpu.memory_space<vmem>>
    %dma_wait3A_217 = tpu.memref_squeeze %dma_wait3A_216 : memref<1x1x80xi32, #tpu.memory_space<vmem>> -> memref<80xi32, #tpu.memory_space<vmem>>
    %dma_wait3A_218 = arith.constant 0 : i32
    %dma_wait3A_219 = arith.constant 0 : i32
    %dma_wait3A_220 = tpu.memref_slice %arg3[%dma_wait3A_218, %dma_wait3A_219] : memref<1000x64xf32, #tpu.memory_space<hbm>> -> memref<1000x64xf32, #tpu.memory_space<hbm>>
    tpu.wait_indirect_dma semaphore(%arg17 : memref<!tpu.dma_semaphore, #tpu.memory_space<semaphore_mem>>) src(%dma_wait3A_220 : memref<1000x64xf32, #tpu.memory_space<hbm>>) dst(%arg11 : memref<80x64xf32, #tpu.memory_space<vmem>>)
    %add3A_221 = arith.constant 80 : i32
    %add3A_222 = arith.addi %mul3A_2, %add3A_221 : i32
    %multiple_of3A_223 = tpu.assume_multiple %add3A_222, 8 : i32
    %dma_start3A_224 = arith.constant 0 : i32
    %dma_start3A_225 = tpu.memref_slice %arg6[%multiple_of3A_223, %dma_start3A_224] : memref<51200x64xf32, #tpu.memory_space<hbm>> -> memref<80x64xf32, #tpu.memory_space<hbm>>
    %dma_start3A_226 = arith.constant 0 : i32
    %dma_start3A_227 = tpu.memref_slice %arg6[%multiple_of3A_223, %dma_start3A_226] : memref<51200x64xf32, #tpu.memory_space<hbm>> -> memref<80x64xf32, #tpu.memory_space<hbm>>
    tpu.enqueue_dma source(%arg11 : memref<80x64xf32, #tpu.memory_space<vmem>>) target(%dma_start3A_227 : memref<80x64xf32, #tpu.memory_space<hbm>>) target_semaphore(%arg23 : memref<!tpu.dma_semaphore, #tpu.memory_space<semaphore_mem>>)
    %dma_wait3A_228 = arith.constant 0 : i32
    %dma_wait3A_229 = tpu.memref_slice %arg5[%multiple_of3A_180, %dma_wait3A_228] : memref<51200x64xf32, #tpu.memory_space<hbm>> -> memref<80x64xf32, #tpu.memory_space<hbm>>
    %dma_wait3A_230 = arith.constant 0 : i32
    %dma_wait3A_231 = tpu.memref_slice %arg5[%multiple_of3A_180, %dma_wait3A_230] : memref<51200x64xf32, #tpu.memory_space<hbm>> -> memref<80x64xf32, #tpu.memory_space<hbm>>
    tpu.wait_dma2 semaphore(%arg22 : memref<!tpu.dma_semaphore, #tpu.memory_space<semaphore_mem>>) src(%arg10 : memref<80x64xf32, #tpu.memory_space<vmem>>) dst(%dma_wait3A_231 : memref<80x64xf32, #tpu.memory_space<hbm>>)
    %dma_start3A_232 = arith.constant 0 : i32
    %dma_start3A_233 = arith.constant 4 : i32
    %dma_start3A_234 = arith.constant 0 : i32
    %dma_start3A_235 = tpu.memref_slice %arg7[%dma_start3A_232, %dma_start3A_233, %dma_start3A_234] : memref<4x20x80xi32, #tpu.memory_space<vmem>> -> memref<1x1x80xi32, #tpu.memory_space<vmem>>
    %dma_start3A_236 = tpu.memref_squeeze %dma_start3A_235 : memref<1x1x80xi32, #tpu.memory_space<vmem>> -> memref<80xi32, #tpu.memory_space<vmem>>
    %dma_start3A_237 = arith.constant 0 : i32
    %dma_start3A_238 = arith.constant 0 : i32
    %dma_start3A_239 = tpu.memref_slice %arg2[%dma_start3A_237, %dma_start3A_238] : memref<1000000x64xf32, #tpu.memory_space<hbm>> -> memref<1000000x64xf32, #tpu.memory_space<hbm>>
    tpu.enqueue_indirect_dma source(%dma_start3A_239 : memref<1000000x64xf32, #tpu.memory_space<hbm>>) target(%arg10 : memref<80x64xf32, #tpu.memory_space<vmem>>) offsets(%dma_start3A_236 : memref<80xi32, #tpu.memory_space<vmem>>) semaphore(%arg16 : memref<!tpu.dma_semaphore, #tpu.memory_space<semaphore_mem>>)
    %dma_wait3A_240 = arith.constant 0 : i32
    %dma_wait3A_241 = arith.constant 3 : i32
    %dma_wait3A_242 = arith.constant 0 : i32
    %dma_wait3A_243 = tpu.memref_slice %arg7[%dma_wait3A_240, %dma_wait3A_241, %dma_wait3A_242] : memref<4x20x80xi32, #tpu.memory_space<vmem>> -> memref<1x1x80xi32, #tpu.memory_space<vmem>>
    %dma_wait3A_244 = tpu.memref_squeeze %dma_wait3A_243 : memref<1x1x80xi32, #tpu.memory_space<vmem>> -> memref<80xi32, #tpu.memory_space<vmem>>
    %dma_wait3A_245 = arith.constant 0 : i32
    %dma_wait3A_246 = arith.constant 0 : i32
    %dma_wait3A_247 = tpu.memref_slice %arg2[%dma_wait3A_245, %dma_wait3A_246] : memref<1000000x64xf32, #tpu.memory_space<hbm>> -> memref<1000000x64xf32, #tpu.memory_space<hbm>>
    tpu.wait_indirect_dma semaphore(%arg14 : memref<!tpu.dma_semaphore, #tpu.memory_space<semaphore_mem>>) src(%dma_wait3A_247 : memref<1000000x64xf32, #tpu.memory_space<hbm>>) dst(%arg8 : memref<80x64xf32, #tpu.memory_space<vmem>>)
    %dma_start3A_248 = arith.constant 1 : i32
    %dma_start3A_249 = arith.constant 3 : i32
    %dma_start3A_250 = arith.constant 0 : i32
    %dma_start3A_251 = tpu.memref_slice %arg7[%dma_start3A_248, %dma_start3A_249, %dma_start3A_250] : memref<4x20x80xi32, #tpu.memory_space<vmem>> -> memref<1x1x80xi32, #tpu.memory_space<vmem>>
    %dma_start3A_252 = tpu.memref_squeeze %dma_start3A_251 : memref<1x1x80xi32, #tpu.memory_space<vmem>> -> memref<80xi32, #tpu.memory_space<vmem>>
    %dma_start3A_253 = arith.constant 0 : i32
    %dma_start3A_254 = arith.constant 0 : i32
    %dma_start3A_255 = tpu.memref_slice %arg3[%dma_start3A_253, %dma_start3A_254] : memref<1000x64xf32, #tpu.memory_space<hbm>> -> memref<1000x64xf32, #tpu.memory_space<hbm>>
    tpu.enqueue_indirect_dma source(%dma_start3A_255 : memref<1000x64xf32, #tpu.memory_space<hbm>>) target(%arg8 : memref<80x64xf32, #tpu.memory_space<vmem>>) offsets(%dma_start3A_252 : memref<80xi32, #tpu.memory_space<vmem>>) semaphore(%arg14 : memref<!tpu.dma_semaphore, #tpu.memory_space<semaphore_mem>>) {add = true}
    %dma_wait3A_256 = arith.constant 1 : i32
    %dma_wait3A_257 = arith.constant 2 : i32
    %dma_wait3A_258 = arith.constant 0 : i32
    %dma_wait3A_259 = tpu.memref_slice %arg7[%dma_wait3A_256, %dma_wait3A_257, %dma_wait3A_258] : memref<4x20x80xi32, #tpu.memory_space<vmem>> -> memref<1x1x80xi32, #tpu.memory_space<vmem>>
    %dma_wait3A_260 = tpu.memref_squeeze %dma_wait3A_259 : memref<1x1x80xi32, #tpu.memory_space<vmem>> -> memref<80xi32, #tpu.memory_space<vmem>>
    %dma_wait3A_261 = arith.constant 0 : i32
    %dma_wait3A_262 = arith.constant 0 : i32
    %dma_wait3A_263 = tpu.memref_slice %arg3[%dma_wait3A_261, %dma_wait3A_262] : memref<1000x64xf32, #tpu.memory_space<hbm>> -> memref<1000x64xf32, #tpu.memory_space<hbm>>
    tpu.wait_indirect_dma semaphore(%arg18 : memref<!tpu.dma_semaphore, #tpu.memory_space<semaphore_mem>>) src(%dma_wait3A_263 : memref<1000x64xf32, #tpu.memory_space<hbm>>) dst(%arg12 : memref<80x64xf32, #tpu.memory_space<vmem>>)
    %add3A_264 = arith.constant 160 : i32
    %add3A_265 = arith.addi %mul3A_2, %add3A_264 : i32
    %multiple_of3A_266 = tpu.assume_multiple %add3A_265, 8 : i32
    %dma_start3A_267 = arith.constant 0 : i32
    %dma_start3A_268 = tpu.memref_slice %arg5[%multiple_of3A_266, %dma_start3A_267] : memref<51200x64xf32, #tpu.memory_space<hbm>> -> memref<80x64xf32, #tpu.memory_space<hbm>>
    %dma_start3A_269 = arith.constant 0 : i32
    %dma_start3A_270 = tpu.memref_slice %arg5[%multiple_of3A_266, %dma_start3A_269] : memref<51200x64xf32, #tpu.memory_space<hbm>> -> memref<80x64xf32, #tpu.memory_space<hbm>>
    tpu.enqueue_dma source(%arg12 : memref<80x64xf32, #tpu.memory_space<vmem>>) target(%dma_start3A_270 : memref<80x64xf32, #tpu.memory_space<hbm>>) target_semaphore(%arg24 : memref<!tpu.dma_semaphore, #tpu.memory_space<semaphore_mem>>)
    %dma_wait3A_271 = arith.constant 0 : i32
    %dma_wait3A_272 = tpu.memref_slice %arg6[%multiple_of3A_223, %dma_wait3A_271] : memref<51200x64xf32, #tpu.memory_space<hbm>> -> memref<80x64xf32, #tpu.memory_space<hbm>>
    %dma_wait3A_273 = arith.constant 0 : i32
    %dma_wait3A_274 = tpu.memref_slice %arg6[%multiple_of3A_223, %dma_wait3A_273] : memref<51200x64xf32, #tpu.memory_space<hbm>> -> memref<80x64xf32, #tpu.memory_space<hbm>>
    tpu.wait_dma2 semaphore(%arg23 : memref<!tpu.dma_semaphore, #tpu.memory_space<semaphore_mem>>) src(%arg11 : memref<80x64xf32, #tpu.memory_space<vmem>>) dst(%dma_wait3A_274 : memref<80x64xf32, #tpu.memory_space<hbm>>)
    %dma_start3A_275 = arith.constant 2 : i32
    %dma_start3A_276 = arith.constant 4 : i32
    %dma_start3A_277 = arith.constant 0 : i32
    %dma_start3A_278 = tpu.memref_slice %arg7[%dma_start3A_275, %dma_start3A_276, %dma_start3A_277] : memref<4x20x80xi32, #tpu.memory_space<vmem>> -> memref<1x1x80xi32, #tpu.memory_space<vmem>>
    %dma_start3A_279 = tpu.memref_squeeze %dma_start3A_278 : memref<1x1x80xi32, #tpu.memory_space<vmem>> -> memref<80xi32, #tpu.memory_space<vmem>>
    %dma_start3A_280 = arith.constant 0 : i32
    %dma_start3A_281 = arith.constant 0 : i32
    %dma_start3A_282 = tpu.memref_slice %arg2[%dma_start3A_280, %dma_start3A_281] : memref<1000000x64xf32, #tpu.memory_space<hbm>> -> memref<1000000x64xf32, #tpu.memory_space<hbm>>
    tpu.enqueue_indirect_dma source(%dma_start3A_282 : memref<1000000x64xf32, #tpu.memory_space<hbm>>) target(%arg11 : memref<80x64xf32, #tpu.memory_space<vmem>>) offsets(%dma_start3A_279 : memref<80xi32, #tpu.memory_space<vmem>>) semaphore(%arg17 : memref<!tpu.dma_semaphore, #tpu.memory_space<semaphore_mem>>)
    %dma_wait3A_283 = arith.constant 2 : i32
    %dma_wait3A_284 = arith.constant 3 : i32
    %dma_wait3A_285 = arith.constant 0 : i32
    %dma_wait3A_286 = tpu.memref_slice %arg7[%dma_wait3A_283, %dma_wait3A_284, %dma_wait3A_285] : memref<4x20x80xi32, #tpu.memory_space<vmem>> -> memref<1x1x80xi32, #tpu.memory_space<vmem>>
    %dma_wait3A_287 = tpu.memref_squeeze %dma_wait3A_286 : memref<1x1x80xi32, #tpu.memory_space<vmem>> -> memref<80xi32, #tpu.memory_space<vmem>>
    %dma_wait3A_288 = arith.constant 0 : i32
    %dma_wait3A_289 = arith.constant 0 : i32
    %dma_wait3A_290 = tpu.memref_slice %arg2[%dma_wait3A_288, %dma_wait3A_289] : memref<1000000x64xf32, #tpu.memory_space<hbm>> -> memref<1000000x64xf32, #tpu.memory_space<hbm>>
    tpu.wait_indirect_dma semaphore(%arg15 : memref<!tpu.dma_semaphore, #tpu.memory_space<semaphore_mem>>) src(%dma_wait3A_290 : memref<1000000x64xf32, #tpu.memory_space<hbm>>) dst(%arg9 : memref<80x64xf32, #tpu.memory_space<vmem>>)
    %dma_start3A_291 = arith.constant 3 : i32
    %dma_start3A_292 = arith.constant 3 : i32
    %dma_start3A_293 = arith.constant 0 : i32
    %dma_start3A_294 = tpu.memref_slice %arg7[%dma_start3A_291, %dma_start3A_292, %dma_start3A_293] : memref<4x20x80xi32, #tpu.memory_space<vmem>> -> memref<1x1x80xi32, #tpu.memory_space<vmem>>
    %dma_start3A_295 = tpu.memref_squeeze %dma_start3A_294 : memref<1x1x80xi32, #tpu.memory_space<vmem>> -> memref<80xi32, #tpu.memory_space<vmem>>
    %dma_start3A_296 = arith.constant 0 : i32
    %dma_start3A_297 = arith.constant 0 : i32
    %dma_start3A_298 = tpu.memref_slice %arg3[%dma_start3A_296, %dma_start3A_297] : memref<1000x64xf32, #tpu.memory_space<hbm>> -> memref<1000x64xf32, #tpu.memory_space<hbm>>
    tpu.enqueue_indirect_dma source(%dma_start3A_298 : memref<1000x64xf32, #tpu.memory_space<hbm>>) target(%arg9 : memref<80x64xf32, #tpu.memory_space<vmem>>) offsets(%dma_start3A_295 : memref<80xi32, #tpu.memory_space<vmem>>) semaphore(%arg15 : memref<!tpu.dma_semaphore, #tpu.memory_space<semaphore_mem>>) {add = true}
    %dma_wait3A_299 = arith.constant 3 : i32
    %dma_wait3A_300 = arith.constant 2 : i32
    %dma_wait3A_301 = arith.constant 0 : i32
    %dma_wait3A_302 = tpu.memref_slice %arg7[%dma_wait3A_299, %dma_wait3A_300, %dma_wait3A_301] : memref<4x20x80xi32, #tpu.memory_space<vmem>> -> memref<1x1x80xi32, #tpu.memory_space<vmem>>
    %dma_wait3A_303 = tpu.memref_squeeze %dma_wait3A_302 : memref<1x1x80xi32, #tpu.memory_space<vmem>> -> memref<80xi32, #tpu.memory_space<vmem>>
    %dma_wait3A_304 = arith.constant 0 : i32
    %dma_wait3A_305 = arith.constant 0 : i32
    %dma_wait3A_306 = tpu.memref_slice %arg3[%dma_wait3A_304, %dma_wait3A_305] : memref<1000x64xf32, #tpu.memory_space<hbm>> -> memref<1000x64xf32, #tpu.memory_space<hbm>>
    tpu.wait_indirect_dma semaphore(%arg19 : memref<!tpu.dma_semaphore, #tpu.memory_space<semaphore_mem>>) src(%dma_wait3A_306 : memref<1000x64xf32, #tpu.memory_space<hbm>>) dst(%arg13 : memref<80x64xf32, #tpu.memory_space<vmem>>)
    %add3A_307 = arith.constant 160 : i32
    %add3A_308 = arith.addi %mul3A_2, %add3A_307 : i32
    %multiple_of3A_309 = tpu.assume_multiple %add3A_308, 8 : i32
    %dma_start3A_310 = arith.constant 0 : i32
    %dma_start3A_311 = tpu.memref_slice %arg6[%multiple_of3A_309, %dma_start3A_310] : memref<51200x64xf32, #tpu.memory_space<hbm>> -> memref<80x64xf32, #tpu.memory_space<hbm>>
    %dma_start3A_312 = arith.constant 0 : i32
    %dma_start3A_313 = tpu.memref_slice %arg6[%multiple_of3A_309, %dma_start3A_312] : memref<51200x64xf32, #tpu.memory_space<hbm>> -> memref<80x64xf32, #tpu.memory_space<hbm>>
    tpu.enqueue_dma source(%arg13 : memref<80x64xf32, #tpu.memory_space<vmem>>) target(%dma_start3A_313 : memref<80x64xf32, #tpu.memory_space<hbm>>) target_semaphore(%arg25 : memref<!tpu.dma_semaphore, #tpu.memory_space<semaphore_mem>>)
    %dma_wait3A_314 = arith.constant 0 : i32
    %dma_wait3A_315 = tpu.memref_slice %arg5[%multiple_of3A_266, %dma_wait3A_314] : memref<51200x64xf32, #tpu.memory_space<hbm>> -> memref<80x64xf32, #tpu.memory_space<hbm>>
    %dma_wait3A_316 = arith.constant 0 : i32
    %dma_wait3A_317 = tpu.memref_slice %arg5[%multiple_of3A_266, %dma_wait3A_316] : memref<51200x64xf32, #tpu.memory_space<hbm>> -> memref<80x64xf32, #tpu.memory_space<hbm>>
    tpu.wait_dma2 semaphore(%arg24 : memref<!tpu.dma_semaphore, #tpu.memory_space<semaphore_mem>>) src(%arg12 : memref<80x64xf32, #tpu.memory_space<vmem>>) dst(%dma_wait3A_317 : memref<80x64xf32, #tpu.memory_space<hbm>>)
    %dma_start3A_318 = arith.constant 0 : i32
    %dma_start3A_319 = arith.constant 5 : i32
    %dma_start3A_320 = arith.constant 0 : i32
    %dma_start3A_321 = tpu.memref_slice %arg7[%dma_start3A_318, %dma_start3A_319, %dma_start3A_320] : memref<4x20x80xi32, #tpu.memory_space<vmem>> -> memref<1x1x80xi32, #tpu.memory_space<vmem>>
    %dma_start3A_322 = tpu.memref_squeeze %dma_start3A_321 : memref<1x1x80xi32, #tpu.memory_space<vmem>> -> memref<80xi32, #tpu.memory_space<vmem>>
    %dma_start3A_323 = arith.constant 0 : i32
    %dma_start3A_324 = arith.constant 0 : i32
    %dma_start3A_325 = tpu.memref_slice %arg2[%dma_start3A_323, %dma_start3A_324] : memref<1000000x64xf32, #tpu.memory_space<hbm>> -> memref<1000000x64xf32, #tpu.memory_space<hbm>>
    tpu.enqueue_indirect_dma source(%dma_start3A_325 : memref<1000000x64xf32, #tpu.memory_space<hbm>>) target(%arg12 : memref<80x64xf32, #tpu.memory_space<vmem>>) offsets(%dma_start3A_322 : memref<80xi32, #tpu.memory_space<vmem>>) semaphore(%arg18 : memref<!tpu.dma_semaphore, #tpu.memory_space<semaphore_mem>>)
    %dma_wait3A_326 = arith.constant 0 : i32
    %dma_wait3A_327 = arith.constant 4 : i32
    %dma_wait3A_328 = arith.constant 0 : i32
    %dma_wait3A_329 = tpu.memref_slice %arg7[%dma_wait3A_326, %dma_wait3A_327, %dma_wait3A_328] : memref<4x20x80xi32, #tpu.memory_space<vmem>> -> memref<1x1x80xi32, #tpu.memory_space<vmem>>
    %dma_wait3A_330 = tpu.memref_squeeze %dma_wait3A_329 : memref<1x1x80xi32, #tpu.memory_space<vmem>> -> memref<80xi32, #tpu.memory_space<vmem>>
    %dma_wait3A_331 = arith.constant 0 : i32
    %dma_wait3A_332 = arith.constant 0 : i32
    %dma_wait3A_333 = tpu.memref_slice %arg2[%dma_wait3A_331, %dma_wait3A_332] : memref<1000000x64xf32, #tpu.memory_space<hbm>> -> memref<1000000x64xf32, #tpu.memory_space<hbm>>
    tpu.wait_indirect_dma semaphore(%arg16 : memref<!tpu.dma_semaphore, #tpu.memory_space<semaphore_mem>>) src(%dma_wait3A_333 : memref<1000000x64xf32, #tpu.memory_space<hbm>>) dst(%arg10 : memref<80x64xf32, #tpu.memory_space<vmem>>)
    %dma_start3A_334 = arith.constant 1 : i32
    %dma_start3A_335 = arith.constant 4 : i32
    %dma_start3A_336 = arith.constant 0 : i32
    %dma_start3A_337 = tpu.memref_slice %arg7[%dma_start3A_334, %dma_start3A_335, %dma_start3A_336] : memref<4x20x80xi32, #tpu.memory_space<vmem>> -> memref<1x1x80xi32, #tpu.memory_space<vmem>>
    %dma_start3A_338 = tpu.memref_squeeze %dma_start3A_337 : memref<1x1x80xi32, #tpu.memory_space<vmem>> -> memref<80xi32, #tpu.memory_space<vmem>>
    %dma_start3A_339 = arith.constant 0 : i32
    %dma_start3A_340 = arith.constant 0 : i32
    %dma_start3A_341 = tpu.memref_slice %arg3[%dma_start3A_339, %dma_start3A_340] : memref<1000x64xf32, #tpu.memory_space<hbm>> -> memref<1000x64xf32, #tpu.memory_space<hbm>>
    tpu.enqueue_indirect_dma source(%dma_start3A_341 : memref<1000x64xf32, #tpu.memory_space<hbm>>) target(%arg10 : memref<80x64xf32, #tpu.memory_space<vmem>>) offsets(%dma_start3A_338 : memref<80xi32, #tpu.memory_space<vmem>>) semaphore(%arg16 : memref<!tpu.dma_semaphore, #tpu.memory_space<semaphore_mem>>) {add = true}
    %dma_wait3A_342 = arith.constant 1 : i32
    %dma_wait3A_343 = arith.constant 3 : i32
    %dma_wait3A_344 = arith.constant 0 : i32
    %dma_wait3A_345 = tpu.memref_slice %arg7[%dma_wait3A_342, %dma_wait3A_343, %dma_wait3A_344] : memref<4x20x80xi32, #tpu.memory_space<vmem>> -> memref<1x1x80xi32, #tpu.memory_space<vmem>>
    %dma_wait3A_346 = tpu.memref_squeeze %dma_wait3A_345 : memref<1x1x80xi32, #tpu.memory_space<vmem>> -> memref<80xi32, #tpu.memory_space<vmem>>
    %dma_wait3A_347 = arith.constant 0 : i32
    %dma_wait3A_348 = arith.constant 0 : i32
    %dma_wait3A_349 = tpu.memref_slice %arg3[%dma_wait3A_347, %dma_wait3A_348] : memref<1000x64xf32, #tpu.memory_space<hbm>> -> memref<1000x64xf32, #tpu.memory_space<hbm>>
    tpu.wait_indirect_dma semaphore(%arg14 : memref<!tpu.dma_semaphore, #tpu.memory_space<semaphore_mem>>) src(%dma_wait3A_349 : memref<1000x64xf32, #tpu.memory_space<hbm>>) dst(%arg8 : memref<80x64xf32, #tpu.memory_space<vmem>>)
    %add3A_350 = arith.constant 240 : i32
    %add3A_351 = arith.addi %mul3A_2, %add3A_350 : i32
    %multiple_of3A_352 = tpu.assume_multiple %add3A_351, 8 : i32
    %dma_start3A_353 = arith.constant 0 : i32
    %dma_start3A_354 = tpu.memref_slice %arg5[%multiple_of3A_352, %dma_start3A_353] : memref<51200x64xf32, #tpu.memory_space<hbm>> -> memref<80x64xf32, #tpu.memory_space<hbm>>
    %dma_start3A_355 = arith.constant 0 : i32
    %dma_start3A_356 = tpu.memref_slice %arg5[%multiple_of3A_352, %dma_start3A_355] : memref<51200x64xf32, #tpu.memory_space<hbm>> -> memref<80x64xf32, #tpu.memory_space<hbm>>
    tpu.enqueue_dma source(%arg8 : memref<80x64xf32, #tpu.memory_space<vmem>>) target(%dma_start3A_356 : memref<80x64xf32, #tpu.memory_space<hbm>>) target_semaphore(%arg20 : memref<!tpu.dma_semaphore, #tpu.memory_space<semaphore_mem>>)
    %dma_wait3A_357 = arith.constant 0 : i32
    %dma_wait3A_358 = tpu.memref_slice %arg6[%multiple_of3A_309, %dma_wait3A_357] : memref<51200x64xf32, #tpu.memory_space<hbm>> -> memref<80x64xf32, #tpu.memory_space<hbm>>
    %dma_wait3A_359 = arith.constant 0 : i32
    %dma_wait3A_360 = tpu.memref_slice %arg6[%multiple_of3A_309, %dma_wait3A_359] : memref<51200x64xf32, #tpu.memory_space<hbm>> -> memref<80x64xf32, #tpu.memory_space<hbm>>
    tpu.wait_dma2 semaphore(%arg25 : memref<!tpu.dma_semaphore, #tpu.memory_space<semaphore_mem>>) src(%arg13 : memref<80x64xf32, #tpu.memory_space<vmem>>) dst(%dma_wait3A_360 : memref<80x64xf32, #tpu.memory_space<hbm>>)
    %dma_start3A_361 = arith.constant 2 : i32
    %dma_start3A_362 = arith.constant 5 : i32
    %dma_start3A_363 = arith.constant 0 : i32
    %dma_start3A_364 = tpu.memref_slice %arg7[%dma_start3A_361, %dma_start3A_362, %dma_start3A_363] : memref<4x20x80xi32, #tpu.memory_space<vmem>> -> memref<1x1x80xi32, #tpu.memory_space<vmem>>
    %dma_start3A_365 = tpu.memref_squeeze %dma_start3A_364 : memref<1x1x80xi32, #tpu.memory_space<vmem>> -> memref<80xi32, #tpu.memory_space<vmem>>
    %dma_start3A_366 = arith.constant 0 : i32
    %dma_start3A_367 = arith.constant 0 : i32
    %dma_start3A_368 = tpu.memref_slice %arg2[%dma_start3A_366, %dma_start3A_367] : memref<1000000x64xf32, #tpu.memory_space<hbm>> -> memref<1000000x64xf32, #tpu.memory_space<hbm>>
    tpu.enqueue_indirect_dma source(%dma_start3A_368 : memref<1000000x64xf32, #tpu.memory_space<hbm>>) target(%arg13 : memref<80x64xf32, #tpu.memory_space<vmem>>) offsets(%dma_start3A_365 : memref<80xi32, #tpu.memory_space<vmem>>) semaphore(%arg19 : memref<!tpu.dma_semaphore, #tpu.memory_space<semaphore_mem>>)
    %dma_wait3A_369 = arith.constant 2 : i32
    %dma_wait3A_370 = arith.constant 4 : i32
    %dma_wait3A_371 = arith.constant 0 : i32
    %dma_wait3A_372 = tpu.memref_slice %arg7[%dma_wait3A_369, %dma_wait3A_370, %dma_wait3A_371] : memref<4x20x80xi32, #tpu.memory_space<vmem>> -> memref<1x1x80xi32, #tpu.memory_space<vmem>>
    %dma_wait3A_373 = tpu.memref_squeeze %dma_wait3A_372 : memref<1x1x80xi32, #tpu.memory_space<vmem>> -> memref<80xi32, #tpu.memory_space<vmem>>
    %dma_wait3A_374 = arith.constant 0 : i32
    %dma_wait3A_375 = arith.constant 0 : i32
    %dma_wait3A_376 = tpu.memref_slice %arg2[%dma_wait3A_374, %dma_wait3A_375] : memref<1000000x64xf32, #tpu.memory_space<hbm>> -> memref<1000000x64xf32, #tpu.memory_space<hbm>>
    tpu.wait_indirect_dma semaphore(%arg17 : memref<!tpu.dma_semaphore, #tpu.memory_space<semaphore_mem>>) src(%dma_wait3A_376 : memref<1000000x64xf32, #tpu.memory_space<hbm>>) dst(%arg11 : memref<80x64xf32, #tpu.memory_space<vmem>>)
    %dma_start3A_377 = arith.constant 3 : i32
    %dma_start3A_378 = arith.constant 4 : i32
    %dma_start3A_379 = arith.constant 0 : i32
    %dma_start3A_380 = tpu.memref_slice %arg7[%dma_start3A_377, %dma_start3A_378, %dma_start3A_379] : memref<4x20x80xi32, #tpu.memory_space<vmem>> -> memref<1x1x80xi32, #tpu.memory_space<vmem>>
    %dma_start3A_381 = tpu.memref_squeeze %dma_start3A_380 : memref<1x1x80xi32, #tpu.memory_space<vmem>> -> memref<80xi32, #tpu.memory_space<vmem>>
    %dma_start3A_382 = arith.constant 0 : i32
    %dma_start3A_383 = arith.constant 0 : i32
    %dma_start3A_384 = tpu.memref_slice %arg3[%dma_start3A_382, %dma_start3A_383] : memref<1000x64xf32, #tpu.memory_space<hbm>> -> memref<1000x64xf32, #tpu.memory_space<hbm>>
    tpu.enqueue_indirect_dma source(%dma_start3A_384 : memref<1000x64xf32, #tpu.memory_space<hbm>>) target(%arg11 : memref<80x64xf32, #tpu.memory_space<vmem>>) offsets(%dma_start3A_381 : memref<80xi32, #tpu.memory_space<vmem>>) semaphore(%arg17 : memref<!tpu.dma_semaphore, #tpu.memory_space<semaphore_mem>>) {add = true}
    %dma_wait3A_385 = arith.constant 3 : i32
    %dma_wait3A_386 = arith.constant 3 : i32
    %dma_wait3A_387 = arith.constant 0 : i32
    %dma_wait3A_388 = tpu.memref_slice %arg7[%dma_wait3A_385, %dma_wait3A_386, %dma_wait3A_387] : memref<4x20x80xi32, #tpu.memory_space<vmem>> -> memref<1x1x80xi32, #tpu.memory_space<vmem>>
    %dma_wait3A_389 = tpu.memref_squeeze %dma_wait3A_388 : memref<1x1x80xi32, #tpu.memory_space<vmem>> -> memref<80xi32, #tpu.memory_space<vmem>>
    %dma_wait3A_390 = arith.constant 0 : i32
    %dma_wait3A_391 = arith.constant 0 : i32
    %dma_wait3A_392 = tpu.memref_slice %arg3[%dma_wait3A_390, %dma_wait3A_391] : memref<1000x64xf32, #tpu.memory_space<hbm>> -> memref<1000x64xf32, #tpu.memory_space<hbm>>
    tpu.wait_indirect_dma semaphore(%arg15 : memref<!tpu.dma_semaphore, #tpu.memory_space<semaphore_mem>>) src(%dma_wait3A_392 : memref<1000x64xf32, #tpu.memory_space<hbm>>) dst(%arg9 : memref<80x64xf32, #tpu.memory_space<vmem>>)
    %add3A_393 = arith.constant 240 : i32
    %add3A_394 = arith.addi %mul3A_2, %add3A_393 : i32
    %multiple_of3A_395 = tpu.assume_multiple %add3A_394, 8 : i32
    %dma_start3A_396 = arith.constant 0 : i32
    %dma_start3A_397 = tpu.memref_slice %arg6[%multiple_of3A_395, %dma_start3A_396] : memref<51200x64xf32, #tpu.memory_space<hbm>> -> memref<80x64xf32, #tpu.memory_space<hbm>>
    %dma_start3A_398 = arith.constant 0 : i32
    %dma_start3A_399 = tpu.memref_slice %arg6[%multiple_of3A_395, %dma_start3A_398] : memref<51200x64xf32, #tpu.memory_space<hbm>> -> memref<80x64xf32, #tpu.memory_space<hbm>>
    tpu.enqueue_dma source(%arg9 : memref<80x64xf32, #tpu.memory_space<vmem>>) target(%dma_start3A_399 : memref<80x64xf32, #tpu.memory_space<hbm>>) target_semaphore(%arg21 : memref<!tpu.dma_semaphore, #tpu.memory_space<semaphore_mem>>)
    %dma_wait3A_400 = arith.constant 0 : i32
    %dma_wait3A_401 = tpu.memref_slice %arg5[%multiple_of3A_352, %dma_wait3A_400] : memref<51200x64xf32, #tpu.memory_space<hbm>> -> memref<80x64xf32, #tpu.memory_space<hbm>>
    %dma_wait3A_402 = arith.constant 0 : i32
    %dma_wait3A_403 = tpu.memref_slice %arg5[%multiple_of3A_352, %dma_wait3A_402] : memref<51200x64xf32, #tpu.memory_space<hbm>> -> memref<80x64xf32, #tpu.memory_space<hbm>>
    tpu.wait_dma2 semaphore(%arg20 : memref<!tpu.dma_semaphore, #tpu.memory_space<semaphore_mem>>) src(%arg8 : memref<80x64xf32, #tpu.memory_space<vmem>>) dst(%dma_wait3A_403 : memref<80x64xf32, #tpu.memory_space<hbm>>)
    %dma_start3A_404 = arith.constant 0 : i32
    %dma_start3A_405 = arith.constant 6 : i32
    %dma_start3A_406 = arith.constant 0 : i32
    %dma_start3A_407 = tpu.memref_slice %arg7[%dma_start3A_404, %dma_start3A_405, %dma_start3A_406] : memref<4x20x80xi32, #tpu.memory_space<vmem>> -> memref<1x1x80xi32, #tpu.memory_space<vmem>>
    %dma_start3A_408 = tpu.memref_squeeze %dma_start3A_407 : memref<1x1x80xi32, #tpu.memory_space<vmem>> -> memref<80xi32, #tpu.memory_space<vmem>>
    %dma_start3A_409 = arith.constant 0 : i32
    %dma_start3A_410 = arith.constant 0 : i32
    %dma_start3A_411 = tpu.memref_slice %arg2[%dma_start3A_409, %dma_start3A_410] : memref<1000000x64xf32, #tpu.memory_space<hbm>> -> memref<1000000x64xf32, #tpu.memory_space<hbm>>
    tpu.enqueue_indirect_dma source(%dma_start3A_411 : memref<1000000x64xf32, #tpu.memory_space<hbm>>) target(%arg8 : memref<80x64xf32, #tpu.memory_space<vmem>>) offsets(%dma_start3A_408 : memref<80xi32, #tpu.memory_space<vmem>>) semaphore(%arg14 : memref<!tpu.dma_semaphore, #tpu.memory_space<semaphore_mem>>)
    %dma_wait3A_412 = arith.constant 0 : i32
    %dma_wait3A_413 = arith.constant 5 : i32
    %dma_wait3A_414 = arith.constant 0 : i32
    %dma_wait3A_415 = tpu.memref_slice %arg7[%dma_wait3A_412, %dma_wait3A_413, %dma_wait3A_414] : memref<4x20x80xi32, #tpu.memory_space<vmem>> -> memref<1x1x80xi32, #tpu.memory_space<vmem>>
    %dma_wait3A_416 = tpu.memref_squeeze %dma_wait3A_415 : memref<1x1x80xi32, #tpu.memory_space<vmem>> -> memref<80xi32, #tpu.memory_space<vmem>>
    %dma_wait3A_417 = arith.constant 0 : i32
    %dma_wait3A_418 = arith.constant 0 : i32
    %dma_wait3A_419 = tpu.memref_slice %arg2[%dma_wait3A_417, %dma_wait3A_418] : memref<1000000x64xf32, #tpu.memory_space<hbm>> -> memref<1000000x64xf32, #tpu.memory_space<hbm>>
    tpu.wait_indirect_dma semaphore(%arg18 : memref<!tpu.dma_semaphore, #tpu.memory_space<semaphore_mem>>) src(%dma_wait3A_419 : memref<1000000x64xf32, #tpu.memory_space<hbm>>) dst(%arg12 : memref<80x64xf32, #tpu.memory_space<vmem>>)
    %dma_start3A_420 = arith.constant 1 : i32
    %dma_start3A_421 = arith.constant 5 : i32
    %dma_start3A_422 = arith.constant 0 : i32
    %dma_start3A_423 = tpu.memref_slice %arg7[%dma_start3A_420, %dma_start3A_421, %dma_start3A_422] : memref<4x20x80xi32, #tpu.memory_space<vmem>> -> memref<1x1x80xi32, #tpu.memory_space<vmem>>
    %dma_start3A_424 = tpu.memref_squeeze %dma_start3A_423 : memref<1x1x80xi32, #tpu.memory_space<vmem>> -> memref<80xi32, #tpu.memory_space<vmem>>
    %dma_start3A_425 = arith.constant 0 : i32
    %dma_start3A_426 = arith.constant 0 : i32
    %dma_start3A_427 = tpu.memref_slice %arg3[%dma_start3A_425, %dma_start3A_426] : memref<1000x64xf32, #tpu.memory_space<hbm>> -> memref<1000x64xf32, #tpu.memory_space<hbm>>
    tpu.enqueue_indirect_dma source(%dma_start3A_427 : memref<1000x64xf32, #tpu.memory_space<hbm>>) target(%arg12 : memref<80x64xf32, #tpu.memory_space<vmem>>) offsets(%dma_start3A_424 : memref<80xi32, #tpu.memory_space<vmem>>) semaphore(%arg18 : memref<!tpu.dma_semaphore, #tpu.memory_space<semaphore_mem>>) {add = true}
    %dma_wait3A_428 = arith.constant 1 : i32
    %dma_wait3A_429 = arith.constant 4 : i32
    %dma_wait3A_430 = arith.constant 0 : i32
    %dma_wait3A_431 = tpu.memref_slice %arg7[%dma_wait3A_428, %dma_wait3A_429, %dma_wait3A_430] : memref<4x20x80xi32, #tpu.memory_space<vmem>> -> memref<1x1x80xi32, #tpu.memory_space<vmem>>
    %dma_wait3A_432 = tpu.memref_squeeze %dma_wait3A_431 : memref<1x1x80xi32, #tpu.memory_space<vmem>> -> memref<80xi32, #tpu.memory_space<vmem>>
    %dma_wait3A_433 = arith.constant 0 : i32
    %dma_wait3A_434 = arith.constant 0 : i32
    %dma_wait3A_435 = tpu.memref_slice %arg3[%dma_wait3A_433, %dma_wait3A_434] : memref<1000x64xf32, #tpu.memory_space<hbm>> -> memref<1000x64xf32, #tpu.memory_space<hbm>>
    tpu.wait_indirect_dma semaphore(%arg16 : memref<!tpu.dma_semaphore, #tpu.memory_space<semaphore_mem>>) src(%dma_wait3A_435 : memref<1000x64xf32, #tpu.memory_space<hbm>>) dst(%arg10 : memref<80x64xf32, #tpu.memory_space<vmem>>)
    %add3A_436 = arith.constant 320 : i32
    %add3A_437 = arith.addi %mul3A_2, %add3A_436 : i32
    %multiple_of3A_438 = tpu.assume_multiple %add3A_437, 8 : i32
    %dma_start3A_439 = arith.constant 0 : i32
    %dma_start3A_440 = tpu.memref_slice %arg5[%multiple_of3A_438, %dma_start3A_439] : memref<51200x64xf32, #tpu.memory_space<hbm>> -> memref<80x64xf32, #tpu.memory_space<hbm>>
    %dma_start3A_441 = arith.constant 0 : i32
    %dma_start3A_442 = tpu.memref_slice %arg5[%multiple_of3A_438, %dma_start3A_441] : memref<51200x64xf32, #tpu.memory_space<hbm>> -> memref<80x64xf32, #tpu.memory_space<hbm>>
    tpu.enqueue_dma source(%arg10 : memref<80x64xf32, #tpu.memory_space<vmem>>) target(%dma_start3A_442 : memref<80x64xf32, #tpu.memory_space<hbm>>) target_semaphore(%arg22 : memref<!tpu.dma_semaphore, #tpu.memory_space<semaphore_mem>>)
    %dma_wait3A_443 = arith.constant 0 : i32
    %dma_wait3A_444 = tpu.memref_slice %arg6[%multiple_of3A_395, %dma_wait3A_443] : memref<51200x64xf32, #tpu.memory_space<hbm>> -> memref<80x64xf32, #tpu.memory_space<hbm>>
    %dma_wait3A_445 = arith.constant 0 : i32
    %dma_wait3A_446 = tpu.memref_slice %arg6[%multiple_of3A_395, %dma_wait3A_445] : memref<51200x64xf32, #tpu.memory_space<hbm>> -> memref<80x64xf32, #tpu.memory_space<hbm>>
    tpu.wait_dma2 semaphore(%arg21 : memref<!tpu.dma_semaphore, #tpu.memory_space<semaphore_mem>>) src(%arg9 : memref<80x64xf32, #tpu.memory_space<vmem>>) dst(%dma_wait3A_446 : memref<80x64xf32, #tpu.memory_space<hbm>>)
    %dma_start3A_447 = arith.constant 2 : i32
    %dma_start3A_448 = arith.constant 6 : i32
    %dma_start3A_449 = arith.constant 0 : i32
    %dma_start3A_450 = tpu.memref_slice %arg7[%dma_start3A_447, %dma_start3A_448, %dma_start3A_449] : memref<4x20x80xi32, #tpu.memory_space<vmem>> -> memref<1x1x80xi32, #tpu.memory_space<vmem>>
    %dma_start3A_451 = tpu.memref_squeeze %dma_start3A_450 : memref<1x1x80xi32, #tpu.memory_space<vmem>> -> memref<80xi32, #tpu.memory_space<vmem>>
    %dma_start3A_452 = arith.constant 0 : i32
    %dma_start3A_453 = arith.constant 0 : i32
    %dma_start3A_454 = tpu.memref_slice %arg2[%dma_start3A_452, %dma_start3A_453] : memref<1000000x64xf32, #tpu.memory_space<hbm>> -> memref<1000000x64xf32, #tpu.memory_space<hbm>>
    tpu.enqueue_indirect_dma source(%dma_start3A_454 : memref<1000000x64xf32, #tpu.memory_space<hbm>>) target(%arg9 : memref<80x64xf32, #tpu.memory_space<vmem>>) offsets(%dma_start3A_451 : memref<80xi32, #tpu.memory_space<vmem>>) semaphore(%arg15 : memref<!tpu.dma_semaphore, #tpu.memory_space<semaphore_mem>>)
    %dma_wait3A_455 = arith.constant 2 : i32
    %dma_wait3A_456 = arith.constant 5 : i32
    %dma_wait3A_457 = arith.constant 0 : i32
    %dma_wait3A_458 = tpu.memref_slice %arg7[%dma_wait3A_455, %dma_wait3A_456, %dma_wait3A_457] : memref<4x20x80xi32, #tpu.memory_space<vmem>> -> memref<1x1x80xi32, #tpu.memory_space<vmem>>
    %dma_wait3A_459 = tpu.memref_squeeze %dma_wait3A_458 : memref<1x1x80xi32, #tpu.memory_space<vmem>> -> memref<80xi32, #tpu.memory_space<vmem>>
    %dma_wait3A_460 = arith.constant 0 : i32
    %dma_wait3A_461 = arith.constant 0 : i32
    %dma_wait3A_462 = tpu.memref_slice %arg2[%dma_wait3A_460, %dma_wait3A_461] : memref<1000000x64xf32, #tpu.memory_space<hbm>> -> memref<1000000x64xf32, #tpu.memory_space<hbm>>
    tpu.wait_indirect_dma semaphore(%arg19 : memref<!tpu.dma_semaphore, #tpu.memory_space<semaphore_mem>>) src(%dma_wait3A_462 : memref<1000000x64xf32, #tpu.memory_space<hbm>>) dst(%arg13 : memref<80x64xf32, #tpu.memory_space<vmem>>)
    %dma_start3A_463 = arith.constant 3 : i32
    %dma_start3A_464 = arith.constant 5 : i32
    %dma_start3A_465 = arith.constant 0 : i32
    %dma_start3A_466 = tpu.memref_slice %arg7[%dma_start3A_463, %dma_start3A_464, %dma_start3A_465] : memref<4x20x80xi32, #tpu.memory_space<vmem>> -> memref<1x1x80xi32, #tpu.memory_space<vmem>>
    %dma_start3A_467 = tpu.memref_squeeze %dma_start3A_466 : memref<1x1x80xi32, #tpu.memory_space<vmem>> -> memref<80xi32, #tpu.memory_space<vmem>>
    %dma_start3A_468 = arith.constant 0 : i32
    %dma_start3A_469 = arith.constant 0 : i32
    %dma_start3A_470 = tpu.memref_slice %arg3[%dma_start3A_468, %dma_start3A_469] : memref<1000x64xf32, #tpu.memory_space<hbm>> -> memref<1000x64xf32, #tpu.memory_space<hbm>>
    tpu.enqueue_indirect_dma source(%dma_start3A_470 : memref<1000x64xf32, #tpu.memory_space<hbm>>) target(%arg13 : memref<80x64xf32, #tpu.memory_space<vmem>>) offsets(%dma_start3A_467 : memref<80xi32, #tpu.memory_space<vmem>>) semaphore(%arg19 : memref<!tpu.dma_semaphore, #tpu.memory_space<semaphore_mem>>) {add = true}
    %dma_wait3A_471 = arith.constant 3 : i32
    %dma_wait3A_472 = arith.constant 4 : i32
    %dma_wait3A_473 = arith.constant 0 : i32
    %dma_wait3A_474 = tpu.memref_slice %arg7[%dma_wait3A_471, %dma_wait3A_472, %dma_wait3A_473] : memref<4x20x80xi32, #tpu.memory_space<vmem>> -> memref<1x1x80xi32, #tpu.memory_space<vmem>>
    %dma_wait3A_475 = tpu.memref_squeeze %dma_wait3A_474 : memref<1x1x80xi32, #tpu.memory_space<vmem>> -> memref<80xi32, #tpu.memory_space<vmem>>
    %dma_wait3A_476 = arith.constant 0 : i32
    %dma_wait3A_477 = arith.constant 0 : i32
    %dma_wait3A_478 = tpu.memref_slice %arg3[%dma_wait3A_476, %dma_wait3A_477] : memref<1000x64xf32, #tpu.memory_space<hbm>> -> memref<1000x64xf32, #tpu.memory_space<hbm>>
    tpu.wait_indirect_dma semaphore(%arg17 : memref<!tpu.dma_semaphore, #tpu.memory_space<semaphore_mem>>) src(%dma_wait3A_478 : memref<1000x64xf32, #tpu.memory_space<hbm>>) dst(%arg11 : memref<80x64xf32, #tpu.memory_space<vmem>>)
    %add3A_479 = arith.constant 320 : i32
    %add3A_480 = arith.addi %mul3A_2, %add3A_479 : i32
    %multiple_of3A_481 = tpu.assume_multiple %add3A_480, 8 : i32
    %dma_start3A_482 = arith.constant 0 : i32
    %dma_start3A_483 = tpu.memref_slice %arg6[%multiple_of3A_481, %dma_start3A_482] : memref<51200x64xf32, #tpu.memory_space<hbm>> -> memref<80x64xf32, #tpu.memory_space<hbm>>
    %dma_start3A_484 = arith.constant 0 : i32
    %dma_start3A_485 = tpu.memref_slice %arg6[%multiple_of3A_481, %dma_start3A_484] : memref<51200x64xf32, #tpu.memory_space<hbm>> -> memref<80x64xf32, #tpu.memory_space<hbm>>
    tpu.enqueue_dma source(%arg11 : memref<80x64xf32, #tpu.memory_space<vmem>>) target(%dma_start3A_485 : memref<80x64xf32, #tpu.memory_space<hbm>>) target_semaphore(%arg23 : memref<!tpu.dma_semaphore, #tpu.memory_space<semaphore_mem>>)
    %dma_wait3A_486 = arith.constant 0 : i32
    %dma_wait3A_487 = tpu.memref_slice %arg5[%multiple_of3A_438, %dma_wait3A_486] : memref<51200x64xf32, #tpu.memory_space<hbm>> -> memref<80x64xf32, #tpu.memory_space<hbm>>
    %dma_wait3A_488 = arith.constant 0 : i32
    %dma_wait3A_489 = tpu.memref_slice %arg5[%multiple_of3A_438, %dma_wait3A_488] : memref<51200x64xf32, #tpu.memory_space<hbm>> -> memref<80x64xf32, #tpu.memory_space<hbm>>
    tpu.wait_dma2 semaphore(%arg22 : memref<!tpu.dma_semaphore, #tpu.memory_space<semaphore_mem>>) src(%arg10 : memref<80x64xf32, #tpu.memory_space<vmem>>) dst(%dma_wait3A_489 : memref<80x64xf32, #tpu.memory_space<hbm>>)
    %dma_start3A_490 = arith.constant 0 : i32
    %dma_start3A_491 = arith.constant 7 : i32
    %dma_start3A_492 = arith.constant 0 : i32
    %dma_start3A_493 = tpu.memref_slice %arg7[%dma_start3A_490, %dma_start3A_491, %dma_start3A_492] : memref<4x20x80xi32, #tpu.memory_space<vmem>> -> memref<1x1x80xi32, #tpu.memory_space<vmem>>
    %dma_start3A_494 = tpu.memref_squeeze %dma_start3A_493 : memref<1x1x80xi32, #tpu.memory_space<vmem>> -> memref<80xi32, #tpu.memory_space<vmem>>
    %dma_start3A_495 = arith.constant 0 : i32
    %dma_start3A_496 = arith.constant 0 : i32
    %dma_start3A_497 = tpu.memref_slice %arg2[%dma_start3A_495, %dma_start3A_496] : memref<1000000x64xf32, #tpu.memory_space<hbm>> -> memref<1000000x64xf32, #tpu.memory_space<hbm>>
    tpu.enqueue_indirect_dma source(%dma_start3A_497 : memref<1000000x64xf32, #tpu.memory_space<hbm>>) target(%arg10 : memref<80x64xf32, #tpu.memory_space<vmem>>) offsets(%dma_start3A_494 : memref<80xi32, #tpu.memory_space<vmem>>) semaphore(%arg16 : memref<!tpu.dma_semaphore, #tpu.memory_space<semaphore_mem>>)
    %dma_wait3A_498 = arith.constant 0 : i32
    %dma_wait3A_499 = arith.constant 6 : i32
    %dma_wait3A_500 = arith.constant 0 : i32
    %dma_wait3A_501 = tpu.memref_slice %arg7[%dma_wait3A_498, %dma_wait3A_499, %dma_wait3A_500] : memref<4x20x80xi32, #tpu.memory_space<vmem>> -> memref<1x1x80xi32, #tpu.memory_space<vmem>>
    %dma_wait3A_502 = tpu.memref_squeeze %dma_wait3A_501 : memref<1x1x80xi32, #tpu.memory_space<vmem>> -> memref<80xi32, #tpu.memory_space<vmem>>
    %dma_wait3A_503 = arith.constant 0 : i32
    %dma_wait3A_504 = arith.constant 0 : i32
    %dma_wait3A_505 = tpu.memref_slice %arg2[%dma_wait3A_503, %dma_wait3A_504] : memref<1000000x64xf32, #tpu.memory_space<hbm>> -> memref<1000000x64xf32, #tpu.memory_space<hbm>>
    tpu.wait_indirect_dma semaphore(%arg14 : memref<!tpu.dma_semaphore, #tpu.memory_space<semaphore_mem>>) src(%dma_wait3A_505 : memref<1000000x64xf32, #tpu.memory_space<hbm>>) dst(%arg8 : memref<80x64xf32, #tpu.memory_space<vmem>>)
    %dma_start3A_506 = arith.constant 1 : i32
    %dma_start3A_507 = arith.constant 6 : i32
    %dma_start3A_508 = arith.constant 0 : i32
    %dma_start3A_509 = tpu.memref_slice %arg7[%dma_start3A_506, %dma_start3A_507, %dma_start3A_508] : memref<4x20x80xi32, #tpu.memory_space<vmem>> -> memref<1x1x80xi32, #tpu.memory_space<vmem>>
    %dma_start3A_510 = tpu.memref_squeeze %dma_start3A_509 : memref<1x1x80xi32, #tpu.memory_space<vmem>> -> memref<80xi32, #tpu.memory_space<vmem>>
    %dma_start3A_511 = arith.constant 0 : i32
    %dma_start3A_512 = arith.constant 0 : i32
    %dma_start3A_513 = tpu.memref_slice %arg3[%dma_start3A_511, %dma_start3A_512] : memref<1000x64xf32, #tpu.memory_space<hbm>> -> memref<1000x64xf32, #tpu.memory_space<hbm>>
    tpu.enqueue_indirect_dma source(%dma_start3A_513 : memref<1000x64xf32, #tpu.memory_space<hbm>>) target(%arg8 : memref<80x64xf32, #tpu.memory_space<vmem>>) offsets(%dma_start3A_510 : memref<80xi32, #tpu.memory_space<vmem>>) semaphore(%arg14 : memref<!tpu.dma_semaphore, #tpu.memory_space<semaphore_mem>>) {add = true}
    %dma_wait3A_514 = arith.constant 1 : i32
    %dma_wait3A_515 = arith.constant 5 : i32
    %dma_wait3A_516 = arith.constant 0 : i32
    %dma_wait3A_517 = tpu.memref_slice %arg7[%dma_wait3A_514, %dma_wait3A_515, %dma_wait3A_516] : memref<4x20x80xi32, #tpu.memory_space<vmem>> -> memref<1x1x80xi32, #tpu.memory_space<vmem>>
    %dma_wait3A_518 = tpu.memref_squeeze %dma_wait3A_517 : memref<1x1x80xi32, #tpu.memory_space<vmem>> -> memref<80xi32, #tpu.memory_space<vmem>>
    %dma_wait3A_519 = arith.constant 0 : i32
    %dma_wait3A_520 = arith.constant 0 : i32
    %dma_wait3A_521 = tpu.memref_slice %arg3[%dma_wait3A_519, %dma_wait3A_520] : memref<1000x64xf32, #tpu.memory_space<hbm>> -> memref<1000x64xf32, #tpu.memory_space<hbm>>
    tpu.wait_indirect_dma semaphore(%arg18 : memref<!tpu.dma_semaphore, #tpu.memory_space<semaphore_mem>>) src(%dma_wait3A_521 : memref<1000x64xf32, #tpu.memory_space<hbm>>) dst(%arg12 : memref<80x64xf32, #tpu.memory_space<vmem>>)
    %add3A_522 = arith.constant 400 : i32
    %add3A_523 = arith.addi %mul3A_2, %add3A_522 : i32
    %multiple_of3A_524 = tpu.assume_multiple %add3A_523, 8 : i32
    %dma_start3A_525 = arith.constant 0 : i32
    %dma_start3A_526 = tpu.memref_slice %arg5[%multiple_of3A_524, %dma_start3A_525] : memref<51200x64xf32, #tpu.memory_space<hbm>> -> memref<80x64xf32, #tpu.memory_space<hbm>>
    %dma_start3A_527 = arith.constant 0 : i32
    %dma_start3A_528 = tpu.memref_slice %arg5[%multiple_of3A_524, %dma_start3A_527] : memref<51200x64xf32, #tpu.memory_space<hbm>> -> memref<80x64xf32, #tpu.memory_space<hbm>>
    tpu.enqueue_dma source(%arg12 : memref<80x64xf32, #tpu.memory_space<vmem>>) target(%dma_start3A_528 : memref<80x64xf32, #tpu.memory_space<hbm>>) target_semaphore(%arg24 : memref<!tpu.dma_semaphore, #tpu.memory_space<semaphore_mem>>)
    %dma_wait3A_529 = arith.constant 0 : i32
    %dma_wait3A_530 = tpu.memref_slice %arg6[%multiple_of3A_481, %dma_wait3A_529] : memref<51200x64xf32, #tpu.memory_space<hbm>> -> memref<80x64xf32, #tpu.memory_space<hbm>>
    %dma_wait3A_531 = arith.constant 0 : i32
    %dma_wait3A_532 = tpu.memref_slice %arg6[%multiple_of3A_481, %dma_wait3A_531] : memref<51200x64xf32, #tpu.memory_space<hbm>> -> memref<80x64xf32, #tpu.memory_space<hbm>>
    tpu.wait_dma2 semaphore(%arg23 : memref<!tpu.dma_semaphore, #tpu.memory_space<semaphore_mem>>) src(%arg11 : memref<80x64xf32, #tpu.memory_space<vmem>>) dst(%dma_wait3A_532 : memref<80x64xf32, #tpu.memory_space<hbm>>)
    %dma_start3A_533 = arith.constant 2 : i32
    %dma_start3A_534 = arith.constant 7 : i32
    %dma_start3A_535 = arith.constant 0 : i32
    %dma_start3A_536 = tpu.memref_slice %arg7[%dma_start3A_533, %dma_start3A_534, %dma_start3A_535] : memref<4x20x80xi32, #tpu.memory_space<vmem>> -> memref<1x1x80xi32, #tpu.memory_space<vmem>>
    %dma_start3A_537 = tpu.memref_squeeze %dma_start3A_536 : memref<1x1x80xi32, #tpu.memory_space<vmem>> -> memref<80xi32, #tpu.memory_space<vmem>>
    %dma_start3A_538 = arith.constant 0 : i32
    %dma_start3A_539 = arith.constant 0 : i32
    %dma_start3A_540 = tpu.memref_slice %arg2[%dma_start3A_538, %dma_start3A_539] : memref<1000000x64xf32, #tpu.memory_space<hbm>> -> memref<1000000x64xf32, #tpu.memory_space<hbm>>
    tpu.enqueue_indirect_dma source(%dma_start3A_540 : memref<1000000x64xf32, #tpu.memory_space<hbm>>) target(%arg11 : memref<80x64xf32, #tpu.memory_space<vmem>>) offsets(%dma_start3A_537 : memref<80xi32, #tpu.memory_space<vmem>>) semaphore(%arg17 : memref<!tpu.dma_semaphore, #tpu.memory_space<semaphore_mem>>)
    %dma_wait3A_541 = arith.constant 2 : i32
    %dma_wait3A_542 = arith.constant 6 : i32
    %dma_wait3A_543 = arith.constant 0 : i32
    %dma_wait3A_544 = tpu.memref_slice %arg7[%dma_wait3A_541, %dma_wait3A_542, %dma_wait3A_543] : memref<4x20x80xi32, #tpu.memory_space<vmem>> -> memref<1x1x80xi32, #tpu.memory_space<vmem>>
    %dma_wait3A_545 = tpu.memref_squeeze %dma_wait3A_544 : memref<1x1x80xi32, #tpu.memory_space<vmem>> -> memref<80xi32, #tpu.memory_space<vmem>>
    %dma_wait3A_546 = arith.constant 0 : i32
    %dma_wait3A_547 = arith.constant 0 : i32
    %dma_wait3A_548 = tpu.memref_slice %arg2[%dma_wait3A_546, %dma_wait3A_547] : memref<1000000x64xf32, #tpu.memory_space<hbm>> -> memref<1000000x64xf32, #tpu.memory_space<hbm>>
    tpu.wait_indirect_dma semaphore(%arg15 : memref<!tpu.dma_semaphore, #tpu.memory_space<semaphore_mem>>) src(%dma_wait3A_548 : memref<1000000x64xf32, #tpu.memory_space<hbm>>) dst(%arg9 : memref<80x64xf32, #tpu.memory_space<vmem>>)
    %dma_start3A_549 = arith.constant 3 : i32
    %dma_start3A_550 = arith.constant 6 : i32
    %dma_start3A_551 = arith.constant 0 : i32
    %dma_start3A_552 = tpu.memref_slice %arg7[%dma_start3A_549, %dma_start3A_550, %dma_start3A_551] : memref<4x20x80xi32, #tpu.memory_space<vmem>> -> memref<1x1x80xi32, #tpu.memory_space<vmem>>
    %dma_start3A_553 = tpu.memref_squeeze %dma_start3A_552 : memref<1x1x80xi32, #tpu.memory_space<vmem>> -> memref<80xi32, #tpu.memory_space<vmem>>
    %dma_start3A_554 = arith.constant 0 : i32
    %dma_start3A_555 = arith.constant 0 : i32
    %dma_start3A_556 = tpu.memref_slice %arg3[%dma_start3A_554, %dma_start3A_555] : memref<1000x64xf32, #tpu.memory_space<hbm>> -> memref<1000x64xf32, #tpu.memory_space<hbm>>
    tpu.enqueue_indirect_dma source(%dma_start3A_556 : memref<1000x64xf32, #tpu.memory_space<hbm>>) target(%arg9 : memref<80x64xf32, #tpu.memory_space<vmem>>) offsets(%dma_start3A_553 : memref<80xi32, #tpu.memory_space<vmem>>) semaphore(%arg15 : memref<!tpu.dma_semaphore, #tpu.memory_space<semaphore_mem>>) {add = true}
    %dma_wait3A_557 = arith.constant 3 : i32
    %dma_wait3A_558 = arith.constant 5 : i32
    %dma_wait3A_559 = arith.constant 0 : i32
    %dma_wait3A_560 = tpu.memref_slice %arg7[%dma_wait3A_557, %dma_wait3A_558, %dma_wait3A_559] : memref<4x20x80xi32, #tpu.memory_space<vmem>> -> memref<1x1x80xi32, #tpu.memory_space<vmem>>
    %dma_wait3A_561 = tpu.memref_squeeze %dma_wait3A_560 : memref<1x1x80xi32, #tpu.memory_space<vmem>> -> memref<80xi32, #tpu.memory_space<vmem>>
    %dma_wait3A_562 = arith.constant 0 : i32
    %dma_wait3A_563 = arith.constant 0 : i32
    %dma_wait3A_564 = tpu.memref_slice %arg3[%dma_wait3A_562, %dma_wait3A_563] : memref<1000x64xf32, #tpu.memory_space<hbm>> -> memref<1000x64xf32, #tpu.memory_space<hbm>>
    tpu.wait_indirect_dma semaphore(%arg19 : memref<!tpu.dma_semaphore, #tpu.memory_space<semaphore_mem>>) src(%dma_wait3A_564 : memref<1000x64xf32, #tpu.memory_space<hbm>>) dst(%arg13 : memref<80x64xf32, #tpu.memory_space<vmem>>)
    %add3A_565 = arith.constant 400 : i32
    %add3A_566 = arith.addi %mul3A_2, %add3A_565 : i32
    %multiple_of3A_567 = tpu.assume_multiple %add3A_566, 8 : i32
    %dma_start3A_568 = arith.constant 0 : i32
    %dma_start3A_569 = tpu.memref_slice %arg6[%multiple_of3A_567, %dma_start3A_568] : memref<51200x64xf32, #tpu.memory_space<hbm>> -> memref<80x64xf32, #tpu.memory_space<hbm>>
    %dma_start3A_570 = arith.constant 0 : i32
    %dma_start3A_571 = tpu.memref_slice %arg6[%multiple_of3A_567, %dma_start3A_570] : memref<51200x64xf32, #tpu.memory_space<hbm>> -> memref<80x64xf32, #tpu.memory_space<hbm>>
    tpu.enqueue_dma source(%arg13 : memref<80x64xf32, #tpu.memory_space<vmem>>) target(%dma_start3A_571 : memref<80x64xf32, #tpu.memory_space<hbm>>) target_semaphore(%arg25 : memref<!tpu.dma_semaphore, #tpu.memory_space<semaphore_mem>>)
    %dma_wait3A_572 = arith.constant 0 : i32
    %dma_wait3A_573 = tpu.memref_slice %arg5[%multiple_of3A_524, %dma_wait3A_572] : memref<51200x64xf32, #tpu.memory_space<hbm>> -> memref<80x64xf32, #tpu.memory_space<hbm>>
    %dma_wait3A_574 = arith.constant 0 : i32
    %dma_wait3A_575 = tpu.memref_slice %arg5[%multiple_of3A_524, %dma_wait3A_574] : memref<51200x64xf32, #tpu.memory_space<hbm>> -> memref<80x64xf32, #tpu.memory_space<hbm>>
    tpu.wait_dma2 semaphore(%arg24 : memref<!tpu.dma_semaphore, #tpu.memory_space<semaphore_mem>>) src(%arg12 : memref<80x64xf32, #tpu.memory_space<vmem>>) dst(%dma_wait3A_575 : memref<80x64xf32, #tpu.memory_space<hbm>>)
    %dma_start3A_576 = arith.constant 0 : i32
    %dma_start3A_577 = arith.constant 8 : i32
    %dma_start3A_578 = arith.constant 0 : i32
    %dma_start3A_579 = tpu.memref_slice %arg7[%dma_start3A_576, %dma_start3A_577, %dma_start3A_578] : memref<4x20x80xi32, #tpu.memory_space<vmem>> -> memref<1x1x80xi32, #tpu.memory_space<vmem>>
    %dma_start3A_580 = tpu.memref_squeeze %dma_start3A_579 : memref<1x1x80xi32, #tpu.memory_space<vmem>> -> memref<80xi32, #tpu.memory_space<vmem>>
    %dma_start3A_581 = arith.constant 0 : i32
    %dma_start3A_582 = arith.constant 0 : i32
    %dma_start3A_583 = tpu.memref_slice %arg2[%dma_start3A_581, %dma_start3A_582] : memref<1000000x64xf32, #tpu.memory_space<hbm>> -> memref<1000000x64xf32, #tpu.memory_space<hbm>>
    tpu.enqueue_indirect_dma source(%dma_start3A_583 : memref<1000000x64xf32, #tpu.memory_space<hbm>>) target(%arg12 : memref<80x64xf32, #tpu.memory_space<vmem>>) offsets(%dma_start3A_580 : memref<80xi32, #tpu.memory_space<vmem>>) semaphore(%arg18 : memref<!tpu.dma_semaphore, #tpu.memory_space<semaphore_mem>>)
    %dma_wait3A_584 = arith.constant 0 : i32
    %dma_wait3A_585 = arith.constant 7 : i32
    %dma_wait3A_586 = arith.constant 0 : i32
    %dma_wait3A_587 = tpu.memref_slice %arg7[%dma_wait3A_584, %dma_wait3A_585, %dma_wait3A_586] : memref<4x20x80xi32, #tpu.memory_space<vmem>> -> memref<1x1x80xi32, #tpu.memory_space<vmem>>
    %dma_wait3A_588 = tpu.memref_squeeze %dma_wait3A_587 : memref<1x1x80xi32, #tpu.memory_space<vmem>> -> memref<80xi32, #tpu.memory_space<vmem>>
    %dma_wait3A_589 = arith.constant 0 : i32
    %dma_wait3A_590 = arith.constant 0 : i32
    %dma_wait3A_591 = tpu.memref_slice %arg2[%dma_wait3A_589, %dma_wait3A_590] : memref<1000000x64xf32, #tpu.memory_space<hbm>> -> memref<1000000x64xf32, #tpu.memory_space<hbm>>
    tpu.wait_indirect_dma semaphore(%arg16 : memref<!tpu.dma_semaphore, #tpu.memory_space<semaphore_mem>>) src(%dma_wait3A_591 : memref<1000000x64xf32, #tpu.memory_space<hbm>>) dst(%arg10 : memref<80x64xf32, #tpu.memory_space<vmem>>)
    %dma_start3A_592 = arith.constant 1 : i32
    %dma_start3A_593 = arith.constant 7 : i32
    %dma_start3A_594 = arith.constant 0 : i32
    %dma_start3A_595 = tpu.memref_slice %arg7[%dma_start3A_592, %dma_start3A_593, %dma_start3A_594] : memref<4x20x80xi32, #tpu.memory_space<vmem>> -> memref<1x1x80xi32, #tpu.memory_space<vmem>>
    %dma_start3A_596 = tpu.memref_squeeze %dma_start3A_595 : memref<1x1x80xi32, #tpu.memory_space<vmem>> -> memref<80xi32, #tpu.memory_space<vmem>>
    %dma_start3A_597 = arith.constant 0 : i32
    %dma_start3A_598 = arith.constant 0 : i32
    %dma_start3A_599 = tpu.memref_slice %arg3[%dma_start3A_597, %dma_start3A_598] : memref<1000x64xf32, #tpu.memory_space<hbm>> -> memref<1000x64xf32, #tpu.memory_space<hbm>>
    tpu.enqueue_indirect_dma source(%dma_start3A_599 : memref<1000x64xf32, #tpu.memory_space<hbm>>) target(%arg10 : memref<80x64xf32, #tpu.memory_space<vmem>>) offsets(%dma_start3A_596 : memref<80xi32, #tpu.memory_space<vmem>>) semaphore(%arg16 : memref<!tpu.dma_semaphore, #tpu.memory_space<semaphore_mem>>) {add = true}
    %dma_wait3A_600 = arith.constant 1 : i32
    %dma_wait3A_601 = arith.constant 6 : i32
    %dma_wait3A_602 = arith.constant 0 : i32
    %dma_wait3A_603 = tpu.memref_slice %arg7[%dma_wait3A_600, %dma_wait3A_601, %dma_wait3A_602] : memref<4x20x80xi32, #tpu.memory_space<vmem>> -> memref<1x1x80xi32, #tpu.memory_space<vmem>>
    %dma_wait3A_604 = tpu.memref_squeeze %dma_wait3A_603 : memref<1x1x80xi32, #tpu.memory_space<vmem>> -> memref<80xi32, #tpu.memory_space<vmem>>
    %dma_wait3A_605 = arith.constant 0 : i32
    %dma_wait3A_606 = arith.constant 0 : i32
    %dma_wait3A_607 = tpu.memref_slice %arg3[%dma_wait3A_605, %dma_wait3A_606] : memref<1000x64xf32, #tpu.memory_space<hbm>> -> memref<1000x64xf32, #tpu.memory_space<hbm>>
    tpu.wait_indirect_dma semaphore(%arg14 : memref<!tpu.dma_semaphore, #tpu.memory_space<semaphore_mem>>) src(%dma_wait3A_607 : memref<1000x64xf32, #tpu.memory_space<hbm>>) dst(%arg8 : memref<80x64xf32, #tpu.memory_space<vmem>>)
    %add3A_608 = arith.constant 480 : i32
    %add3A_609 = arith.addi %mul3A_2, %add3A_608 : i32
    %multiple_of3A_610 = tpu.assume_multiple %add3A_609, 8 : i32
    %dma_start3A_611 = arith.constant 0 : i32
    %dma_start3A_612 = tpu.memref_slice %arg5[%multiple_of3A_610, %dma_start3A_611] : memref<51200x64xf32, #tpu.memory_space<hbm>> -> memref<80x64xf32, #tpu.memory_space<hbm>>
    %dma_start3A_613 = arith.constant 0 : i32
    %dma_start3A_614 = tpu.memref_slice %arg5[%multiple_of3A_610, %dma_start3A_613] : memref<51200x64xf32, #tpu.memory_space<hbm>> -> memref<80x64xf32, #tpu.memory_space<hbm>>
    tpu.enqueue_dma source(%arg8 : memref<80x64xf32, #tpu.memory_space<vmem>>) target(%dma_start3A_614 : memref<80x64xf32, #tpu.memory_space<hbm>>) target_semaphore(%arg20 : memref<!tpu.dma_semaphore, #tpu.memory_space<semaphore_mem>>)
    %dma_wait3A_615 = arith.constant 0 : i32
    %dma_wait3A_616 = tpu.memref_slice %arg6[%multiple_of3A_567, %dma_wait3A_615] : memref<51200x64xf32, #tpu.memory_space<hbm>> -> memref<80x64xf32, #tpu.memory_space<hbm>>
    %dma_wait3A_617 = arith.constant 0 : i32
    %dma_wait3A_618 = tpu.memref_slice %arg6[%multiple_of3A_567, %dma_wait3A_617] : memref<51200x64xf32, #tpu.memory_space<hbm>> -> memref<80x64xf32, #tpu.memory_space<hbm>>
    tpu.wait_dma2 semaphore(%arg25 : memref<!tpu.dma_semaphore, #tpu.memory_space<semaphore_mem>>) src(%arg13 : memref<80x64xf32, #tpu.memory_space<vmem>>) dst(%dma_wait3A_618 : memref<80x64xf32, #tpu.memory_space<hbm>>)
    %dma_start3A_619 = arith.constant 2 : i32
    %dma_start3A_620 = arith.constant 8 : i32
    %dma_start3A_621 = arith.constant 0 : i32
    %dma_start3A_622 = tpu.memref_slice %arg7[%dma_start3A_619, %dma_start3A_620, %dma_start3A_621] : memref<4x20x80xi32, #tpu.memory_space<vmem>> -> memref<1x1x80xi32, #tpu.memory_space<vmem>>
    %dma_start3A_623 = tpu.memref_squeeze %dma_start3A_622 : memref<1x1x80xi32, #tpu.memory_space<vmem>> -> memref<80xi32, #tpu.memory_space<vmem>>
    %dma_start3A_624 = arith.constant 0 : i32
    %dma_start3A_625 = arith.constant 0 : i32
    %dma_start3A_626 = tpu.memref_slice %arg2[%dma_start3A_624, %dma_start3A_625] : memref<1000000x64xf32, #tpu.memory_space<hbm>> -> memref<1000000x64xf32, #tpu.memory_space<hbm>>
    tpu.enqueue_indirect_dma source(%dma_start3A_626 : memref<1000000x64xf32, #tpu.memory_space<hbm>>) target(%arg13 : memref<80x64xf32, #tpu.memory_space<vmem>>) offsets(%dma_start3A_623 : memref<80xi32, #tpu.memory_space<vmem>>) semaphore(%arg19 : memref<!tpu.dma_semaphore, #tpu.memory_space<semaphore_mem>>)
    %dma_wait3A_627 = arith.constant 2 : i32
    %dma_wait3A_628 = arith.constant 7 : i32
    %dma_wait3A_629 = arith.constant 0 : i32
    %dma_wait3A_630 = tpu.memref_slice %arg7[%dma_wait3A_627, %dma_wait3A_628, %dma_wait3A_629] : memref<4x20x80xi32, #tpu.memory_space<vmem>> -> memref<1x1x80xi32, #tpu.memory_space<vmem>>
    %dma_wait3A_631 = tpu.memref_squeeze %dma_wait3A_630 : memref<1x1x80xi32, #tpu.memory_space<vmem>> -> memref<80xi32, #tpu.memory_space<vmem>>
    %dma_wait3A_632 = arith.constant 0 : i32
    %dma_wait3A_633 = arith.constant 0 : i32
    %dma_wait3A_634 = tpu.memref_slice %arg2[%dma_wait3A_632, %dma_wait3A_633] : memref<1000000x64xf32, #tpu.memory_space<hbm>> -> memref<1000000x64xf32, #tpu.memory_space<hbm>>
    tpu.wait_indirect_dma semaphore(%arg17 : memref<!tpu.dma_semaphore, #tpu.memory_space<semaphore_mem>>) src(%dma_wait3A_634 : memref<1000000x64xf32, #tpu.memory_space<hbm>>) dst(%arg11 : memref<80x64xf32, #tpu.memory_space<vmem>>)
    %dma_start3A_635 = arith.constant 3 : i32
    %dma_start3A_636 = arith.constant 7 : i32
    %dma_start3A_637 = arith.constant 0 : i32
    %dma_start3A_638 = tpu.memref_slice %arg7[%dma_start3A_635, %dma_start3A_636, %dma_start3A_637] : memref<4x20x80xi32, #tpu.memory_space<vmem>> -> memref<1x1x80xi32, #tpu.memory_space<vmem>>
    %dma_start3A_639 = tpu.memref_squeeze %dma_start3A_638 : memref<1x1x80xi32, #tpu.memory_space<vmem>> -> memref<80xi32, #tpu.memory_space<vmem>>
    %dma_start3A_640 = arith.constant 0 : i32
    %dma_start3A_641 = arith.constant 0 : i32
    %dma_start3A_642 = tpu.memref_slice %arg3[%dma_start3A_640, %dma_start3A_641] : memref<1000x64xf32, #tpu.memory_space<hbm>> -> memref<1000x64xf32, #tpu.memory_space<hbm>>
    tpu.enqueue_indirect_dma source(%dma_start3A_642 : memref<1000x64xf32, #tpu.memory_space<hbm>>) target(%arg11 : memref<80x64xf32, #tpu.memory_space<vmem>>) offsets(%dma_start3A_639 : memref<80xi32, #tpu.memory_space<vmem>>) semaphore(%arg17 : memref<!tpu.dma_semaphore, #tpu.memory_space<semaphore_mem>>) {add = true}
    %dma_wait3A_643 = arith.constant 3 : i32
    %dma_wait3A_644 = arith.constant 6 : i32
    %dma_wait3A_645 = arith.constant 0 : i32
    %dma_wait3A_646 = tpu.memref_slice %arg7[%dma_wait3A_643, %dma_wait3A_644, %dma_wait3A_645] : memref<4x20x80xi32, #tpu.memory_space<vmem>> -> memref<1x1x80xi32, #tpu.memory_space<vmem>>
    %dma_wait3A_647 = tpu.memref_squeeze %dma_wait3A_646 : memref<1x1x80xi32, #tpu.memory_space<vmem>> -> memref<80xi32, #tpu.memory_space<vmem>>
    %dma_wait3A_648 = arith.constant 0 : i32
    %dma_wait3A_649 = arith.constant 0 : i32
    %dma_wait3A_650 = tpu.memref_slice %arg3[%dma_wait3A_648, %dma_wait3A_649] : memref<1000x64xf32, #tpu.memory_space<hbm>> -> memref<1000x64xf32, #tpu.memory_space<hbm>>
    tpu.wait_indirect_dma semaphore(%arg15 : memref<!tpu.dma_semaphore, #tpu.memory_space<semaphore_mem>>) src(%dma_wait3A_650 : memref<1000x64xf32, #tpu.memory_space<hbm>>) dst(%arg9 : memref<80x64xf32, #tpu.memory_space<vmem>>)
    %add3A_651 = arith.constant 480 : i32
    %add3A_652 = arith.addi %mul3A_2, %add3A_651 : i32
    %multiple_of3A_653 = tpu.assume_multiple %add3A_652, 8 : i32
    %dma_start3A_654 = arith.constant 0 : i32
    %dma_start3A_655 = tpu.memref_slice %arg6[%multiple_of3A_653, %dma_start3A_654] : memref<51200x64xf32, #tpu.memory_space<hbm>> -> memref<80x64xf32, #tpu.memory_space<hbm>>
    %dma_start3A_656 = arith.constant 0 : i32
    %dma_start3A_657 = tpu.memref_slice %arg6[%multiple_of3A_653, %dma_start3A_656] : memref<51200x64xf32, #tpu.memory_space<hbm>> -> memref<80x64xf32, #tpu.memory_space<hbm>>
    tpu.enqueue_dma source(%arg9 : memref<80x64xf32, #tpu.memory_space<vmem>>) target(%dma_start3A_657 : memref<80x64xf32, #tpu.memory_space<hbm>>) target_semaphore(%arg21 : memref<!tpu.dma_semaphore, #tpu.memory_space<semaphore_mem>>)
    %dma_wait3A_658 = arith.constant 0 : i32
    %dma_wait3A_659 = tpu.memref_slice %arg5[%multiple_of3A_610, %dma_wait3A_658] : memref<51200x64xf32, #tpu.memory_space<hbm>> -> memref<80x64xf32, #tpu.memory_space<hbm>>
    %dma_wait3A_660 = arith.constant 0 : i32
    %dma_wait3A_661 = tpu.memref_slice %arg5[%multiple_of3A_610, %dma_wait3A_660] : memref<51200x64xf32, #tpu.memory_space<hbm>> -> memref<80x64xf32, #tpu.memory_space<hbm>>
    tpu.wait_dma2 semaphore(%arg20 : memref<!tpu.dma_semaphore, #tpu.memory_space<semaphore_mem>>) src(%arg8 : memref<80x64xf32, #tpu.memory_space<vmem>>) dst(%dma_wait3A_661 : memref<80x64xf32, #tpu.memory_space<hbm>>)
    %dma_start3A_662 = arith.constant 0 : i32
    %dma_start3A_663 = arith.constant 9 : i32
    %dma_start3A_664 = arith.constant 0 : i32
    %dma_start3A_665 = tpu.memref_slice %arg7[%dma_start3A_662, %dma_start3A_663, %dma_start3A_664] : memref<4x20x80xi32, #tpu.memory_space<vmem>> -> memref<1x1x80xi32, #tpu.memory_space<vmem>>
    %dma_start3A_666 = tpu.memref_squeeze %dma_start3A_665 : memref<1x1x80xi32, #tpu.memory_space<vmem>> -> memref<80xi32, #tpu.memory_space<vmem>>
    %dma_start3A_667 = arith.constant 0 : i32
    %dma_start3A_668 = arith.constant 0 : i32
    %dma_start3A_669 = tpu.memref_slice %arg2[%dma_start3A_667, %dma_start3A_668] : memref<1000000x64xf32, #tpu.memory_space<hbm>> -> memref<1000000x64xf32, #tpu.memory_space<hbm>>
    tpu.enqueue_indirect_dma source(%dma_start3A_669 : memref<1000000x64xf32, #tpu.memory_space<hbm>>) target(%arg8 : memref<80x64xf32, #tpu.memory_space<vmem>>) offsets(%dma_start3A_666 : memref<80xi32, #tpu.memory_space<vmem>>) semaphore(%arg14 : memref<!tpu.dma_semaphore, #tpu.memory_space<semaphore_mem>>)
    %dma_wait3A_670 = arith.constant 0 : i32
    %dma_wait3A_671 = arith.constant 8 : i32
    %dma_wait3A_672 = arith.constant 0 : i32
    %dma_wait3A_673 = tpu.memref_slice %arg7[%dma_wait3A_670, %dma_wait3A_671, %dma_wait3A_672] : memref<4x20x80xi32, #tpu.memory_space<vmem>> -> memref<1x1x80xi32, #tpu.memory_space<vmem>>
    %dma_wait3A_674 = tpu.memref_squeeze %dma_wait3A_673 : memref<1x1x80xi32, #tpu.memory_space<vmem>> -> memref<80xi32, #tpu.memory_space<vmem>>
    %dma_wait3A_675 = arith.constant 0 : i32
    %dma_wait3A_676 = arith.constant 0 : i32
    %dma_wait3A_677 = tpu.memref_slice %arg2[%dma_wait3A_675, %dma_wait3A_676] : memref<1000000x64xf32, #tpu.memory_space<hbm>> -> memref<1000000x64xf32, #tpu.memory_space<hbm>>
    tpu.wait_indirect_dma semaphore(%arg18 : memref<!tpu.dma_semaphore, #tpu.memory_space<semaphore_mem>>) src(%dma_wait3A_677 : memref<1000000x64xf32, #tpu.memory_space<hbm>>) dst(%arg12 : memref<80x64xf32, #tpu.memory_space<vmem>>)
    %dma_start3A_678 = arith.constant 1 : i32
    %dma_start3A_679 = arith.constant 8 : i32
    %dma_start3A_680 = arith.constant 0 : i32
    %dma_start3A_681 = tpu.memref_slice %arg7[%dma_start3A_678, %dma_start3A_679, %dma_start3A_680] : memref<4x20x80xi32, #tpu.memory_space<vmem>> -> memref<1x1x80xi32, #tpu.memory_space<vmem>>
    %dma_start3A_682 = tpu.memref_squeeze %dma_start3A_681 : memref<1x1x80xi32, #tpu.memory_space<vmem>> -> memref<80xi32, #tpu.memory_space<vmem>>
    %dma_start3A_683 = arith.constant 0 : i32
    %dma_start3A_684 = arith.constant 0 : i32
    %dma_start3A_685 = tpu.memref_slice %arg3[%dma_start3A_683, %dma_start3A_684] : memref<1000x64xf32, #tpu.memory_space<hbm>> -> memref<1000x64xf32, #tpu.memory_space<hbm>>
    tpu.enqueue_indirect_dma source(%dma_start3A_685 : memref<1000x64xf32, #tpu.memory_space<hbm>>) target(%arg12 : memref<80x64xf32, #tpu.memory_space<vmem>>) offsets(%dma_start3A_682 : memref<80xi32, #tpu.memory_space<vmem>>) semaphore(%arg18 : memref<!tpu.dma_semaphore, #tpu.memory_space<semaphore_mem>>) {add = true}
    %dma_wait3A_686 = arith.constant 1 : i32
    %dma_wait3A_687 = arith.constant 7 : i32
    %dma_wait3A_688 = arith.constant 0 : i32
    %dma_wait3A_689 = tpu.memref_slice %arg7[%dma_wait3A_686, %dma_wait3A_687, %dma_wait3A_688] : memref<4x20x80xi32, #tpu.memory_space<vmem>> -> memref<1x1x80xi32, #tpu.memory_space<vmem>>
    %dma_wait3A_690 = tpu.memref_squeeze %dma_wait3A_689 : memref<1x1x80xi32, #tpu.memory_space<vmem>> -> memref<80xi32, #tpu.memory_space<vmem>>
    %dma_wait3A_691 = arith.constant 0 : i32
    %dma_wait3A_692 = arith.constant 0 : i32
    %dma_wait3A_693 = tpu.memref_slice %arg3[%dma_wait3A_691, %dma_wait3A_692] : memref<1000x64xf32, #tpu.memory_space<hbm>> -> memref<1000x64xf32, #tpu.memory_space<hbm>>
    tpu.wait_indirect_dma semaphore(%arg16 : memref<!tpu.dma_semaphore, #tpu.memory_space<semaphore_mem>>) src(%dma_wait3A_693 : memref<1000x64xf32, #tpu.memory_space<hbm>>) dst(%arg10 : memref<80x64xf32, #tpu.memory_space<vmem>>)
    %add3A_694 = arith.constant 560 : i32
    %add3A_695 = arith.addi %mul3A_2, %add3A_694 : i32
    %multiple_of3A_696 = tpu.assume_multiple %add3A_695, 8 : i32
    %dma_start3A_697 = arith.constant 0 : i32
    %dma_start3A_698 = tpu.memref_slice %arg5[%multiple_of3A_696, %dma_start3A_697] : memref<51200x64xf32, #tpu.memory_space<hbm>> -> memref<80x64xf32, #tpu.memory_space<hbm>>
    %dma_start3A_699 = arith.constant 0 : i32
    %dma_start3A_700 = tpu.memref_slice %arg5[%multiple_of3A_696, %dma_start3A_699] : memref<51200x64xf32, #tpu.memory_space<hbm>> -> memref<80x64xf32, #tpu.memory_space<hbm>>
    tpu.enqueue_dma source(%arg10 : memref<80x64xf32, #tpu.memory_space<vmem>>) target(%dma_start3A_700 : memref<80x64xf32, #tpu.memory_space<hbm>>) target_semaphore(%arg22 : memref<!tpu.dma_semaphore, #tpu.memory_space<semaphore_mem>>)
    %dma_wait3A_701 = arith.constant 0 : i32
    %dma_wait3A_702 = tpu.memref_slice %arg6[%multiple_of3A_653, %dma_wait3A_701] : memref<51200x64xf32, #tpu.memory_space<hbm>> -> memref<80x64xf32, #tpu.memory_space<hbm>>
    %dma_wait3A_703 = arith.constant 0 : i32
    %dma_wait3A_704 = tpu.memref_slice %arg6[%multiple_of3A_653, %dma_wait3A_703] : memref<51200x64xf32, #tpu.memory_space<hbm>> -> memref<80x64xf32, #tpu.memory_space<hbm>>
    tpu.wait_dma2 semaphore(%arg21 : memref<!tpu.dma_semaphore, #tpu.memory_space<semaphore_mem>>) src(%arg9 : memref<80x64xf32, #tpu.memory_space<vmem>>) dst(%dma_wait3A_704 : memref<80x64xf32, #tpu.memory_space<hbm>>)
    %dma_start3A_705 = arith.constant 2 : i32
    %dma_start3A_706 = arith.constant 9 : i32
    %dma_start3A_707 = arith.constant 0 : i32
    %dma_start3A_708 = tpu.memref_slice %arg7[%dma_start3A_705, %dma_start3A_706, %dma_start3A_707] : memref<4x20x80xi32, #tpu.memory_space<vmem>> -> memref<1x1x80xi32, #tpu.memory_space<vmem>>
    %dma_start3A_709 = tpu.memref_squeeze %dma_start3A_708 : memref<1x1x80xi32, #tpu.memory_space<vmem>> -> memref<80xi32, #tpu.memory_space<vmem>>
    %dma_start3A_710 = arith.constant 0 : i32
    %dma_start3A_711 = arith.constant 0 : i32
    %dma_start3A_712 = tpu.memref_slice %arg2[%dma_start3A_710, %dma_start3A_711] : memref<1000000x64xf32, #tpu.memory_space<hbm>> -> memref<1000000x64xf32, #tpu.memory_space<hbm>>
    tpu.enqueue_indirect_dma source(%dma_start3A_712 : memref<1000000x64xf32, #tpu.memory_space<hbm>>) target(%arg9 : memref<80x64xf32, #tpu.memory_space<vmem>>) offsets(%dma_start3A_709 : memref<80xi32, #tpu.memory_space<vmem>>) semaphore(%arg15 : memref<!tpu.dma_semaphore, #tpu.memory_space<semaphore_mem>>)
    %dma_wait3A_713 = arith.constant 2 : i32
    %dma_wait3A_714 = arith.constant 8 : i32
    %dma_wait3A_715 = arith.constant 0 : i32
    %dma_wait3A_716 = tpu.memref_slice %arg7[%dma_wait3A_713, %dma_wait3A_714, %dma_wait3A_715] : memref<4x20x80xi32, #tpu.memory_space<vmem>> -> memref<1x1x80xi32, #tpu.memory_space<vmem>>
    %dma_wait3A_717 = tpu.memref_squeeze %dma_wait3A_716 : memref<1x1x80xi32, #tpu.memory_space<vmem>> -> memref<80xi32, #tpu.memory_space<vmem>>
    %dma_wait3A_718 = arith.constant 0 : i32
    %dma_wait3A_719 = arith.constant 0 : i32
    %dma_wait3A_720 = tpu.memref_slice %arg2[%dma_wait3A_718, %dma_wait3A_719] : memref<1000000x64xf32, #tpu.memory_space<hbm>> -> memref<1000000x64xf32, #tpu.memory_space<hbm>>
    tpu.wait_indirect_dma semaphore(%arg19 : memref<!tpu.dma_semaphore, #tpu.memory_space<semaphore_mem>>) src(%dma_wait3A_720 : memref<1000000x64xf32, #tpu.memory_space<hbm>>) dst(%arg13 : memref<80x64xf32, #tpu.memory_space<vmem>>)
    %dma_start3A_721 = arith.constant 3 : i32
    %dma_start3A_722 = arith.constant 8 : i32
    %dma_start3A_723 = arith.constant 0 : i32
    %dma_start3A_724 = tpu.memref_slice %arg7[%dma_start3A_721, %dma_start3A_722, %dma_start3A_723] : memref<4x20x80xi32, #tpu.memory_space<vmem>> -> memref<1x1x80xi32, #tpu.memory_space<vmem>>
    %dma_start3A_725 = tpu.memref_squeeze %dma_start3A_724 : memref<1x1x80xi32, #tpu.memory_space<vmem>> -> memref<80xi32, #tpu.memory_space<vmem>>
    %dma_start3A_726 = arith.constant 0 : i32
    %dma_start3A_727 = arith.constant 0 : i32
    %dma_start3A_728 = tpu.memref_slice %arg3[%dma_start3A_726, %dma_start3A_727] : memref<1000x64xf32, #tpu.memory_space<hbm>> -> memref<1000x64xf32, #tpu.memory_space<hbm>>
    tpu.enqueue_indirect_dma source(%dma_start3A_728 : memref<1000x64xf32, #tpu.memory_space<hbm>>) target(%arg13 : memref<80x64xf32, #tpu.memory_space<vmem>>) offsets(%dma_start3A_725 : memref<80xi32, #tpu.memory_space<vmem>>) semaphore(%arg19 : memref<!tpu.dma_semaphore, #tpu.memory_space<semaphore_mem>>) {add = true}
    %dma_wait3A_729 = arith.constant 3 : i32
    %dma_wait3A_730 = arith.constant 7 : i32
    %dma_wait3A_731 = arith.constant 0 : i32
    %dma_wait3A_732 = tpu.memref_slice %arg7[%dma_wait3A_729, %dma_wait3A_730, %dma_wait3A_731] : memref<4x20x80xi32, #tpu.memory_space<vmem>> -> memref<1x1x80xi32, #tpu.memory_space<vmem>>
    %dma_wait3A_733 = tpu.memref_squeeze %dma_wait3A_732 : memref<1x1x80xi32, #tpu.memory_space<vmem>> -> memref<80xi32, #tpu.memory_space<vmem>>
    %dma_wait3A_734 = arith.constant 0 : i32
    %dma_wait3A_735 = arith.constant 0 : i32
    %dma_wait3A_736 = tpu.memref_slice %arg3[%dma_wait3A_734, %dma_wait3A_735] : memref<1000x64xf32, #tpu.memory_space<hbm>> -> memref<1000x64xf32, #tpu.memory_space<hbm>>
    tpu.wait_indirect_dma semaphore(%arg17 : memref<!tpu.dma_semaphore, #tpu.memory_space<semaphore_mem>>) src(%dma_wait3A_736 : memref<1000x64xf32, #tpu.memory_space<hbm>>) dst(%arg11 : memref<80x64xf32, #tpu.memory_space<vmem>>)
    %add3A_737 = arith.constant 560 : i32
    %add3A_738 = arith.addi %mul3A_2, %add3A_737 : i32
    %multiple_of3A_739 = tpu.assume_multiple %add3A_738, 8 : i32
    %dma_start3A_740 = arith.constant 0 : i32
    %dma_start3A_741 = tpu.memref_slice %arg6[%multiple_of3A_739, %dma_start3A_740] : memref<51200x64xf32, #tpu.memory_space<hbm>> -> memref<80x64xf32, #tpu.memory_space<hbm>>
    %dma_start3A_742 = arith.constant 0 : i32
    %dma_start3A_743 = tpu.memref_slice %arg6[%multiple_of3A_739, %dma_start3A_742] : memref<51200x64xf32, #tpu.memory_space<hbm>> -> memref<80x64xf32, #tpu.memory_space<hbm>>
    tpu.enqueue_dma source(%arg11 : memref<80x64xf32, #tpu.memory_space<vmem>>) target(%dma_start3A_743 : memref<80x64xf32, #tpu.memory_space<hbm>>) target_semaphore(%arg23 : memref<!tpu.dma_semaphore, #tpu.memory_space<semaphore_mem>>)
    %dma_wait3A_744 = arith.constant 0 : i32
    %dma_wait3A_745 = tpu.memref_slice %arg5[%multiple_of3A_696, %dma_wait3A_744] : memref<51200x64xf32, #tpu.memory_space<hbm>> -> memref<80x64xf32, #tpu.memory_space<hbm>>
    %dma_wait3A_746 = arith.constant 0 : i32
    %dma_wait3A_747 = tpu.memref_slice %arg5[%multiple_of3A_696, %dma_wait3A_746] : memref<51200x64xf32, #tpu.memory_space<hbm>> -> memref<80x64xf32, #tpu.memory_space<hbm>>
    tpu.wait_dma2 semaphore(%arg22 : memref<!tpu.dma_semaphore, #tpu.memory_space<semaphore_mem>>) src(%arg10 : memref<80x64xf32, #tpu.memory_space<vmem>>) dst(%dma_wait3A_747 : memref<80x64xf32, #tpu.memory_space<hbm>>)
    %dma_start3A_748 = arith.constant 0 : i32
    %dma_start3A_749 = arith.constant 10 : i32
    %dma_start3A_750 = arith.constant 0 : i32
    %dma_start3A_751 = tpu.memref_slice %arg7[%dma_start3A_748, %dma_start3A_749, %dma_start3A_750] : memref<4x20x80xi32, #tpu.memory_space<vmem>> -> memref<1x1x80xi32, #tpu.memory_space<vmem>>
    %dma_start3A_752 = tpu.memref_squeeze %dma_start3A_751 : memref<1x1x80xi32, #tpu.memory_space<vmem>> -> memref<80xi32, #tpu.memory_space<vmem>>
    %dma_start3A_753 = arith.constant 0 : i32
    %dma_start3A_754 = arith.constant 0 : i32
    %dma_start3A_755 = tpu.memref_slice %arg2[%dma_start3A_753, %dma_start3A_754] : memref<1000000x64xf32, #tpu.memory_space<hbm>> -> memref<1000000x64xf32, #tpu.memory_space<hbm>>
    tpu.enqueue_indirect_dma source(%dma_start3A_755 : memref<1000000x64xf32, #tpu.memory_space<hbm>>) target(%arg10 : memref<80x64xf32, #tpu.memory_space<vmem>>) offsets(%dma_start3A_752 : memref<80xi32, #tpu.memory_space<vmem>>) semaphore(%arg16 : memref<!tpu.dma_semaphore, #tpu.memory_space<semaphore_mem>>)
    %dma_wait3A_756 = arith.constant 0 : i32
    %dma_wait3A_757 = arith.constant 9 : i32
    %dma_wait3A_758 = arith.constant 0 : i32
    %dma_wait3A_759 = tpu.memref_slice %arg7[%dma_wait3A_756, %dma_wait3A_757, %dma_wait3A_758] : memref<4x20x80xi32, #tpu.memory_space<vmem>> -> memref<1x1x80xi32, #tpu.memory_space<vmem>>
    %dma_wait3A_760 = tpu.memref_squeeze %dma_wait3A_759 : memref<1x1x80xi32, #tpu.memory_space<vmem>> -> memref<80xi32, #tpu.memory_space<vmem>>
    %dma_wait3A_761 = arith.constant 0 : i32
    %dma_wait3A_762 = arith.constant 0 : i32
    %dma_wait3A_763 = tpu.memref_slice %arg2[%dma_wait3A_761, %dma_wait3A_762] : memref<1000000x64xf32, #tpu.memory_space<hbm>> -> memref<1000000x64xf32, #tpu.memory_space<hbm>>
    tpu.wait_indirect_dma semaphore(%arg14 : memref<!tpu.dma_semaphore, #tpu.memory_space<semaphore_mem>>) src(%dma_wait3A_763 : memref<1000000x64xf32, #tpu.memory_space<hbm>>) dst(%arg8 : memref<80x64xf32, #tpu.memory_space<vmem>>)
    %dma_start3A_764 = arith.constant 1 : i32
    %dma_start3A_765 = arith.constant 9 : i32
    %dma_start3A_766 = arith.constant 0 : i32
    %dma_start3A_767 = tpu.memref_slice %arg7[%dma_start3A_764, %dma_start3A_765, %dma_start3A_766] : memref<4x20x80xi32, #tpu.memory_space<vmem>> -> memref<1x1x80xi32, #tpu.memory_space<vmem>>
    %dma_start3A_768 = tpu.memref_squeeze %dma_start3A_767 : memref<1x1x80xi32, #tpu.memory_space<vmem>> -> memref<80xi32, #tpu.memory_space<vmem>>
    %dma_start3A_769 = arith.constant 0 : i32
    %dma_start3A_770 = arith.constant 0 : i32
    %dma_start3A_771 = tpu.memref_slice %arg3[%dma_start3A_769, %dma_start3A_770] : memref<1000x64xf32, #tpu.memory_space<hbm>> -> memref<1000x64xf32, #tpu.memory_space<hbm>>
    tpu.enqueue_indirect_dma source(%dma_start3A_771 : memref<1000x64xf32, #tpu.memory_space<hbm>>) target(%arg8 : memref<80x64xf32, #tpu.memory_space<vmem>>) offsets(%dma_start3A_768 : memref<80xi32, #tpu.memory_space<vmem>>) semaphore(%arg14 : memref<!tpu.dma_semaphore, #tpu.memory_space<semaphore_mem>>) {add = true}
    %dma_wait3A_772 = arith.constant 1 : i32
    %dma_wait3A_773 = arith.constant 8 : i32
    %dma_wait3A_774 = arith.constant 0 : i32
    %dma_wait3A_775 = tpu.memref_slice %arg7[%dma_wait3A_772, %dma_wait3A_773, %dma_wait3A_774] : memref<4x20x80xi32, #tpu.memory_space<vmem>> -> memref<1x1x80xi32, #tpu.memory_space<vmem>>
    %dma_wait3A_776 = tpu.memref_squeeze %dma_wait3A_775 : memref<1x1x80xi32, #tpu.memory_space<vmem>> -> memref<80xi32, #tpu.memory_space<vmem>>
    %dma_wait3A_777 = arith.constant 0 : i32
    %dma_wait3A_778 = arith.constant 0 : i32
    %dma_wait3A_779 = tpu.memref_slice %arg3[%dma_wait3A_777, %dma_wait3A_778] : memref<1000x64xf32, #tpu.memory_space<hbm>> -> memref<1000x64xf32, #tpu.memory_space<hbm>>
    tpu.wait_indirect_dma semaphore(%arg18 : memref<!tpu.dma_semaphore, #tpu.memory_space<semaphore_mem>>) src(%dma_wait3A_779 : memref<1000x64xf32, #tpu.memory_space<hbm>>) dst(%arg12 : memref<80x64xf32, #tpu.memory_space<vmem>>)
    %add3A_780 = arith.constant 640 : i32
    %add3A_781 = arith.addi %mul3A_2, %add3A_780 : i32
    %multiple_of3A_782 = tpu.assume_multiple %add3A_781, 8 : i32
    %dma_start3A_783 = arith.constant 0 : i32
    %dma_start3A_784 = tpu.memref_slice %arg5[%multiple_of3A_782, %dma_start3A_783] : memref<51200x64xf32, #tpu.memory_space<hbm>> -> memref<80x64xf32, #tpu.memory_space<hbm>>
    %dma_start3A_785 = arith.constant 0 : i32
    %dma_start3A_786 = tpu.memref_slice %arg5[%multiple_of3A_782, %dma_start3A_785] : memref<51200x64xf32, #tpu.memory_space<hbm>> -> memref<80x64xf32, #tpu.memory_space<hbm>>
    tpu.enqueue_dma source(%arg12 : memref<80x64xf32, #tpu.memory_space<vmem>>) target(%dma_start3A_786 : memref<80x64xf32, #tpu.memory_space<hbm>>) target_semaphore(%arg24 : memref<!tpu.dma_semaphore, #tpu.memory_space<semaphore_mem>>)
    %dma_wait3A_787 = arith.constant 0 : i32
    %dma_wait3A_788 = tpu.memref_slice %arg6[%multiple_of3A_739, %dma_wait3A_787] : memref<51200x64xf32, #tpu.memory_space<hbm>> -> memref<80x64xf32, #tpu.memory_space<hbm>>
    %dma_wait3A_789 = arith.constant 0 : i32
    %dma_wait3A_790 = tpu.memref_slice %arg6[%multiple_of3A_739, %dma_wait3A_789] : memref<51200x64xf32, #tpu.memory_space<hbm>> -> memref<80x64xf32, #tpu.memory_space<hbm>>
    tpu.wait_dma2 semaphore(%arg23 : memref<!tpu.dma_semaphore, #tpu.memory_space<semaphore_mem>>) src(%arg11 : memref<80x64xf32, #tpu.memory_space<vmem>>) dst(%dma_wait3A_790 : memref<80x64xf32, #tpu.memory_space<hbm>>)
    %dma_start3A_791 = arith.constant 2 : i32
    %dma_start3A_792 = arith.constant 10 : i32
    %dma_start3A_793 = arith.constant 0 : i32
    %dma_start3A_794 = tpu.memref_slice %arg7[%dma_start3A_791, %dma_start3A_792, %dma_start3A_793] : memref<4x20x80xi32, #tpu.memory_space<vmem>> -> memref<1x1x80xi32, #tpu.memory_space<vmem>>
    %dma_start3A_795 = tpu.memref_squeeze %dma_start3A_794 : memref<1x1x80xi32, #tpu.memory_space<vmem>> -> memref<80xi32, #tpu.memory_space<vmem>>
    %dma_start3A_796 = arith.constant 0 : i32
    %dma_start3A_797 = arith.constant 0 : i32
    %dma_start3A_798 = tpu.memref_slice %arg2[%dma_start3A_796, %dma_start3A_797] : memref<1000000x64xf32, #tpu.memory_space<hbm>> -> memref<1000000x64xf32, #tpu.memory_space<hbm>>
    tpu.enqueue_indirect_dma source(%dma_start3A_798 : memref<1000000x64xf32, #tpu.memory_space<hbm>>) target(%arg11 : memref<80x64xf32, #tpu.memory_space<vmem>>) offsets(%dma_start3A_795 : memref<80xi32, #tpu.memory_space<vmem>>) semaphore(%arg17 : memref<!tpu.dma_semaphore, #tpu.memory_space<semaphore_mem>>)
    %dma_wait3A_799 = arith.constant 2 : i32
    %dma_wait3A_800 = arith.constant 9 : i32
    %dma_wait3A_801 = arith.constant 0 : i32
    %dma_wait3A_802 = tpu.memref_slice %arg7[%dma_wait3A_799, %dma_wait3A_800, %dma_wait3A_801] : memref<4x20x80xi32, #tpu.memory_space<vmem>> -> memref<1x1x80xi32, #tpu.memory_space<vmem>>
    %dma_wait3A_803 = tpu.memref_squeeze %dma_wait3A_802 : memref<1x1x80xi32, #tpu.memory_space<vmem>> -> memref<80xi32, #tpu.memory_space<vmem>>
    %dma_wait3A_804 = arith.constant 0 : i32
    %dma_wait3A_805 = arith.constant 0 : i32
    %dma_wait3A_806 = tpu.memref_slice %arg2[%dma_wait3A_804, %dma_wait3A_805] : memref<1000000x64xf32, #tpu.memory_space<hbm>> -> memref<1000000x64xf32, #tpu.memory_space<hbm>>
    tpu.wait_indirect_dma semaphore(%arg15 : memref<!tpu.dma_semaphore, #tpu.memory_space<semaphore_mem>>) src(%dma_wait3A_806 : memref<1000000x64xf32, #tpu.memory_space<hbm>>) dst(%arg9 : memref<80x64xf32, #tpu.memory_space<vmem>>)
    %dma_start3A_807 = arith.constant 3 : i32
    %dma_start3A_808 = arith.constant 9 : i32
    %dma_start3A_809 = arith.constant 0 : i32
    %dma_start3A_810 = tpu.memref_slice %arg7[%dma_start3A_807, %dma_start3A_808, %dma_start3A_809] : memref<4x20x80xi32, #tpu.memory_space<vmem>> -> memref<1x1x80xi32, #tpu.memory_space<vmem>>
    %dma_start3A_811 = tpu.memref_squeeze %dma_start3A_810 : memref<1x1x80xi32, #tpu.memory_space<vmem>> -> memref<80xi32, #tpu.memory_space<vmem>>
    %dma_start3A_812 = arith.constant 0 : i32
    %dma_start3A_813 = arith.constant 0 : i32
    %dma_start3A_814 = tpu.memref_slice %arg3[%dma_start3A_812, %dma_start3A_813] : memref<1000x64xf32, #tpu.memory_space<hbm>> -> memref<1000x64xf32, #tpu.memory_space<hbm>>
    tpu.enqueue_indirect_dma source(%dma_start3A_814 : memref<1000x64xf32, #tpu.memory_space<hbm>>) target(%arg9 : memref<80x64xf32, #tpu.memory_space<vmem>>) offsets(%dma_start3A_811 : memref<80xi32, #tpu.memory_space<vmem>>) semaphore(%arg15 : memref<!tpu.dma_semaphore, #tpu.memory_space<semaphore_mem>>) {add = true}
    %dma_wait3A_815 = arith.constant 3 : i32
    %dma_wait3A_816 = arith.constant 8 : i32
    %dma_wait3A_817 = arith.constant 0 : i32
    %dma_wait3A_818 = tpu.memref_slice %arg7[%dma_wait3A_815, %dma_wait3A_816, %dma_wait3A_817] : memref<4x20x80xi32, #tpu.memory_space<vmem>> -> memref<1x1x80xi32, #tpu.memory_space<vmem>>
    %dma_wait3A_819 = tpu.memref_squeeze %dma_wait3A_818 : memref<1x1x80xi32, #tpu.memory_space<vmem>> -> memref<80xi32, #tpu.memory_space<vmem>>
    %dma_wait3A_820 = arith.constant 0 : i32
    %dma_wait3A_821 = arith.constant 0 : i32
    %dma_wait3A_822 = tpu.memref_slice %arg3[%dma_wait3A_820, %dma_wait3A_821] : memref<1000x64xf32, #tpu.memory_space<hbm>> -> memref<1000x64xf32, #tpu.memory_space<hbm>>
    tpu.wait_indirect_dma semaphore(%arg19 : memref<!tpu.dma_semaphore, #tpu.memory_space<semaphore_mem>>) src(%dma_wait3A_822 : memref<1000x64xf32, #tpu.memory_space<hbm>>) dst(%arg13 : memref<80x64xf32, #tpu.memory_space<vmem>>)
    %add3A_823 = arith.constant 640 : i32
    %add3A_824 = arith.addi %mul3A_2, %add3A_823 : i32
    %multiple_of3A_825 = tpu.assume_multiple %add3A_824, 8 : i32
    %dma_start3A_826 = arith.constant 0 : i32
    %dma_start3A_827 = tpu.memref_slice %arg6[%multiple_of3A_825, %dma_start3A_826] : memref<51200x64xf32, #tpu.memory_space<hbm>> -> memref<80x64xf32, #tpu.memory_space<hbm>>
    %dma_start3A_828 = arith.constant 0 : i32
    %dma_start3A_829 = tpu.memref_slice %arg6[%multiple_of3A_825, %dma_start3A_828] : memref<51200x64xf32, #tpu.memory_space<hbm>> -> memref<80x64xf32, #tpu.memory_space<hbm>>
    tpu.enqueue_dma source(%arg13 : memref<80x64xf32, #tpu.memory_space<vmem>>) target(%dma_start3A_829 : memref<80x64xf32, #tpu.memory_space<hbm>>) target_semaphore(%arg25 : memref<!tpu.dma_semaphore, #tpu.memory_space<semaphore_mem>>)
    %dma_wait3A_830 = arith.constant 0 : i32
    %dma_wait3A_831 = tpu.memref_slice %arg5[%multiple_of3A_782, %dma_wait3A_830] : memref<51200x64xf32, #tpu.memory_space<hbm>> -> memref<80x64xf32, #tpu.memory_space<hbm>>
    %dma_wait3A_832 = arith.constant 0 : i32
    %dma_wait3A_833 = tpu.memref_slice %arg5[%multiple_of3A_782, %dma_wait3A_832] : memref<51200x64xf32, #tpu.memory_space<hbm>> -> memref<80x64xf32, #tpu.memory_space<hbm>>
    tpu.wait_dma2 semaphore(%arg24 : memref<!tpu.dma_semaphore, #tpu.memory_space<semaphore_mem>>) src(%arg12 : memref<80x64xf32, #tpu.memory_space<vmem>>) dst(%dma_wait3A_833 : memref<80x64xf32, #tpu.memory_space<hbm>>)
    %dma_start3A_834 = arith.constant 0 : i32
    %dma_start3A_835 = arith.constant 11 : i32
    %dma_start3A_836 = arith.constant 0 : i32
    %dma_start3A_837 = tpu.memref_slice %arg7[%dma_start3A_834, %dma_start3A_835, %dma_start3A_836] : memref<4x20x80xi32, #tpu.memory_space<vmem>> -> memref<1x1x80xi32, #tpu.memory_space<vmem>>
    %dma_start3A_838 = tpu.memref_squeeze %dma_start3A_837 : memref<1x1x80xi32, #tpu.memory_space<vmem>> -> memref<80xi32, #tpu.memory_space<vmem>>
    %dma_start3A_839 = arith.constant 0 : i32
    %dma_start3A_840 = arith.constant 0 : i32
    %dma_start3A_841 = tpu.memref_slice %arg2[%dma_start3A_839, %dma_start3A_840] : memref<1000000x64xf32, #tpu.memory_space<hbm>> -> memref<1000000x64xf32, #tpu.memory_space<hbm>>
    tpu.enqueue_indirect_dma source(%dma_start3A_841 : memref<1000000x64xf32, #tpu.memory_space<hbm>>) target(%arg12 : memref<80x64xf32, #tpu.memory_space<vmem>>) offsets(%dma_start3A_838 : memref<80xi32, #tpu.memory_space<vmem>>) semaphore(%arg18 : memref<!tpu.dma_semaphore, #tpu.memory_space<semaphore_mem>>)
    %dma_wait3A_842 = arith.constant 0 : i32
    %dma_wait3A_843 = arith.constant 10 : i32
    %dma_wait3A_844 = arith.constant 0 : i32
    %dma_wait3A_845 = tpu.memref_slice %arg7[%dma_wait3A_842, %dma_wait3A_843, %dma_wait3A_844] : memref<4x20x80xi32, #tpu.memory_space<vmem>> -> memref<1x1x80xi32, #tpu.memory_space<vmem>>
    %dma_wait3A_846 = tpu.memref_squeeze %dma_wait3A_845 : memref<1x1x80xi32, #tpu.memory_space<vmem>> -> memref<80xi32, #tpu.memory_space<vmem>>
    %dma_wait3A_847 = arith.constant 0 : i32
    %dma_wait3A_848 = arith.constant 0 : i32
    %dma_wait3A_849 = tpu.memref_slice %arg2[%dma_wait3A_847, %dma_wait3A_848] : memref<1000000x64xf32, #tpu.memory_space<hbm>> -> memref<1000000x64xf32, #tpu.memory_space<hbm>>
    tpu.wait_indirect_dma semaphore(%arg16 : memref<!tpu.dma_semaphore, #tpu.memory_space<semaphore_mem>>) src(%dma_wait3A_849 : memref<1000000x64xf32, #tpu.memory_space<hbm>>) dst(%arg10 : memref<80x64xf32, #tpu.memory_space<vmem>>)
    %dma_start3A_850 = arith.constant 1 : i32
    %dma_start3A_851 = arith.constant 10 : i32
    %dma_start3A_852 = arith.constant 0 : i32
    %dma_start3A_853 = tpu.memref_slice %arg7[%dma_start3A_850, %dma_start3A_851, %dma_start3A_852] : memref<4x20x80xi32, #tpu.memory_space<vmem>> -> memref<1x1x80xi32, #tpu.memory_space<vmem>>
    %dma_start3A_854 = tpu.memref_squeeze %dma_start3A_853 : memref<1x1x80xi32, #tpu.memory_space<vmem>> -> memref<80xi32, #tpu.memory_space<vmem>>
    %dma_start3A_855 = arith.constant 0 : i32
    %dma_start3A_856 = arith.constant 0 : i32
    %dma_start3A_857 = tpu.memref_slice %arg3[%dma_start3A_855, %dma_start3A_856] : memref<1000x64xf32, #tpu.memory_space<hbm>> -> memref<1000x64xf32, #tpu.memory_space<hbm>>
    tpu.enqueue_indirect_dma source(%dma_start3A_857 : memref<1000x64xf32, #tpu.memory_space<hbm>>) target(%arg10 : memref<80x64xf32, #tpu.memory_space<vmem>>) offsets(%dma_start3A_854 : memref<80xi32, #tpu.memory_space<vmem>>) semaphore(%arg16 : memref<!tpu.dma_semaphore, #tpu.memory_space<semaphore_mem>>) {add = true}
    %dma_wait3A_858 = arith.constant 1 : i32
    %dma_wait3A_859 = arith.constant 9 : i32
    %dma_wait3A_860 = arith.constant 0 : i32
    %dma_wait3A_861 = tpu.memref_slice %arg7[%dma_wait3A_858, %dma_wait3A_859, %dma_wait3A_860] : memref<4x20x80xi32, #tpu.memory_space<vmem>> -> memref<1x1x80xi32, #tpu.memory_space<vmem>>
    %dma_wait3A_862 = tpu.memref_squeeze %dma_wait3A_861 : memref<1x1x80xi32, #tpu.memory_space<vmem>> -> memref<80xi32, #tpu.memory_space<vmem>>
    %dma_wait3A_863 = arith.constant 0 : i32
    %dma_wait3A_864 = arith.constant 0 : i32
    %dma_wait3A_865 = tpu.memref_slice %arg3[%dma_wait3A_863, %dma_wait3A_864] : memref<1000x64xf32, #tpu.memory_space<hbm>> -> memref<1000x64xf32, #tpu.memory_space<hbm>>
    tpu.wait_indirect_dma semaphore(%arg14 : memref<!tpu.dma_semaphore, #tpu.memory_space<semaphore_mem>>) src(%dma_wait3A_865 : memref<1000x64xf32, #tpu.memory_space<hbm>>) dst(%arg8 : memref<80x64xf32, #tpu.memory_space<vmem>>)
    %add3A_866 = arith.constant 720 : i32
    %add3A_867 = arith.addi %mul3A_2, %add3A_866 : i32
    %multiple_of3A_868 = tpu.assume_multiple %add3A_867, 8 : i32
    %dma_start3A_869 = arith.constant 0 : i32
    %dma_start3A_870 = tpu.memref_slice %arg5[%multiple_of3A_868, %dma_start3A_869] : memref<51200x64xf32, #tpu.memory_space<hbm>> -> memref<80x64xf32, #tpu.memory_space<hbm>>
    %dma_start3A_871 = arith.constant 0 : i32
    %dma_start3A_872 = tpu.memref_slice %arg5[%multiple_of3A_868, %dma_start3A_871] : memref<51200x64xf32, #tpu.memory_space<hbm>> -> memref<80x64xf32, #tpu.memory_space<hbm>>
    tpu.enqueue_dma source(%arg8 : memref<80x64xf32, #tpu.memory_space<vmem>>) target(%dma_start3A_872 : memref<80x64xf32, #tpu.memory_space<hbm>>) target_semaphore(%arg20 : memref<!tpu.dma_semaphore, #tpu.memory_space<semaphore_mem>>)
    %dma_wait3A_873 = arith.constant 0 : i32
    %dma_wait3A_874 = tpu.memref_slice %arg6[%multiple_of3A_825, %dma_wait3A_873] : memref<51200x64xf32, #tpu.memory_space<hbm>> -> memref<80x64xf32, #tpu.memory_space<hbm>>
    %dma_wait3A_875 = arith.constant 0 : i32
    %dma_wait3A_876 = tpu.memref_slice %arg6[%multiple_of3A_825, %dma_wait3A_875] : memref<51200x64xf32, #tpu.memory_space<hbm>> -> memref<80x64xf32, #tpu.memory_space<hbm>>
    tpu.wait_dma2 semaphore(%arg25 : memref<!tpu.dma_semaphore, #tpu.memory_space<semaphore_mem>>) src(%arg13 : memref<80x64xf32, #tpu.memory_space<vmem>>) dst(%dma_wait3A_876 : memref<80x64xf32, #tpu.memory_space<hbm>>)
    %dma_start3A_877 = arith.constant 2 : i32
    %dma_start3A_878 = arith.constant 11 : i32
    %dma_start3A_879 = arith.constant 0 : i32
    %dma_start3A_880 = tpu.memref_slice %arg7[%dma_start3A_877, %dma_start3A_878, %dma_start3A_879] : memref<4x20x80xi32, #tpu.memory_space<vmem>> -> memref<1x1x80xi32, #tpu.memory_space<vmem>>
    %dma_start3A_881 = tpu.memref_squeeze %dma_start3A_880 : memref<1x1x80xi32, #tpu.memory_space<vmem>> -> memref<80xi32, #tpu.memory_space<vmem>>
    %dma_start3A_882 = arith.constant 0 : i32
    %dma_start3A_883 = arith.constant 0 : i32
    %dma_start3A_884 = tpu.memref_slice %arg2[%dma_start3A_882, %dma_start3A_883] : memref<1000000x64xf32, #tpu.memory_space<hbm>> -> memref<1000000x64xf32, #tpu.memory_space<hbm>>
    tpu.enqueue_indirect_dma source(%dma_start3A_884 : memref<1000000x64xf32, #tpu.memory_space<hbm>>) target(%arg13 : memref<80x64xf32, #tpu.memory_space<vmem>>) offsets(%dma_start3A_881 : memref<80xi32, #tpu.memory_space<vmem>>) semaphore(%arg19 : memref<!tpu.dma_semaphore, #tpu.memory_space<semaphore_mem>>)
    %dma_wait3A_885 = arith.constant 2 : i32
    %dma_wait3A_886 = arith.constant 10 : i32
    %dma_wait3A_887 = arith.constant 0 : i32
    %dma_wait3A_888 = tpu.memref_slice %arg7[%dma_wait3A_885, %dma_wait3A_886, %dma_wait3A_887] : memref<4x20x80xi32, #tpu.memory_space<vmem>> -> memref<1x1x80xi32, #tpu.memory_space<vmem>>
    %dma_wait3A_889 = tpu.memref_squeeze %dma_wait3A_888 : memref<1x1x80xi32, #tpu.memory_space<vmem>> -> memref<80xi32, #tpu.memory_space<vmem>>
    %dma_wait3A_890 = arith.constant 0 : i32
    %dma_wait3A_891 = arith.constant 0 : i32
    %dma_wait3A_892 = tpu.memref_slice %arg2[%dma_wait3A_890, %dma_wait3A_891] : memref<1000000x64xf32, #tpu.memory_space<hbm>> -> memref<1000000x64xf32, #tpu.memory_space<hbm>>
    tpu.wait_indirect_dma semaphore(%arg17 : memref<!tpu.dma_semaphore, #tpu.memory_space<semaphore_mem>>) src(%dma_wait3A_892 : memref<1000000x64xf32, #tpu.memory_space<hbm>>) dst(%arg11 : memref<80x64xf32, #tpu.memory_space<vmem>>)
    %dma_start3A_893 = arith.constant 3 : i32
    %dma_start3A_894 = arith.constant 10 : i32
    %dma_start3A_895 = arith.constant 0 : i32
    %dma_start3A_896 = tpu.memref_slice %arg7[%dma_start3A_893, %dma_start3A_894, %dma_start3A_895] : memref<4x20x80xi32, #tpu.memory_space<vmem>> -> memref<1x1x80xi32, #tpu.memory_space<vmem>>
    %dma_start3A_897 = tpu.memref_squeeze %dma_start3A_896 : memref<1x1x80xi32, #tpu.memory_space<vmem>> -> memref<80xi32, #tpu.memory_space<vmem>>
    %dma_start3A_898 = arith.constant 0 : i32
    %dma_start3A_899 = arith.constant 0 : i32
    %dma_start3A_900 = tpu.memref_slice %arg3[%dma_start3A_898, %dma_start3A_899] : memref<1000x64xf32, #tpu.memory_space<hbm>> -> memref<1000x64xf32, #tpu.memory_space<hbm>>
    tpu.enqueue_indirect_dma source(%dma_start3A_900 : memref<1000x64xf32, #tpu.memory_space<hbm>>) target(%arg11 : memref<80x64xf32, #tpu.memory_space<vmem>>) offsets(%dma_start3A_897 : memref<80xi32, #tpu.memory_space<vmem>>) semaphore(%arg17 : memref<!tpu.dma_semaphore, #tpu.memory_space<semaphore_mem>>) {add = true}
    %dma_wait3A_901 = arith.constant 3 : i32
    %dma_wait3A_902 = arith.constant 9 : i32
    %dma_wait3A_903 = arith.constant 0 : i32
    %dma_wait3A_904 = tpu.memref_slice %arg7[%dma_wait3A_901, %dma_wait3A_902, %dma_wait3A_903] : memref<4x20x80xi32, #tpu.memory_space<vmem>> -> memref<1x1x80xi32, #tpu.memory_space<vmem>>
    %dma_wait3A_905 = tpu.memref_squeeze %dma_wait3A_904 : memref<1x1x80xi32, #tpu.memory_space<vmem>> -> memref<80xi32, #tpu.memory_space<vmem>>
    %dma_wait3A_906 = arith.constant 0 : i32
    %dma_wait3A_907 = arith.constant 0 : i32
    %dma_wait3A_908 = tpu.memref_slice %arg3[%dma_wait3A_906, %dma_wait3A_907] : memref<1000x64xf32, #tpu.memory_space<hbm>> -> memref<1000x64xf32, #tpu.memory_space<hbm>>
    tpu.wait_indirect_dma semaphore(%arg15 : memref<!tpu.dma_semaphore, #tpu.memory_space<semaphore_mem>>) src(%dma_wait3A_908 : memref<1000x64xf32, #tpu.memory_space<hbm>>) dst(%arg9 : memref<80x64xf32, #tpu.memory_space<vmem>>)
    %add3A_909 = arith.constant 720 : i32
    %add3A_910 = arith.addi %mul3A_2, %add3A_909 : i32
    %multiple_of3A_911 = tpu.assume_multiple %add3A_910, 8 : i32
    %dma_start3A_912 = arith.constant 0 : i32
    %dma_start3A_913 = tpu.memref_slice %arg6[%multiple_of3A_911, %dma_start3A_912] : memref<51200x64xf32, #tpu.memory_space<hbm>> -> memref<80x64xf32, #tpu.memory_space<hbm>>
    %dma_start3A_914 = arith.constant 0 : i32
    %dma_start3A_915 = tpu.memref_slice %arg6[%multiple_of3A_911, %dma_start3A_914] : memref<51200x64xf32, #tpu.memory_space<hbm>> -> memref<80x64xf32, #tpu.memory_space<hbm>>
    tpu.enqueue_dma source(%arg9 : memref<80x64xf32, #tpu.memory_space<vmem>>) target(%dma_start3A_915 : memref<80x64xf32, #tpu.memory_space<hbm>>) target_semaphore(%arg21 : memref<!tpu.dma_semaphore, #tpu.memory_space<semaphore_mem>>)
    %dma_wait3A_916 = arith.constant 0 : i32
    %dma_wait3A_917 = tpu.memref_slice %arg5[%multiple_of3A_868, %dma_wait3A_916] : memref<51200x64xf32, #tpu.memory_space<hbm>> -> memref<80x64xf32, #tpu.memory_space<hbm>>
    %dma_wait3A_918 = arith.constant 0 : i32
    %dma_wait3A_919 = tpu.memref_slice %arg5[%multiple_of3A_868, %dma_wait3A_918] : memref<51200x64xf32, #tpu.memory_space<hbm>> -> memref<80x64xf32, #tpu.memory_space<hbm>>
    tpu.wait_dma2 semaphore(%arg20 : memref<!tpu.dma_semaphore, #tpu.memory_space<semaphore_mem>>) src(%arg8 : memref<80x64xf32, #tpu.memory_space<vmem>>) dst(%dma_wait3A_919 : memref<80x64xf32, #tpu.memory_space<hbm>>)
    %dma_start3A_920 = arith.constant 0 : i32
    %dma_start3A_921 = arith.constant 12 : i32
    %dma_start3A_922 = arith.constant 0 : i32
    %dma_start3A_923 = tpu.memref_slice %arg7[%dma_start3A_920, %dma_start3A_921, %dma_start3A_922] : memref<4x20x80xi32, #tpu.memory_space<vmem>> -> memref<1x1x80xi32, #tpu.memory_space<vmem>>
    %dma_start3A_924 = tpu.memref_squeeze %dma_start3A_923 : memref<1x1x80xi32, #tpu.memory_space<vmem>> -> memref<80xi32, #tpu.memory_space<vmem>>
    %dma_start3A_925 = arith.constant 0 : i32
    %dma_start3A_926 = arith.constant 0 : i32
    %dma_start3A_927 = tpu.memref_slice %arg2[%dma_start3A_925, %dma_start3A_926] : memref<1000000x64xf32, #tpu.memory_space<hbm>> -> memref<1000000x64xf32, #tpu.memory_space<hbm>>
    tpu.enqueue_indirect_dma source(%dma_start3A_927 : memref<1000000x64xf32, #tpu.memory_space<hbm>>) target(%arg8 : memref<80x64xf32, #tpu.memory_space<vmem>>) offsets(%dma_start3A_924 : memref<80xi32, #tpu.memory_space<vmem>>) semaphore(%arg14 : memref<!tpu.dma_semaphore, #tpu.memory_space<semaphore_mem>>)
    %dma_wait3A_928 = arith.constant 0 : i32
    %dma_wait3A_929 = arith.constant 11 : i32
    %dma_wait3A_930 = arith.constant 0 : i32
    %dma_wait3A_931 = tpu.memref_slice %arg7[%dma_wait3A_928, %dma_wait3A_929, %dma_wait3A_930] : memref<4x20x80xi32, #tpu.memory_space<vmem>> -> memref<1x1x80xi32, #tpu.memory_space<vmem>>
    %dma_wait3A_932 = tpu.memref_squeeze %dma_wait3A_931 : memref<1x1x80xi32, #tpu.memory_space<vmem>> -> memref<80xi32, #tpu.memory_space<vmem>>
    %dma_wait3A_933 = arith.constant 0 : i32
    %dma_wait3A_934 = arith.constant 0 : i32
    %dma_wait3A_935 = tpu.memref_slice %arg2[%dma_wait3A_933, %dma_wait3A_934] : memref<1000000x64xf32, #tpu.memory_space<hbm>> -> memref<1000000x64xf32, #tpu.memory_space<hbm>>
    tpu.wait_indirect_dma semaphore(%arg18 : memref<!tpu.dma_semaphore, #tpu.memory_space<semaphore_mem>>) src(%dma_wait3A_935 : memref<1000000x64xf32, #tpu.memory_space<hbm>>) dst(%arg12 : memref<80x64xf32, #tpu.memory_space<vmem>>)
    %dma_start3A_936 = arith.constant 1 : i32
    %dma_start3A_937 = arith.constant 11 : i32
    %dma_start3A_938 = arith.constant 0 : i32
    %dma_start3A_939 = tpu.memref_slice %arg7[%dma_start3A_936, %dma_start3A_937, %dma_start3A_938] : memref<4x20x80xi32, #tpu.memory_space<vmem>> -> memref<1x1x80xi32, #tpu.memory_space<vmem>>
    %dma_start3A_940 = tpu.memref_squeeze %dma_start3A_939 : memref<1x1x80xi32, #tpu.memory_space<vmem>> -> memref<80xi32, #tpu.memory_space<vmem>>
    %dma_start3A_941 = arith.constant 0 : i32
    %dma_start3A_942 = arith.constant 0 : i32
    %dma_start3A_943 = tpu.memref_slice %arg3[%dma_start3A_941, %dma_start3A_942] : memref<1000x64xf32, #tpu.memory_space<hbm>> -> memref<1000x64xf32, #tpu.memory_space<hbm>>
    tpu.enqueue_indirect_dma source(%dma_start3A_943 : memref<1000x64xf32, #tpu.memory_space<hbm>>) target(%arg12 : memref<80x64xf32, #tpu.memory_space<vmem>>) offsets(%dma_start3A_940 : memref<80xi32, #tpu.memory_space<vmem>>) semaphore(%arg18 : memref<!tpu.dma_semaphore, #tpu.memory_space<semaphore_mem>>) {add = true}
    %dma_wait3A_944 = arith.constant 1 : i32
    %dma_wait3A_945 = arith.constant 10 : i32
    %dma_wait3A_946 = arith.constant 0 : i32
    %dma_wait3A_947 = tpu.memref_slice %arg7[%dma_wait3A_944, %dma_wait3A_945, %dma_wait3A_946] : memref<4x20x80xi32, #tpu.memory_space<vmem>> -> memref<1x1x80xi32, #tpu.memory_space<vmem>>
    %dma_wait3A_948 = tpu.memref_squeeze %dma_wait3A_947 : memref<1x1x80xi32, #tpu.memory_space<vmem>> -> memref<80xi32, #tpu.memory_space<vmem>>
    %dma_wait3A_949 = arith.constant 0 : i32
    %dma_wait3A_950 = arith.constant 0 : i32
    %dma_wait3A_951 = tpu.memref_slice %arg3[%dma_wait3A_949, %dma_wait3A_950] : memref<1000x64xf32, #tpu.memory_space<hbm>> -> memref<1000x64xf32, #tpu.memory_space<hbm>>
    tpu.wait_indirect_dma semaphore(%arg16 : memref<!tpu.dma_semaphore, #tpu.memory_space<semaphore_mem>>) src(%dma_wait3A_951 : memref<1000x64xf32, #tpu.memory_space<hbm>>) dst(%arg10 : memref<80x64xf32, #tpu.memory_space<vmem>>)
    %add3A_952 = arith.constant 800 : i32
    %add3A_953 = arith.addi %mul3A_2, %add3A_952 : i32
    %multiple_of3A_954 = tpu.assume_multiple %add3A_953, 8 : i32
    %dma_start3A_955 = arith.constant 0 : i32
    %dma_start3A_956 = tpu.memref_slice %arg5[%multiple_of3A_954, %dma_start3A_955] : memref<51200x64xf32, #tpu.memory_space<hbm>> -> memref<80x64xf32, #tpu.memory_space<hbm>>
    %dma_start3A_957 = arith.constant 0 : i32
    %dma_start3A_958 = tpu.memref_slice %arg5[%multiple_of3A_954, %dma_start3A_957] : memref<51200x64xf32, #tpu.memory_space<hbm>> -> memref<80x64xf32, #tpu.memory_space<hbm>>
    tpu.enqueue_dma source(%arg10 : memref<80x64xf32, #tpu.memory_space<vmem>>) target(%dma_start3A_958 : memref<80x64xf32, #tpu.memory_space<hbm>>) target_semaphore(%arg22 : memref<!tpu.dma_semaphore, #tpu.memory_space<semaphore_mem>>)
    %dma_wait3A_959 = arith.constant 0 : i32
    %dma_wait3A_960 = tpu.memref_slice %arg6[%multiple_of3A_911, %dma_wait3A_959] : memref<51200x64xf32, #tpu.memory_space<hbm>> -> memref<80x64xf32, #tpu.memory_space<hbm>>
    %dma_wait3A_961 = arith.constant 0 : i32
    %dma_wait3A_962 = tpu.memref_slice %arg6[%multiple_of3A_911, %dma_wait3A_961] : memref<51200x64xf32, #tpu.memory_space<hbm>> -> memref<80x64xf32, #tpu.memory_space<hbm>>
    tpu.wait_dma2 semaphore(%arg21 : memref<!tpu.dma_semaphore, #tpu.memory_space<semaphore_mem>>) src(%arg9 : memref<80x64xf32, #tpu.memory_space<vmem>>) dst(%dma_wait3A_962 : memref<80x64xf32, #tpu.memory_space<hbm>>)
    %dma_start3A_963 = arith.constant 2 : i32
    %dma_start3A_964 = arith.constant 12 : i32
    %dma_start3A_965 = arith.constant 0 : i32
    %dma_start3A_966 = tpu.memref_slice %arg7[%dma_start3A_963, %dma_start3A_964, %dma_start3A_965] : memref<4x20x80xi32, #tpu.memory_space<vmem>> -> memref<1x1x80xi32, #tpu.memory_space<vmem>>
    %dma_start3A_967 = tpu.memref_squeeze %dma_start3A_966 : memref<1x1x80xi32, #tpu.memory_space<vmem>> -> memref<80xi32, #tpu.memory_space<vmem>>
    %dma_start3A_968 = arith.constant 0 : i32
    %dma_start3A_969 = arith.constant 0 : i32
    %dma_start3A_970 = tpu.memref_slice %arg2[%dma_start3A_968, %dma_start3A_969] : memref<1000000x64xf32, #tpu.memory_space<hbm>> -> memref<1000000x64xf32, #tpu.memory_space<hbm>>
    tpu.enqueue_indirect_dma source(%dma_start3A_970 : memref<1000000x64xf32, #tpu.memory_space<hbm>>) target(%arg9 : memref<80x64xf32, #tpu.memory_space<vmem>>) offsets(%dma_start3A_967 : memref<80xi32, #tpu.memory_space<vmem>>) semaphore(%arg15 : memref<!tpu.dma_semaphore, #tpu.memory_space<semaphore_mem>>)
    %dma_wait3A_971 = arith.constant 2 : i32
    %dma_wait3A_972 = arith.constant 11 : i32
    %dma_wait3A_973 = arith.constant 0 : i32
    %dma_wait3A_974 = tpu.memref_slice %arg7[%dma_wait3A_971, %dma_wait3A_972, %dma_wait3A_973] : memref<4x20x80xi32, #tpu.memory_space<vmem>> -> memref<1x1x80xi32, #tpu.memory_space<vmem>>
    %dma_wait3A_975 = tpu.memref_squeeze %dma_wait3A_974 : memref<1x1x80xi32, #tpu.memory_space<vmem>> -> memref<80xi32, #tpu.memory_space<vmem>>
    %dma_wait3A_976 = arith.constant 0 : i32
    %dma_wait3A_977 = arith.constant 0 : i32
    %dma_wait3A_978 = tpu.memref_slice %arg2[%dma_wait3A_976, %dma_wait3A_977] : memref<1000000x64xf32, #tpu.memory_space<hbm>> -> memref<1000000x64xf32, #tpu.memory_space<hbm>>
    tpu.wait_indirect_dma semaphore(%arg19 : memref<!tpu.dma_semaphore, #tpu.memory_space<semaphore_mem>>) src(%dma_wait3A_978 : memref<1000000x64xf32, #tpu.memory_space<hbm>>) dst(%arg13 : memref<80x64xf32, #tpu.memory_space<vmem>>)
    %dma_start3A_979 = arith.constant 3 : i32
    %dma_start3A_980 = arith.constant 11 : i32
    %dma_start3A_981 = arith.constant 0 : i32
    %dma_start3A_982 = tpu.memref_slice %arg7[%dma_start3A_979, %dma_start3A_980, %dma_start3A_981] : memref<4x20x80xi32, #tpu.memory_space<vmem>> -> memref<1x1x80xi32, #tpu.memory_space<vmem>>
    %dma_start3A_983 = tpu.memref_squeeze %dma_start3A_982 : memref<1x1x80xi32, #tpu.memory_space<vmem>> -> memref<80xi32, #tpu.memory_space<vmem>>
    %dma_start3A_984 = arith.constant 0 : i32
    %dma_start3A_985 = arith.constant 0 : i32
    %dma_start3A_986 = tpu.memref_slice %arg3[%dma_start3A_984, %dma_start3A_985] : memref<1000x64xf32, #tpu.memory_space<hbm>> -> memref<1000x64xf32, #tpu.memory_space<hbm>>
    tpu.enqueue_indirect_dma source(%dma_start3A_986 : memref<1000x64xf32, #tpu.memory_space<hbm>>) target(%arg13 : memref<80x64xf32, #tpu.memory_space<vmem>>) offsets(%dma_start3A_983 : memref<80xi32, #tpu.memory_space<vmem>>) semaphore(%arg19 : memref<!tpu.dma_semaphore, #tpu.memory_space<semaphore_mem>>) {add = true}
    %dma_wait3A_987 = arith.constant 3 : i32
    %dma_wait3A_988 = arith.constant 10 : i32
    %dma_wait3A_989 = arith.constant 0 : i32
    %dma_wait3A_990 = tpu.memref_slice %arg7[%dma_wait3A_987, %dma_wait3A_988, %dma_wait3A_989] : memref<4x20x80xi32, #tpu.memory_space<vmem>> -> memref<1x1x80xi32, #tpu.memory_space<vmem>>
    %dma_wait3A_991 = tpu.memref_squeeze %dma_wait3A_990 : memref<1x1x80xi32, #tpu.memory_space<vmem>> -> memref<80xi32, #tpu.memory_space<vmem>>
    %dma_wait3A_992 = arith.constant 0 : i32
    %dma_wait3A_993 = arith.constant 0 : i32
    %dma_wait3A_994 = tpu.memref_slice %arg3[%dma_wait3A_992, %dma_wait3A_993] : memref<1000x64xf32, #tpu.memory_space<hbm>> -> memref<1000x64xf32, #tpu.memory_space<hbm>>
    tpu.wait_indirect_dma semaphore(%arg17 : memref<!tpu.dma_semaphore, #tpu.memory_space<semaphore_mem>>) src(%dma_wait3A_994 : memref<1000x64xf32, #tpu.memory_space<hbm>>) dst(%arg11 : memref<80x64xf32, #tpu.memory_space<vmem>>)
    %add3A_995 = arith.constant 800 : i32
    %add3A_996 = arith.addi %mul3A_2, %add3A_995 : i32
    %multiple_of3A_997 = tpu.assume_multiple %add3A_996, 8 : i32
    %dma_start3A_998 = arith.constant 0 : i32
    %dma_start3A_999 = tpu.memref_slice %arg6[%multiple_of3A_997, %dma_start3A_998] : memref<51200x64xf32, #tpu.memory_space<hbm>> -> memref<80x64xf32, #tpu.memory_space<hbm>>
    %dma_start3A_1000 = arith.constant 0 : i32
    %dma_start3A_1001 = tpu.memref_slice %arg6[%multiple_of3A_997, %dma_start3A_1000] : memref<51200x64xf32, #tpu.memory_space<hbm>> -> memref<80x64xf32, #tpu.memory_space<hbm>>
    tpu.enqueue_dma source(%arg11 : memref<80x64xf32, #tpu.memory_space<vmem>>) target(%dma_start3A_1001 : memref<80x64xf32, #tpu.memory_space<hbm>>) target_semaphore(%arg23 : memref<!tpu.dma_semaphore, #tpu.memory_space<semaphore_mem>>)
    %dma_wait3A_1002 = arith.constant 0 : i32
    %dma_wait3A_1003 = tpu.memref_slice %arg5[%multiple_of3A_954, %dma_wait3A_1002] : memref<51200x64xf32, #tpu.memory_space<hbm>> -> memref<80x64xf32, #tpu.memory_space<hbm>>
    %dma_wait3A_1004 = arith.constant 0 : i32
    %dma_wait3A_1005 = tpu.memref_slice %arg5[%multiple_of3A_954, %dma_wait3A_1004] : memref<51200x64xf32, #tpu.memory_space<hbm>> -> memref<80x64xf32, #tpu.memory_space<hbm>>
    tpu.wait_dma2 semaphore(%arg22 : memref<!tpu.dma_semaphore, #tpu.memory_space<semaphore_mem>>) src(%arg10 : memref<80x64xf32, #tpu.memory_space<vmem>>) dst(%dma_wait3A_1005 : memref<80x64xf32, #tpu.memory_space<hbm>>)
    %dma_start3A_1006 = arith.constant 0 : i32
    %dma_start3A_1007 = arith.constant 13 : i32
    %dma_start3A_1008 = arith.constant 0 : i32
    %dma_start3A_1009 = tpu.memref_slice %arg7[%dma_start3A_1006, %dma_start3A_1007, %dma_start3A_1008] : memref<4x20x80xi32, #tpu.memory_space<vmem>> -> memref<1x1x80xi32, #tpu.memory_space<vmem>>
    %dma_start3A_1010 = tpu.memref_squeeze %dma_start3A_1009 : memref<1x1x80xi32, #tpu.memory_space<vmem>> -> memref<80xi32, #tpu.memory_space<vmem>>
    %dma_start3A_1011 = arith.constant 0 : i32
    %dma_start3A_1012 = arith.constant 0 : i32
    %dma_start3A_1013 = tpu.memref_slice %arg2[%dma_start3A_1011, %dma_start3A_1012] : memref<1000000x64xf32, #tpu.memory_space<hbm>> -> memref<1000000x64xf32, #tpu.memory_space<hbm>>
    tpu.enqueue_indirect_dma source(%dma_start3A_1013 : memref<1000000x64xf32, #tpu.memory_space<hbm>>) target(%arg10 : memref<80x64xf32, #tpu.memory_space<vmem>>) offsets(%dma_start3A_1010 : memref<80xi32, #tpu.memory_space<vmem>>) semaphore(%arg16 : memref<!tpu.dma_semaphore, #tpu.memory_space<semaphore_mem>>)
    %dma_wait3A_1014 = arith.constant 0 : i32
    %dma_wait3A_1015 = arith.constant 12 : i32
    %dma_wait3A_1016 = arith.constant 0 : i32
    %dma_wait3A_1017 = tpu.memref_slice %arg7[%dma_wait3A_1014, %dma_wait3A_1015, %dma_wait3A_1016] : memref<4x20x80xi32, #tpu.memory_space<vmem>> -> memref<1x1x80xi32, #tpu.memory_space<vmem>>
    %dma_wait3A_1018 = tpu.memref_squeeze %dma_wait3A_1017 : memref<1x1x80xi32, #tpu.memory_space<vmem>> -> memref<80xi32, #tpu.memory_space<vmem>>
    %dma_wait3A_1019 = arith.constant 0 : i32
    %dma_wait3A_1020 = arith.constant 0 : i32
    %dma_wait3A_1021 = tpu.memref_slice %arg2[%dma_wait3A_1019, %dma_wait3A_1020] : memref<1000000x64xf32, #tpu.memory_space<hbm>> -> memref<1000000x64xf32, #tpu.memory_space<hbm>>
    tpu.wait_indirect_dma semaphore(%arg14 : memref<!tpu.dma_semaphore, #tpu.memory_space<semaphore_mem>>) src(%dma_wait3A_1021 : memref<1000000x64xf32, #tpu.memory_space<hbm>>) dst(%arg8 : memref<80x64xf32, #tpu.memory_space<vmem>>)
    %dma_start3A_1022 = arith.constant 1 : i32
    %dma_start3A_1023 = arith.constant 12 : i32
    %dma_start3A_1024 = arith.constant 0 : i32
    %dma_start3A_1025 = tpu.memref_slice %arg7[%dma_start3A_1022, %dma_start3A_1023, %dma_start3A_1024] : memref<4x20x80xi32, #tpu.memory_space<vmem>> -> memref<1x1x80xi32, #tpu.memory_space<vmem>>
    %dma_start3A_1026 = tpu.memref_squeeze %dma_start3A_1025 : memref<1x1x80xi32, #tpu.memory_space<vmem>> -> memref<80xi32, #tpu.memory_space<vmem>>
    %dma_start3A_1027 = arith.constant 0 : i32
    %dma_start3A_1028 = arith.constant 0 : i32
    %dma_start3A_1029 = tpu.memref_slice %arg3[%dma_start3A_1027, %dma_start3A_1028] : memref<1000x64xf32, #tpu.memory_space<hbm>> -> memref<1000x64xf32, #tpu.memory_space<hbm>>
    tpu.enqueue_indirect_dma source(%dma_start3A_1029 : memref<1000x64xf32, #tpu.memory_space<hbm>>) target(%arg8 : memref<80x64xf32, #tpu.memory_space<vmem>>) offsets(%dma_start3A_1026 : memref<80xi32, #tpu.memory_space<vmem>>) semaphore(%arg14 : memref<!tpu.dma_semaphore, #tpu.memory_space<semaphore_mem>>) {add = true}
    %dma_wait3A_1030 = arith.constant 1 : i32
    %dma_wait3A_1031 = arith.constant 11 : i32
    %dma_wait3A_1032 = arith.constant 0 : i32
    %dma_wait3A_1033 = tpu.memref_slice %arg7[%dma_wait3A_1030, %dma_wait3A_1031, %dma_wait3A_1032] : memref<4x20x80xi32, #tpu.memory_space<vmem>> -> memref<1x1x80xi32, #tpu.memory_space<vmem>>
    %dma_wait3A_1034 = tpu.memref_squeeze %dma_wait3A_1033 : memref<1x1x80xi32, #tpu.memory_space<vmem>> -> memref<80xi32, #tpu.memory_space<vmem>>
    %dma_wait3A_1035 = arith.constant 0 : i32
    %dma_wait3A_1036 = arith.constant 0 : i32
    %dma_wait3A_1037 = tpu.memref_slice %arg3[%dma_wait3A_1035, %dma_wait3A_1036] : memref<1000x64xf32, #tpu.memory_space<hbm>> -> memref<1000x64xf32, #tpu.memory_space<hbm>>
    tpu.wait_indirect_dma semaphore(%arg18 : memref<!tpu.dma_semaphore, #tpu.memory_space<semaphore_mem>>) src(%dma_wait3A_1037 : memref<1000x64xf32, #tpu.memory_space<hbm>>) dst(%arg12 : memref<80x64xf32, #tpu.memory_space<vmem>>)
    %add3A_1038 = arith.constant 880 : i32
    %add3A_1039 = arith.addi %mul3A_2, %add3A_1038 : i32
    %multiple_of3A_1040 = tpu.assume_multiple %add3A_1039, 8 : i32
    %dma_start3A_1041 = arith.constant 0 : i32
    %dma_start3A_1042 = tpu.memref_slice %arg5[%multiple_of3A_1040, %dma_start3A_1041] : memref<51200x64xf32, #tpu.memory_space<hbm>> -> memref<80x64xf32, #tpu.memory_space<hbm>>
    %dma_start3A_1043 = arith.constant 0 : i32
    %dma_start3A_1044 = tpu.memref_slice %arg5[%multiple_of3A_1040, %dma_start3A_1043] : memref<51200x64xf32, #tpu.memory_space<hbm>> -> memref<80x64xf32, #tpu.memory_space<hbm>>
    tpu.enqueue_dma source(%arg12 : memref<80x64xf32, #tpu.memory_space<vmem>>) target(%dma_start3A_1044 : memref<80x64xf32, #tpu.memory_space<hbm>>) target_semaphore(%arg24 : memref<!tpu.dma_semaphore, #tpu.memory_space<semaphore_mem>>)
    %dma_wait3A_1045 = arith.constant 0 : i32
    %dma_wait3A_1046 = tpu.memref_slice %arg6[%multiple_of3A_997, %dma_wait3A_1045] : memref<51200x64xf32, #tpu.memory_space<hbm>> -> memref<80x64xf32, #tpu.memory_space<hbm>>
    %dma_wait3A_1047 = arith.constant 0 : i32
    %dma_wait3A_1048 = tpu.memref_slice %arg6[%multiple_of3A_997, %dma_wait3A_1047] : memref<51200x64xf32, #tpu.memory_space<hbm>> -> memref<80x64xf32, #tpu.memory_space<hbm>>
    tpu.wait_dma2 semaphore(%arg23 : memref<!tpu.dma_semaphore, #tpu.memory_space<semaphore_mem>>) src(%arg11 : memref<80x64xf32, #tpu.memory_space<vmem>>) dst(%dma_wait3A_1048 : memref<80x64xf32, #tpu.memory_space<hbm>>)
    %dma_start3A_1049 = arith.constant 2 : i32
    %dma_start3A_1050 = arith.constant 13 : i32
    %dma_start3A_1051 = arith.constant 0 : i32
    %dma_start3A_1052 = tpu.memref_slice %arg7[%dma_start3A_1049, %dma_start3A_1050, %dma_start3A_1051] : memref<4x20x80xi32, #tpu.memory_space<vmem>> -> memref<1x1x80xi32, #tpu.memory_space<vmem>>
    %dma_start3A_1053 = tpu.memref_squeeze %dma_start3A_1052 : memref<1x1x80xi32, #tpu.memory_space<vmem>> -> memref<80xi32, #tpu.memory_space<vmem>>
    %dma_start3A_1054 = arith.constant 0 : i32
    %dma_start3A_1055 = arith.constant 0 : i32
    %dma_start3A_1056 = tpu.memref_slice %arg2[%dma_start3A_1054, %dma_start3A_1055] : memref<1000000x64xf32, #tpu.memory_space<hbm>> -> memref<1000000x64xf32, #tpu.memory_space<hbm>>
    tpu.enqueue_indirect_dma source(%dma_start3A_1056 : memref<1000000x64xf32, #tpu.memory_space<hbm>>) target(%arg11 : memref<80x64xf32, #tpu.memory_space<vmem>>) offsets(%dma_start3A_1053 : memref<80xi32, #tpu.memory_space<vmem>>) semaphore(%arg17 : memref<!tpu.dma_semaphore, #tpu.memory_space<semaphore_mem>>)
    %dma_wait3A_1057 = arith.constant 2 : i32
    %dma_wait3A_1058 = arith.constant 12 : i32
    %dma_wait3A_1059 = arith.constant 0 : i32
    %dma_wait3A_1060 = tpu.memref_slice %arg7[%dma_wait3A_1057, %dma_wait3A_1058, %dma_wait3A_1059] : memref<4x20x80xi32, #tpu.memory_space<vmem>> -> memref<1x1x80xi32, #tpu.memory_space<vmem>>
    %dma_wait3A_1061 = tpu.memref_squeeze %dma_wait3A_1060 : memref<1x1x80xi32, #tpu.memory_space<vmem>> -> memref<80xi32, #tpu.memory_space<vmem>>
    %dma_wait3A_1062 = arith.constant 0 : i32
    %dma_wait3A_1063 = arith.constant 0 : i32
    %dma_wait3A_1064 = tpu.memref_slice %arg2[%dma_wait3A_1062, %dma_wait3A_1063] : memref<1000000x64xf32, #tpu.memory_space<hbm>> -> memref<1000000x64xf32, #tpu.memory_space<hbm>>
    tpu.wait_indirect_dma semaphore(%arg15 : memref<!tpu.dma_semaphore, #tpu.memory_space<semaphore_mem>>) src(%dma_wait3A_1064 : memref<1000000x64xf32, #tpu.memory_space<hbm>>) dst(%arg9 : memref<80x64xf32, #tpu.memory_space<vmem>>)
    %dma_start3A_1065 = arith.constant 3 : i32
    %dma_start3A_1066 = arith.constant 12 : i32
    %dma_start3A_1067 = arith.constant 0 : i32
    %dma_start3A_1068 = tpu.memref_slice %arg7[%dma_start3A_1065, %dma_start3A_1066, %dma_start3A_1067] : memref<4x20x80xi32, #tpu.memory_space<vmem>> -> memref<1x1x80xi32, #tpu.memory_space<vmem>>
    %dma_start3A_1069 = tpu.memref_squeeze %dma_start3A_1068 : memref<1x1x80xi32, #tpu.memory_space<vmem>> -> memref<80xi32, #tpu.memory_space<vmem>>
    %dma_start3A_1070 = arith.constant 0 : i32
    %dma_start3A_1071 = arith.constant 0 : i32
    %dma_start3A_1072 = tpu.memref_slice %arg3[%dma_start3A_1070, %dma_start3A_1071] : memref<1000x64xf32, #tpu.memory_space<hbm>> -> memref<1000x64xf32, #tpu.memory_space<hbm>>
    tpu.enqueue_indirect_dma source(%dma_start3A_1072 : memref<1000x64xf32, #tpu.memory_space<hbm>>) target(%arg9 : memref<80x64xf32, #tpu.memory_space<vmem>>) offsets(%dma_start3A_1069 : memref<80xi32, #tpu.memory_space<vmem>>) semaphore(%arg15 : memref<!tpu.dma_semaphore, #tpu.memory_space<semaphore_mem>>) {add = true}
    %dma_wait3A_1073 = arith.constant 3 : i32
    %dma_wait3A_1074 = arith.constant 11 : i32
    %dma_wait3A_1075 = arith.constant 0 : i32
    %dma_wait3A_1076 = tpu.memref_slice %arg7[%dma_wait3A_1073, %dma_wait3A_1074, %dma_wait3A_1075] : memref<4x20x80xi32, #tpu.memory_space<vmem>> -> memref<1x1x80xi32, #tpu.memory_space<vmem>>
    %dma_wait3A_1077 = tpu.memref_squeeze %dma_wait3A_1076 : memref<1x1x80xi32, #tpu.memory_space<vmem>> -> memref<80xi32, #tpu.memory_space<vmem>>
    %dma_wait3A_1078 = arith.constant 0 : i32
    %dma_wait3A_1079 = arith.constant 0 : i32
    %dma_wait3A_1080 = tpu.memref_slice %arg3[%dma_wait3A_1078, %dma_wait3A_1079] : memref<1000x64xf32, #tpu.memory_space<hbm>> -> memref<1000x64xf32, #tpu.memory_space<hbm>>
    tpu.wait_indirect_dma semaphore(%arg19 : memref<!tpu.dma_semaphore, #tpu.memory_space<semaphore_mem>>) src(%dma_wait3A_1080 : memref<1000x64xf32, #tpu.memory_space<hbm>>) dst(%arg13 : memref<80x64xf32, #tpu.memory_space<vmem>>)
    %add3A_1081 = arith.constant 880 : i32
    %add3A_1082 = arith.addi %mul3A_2, %add3A_1081 : i32
    %multiple_of3A_1083 = tpu.assume_multiple %add3A_1082, 8 : i32
    %dma_start3A_1084 = arith.constant 0 : i32
    %dma_start3A_1085 = tpu.memref_slice %arg6[%multiple_of3A_1083, %dma_start3A_1084] : memref<51200x64xf32, #tpu.memory_space<hbm>> -> memref<80x64xf32, #tpu.memory_space<hbm>>
    %dma_start3A_1086 = arith.constant 0 : i32
    %dma_start3A_1087 = tpu.memref_slice %arg6[%multiple_of3A_1083, %dma_start3A_1086] : memref<51200x64xf32, #tpu.memory_space<hbm>> -> memref<80x64xf32, #tpu.memory_space<hbm>>
    tpu.enqueue_dma source(%arg13 : memref<80x64xf32, #tpu.memory_space<vmem>>) target(%dma_start3A_1087 : memref<80x64xf32, #tpu.memory_space<hbm>>) target_semaphore(%arg25 : memref<!tpu.dma_semaphore, #tpu.memory_space<semaphore_mem>>)
    %dma_wait3A_1088 = arith.constant 0 : i32
    %dma_wait3A_1089 = tpu.memref_slice %arg5[%multiple_of3A_1040, %dma_wait3A_1088] : memref<51200x64xf32, #tpu.memory_space<hbm>> -> memref<80x64xf32, #tpu.memory_space<hbm>>
    %dma_wait3A_1090 = arith.constant 0 : i32
    %dma_wait3A_1091 = tpu.memref_slice %arg5[%multiple_of3A_1040, %dma_wait3A_1090] : memref<51200x64xf32, #tpu.memory_space<hbm>> -> memref<80x64xf32, #tpu.memory_space<hbm>>
    tpu.wait_dma2 semaphore(%arg24 : memref<!tpu.dma_semaphore, #tpu.memory_space<semaphore_mem>>) src(%arg12 : memref<80x64xf32, #tpu.memory_space<vmem>>) dst(%dma_wait3A_1091 : memref<80x64xf32, #tpu.memory_space<hbm>>)
    %dma_start3A_1092 = arith.constant 0 : i32
    %dma_start3A_1093 = arith.constant 14 : i32
    %dma_start3A_1094 = arith.constant 0 : i32
    %dma_start3A_1095 = tpu.memref_slice %arg7[%dma_start3A_1092, %dma_start3A_1093, %dma_start3A_1094] : memref<4x20x80xi32, #tpu.memory_space<vmem>> -> memref<1x1x80xi32, #tpu.memory_space<vmem>>
    %dma_start3A_1096 = tpu.memref_squeeze %dma_start3A_1095 : memref<1x1x80xi32, #tpu.memory_space<vmem>> -> memref<80xi32, #tpu.memory_space<vmem>>
    %dma_start3A_1097 = arith.constant 0 : i32
    %dma_start3A_1098 = arith.constant 0 : i32
    %dma_start3A_1099 = tpu.memref_slice %arg2[%dma_start3A_1097, %dma_start3A_1098] : memref<1000000x64xf32, #tpu.memory_space<hbm>> -> memref<1000000x64xf32, #tpu.memory_space<hbm>>
    tpu.enqueue_indirect_dma source(%dma_start3A_1099 : memref<1000000x64xf32, #tpu.memory_space<hbm>>) target(%arg12 : memref<80x64xf32, #tpu.memory_space<vmem>>) offsets(%dma_start3A_1096 : memref<80xi32, #tpu.memory_space<vmem>>) semaphore(%arg18 : memref<!tpu.dma_semaphore, #tpu.memory_space<semaphore_mem>>)
    %dma_wait3A_1100 = arith.constant 0 : i32
    %dma_wait3A_1101 = arith.constant 13 : i32
    %dma_wait3A_1102 = arith.constant 0 : i32
    %dma_wait3A_1103 = tpu.memref_slice %arg7[%dma_wait3A_1100, %dma_wait3A_1101, %dma_wait3A_1102] : memref<4x20x80xi32, #tpu.memory_space<vmem>> -> memref<1x1x80xi32, #tpu.memory_space<vmem>>
    %dma_wait3A_1104 = tpu.memref_squeeze %dma_wait3A_1103 : memref<1x1x80xi32, #tpu.memory_space<vmem>> -> memref<80xi32, #tpu.memory_space<vmem>>
    %dma_wait3A_1105 = arith.constant 0 : i32
    %dma_wait3A_1106 = arith.constant 0 : i32
    %dma_wait3A_1107 = tpu.memref_slice %arg2[%dma_wait3A_1105, %dma_wait3A_1106] : memref<1000000x64xf32, #tpu.memory_space<hbm>> -> memref<1000000x64xf32, #tpu.memory_space<hbm>>
    tpu.wait_indirect_dma semaphore(%arg16 : memref<!tpu.dma_semaphore, #tpu.memory_space<semaphore_mem>>) src(%dma_wait3A_1107 : memref<1000000x64xf32, #tpu.memory_space<hbm>>) dst(%arg10 : memref<80x64xf32, #tpu.memory_space<vmem>>)
    %dma_start3A_1108 = arith.constant 1 : i32
    %dma_start3A_1109 = arith.constant 13 : i32
    %dma_start3A_1110 = arith.constant 0 : i32
    %dma_start3A_1111 = tpu.memref_slice %arg7[%dma_start3A_1108, %dma_start3A_1109, %dma_start3A_1110] : memref<4x20x80xi32, #tpu.memory_space<vmem>> -> memref<1x1x80xi32, #tpu.memory_space<vmem>>
    %dma_start3A_1112 = tpu.memref_squeeze %dma_start3A_1111 : memref<1x1x80xi32, #tpu.memory_space<vmem>> -> memref<80xi32, #tpu.memory_space<vmem>>
    %dma_start3A_1113 = arith.constant 0 : i32
    %dma_start3A_1114 = arith.constant 0 : i32
    %dma_start3A_1115 = tpu.memref_slice %arg3[%dma_start3A_1113, %dma_start3A_1114] : memref<1000x64xf32, #tpu.memory_space<hbm>> -> memref<1000x64xf32, #tpu.memory_space<hbm>>
    tpu.enqueue_indirect_dma source(%dma_start3A_1115 : memref<1000x64xf32, #tpu.memory_space<hbm>>) target(%arg10 : memref<80x64xf32, #tpu.memory_space<vmem>>) offsets(%dma_start3A_1112 : memref<80xi32, #tpu.memory_space<vmem>>) semaphore(%arg16 : memref<!tpu.dma_semaphore, #tpu.memory_space<semaphore_mem>>) {add = true}
    %dma_wait3A_1116 = arith.constant 1 : i32
    %dma_wait3A_1117 = arith.constant 12 : i32
    %dma_wait3A_1118 = arith.constant 0 : i32
    %dma_wait3A_1119 = tpu.memref_slice %arg7[%dma_wait3A_1116, %dma_wait3A_1117, %dma_wait3A_1118] : memref<4x20x80xi32, #tpu.memory_space<vmem>> -> memref<1x1x80xi32, #tpu.memory_space<vmem>>
    %dma_wait3A_1120 = tpu.memref_squeeze %dma_wait3A_1119 : memref<1x1x80xi32, #tpu.memory_space<vmem>> -> memref<80xi32, #tpu.memory_space<vmem>>
    %dma_wait3A_1121 = arith.constant 0 : i32
    %dma_wait3A_1122 = arith.constant 0 : i32
    %dma_wait3A_1123 = tpu.memref_slice %arg3[%dma_wait3A_1121, %dma_wait3A_1122] : memref<1000x64xf32, #tpu.memory_space<hbm>> -> memref<1000x64xf32, #tpu.memory_space<hbm>>
    tpu.wait_indirect_dma semaphore(%arg14 : memref<!tpu.dma_semaphore, #tpu.memory_space<semaphore_mem>>) src(%dma_wait3A_1123 : memref<1000x64xf32, #tpu.memory_space<hbm>>) dst(%arg8 : memref<80x64xf32, #tpu.memory_space<vmem>>)
    %add3A_1124 = arith.constant 960 : i32
    %add3A_1125 = arith.addi %mul3A_2, %add3A_1124 : i32
    %multiple_of3A_1126 = tpu.assume_multiple %add3A_1125, 8 : i32
    %dma_start3A_1127 = arith.constant 0 : i32
    %dma_start3A_1128 = tpu.memref_slice %arg5[%multiple_of3A_1126, %dma_start3A_1127] : memref<51200x64xf32, #tpu.memory_space<hbm>> -> memref<80x64xf32, #tpu.memory_space<hbm>>
    %dma_start3A_1129 = arith.constant 0 : i32
    %dma_start3A_1130 = tpu.memref_slice %arg5[%multiple_of3A_1126, %dma_start3A_1129] : memref<51200x64xf32, #tpu.memory_space<hbm>> -> memref<80x64xf32, #tpu.memory_space<hbm>>
    tpu.enqueue_dma source(%arg8 : memref<80x64xf32, #tpu.memory_space<vmem>>) target(%dma_start3A_1130 : memref<80x64xf32, #tpu.memory_space<hbm>>) target_semaphore(%arg20 : memref<!tpu.dma_semaphore, #tpu.memory_space<semaphore_mem>>)
    %dma_wait3A_1131 = arith.constant 0 : i32
    %dma_wait3A_1132 = tpu.memref_slice %arg6[%multiple_of3A_1083, %dma_wait3A_1131] : memref<51200x64xf32, #tpu.memory_space<hbm>> -> memref<80x64xf32, #tpu.memory_space<hbm>>
    %dma_wait3A_1133 = arith.constant 0 : i32
    %dma_wait3A_1134 = tpu.memref_slice %arg6[%multiple_of3A_1083, %dma_wait3A_1133] : memref<51200x64xf32, #tpu.memory_space<hbm>> -> memref<80x64xf32, #tpu.memory_space<hbm>>
    tpu.wait_dma2 semaphore(%arg25 : memref<!tpu.dma_semaphore, #tpu.memory_space<semaphore_mem>>) src(%arg13 : memref<80x64xf32, #tpu.memory_space<vmem>>) dst(%dma_wait3A_1134 : memref<80x64xf32, #tpu.memory_space<hbm>>)
    %dma_start3A_1135 = arith.constant 2 : i32
    %dma_start3A_1136 = arith.constant 14 : i32
    %dma_start3A_1137 = arith.constant 0 : i32
    %dma_start3A_1138 = tpu.memref_slice %arg7[%dma_start3A_1135, %dma_start3A_1136, %dma_start3A_1137] : memref<4x20x80xi32, #tpu.memory_space<vmem>> -> memref<1x1x80xi32, #tpu.memory_space<vmem>>
    %dma_start3A_1139 = tpu.memref_squeeze %dma_start3A_1138 : memref<1x1x80xi32, #tpu.memory_space<vmem>> -> memref<80xi32, #tpu.memory_space<vmem>>
    %dma_start3A_1140 = arith.constant 0 : i32
    %dma_start3A_1141 = arith.constant 0 : i32
    %dma_start3A_1142 = tpu.memref_slice %arg2[%dma_start3A_1140, %dma_start3A_1141] : memref<1000000x64xf32, #tpu.memory_space<hbm>> -> memref<1000000x64xf32, #tpu.memory_space<hbm>>
    tpu.enqueue_indirect_dma source(%dma_start3A_1142 : memref<1000000x64xf32, #tpu.memory_space<hbm>>) target(%arg13 : memref<80x64xf32, #tpu.memory_space<vmem>>) offsets(%dma_start3A_1139 : memref<80xi32, #tpu.memory_space<vmem>>) semaphore(%arg19 : memref<!tpu.dma_semaphore, #tpu.memory_space<semaphore_mem>>)
    %dma_wait3A_1143 = arith.constant 2 : i32
    %dma_wait3A_1144 = arith.constant 13 : i32
    %dma_wait3A_1145 = arith.constant 0 : i32
    %dma_wait3A_1146 = tpu.memref_slice %arg7[%dma_wait3A_1143, %dma_wait3A_1144, %dma_wait3A_1145] : memref<4x20x80xi32, #tpu.memory_space<vmem>> -> memref<1x1x80xi32, #tpu.memory_space<vmem>>
    %dma_wait3A_1147 = tpu.memref_squeeze %dma_wait3A_1146 : memref<1x1x80xi32, #tpu.memory_space<vmem>> -> memref<80xi32, #tpu.memory_space<vmem>>
    %dma_wait3A_1148 = arith.constant 0 : i32
    %dma_wait3A_1149 = arith.constant 0 : i32
    %dma_wait3A_1150 = tpu.memref_slice %arg2[%dma_wait3A_1148, %dma_wait3A_1149] : memref<1000000x64xf32, #tpu.memory_space<hbm>> -> memref<1000000x64xf32, #tpu.memory_space<hbm>>
    tpu.wait_indirect_dma semaphore(%arg17 : memref<!tpu.dma_semaphore, #tpu.memory_space<semaphore_mem>>) src(%dma_wait3A_1150 : memref<1000000x64xf32, #tpu.memory_space<hbm>>) dst(%arg11 : memref<80x64xf32, #tpu.memory_space<vmem>>)
    %dma_start3A_1151 = arith.constant 3 : i32
    %dma_start3A_1152 = arith.constant 13 : i32
    %dma_start3A_1153 = arith.constant 0 : i32
    %dma_start3A_1154 = tpu.memref_slice %arg7[%dma_start3A_1151, %dma_start3A_1152, %dma_start3A_1153] : memref<4x20x80xi32, #tpu.memory_space<vmem>> -> memref<1x1x80xi32, #tpu.memory_space<vmem>>
    %dma_start3A_1155 = tpu.memref_squeeze %dma_start3A_1154 : memref<1x1x80xi32, #tpu.memory_space<vmem>> -> memref<80xi32, #tpu.memory_space<vmem>>
    %dma_start3A_1156 = arith.constant 0 : i32
    %dma_start3A_1157 = arith.constant 0 : i32
    %dma_start3A_1158 = tpu.memref_slice %arg3[%dma_start3A_1156, %dma_start3A_1157] : memref<1000x64xf32, #tpu.memory_space<hbm>> -> memref<1000x64xf32, #tpu.memory_space<hbm>>
    tpu.enqueue_indirect_dma source(%dma_start3A_1158 : memref<1000x64xf32, #tpu.memory_space<hbm>>) target(%arg11 : memref<80x64xf32, #tpu.memory_space<vmem>>) offsets(%dma_start3A_1155 : memref<80xi32, #tpu.memory_space<vmem>>) semaphore(%arg17 : memref<!tpu.dma_semaphore, #tpu.memory_space<semaphore_mem>>) {add = true}
    %dma_wait3A_1159 = arith.constant 3 : i32
    %dma_wait3A_1160 = arith.constant 12 : i32
    %dma_wait3A_1161 = arith.constant 0 : i32
    %dma_wait3A_1162 = tpu.memref_slice %arg7[%dma_wait3A_1159, %dma_wait3A_1160, %dma_wait3A_1161] : memref<4x20x80xi32, #tpu.memory_space<vmem>> -> memref<1x1x80xi32, #tpu.memory_space<vmem>>
    %dma_wait3A_1163 = tpu.memref_squeeze %dma_wait3A_1162 : memref<1x1x80xi32, #tpu.memory_space<vmem>> -> memref<80xi32, #tpu.memory_space<vmem>>
    %dma_wait3A_1164 = arith.constant 0 : i32
    %dma_wait3A_1165 = arith.constant 0 : i32
    %dma_wait3A_1166 = tpu.memref_slice %arg3[%dma_wait3A_1164, %dma_wait3A_1165] : memref<1000x64xf32, #tpu.memory_space<hbm>> -> memref<1000x64xf32, #tpu.memory_space<hbm>>
    tpu.wait_indirect_dma semaphore(%arg15 : memref<!tpu.dma_semaphore, #tpu.memory_space<semaphore_mem>>) src(%dma_wait3A_1166 : memref<1000x64xf32, #tpu.memory_space<hbm>>) dst(%arg9 : memref<80x64xf32, #tpu.memory_space<vmem>>)
    %add3A_1167 = arith.constant 960 : i32
    %add3A_1168 = arith.addi %mul3A_2, %add3A_1167 : i32
    %multiple_of3A_1169 = tpu.assume_multiple %add3A_1168, 8 : i32
    %dma_start3A_1170 = arith.constant 0 : i32
    %dma_start3A_1171 = tpu.memref_slice %arg6[%multiple_of3A_1169, %dma_start3A_1170] : memref<51200x64xf32, #tpu.memory_space<hbm>> -> memref<80x64xf32, #tpu.memory_space<hbm>>
    %dma_start3A_1172 = arith.constant 0 : i32
    %dma_start3A_1173 = tpu.memref_slice %arg6[%multiple_of3A_1169, %dma_start3A_1172] : memref<51200x64xf32, #tpu.memory_space<hbm>> -> memref<80x64xf32, #tpu.memory_space<hbm>>
    tpu.enqueue_dma source(%arg9 : memref<80x64xf32, #tpu.memory_space<vmem>>) target(%dma_start3A_1173 : memref<80x64xf32, #tpu.memory_space<hbm>>) target_semaphore(%arg21 : memref<!tpu.dma_semaphore, #tpu.memory_space<semaphore_mem>>)
    %dma_wait3A_1174 = arith.constant 0 : i32
    %dma_wait3A_1175 = tpu.memref_slice %arg5[%multiple_of3A_1126, %dma_wait3A_1174] : memref<51200x64xf32, #tpu.memory_space<hbm>> -> memref<80x64xf32, #tpu.memory_space<hbm>>
    %dma_wait3A_1176 = arith.constant 0 : i32
    %dma_wait3A_1177 = tpu.memref_slice %arg5[%multiple_of3A_1126, %dma_wait3A_1176] : memref<51200x64xf32, #tpu.memory_space<hbm>> -> memref<80x64xf32, #tpu.memory_space<hbm>>
    tpu.wait_dma2 semaphore(%arg20 : memref<!tpu.dma_semaphore, #tpu.memory_space<semaphore_mem>>) src(%arg8 : memref<80x64xf32, #tpu.memory_space<vmem>>) dst(%dma_wait3A_1177 : memref<80x64xf32, #tpu.memory_space<hbm>>)
    %dma_start3A_1178 = arith.constant 0 : i32
    %dma_start3A_1179 = arith.constant 15 : i32
    %dma_start3A_1180 = arith.constant 0 : i32
    %dma_start3A_1181 = tpu.memref_slice %arg7[%dma_start3A_1178, %dma_start3A_1179, %dma_start3A_1180] : memref<4x20x80xi32, #tpu.memory_space<vmem>> -> memref<1x1x80xi32, #tpu.memory_space<vmem>>
    %dma_start3A_1182 = tpu.memref_squeeze %dma_start3A_1181 : memref<1x1x80xi32, #tpu.memory_space<vmem>> -> memref<80xi32, #tpu.memory_space<vmem>>
    %dma_start3A_1183 = arith.constant 0 : i32
    %dma_start3A_1184 = arith.constant 0 : i32
    %dma_start3A_1185 = tpu.memref_slice %arg2[%dma_start3A_1183, %dma_start3A_1184] : memref<1000000x64xf32, #tpu.memory_space<hbm>> -> memref<1000000x64xf32, #tpu.memory_space<hbm>>
    tpu.enqueue_indirect_dma source(%dma_start3A_1185 : memref<1000000x64xf32, #tpu.memory_space<hbm>>) target(%arg8 : memref<80x64xf32, #tpu.memory_space<vmem>>) offsets(%dma_start3A_1182 : memref<80xi32, #tpu.memory_space<vmem>>) semaphore(%arg14 : memref<!tpu.dma_semaphore, #tpu.memory_space<semaphore_mem>>)
    %dma_wait3A_1186 = arith.constant 0 : i32
    %dma_wait3A_1187 = arith.constant 14 : i32
    %dma_wait3A_1188 = arith.constant 0 : i32
    %dma_wait3A_1189 = tpu.memref_slice %arg7[%dma_wait3A_1186, %dma_wait3A_1187, %dma_wait3A_1188] : memref<4x20x80xi32, #tpu.memory_space<vmem>> -> memref<1x1x80xi32, #tpu.memory_space<vmem>>
    %dma_wait3A_1190 = tpu.memref_squeeze %dma_wait3A_1189 : memref<1x1x80xi32, #tpu.memory_space<vmem>> -> memref<80xi32, #tpu.memory_space<vmem>>
    %dma_wait3A_1191 = arith.constant 0 : i32
    %dma_wait3A_1192 = arith.constant 0 : i32
    %dma_wait3A_1193 = tpu.memref_slice %arg2[%dma_wait3A_1191, %dma_wait3A_1192] : memref<1000000x64xf32, #tpu.memory_space<hbm>> -> memref<1000000x64xf32, #tpu.memory_space<hbm>>
    tpu.wait_indirect_dma semaphore(%arg18 : memref<!tpu.dma_semaphore, #tpu.memory_space<semaphore_mem>>) src(%dma_wait3A_1193 : memref<1000000x64xf32, #tpu.memory_space<hbm>>) dst(%arg12 : memref<80x64xf32, #tpu.memory_space<vmem>>)
    %dma_start3A_1194 = arith.constant 1 : i32
    %dma_start3A_1195 = arith.constant 14 : i32
    %dma_start3A_1196 = arith.constant 0 : i32
    %dma_start3A_1197 = tpu.memref_slice %arg7[%dma_start3A_1194, %dma_start3A_1195, %dma_start3A_1196] : memref<4x20x80xi32, #tpu.memory_space<vmem>> -> memref<1x1x80xi32, #tpu.memory_space<vmem>>
    %dma_start3A_1198 = tpu.memref_squeeze %dma_start3A_1197 : memref<1x1x80xi32, #tpu.memory_space<vmem>> -> memref<80xi32, #tpu.memory_space<vmem>>
    %dma_start3A_1199 = arith.constant 0 : i32
    %dma_start3A_1200 = arith.constant 0 : i32
    %dma_start3A_1201 = tpu.memref_slice %arg3[%dma_start3A_1199, %dma_start3A_1200] : memref<1000x64xf32, #tpu.memory_space<hbm>> -> memref<1000x64xf32, #tpu.memory_space<hbm>>
    tpu.enqueue_indirect_dma source(%dma_start3A_1201 : memref<1000x64xf32, #tpu.memory_space<hbm>>) target(%arg12 : memref<80x64xf32, #tpu.memory_space<vmem>>) offsets(%dma_start3A_1198 : memref<80xi32, #tpu.memory_space<vmem>>) semaphore(%arg18 : memref<!tpu.dma_semaphore, #tpu.memory_space<semaphore_mem>>) {add = true}
    %dma_wait3A_1202 = arith.constant 1 : i32
    %dma_wait3A_1203 = arith.constant 13 : i32
    %dma_wait3A_1204 = arith.constant 0 : i32
    %dma_wait3A_1205 = tpu.memref_slice %arg7[%dma_wait3A_1202, %dma_wait3A_1203, %dma_wait3A_1204] : memref<4x20x80xi32, #tpu.memory_space<vmem>> -> memref<1x1x80xi32, #tpu.memory_space<vmem>>
    %dma_wait3A_1206 = tpu.memref_squeeze %dma_wait3A_1205 : memref<1x1x80xi32, #tpu.memory_space<vmem>> -> memref<80xi32, #tpu.memory_space<vmem>>
    %dma_wait3A_1207 = arith.constant 0 : i32
    %dma_wait3A_1208 = arith.constant 0 : i32
    %dma_wait3A_1209 = tpu.memref_slice %arg3[%dma_wait3A_1207, %dma_wait3A_1208] : memref<1000x64xf32, #tpu.memory_space<hbm>> -> memref<1000x64xf32, #tpu.memory_space<hbm>>
    tpu.wait_indirect_dma semaphore(%arg16 : memref<!tpu.dma_semaphore, #tpu.memory_space<semaphore_mem>>) src(%dma_wait3A_1209 : memref<1000x64xf32, #tpu.memory_space<hbm>>) dst(%arg10 : memref<80x64xf32, #tpu.memory_space<vmem>>)
    %add3A_1210 = arith.constant 1040 : i32
    %add3A_1211 = arith.addi %mul3A_2, %add3A_1210 : i32
    %multiple_of3A_1212 = tpu.assume_multiple %add3A_1211, 8 : i32
    %dma_start3A_1213 = arith.constant 0 : i32
    %dma_start3A_1214 = tpu.memref_slice %arg5[%multiple_of3A_1212, %dma_start3A_1213] : memref<51200x64xf32, #tpu.memory_space<hbm>> -> memref<80x64xf32, #tpu.memory_space<hbm>>
    %dma_start3A_1215 = arith.constant 0 : i32
    %dma_start3A_1216 = tpu.memref_slice %arg5[%multiple_of3A_1212, %dma_start3A_1215] : memref<51200x64xf32, #tpu.memory_space<hbm>> -> memref<80x64xf32, #tpu.memory_space<hbm>>
    tpu.enqueue_dma source(%arg10 : memref<80x64xf32, #tpu.memory_space<vmem>>) target(%dma_start3A_1216 : memref<80x64xf32, #tpu.memory_space<hbm>>) target_semaphore(%arg22 : memref<!tpu.dma_semaphore, #tpu.memory_space<semaphore_mem>>)
    %dma_wait3A_1217 = arith.constant 0 : i32
    %dma_wait3A_1218 = tpu.memref_slice %arg6[%multiple_of3A_1169, %dma_wait3A_1217] : memref<51200x64xf32, #tpu.memory_space<hbm>> -> memref<80x64xf32, #tpu.memory_space<hbm>>
    %dma_wait3A_1219 = arith.constant 0 : i32
    %dma_wait3A_1220 = tpu.memref_slice %arg6[%multiple_of3A_1169, %dma_wait3A_1219] : memref<51200x64xf32, #tpu.memory_space<hbm>> -> memref<80x64xf32, #tpu.memory_space<hbm>>
    tpu.wait_dma2 semaphore(%arg21 : memref<!tpu.dma_semaphore, #tpu.memory_space<semaphore_mem>>) src(%arg9 : memref<80x64xf32, #tpu.memory_space<vmem>>) dst(%dma_wait3A_1220 : memref<80x64xf32, #tpu.memory_space<hbm>>)
    %dma_start3A_1221 = arith.constant 2 : i32
    %dma_start3A_1222 = arith.constant 15 : i32
    %dma_start3A_1223 = arith.constant 0 : i32
    %dma_start3A_1224 = tpu.memref_slice %arg7[%dma_start3A_1221, %dma_start3A_1222, %dma_start3A_1223] : memref<4x20x80xi32, #tpu.memory_space<vmem>> -> memref<1x1x80xi32, #tpu.memory_space<vmem>>
    %dma_start3A_1225 = tpu.memref_squeeze %dma_start3A_1224 : memref<1x1x80xi32, #tpu.memory_space<vmem>> -> memref<80xi32, #tpu.memory_space<vmem>>
    %dma_start3A_1226 = arith.constant 0 : i32
    %dma_start3A_1227 = arith.constant 0 : i32
    %dma_start3A_1228 = tpu.memref_slice %arg2[%dma_start3A_1226, %dma_start3A_1227] : memref<1000000x64xf32, #tpu.memory_space<hbm>> -> memref<1000000x64xf32, #tpu.memory_space<hbm>>
    tpu.enqueue_indirect_dma source(%dma_start3A_1228 : memref<1000000x64xf32, #tpu.memory_space<hbm>>) target(%arg9 : memref<80x64xf32, #tpu.memory_space<vmem>>) offsets(%dma_start3A_1225 : memref<80xi32, #tpu.memory_space<vmem>>) semaphore(%arg15 : memref<!tpu.dma_semaphore, #tpu.memory_space<semaphore_mem>>)
    %dma_wait3A_1229 = arith.constant 2 : i32
    %dma_wait3A_1230 = arith.constant 14 : i32
    %dma_wait3A_1231 = arith.constant 0 : i32
    %dma_wait3A_1232 = tpu.memref_slice %arg7[%dma_wait3A_1229, %dma_wait3A_1230, %dma_wait3A_1231] : memref<4x20x80xi32, #tpu.memory_space<vmem>> -> memref<1x1x80xi32, #tpu.memory_space<vmem>>
    %dma_wait3A_1233 = tpu.memref_squeeze %dma_wait3A_1232 : memref<1x1x80xi32, #tpu.memory_space<vmem>> -> memref<80xi32, #tpu.memory_space<vmem>>
    %dma_wait3A_1234 = arith.constant 0 : i32
    %dma_wait3A_1235 = arith.constant 0 : i32
    %dma_wait3A_1236 = tpu.memref_slice %arg2[%dma_wait3A_1234, %dma_wait3A_1235] : memref<1000000x64xf32, #tpu.memory_space<hbm>> -> memref<1000000x64xf32, #tpu.memory_space<hbm>>
    tpu.wait_indirect_dma semaphore(%arg19 : memref<!tpu.dma_semaphore, #tpu.memory_space<semaphore_mem>>) src(%dma_wait3A_1236 : memref<1000000x64xf32, #tpu.memory_space<hbm>>) dst(%arg13 : memref<80x64xf32, #tpu.memory_space<vmem>>)
    %dma_start3A_1237 = arith.constant 3 : i32
    %dma_start3A_1238 = arith.constant 14 : i32
    %dma_start3A_1239 = arith.constant 0 : i32
    %dma_start3A_1240 = tpu.memref_slice %arg7[%dma_start3A_1237, %dma_start3A_1238, %dma_start3A_1239] : memref<4x20x80xi32, #tpu.memory_space<vmem>> -> memref<1x1x80xi32, #tpu.memory_space<vmem>>
    %dma_start3A_1241 = tpu.memref_squeeze %dma_start3A_1240 : memref<1x1x80xi32, #tpu.memory_space<vmem>> -> memref<80xi32, #tpu.memory_space<vmem>>
    %dma_start3A_1242 = arith.constant 0 : i32
    %dma_start3A_1243 = arith.constant 0 : i32
    %dma_start3A_1244 = tpu.memref_slice %arg3[%dma_start3A_1242, %dma_start3A_1243] : memref<1000x64xf32, #tpu.memory_space<hbm>> -> memref<1000x64xf32, #tpu.memory_space<hbm>>
    tpu.enqueue_indirect_dma source(%dma_start3A_1244 : memref<1000x64xf32, #tpu.memory_space<hbm>>) target(%arg13 : memref<80x64xf32, #tpu.memory_space<vmem>>) offsets(%dma_start3A_1241 : memref<80xi32, #tpu.memory_space<vmem>>) semaphore(%arg19 : memref<!tpu.dma_semaphore, #tpu.memory_space<semaphore_mem>>) {add = true}
    %dma_wait3A_1245 = arith.constant 3 : i32
    %dma_wait3A_1246 = arith.constant 13 : i32
    %dma_wait3A_1247 = arith.constant 0 : i32
    %dma_wait3A_1248 = tpu.memref_slice %arg7[%dma_wait3A_1245, %dma_wait3A_1246, %dma_wait3A_1247] : memref<4x20x80xi32, #tpu.memory_space<vmem>> -> memref<1x1x80xi32, #tpu.memory_space<vmem>>
    %dma_wait3A_1249 = tpu.memref_squeeze %dma_wait3A_1248 : memref<1x1x80xi32, #tpu.memory_space<vmem>> -> memref<80xi32, #tpu.memory_space<vmem>>
    %dma_wait3A_1250 = arith.constant 0 : i32
    %dma_wait3A_1251 = arith.constant 0 : i32
    %dma_wait3A_1252 = tpu.memref_slice %arg3[%dma_wait3A_1250, %dma_wait3A_1251] : memref<1000x64xf32, #tpu.memory_space<hbm>> -> memref<1000x64xf32, #tpu.memory_space<hbm>>
    tpu.wait_indirect_dma semaphore(%arg17 : memref<!tpu.dma_semaphore, #tpu.memory_space<semaphore_mem>>) src(%dma_wait3A_1252 : memref<1000x64xf32, #tpu.memory_space<hbm>>) dst(%arg11 : memref<80x64xf32, #tpu.memory_space<vmem>>)
    %add3A_1253 = arith.constant 1040 : i32
    %add3A_1254 = arith.addi %mul3A_2, %add3A_1253 : i32
    %multiple_of3A_1255 = tpu.assume_multiple %add3A_1254, 8 : i32
    %dma_start3A_1256 = arith.constant 0 : i32
    %dma_start3A_1257 = tpu.memref_slice %arg6[%multiple_of3A_1255, %dma_start3A_1256] : memref<51200x64xf32, #tpu.memory_space<hbm>> -> memref<80x64xf32, #tpu.memory_space<hbm>>
    %dma_start3A_1258 = arith.constant 0 : i32
    %dma_start3A_1259 = tpu.memref_slice %arg6[%multiple_of3A_1255, %dma_start3A_1258] : memref<51200x64xf32, #tpu.memory_space<hbm>> -> memref<80x64xf32, #tpu.memory_space<hbm>>
    tpu.enqueue_dma source(%arg11 : memref<80x64xf32, #tpu.memory_space<vmem>>) target(%dma_start3A_1259 : memref<80x64xf32, #tpu.memory_space<hbm>>) target_semaphore(%arg23 : memref<!tpu.dma_semaphore, #tpu.memory_space<semaphore_mem>>)
    %dma_wait3A_1260 = arith.constant 0 : i32
    %dma_wait3A_1261 = tpu.memref_slice %arg5[%multiple_of3A_1212, %dma_wait3A_1260] : memref<51200x64xf32, #tpu.memory_space<hbm>> -> memref<80x64xf32, #tpu.memory_space<hbm>>
    %dma_wait3A_1262 = arith.constant 0 : i32
    %dma_wait3A_1263 = tpu.memref_slice %arg5[%multiple_of3A_1212, %dma_wait3A_1262] : memref<51200x64xf32, #tpu.memory_space<hbm>> -> memref<80x64xf32, #tpu.memory_space<hbm>>
    tpu.wait_dma2 semaphore(%arg22 : memref<!tpu.dma_semaphore, #tpu.memory_space<semaphore_mem>>) src(%arg10 : memref<80x64xf32, #tpu.memory_space<vmem>>) dst(%dma_wait3A_1263 : memref<80x64xf32, #tpu.memory_space<hbm>>)
    %dma_start3A_1264 = arith.constant 0 : i32
    %dma_start3A_1265 = arith.constant 16 : i32
    %dma_start3A_1266 = arith.constant 0 : i32
    %dma_start3A_1267 = tpu.memref_slice %arg7[%dma_start3A_1264, %dma_start3A_1265, %dma_start3A_1266] : memref<4x20x80xi32, #tpu.memory_space<vmem>> -> memref<1x1x80xi32, #tpu.memory_space<vmem>>
    %dma_start3A_1268 = tpu.memref_squeeze %dma_start3A_1267 : memref<1x1x80xi32, #tpu.memory_space<vmem>> -> memref<80xi32, #tpu.memory_space<vmem>>
    %dma_start3A_1269 = arith.constant 0 : i32
    %dma_start3A_1270 = arith.constant 0 : i32
    %dma_start3A_1271 = tpu.memref_slice %arg2[%dma_start3A_1269, %dma_start3A_1270] : memref<1000000x64xf32, #tpu.memory_space<hbm>> -> memref<1000000x64xf32, #tpu.memory_space<hbm>>
    tpu.enqueue_indirect_dma source(%dma_start3A_1271 : memref<1000000x64xf32, #tpu.memory_space<hbm>>) target(%arg10 : memref<80x64xf32, #tpu.memory_space<vmem>>) offsets(%dma_start3A_1268 : memref<80xi32, #tpu.memory_space<vmem>>) semaphore(%arg16 : memref<!tpu.dma_semaphore, #tpu.memory_space<semaphore_mem>>)
    %dma_wait3A_1272 = arith.constant 0 : i32
    %dma_wait3A_1273 = arith.constant 15 : i32
    %dma_wait3A_1274 = arith.constant 0 : i32
    %dma_wait3A_1275 = tpu.memref_slice %arg7[%dma_wait3A_1272, %dma_wait3A_1273, %dma_wait3A_1274] : memref<4x20x80xi32, #tpu.memory_space<vmem>> -> memref<1x1x80xi32, #tpu.memory_space<vmem>>
    %dma_wait3A_1276 = tpu.memref_squeeze %dma_wait3A_1275 : memref<1x1x80xi32, #tpu.memory_space<vmem>> -> memref<80xi32, #tpu.memory_space<vmem>>
    %dma_wait3A_1277 = arith.constant 0 : i32
    %dma_wait3A_1278 = arith.constant 0 : i32
    %dma_wait3A_1279 = tpu.memref_slice %arg2[%dma_wait3A_1277, %dma_wait3A_1278] : memref<1000000x64xf32, #tpu.memory_space<hbm>> -> memref<1000000x64xf32, #tpu.memory_space<hbm>>
    tpu.wait_indirect_dma semaphore(%arg14 : memref<!tpu.dma_semaphore, #tpu.memory_space<semaphore_mem>>) src(%dma_wait3A_1279 : memref<1000000x64xf32, #tpu.memory_space<hbm>>) dst(%arg8 : memref<80x64xf32, #tpu.memory_space<vmem>>)
    %dma_start3A_1280 = arith.constant 1 : i32
    %dma_start3A_1281 = arith.constant 15 : i32
    %dma_start3A_1282 = arith.constant 0 : i32
    %dma_start3A_1283 = tpu.memref_slice %arg7[%dma_start3A_1280, %dma_start3A_1281, %dma_start3A_1282] : memref<4x20x80xi32, #tpu.memory_space<vmem>> -> memref<1x1x80xi32, #tpu.memory_space<vmem>>
    %dma_start3A_1284 = tpu.memref_squeeze %dma_start3A_1283 : memref<1x1x80xi32, #tpu.memory_space<vmem>> -> memref<80xi32, #tpu.memory_space<vmem>>
    %dma_start3A_1285 = arith.constant 0 : i32
    %dma_start3A_1286 = arith.constant 0 : i32
    %dma_start3A_1287 = tpu.memref_slice %arg3[%dma_start3A_1285, %dma_start3A_1286] : memref<1000x64xf32, #tpu.memory_space<hbm>> -> memref<1000x64xf32, #tpu.memory_space<hbm>>
    tpu.enqueue_indirect_dma source(%dma_start3A_1287 : memref<1000x64xf32, #tpu.memory_space<hbm>>) target(%arg8 : memref<80x64xf32, #tpu.memory_space<vmem>>) offsets(%dma_start3A_1284 : memref<80xi32, #tpu.memory_space<vmem>>) semaphore(%arg14 : memref<!tpu.dma_semaphore, #tpu.memory_space<semaphore_mem>>) {add = true}
    %dma_wait3A_1288 = arith.constant 1 : i32
    %dma_wait3A_1289 = arith.constant 14 : i32
    %dma_wait3A_1290 = arith.constant 0 : i32
    %dma_wait3A_1291 = tpu.memref_slice %arg7[%dma_wait3A_1288, %dma_wait3A_1289, %dma_wait3A_1290] : memref<4x20x80xi32, #tpu.memory_space<vmem>> -> memref<1x1x80xi32, #tpu.memory_space<vmem>>
    %dma_wait3A_1292 = tpu.memref_squeeze %dma_wait3A_1291 : memref<1x1x80xi32, #tpu.memory_space<vmem>> -> memref<80xi32, #tpu.memory_space<vmem>>
    %dma_wait3A_1293 = arith.constant 0 : i32
    %dma_wait3A_1294 = arith.constant 0 : i32
    %dma_wait3A_1295 = tpu.memref_slice %arg3[%dma_wait3A_1293, %dma_wait3A_1294] : memref<1000x64xf32, #tpu.memory_space<hbm>> -> memref<1000x64xf32, #tpu.memory_space<hbm>>
    tpu.wait_indirect_dma semaphore(%arg18 : memref<!tpu.dma_semaphore, #tpu.memory_space<semaphore_mem>>) src(%dma_wait3A_1295 : memref<1000x64xf32, #tpu.memory_space<hbm>>) dst(%arg12 : memref<80x64xf32, #tpu.memory_space<vmem>>)
    %add3A_1296 = arith.constant 1120 : i32
    %add3A_1297 = arith.addi %mul3A_2, %add3A_1296 : i32
    %multiple_of3A_1298 = tpu.assume_multiple %add3A_1297, 8 : i32
    %dma_start3A_1299 = arith.constant 0 : i32
    %dma_start3A_1300 = tpu.memref_slice %arg5[%multiple_of3A_1298, %dma_start3A_1299] : memref<51200x64xf32, #tpu.memory_space<hbm>> -> memref<80x64xf32, #tpu.memory_space<hbm>>
    %dma_start3A_1301 = arith.constant 0 : i32
    %dma_start3A_1302 = tpu.memref_slice %arg5[%multiple_of3A_1298, %dma_start3A_1301] : memref<51200x64xf32, #tpu.memory_space<hbm>> -> memref<80x64xf32, #tpu.memory_space<hbm>>
    tpu.enqueue_dma source(%arg12 : memref<80x64xf32, #tpu.memory_space<vmem>>) target(%dma_start3A_1302 : memref<80x64xf32, #tpu.memory_space<hbm>>) target_semaphore(%arg24 : memref<!tpu.dma_semaphore, #tpu.memory_space<semaphore_mem>>)
    %dma_wait3A_1303 = arith.constant 0 : i32
    %dma_wait3A_1304 = tpu.memref_slice %arg6[%multiple_of3A_1255, %dma_wait3A_1303] : memref<51200x64xf32, #tpu.memory_space<hbm>> -> memref<80x64xf32, #tpu.memory_space<hbm>>
    %dma_wait3A_1305 = arith.constant 0 : i32
    %dma_wait3A_1306 = tpu.memref_slice %arg6[%multiple_of3A_1255, %dma_wait3A_1305] : memref<51200x64xf32, #tpu.memory_space<hbm>> -> memref<80x64xf32, #tpu.memory_space<hbm>>
    tpu.wait_dma2 semaphore(%arg23 : memref<!tpu.dma_semaphore, #tpu.memory_space<semaphore_mem>>) src(%arg11 : memref<80x64xf32, #tpu.memory_space<vmem>>) dst(%dma_wait3A_1306 : memref<80x64xf32, #tpu.memory_space<hbm>>)
    %dma_start3A_1307 = arith.constant 2 : i32
    %dma_start3A_1308 = arith.constant 16 : i32
    %dma_start3A_1309 = arith.constant 0 : i32
    %dma_start3A_1310 = tpu.memref_slice %arg7[%dma_start3A_1307, %dma_start3A_1308, %dma_start3A_1309] : memref<4x20x80xi32, #tpu.memory_space<vmem>> -> memref<1x1x80xi32, #tpu.memory_space<vmem>>
    %dma_start3A_1311 = tpu.memref_squeeze %dma_start3A_1310 : memref<1x1x80xi32, #tpu.memory_space<vmem>> -> memref<80xi32, #tpu.memory_space<vmem>>
    %dma_start3A_1312 = arith.constant 0 : i32
    %dma_start3A_1313 = arith.constant 0 : i32
    %dma_start3A_1314 = tpu.memref_slice %arg2[%dma_start3A_1312, %dma_start3A_1313] : memref<1000000x64xf32, #tpu.memory_space<hbm>> -> memref<1000000x64xf32, #tpu.memory_space<hbm>>
    tpu.enqueue_indirect_dma source(%dma_start3A_1314 : memref<1000000x64xf32, #tpu.memory_space<hbm>>) target(%arg11 : memref<80x64xf32, #tpu.memory_space<vmem>>) offsets(%dma_start3A_1311 : memref<80xi32, #tpu.memory_space<vmem>>) semaphore(%arg17 : memref<!tpu.dma_semaphore, #tpu.memory_space<semaphore_mem>>)
    %dma_wait3A_1315 = arith.constant 2 : i32
    %dma_wait3A_1316 = arith.constant 15 : i32
    %dma_wait3A_1317 = arith.constant 0 : i32
    %dma_wait3A_1318 = tpu.memref_slice %arg7[%dma_wait3A_1315, %dma_wait3A_1316, %dma_wait3A_1317] : memref<4x20x80xi32, #tpu.memory_space<vmem>> -> memref<1x1x80xi32, #tpu.memory_space<vmem>>
    %dma_wait3A_1319 = tpu.memref_squeeze %dma_wait3A_1318 : memref<1x1x80xi32, #tpu.memory_space<vmem>> -> memref<80xi32, #tpu.memory_space<vmem>>
    %dma_wait3A_1320 = arith.constant 0 : i32
    %dma_wait3A_1321 = arith.constant 0 : i32
    %dma_wait3A_1322 = tpu.memref_slice %arg2[%dma_wait3A_1320, %dma_wait3A_1321] : memref<1000000x64xf32, #tpu.memory_space<hbm>> -> memref<1000000x64xf32, #tpu.memory_space<hbm>>
    tpu.wait_indirect_dma semaphore(%arg15 : memref<!tpu.dma_semaphore, #tpu.memory_space<semaphore_mem>>) src(%dma_wait3A_1322 : memref<1000000x64xf32, #tpu.memory_space<hbm>>) dst(%arg9 : memref<80x64xf32, #tpu.memory_space<vmem>>)
    %dma_start3A_1323 = arith.constant 3 : i32
    %dma_start3A_1324 = arith.constant 15 : i32
    %dma_start3A_1325 = arith.constant 0 : i32
    %dma_start3A_1326 = tpu.memref_slice %arg7[%dma_start3A_1323, %dma_start3A_1324, %dma_start3A_1325] : memref<4x20x80xi32, #tpu.memory_space<vmem>> -> memref<1x1x80xi32, #tpu.memory_space<vmem>>
    %dma_start3A_1327 = tpu.memref_squeeze %dma_start3A_1326 : memref<1x1x80xi32, #tpu.memory_space<vmem>> -> memref<80xi32, #tpu.memory_space<vmem>>
    %dma_start3A_1328 = arith.constant 0 : i32
    %dma_start3A_1329 = arith.constant 0 : i32
    %dma_start3A_1330 = tpu.memref_slice %arg3[%dma_start3A_1328, %dma_start3A_1329] : memref<1000x64xf32, #tpu.memory_space<hbm>> -> memref<1000x64xf32, #tpu.memory_space<hbm>>
    tpu.enqueue_indirect_dma source(%dma_start3A_1330 : memref<1000x64xf32, #tpu.memory_space<hbm>>) target(%arg9 : memref<80x64xf32, #tpu.memory_space<vmem>>) offsets(%dma_start3A_1327 : memref<80xi32, #tpu.memory_space<vmem>>) semaphore(%arg15 : memref<!tpu.dma_semaphore, #tpu.memory_space<semaphore_mem>>) {add = true}
    %dma_wait3A_1331 = arith.constant 3 : i32
    %dma_wait3A_1332 = arith.constant 14 : i32
    %dma_wait3A_1333 = arith.constant 0 : i32
    %dma_wait3A_1334 = tpu.memref_slice %arg7[%dma_wait3A_1331, %dma_wait3A_1332, %dma_wait3A_1333] : memref<4x20x80xi32, #tpu.memory_space<vmem>> -> memref<1x1x80xi32, #tpu.memory_space<vmem>>
    %dma_wait3A_1335 = tpu.memref_squeeze %dma_wait3A_1334 : memref<1x1x80xi32, #tpu.memory_space<vmem>> -> memref<80xi32, #tpu.memory_space<vmem>>
    %dma_wait3A_1336 = arith.constant 0 : i32
    %dma_wait3A_1337 = arith.constant 0 : i32
    %dma_wait3A_1338 = tpu.memref_slice %arg3[%dma_wait3A_1336, %dma_wait3A_1337] : memref<1000x64xf32, #tpu.memory_space<hbm>> -> memref<1000x64xf32, #tpu.memory_space<hbm>>
    tpu.wait_indirect_dma semaphore(%arg19 : memref<!tpu.dma_semaphore, #tpu.memory_space<semaphore_mem>>) src(%dma_wait3A_1338 : memref<1000x64xf32, #tpu.memory_space<hbm>>) dst(%arg13 : memref<80x64xf32, #tpu.memory_space<vmem>>)
    %add3A_1339 = arith.constant 1120 : i32
    %add3A_1340 = arith.addi %mul3A_2, %add3A_1339 : i32
    %multiple_of3A_1341 = tpu.assume_multiple %add3A_1340, 8 : i32
    %dma_start3A_1342 = arith.constant 0 : i32
    %dma_start3A_1343 = tpu.memref_slice %arg6[%multiple_of3A_1341, %dma_start3A_1342] : memref<51200x64xf32, #tpu.memory_space<hbm>> -> memref<80x64xf32, #tpu.memory_space<hbm>>
    %dma_start3A_1344 = arith.constant 0 : i32
    %dma_start3A_1345 = tpu.memref_slice %arg6[%multiple_of3A_1341, %dma_start3A_1344] : memref<51200x64xf32, #tpu.memory_space<hbm>> -> memref<80x64xf32, #tpu.memory_space<hbm>>
    tpu.enqueue_dma source(%arg13 : memref<80x64xf32, #tpu.memory_space<vmem>>) target(%dma_start3A_1345 : memref<80x64xf32, #tpu.memory_space<hbm>>) target_semaphore(%arg25 : memref<!tpu.dma_semaphore, #tpu.memory_space<semaphore_mem>>)
    %dma_wait3A_1346 = arith.constant 0 : i32
    %dma_wait3A_1347 = tpu.memref_slice %arg5[%multiple_of3A_1298, %dma_wait3A_1346] : memref<51200x64xf32, #tpu.memory_space<hbm>> -> memref<80x64xf32, #tpu.memory_space<hbm>>
    %dma_wait3A_1348 = arith.constant 0 : i32
    %dma_wait3A_1349 = tpu.memref_slice %arg5[%multiple_of3A_1298, %dma_wait3A_1348] : memref<51200x64xf32, #tpu.memory_space<hbm>> -> memref<80x64xf32, #tpu.memory_space<hbm>>
    tpu.wait_dma2 semaphore(%arg24 : memref<!tpu.dma_semaphore, #tpu.memory_space<semaphore_mem>>) src(%arg12 : memref<80x64xf32, #tpu.memory_space<vmem>>) dst(%dma_wait3A_1349 : memref<80x64xf32, #tpu.memory_space<hbm>>)
    %dma_start3A_1350 = arith.constant 0 : i32
    %dma_start3A_1351 = arith.constant 17 : i32
    %dma_start3A_1352 = arith.constant 0 : i32
    %dma_start3A_1353 = tpu.memref_slice %arg7[%dma_start3A_1350, %dma_start3A_1351, %dma_start3A_1352] : memref<4x20x80xi32, #tpu.memory_space<vmem>> -> memref<1x1x80xi32, #tpu.memory_space<vmem>>
    %dma_start3A_1354 = tpu.memref_squeeze %dma_start3A_1353 : memref<1x1x80xi32, #tpu.memory_space<vmem>> -> memref<80xi32, #tpu.memory_space<vmem>>
    %dma_start3A_1355 = arith.constant 0 : i32
    %dma_start3A_1356 = arith.constant 0 : i32
    %dma_start3A_1357 = tpu.memref_slice %arg2[%dma_start3A_1355, %dma_start3A_1356] : memref<1000000x64xf32, #tpu.memory_space<hbm>> -> memref<1000000x64xf32, #tpu.memory_space<hbm>>
    tpu.enqueue_indirect_dma source(%dma_start3A_1357 : memref<1000000x64xf32, #tpu.memory_space<hbm>>) target(%arg12 : memref<80x64xf32, #tpu.memory_space<vmem>>) offsets(%dma_start3A_1354 : memref<80xi32, #tpu.memory_space<vmem>>) semaphore(%arg18 : memref<!tpu.dma_semaphore, #tpu.memory_space<semaphore_mem>>)
    %dma_wait3A_1358 = arith.constant 0 : i32
    %dma_wait3A_1359 = arith.constant 16 : i32
    %dma_wait3A_1360 = arith.constant 0 : i32
    %dma_wait3A_1361 = tpu.memref_slice %arg7[%dma_wait3A_1358, %dma_wait3A_1359, %dma_wait3A_1360] : memref<4x20x80xi32, #tpu.memory_space<vmem>> -> memref<1x1x80xi32, #tpu.memory_space<vmem>>
    %dma_wait3A_1362 = tpu.memref_squeeze %dma_wait3A_1361 : memref<1x1x80xi32, #tpu.memory_space<vmem>> -> memref<80xi32, #tpu.memory_space<vmem>>
    %dma_wait3A_1363 = arith.constant 0 : i32
    %dma_wait3A_1364 = arith.constant 0 : i32
    %dma_wait3A_1365 = tpu.memref_slice %arg2[%dma_wait3A_1363, %dma_wait3A_1364] : memref<1000000x64xf32, #tpu.memory_space<hbm>> -> memref<1000000x64xf32, #tpu.memory_space<hbm>>
    tpu.wait_indirect_dma semaphore(%arg16 : memref<!tpu.dma_semaphore, #tpu.memory_space<semaphore_mem>>) src(%dma_wait3A_1365 : memref<1000000x64xf32, #tpu.memory_space<hbm>>) dst(%arg10 : memref<80x64xf32, #tpu.memory_space<vmem>>)
    %dma_start3A_1366 = arith.constant 1 : i32
    %dma_start3A_1367 = arith.constant 16 : i32
    %dma_start3A_1368 = arith.constant 0 : i32
    %dma_start3A_1369 = tpu.memref_slice %arg7[%dma_start3A_1366, %dma_start3A_1367, %dma_start3A_1368] : memref<4x20x80xi32, #tpu.memory_space<vmem>> -> memref<1x1x80xi32, #tpu.memory_space<vmem>>
    %dma_start3A_1370 = tpu.memref_squeeze %dma_start3A_1369 : memref<1x1x80xi32, #tpu.memory_space<vmem>> -> memref<80xi32, #tpu.memory_space<vmem>>
    %dma_start3A_1371 = arith.constant 0 : i32
    %dma_start3A_1372 = arith.constant 0 : i32
    %dma_start3A_1373 = tpu.memref_slice %arg3[%dma_start3A_1371, %dma_start3A_1372] : memref<1000x64xf32, #tpu.memory_space<hbm>> -> memref<1000x64xf32, #tpu.memory_space<hbm>>
    tpu.enqueue_indirect_dma source(%dma_start3A_1373 : memref<1000x64xf32, #tpu.memory_space<hbm>>) target(%arg10 : memref<80x64xf32, #tpu.memory_space<vmem>>) offsets(%dma_start3A_1370 : memref<80xi32, #tpu.memory_space<vmem>>) semaphore(%arg16 : memref<!tpu.dma_semaphore, #tpu.memory_space<semaphore_mem>>) {add = true}
    %dma_wait3A_1374 = arith.constant 1 : i32
    %dma_wait3A_1375 = arith.constant 15 : i32
    %dma_wait3A_1376 = arith.constant 0 : i32
    %dma_wait3A_1377 = tpu.memref_slice %arg7[%dma_wait3A_1374, %dma_wait3A_1375, %dma_wait3A_1376] : memref<4x20x80xi32, #tpu.memory_space<vmem>> -> memref<1x1x80xi32, #tpu.memory_space<vmem>>
    %dma_wait3A_1378 = tpu.memref_squeeze %dma_wait3A_1377 : memref<1x1x80xi32, #tpu.memory_space<vmem>> -> memref<80xi32, #tpu.memory_space<vmem>>
    %dma_wait3A_1379 = arith.constant 0 : i32
    %dma_wait3A_1380 = arith.constant 0 : i32
    %dma_wait3A_1381 = tpu.memref_slice %arg3[%dma_wait3A_1379, %dma_wait3A_1380] : memref<1000x64xf32, #tpu.memory_space<hbm>> -> memref<1000x64xf32, #tpu.memory_space<hbm>>
    tpu.wait_indirect_dma semaphore(%arg14 : memref<!tpu.dma_semaphore, #tpu.memory_space<semaphore_mem>>) src(%dma_wait3A_1381 : memref<1000x64xf32, #tpu.memory_space<hbm>>) dst(%arg8 : memref<80x64xf32, #tpu.memory_space<vmem>>)
    %add3A_1382 = arith.constant 1200 : i32
    %add3A_1383 = arith.addi %mul3A_2, %add3A_1382 : i32
    %multiple_of3A_1384 = tpu.assume_multiple %add3A_1383, 8 : i32
    %dma_start3A_1385 = arith.constant 0 : i32
    %dma_start3A_1386 = tpu.memref_slice %arg5[%multiple_of3A_1384, %dma_start3A_1385] : memref<51200x64xf32, #tpu.memory_space<hbm>> -> memref<80x64xf32, #tpu.memory_space<hbm>>
    %dma_start3A_1387 = arith.constant 0 : i32
    %dma_start3A_1388 = tpu.memref_slice %arg5[%multiple_of3A_1384, %dma_start3A_1387] : memref<51200x64xf32, #tpu.memory_space<hbm>> -> memref<80x64xf32, #tpu.memory_space<hbm>>
    tpu.enqueue_dma source(%arg8 : memref<80x64xf32, #tpu.memory_space<vmem>>) target(%dma_start3A_1388 : memref<80x64xf32, #tpu.memory_space<hbm>>) target_semaphore(%arg20 : memref<!tpu.dma_semaphore, #tpu.memory_space<semaphore_mem>>)
    %dma_wait3A_1389 = arith.constant 0 : i32
    %dma_wait3A_1390 = tpu.memref_slice %arg6[%multiple_of3A_1341, %dma_wait3A_1389] : memref<51200x64xf32, #tpu.memory_space<hbm>> -> memref<80x64xf32, #tpu.memory_space<hbm>>
    %dma_wait3A_1391 = arith.constant 0 : i32
    %dma_wait3A_1392 = tpu.memref_slice %arg6[%multiple_of3A_1341, %dma_wait3A_1391] : memref<51200x64xf32, #tpu.memory_space<hbm>> -> memref<80x64xf32, #tpu.memory_space<hbm>>
    tpu.wait_dma2 semaphore(%arg25 : memref<!tpu.dma_semaphore, #tpu.memory_space<semaphore_mem>>) src(%arg13 : memref<80x64xf32, #tpu.memory_space<vmem>>) dst(%dma_wait3A_1392 : memref<80x64xf32, #tpu.memory_space<hbm>>)
    %dma_start3A_1393 = arith.constant 2 : i32
    %dma_start3A_1394 = arith.constant 17 : i32
    %dma_start3A_1395 = arith.constant 0 : i32
    %dma_start3A_1396 = tpu.memref_slice %arg7[%dma_start3A_1393, %dma_start3A_1394, %dma_start3A_1395] : memref<4x20x80xi32, #tpu.memory_space<vmem>> -> memref<1x1x80xi32, #tpu.memory_space<vmem>>
    %dma_start3A_1397 = tpu.memref_squeeze %dma_start3A_1396 : memref<1x1x80xi32, #tpu.memory_space<vmem>> -> memref<80xi32, #tpu.memory_space<vmem>>
    %dma_start3A_1398 = arith.constant 0 : i32
    %dma_start3A_1399 = arith.constant 0 : i32
    %dma_start3A_1400 = tpu.memref_slice %arg2[%dma_start3A_1398, %dma_start3A_1399] : memref<1000000x64xf32, #tpu.memory_space<hbm>> -> memref<1000000x64xf32, #tpu.memory_space<hbm>>
    tpu.enqueue_indirect_dma source(%dma_start3A_1400 : memref<1000000x64xf32, #tpu.memory_space<hbm>>) target(%arg13 : memref<80x64xf32, #tpu.memory_space<vmem>>) offsets(%dma_start3A_1397 : memref<80xi32, #tpu.memory_space<vmem>>) semaphore(%arg19 : memref<!tpu.dma_semaphore, #tpu.memory_space<semaphore_mem>>)
    %dma_wait3A_1401 = arith.constant 2 : i32
    %dma_wait3A_1402 = arith.constant 16 : i32
    %dma_wait3A_1403 = arith.constant 0 : i32
    %dma_wait3A_1404 = tpu.memref_slice %arg7[%dma_wait3A_1401, %dma_wait3A_1402, %dma_wait3A_1403] : memref<4x20x80xi32, #tpu.memory_space<vmem>> -> memref<1x1x80xi32, #tpu.memory_space<vmem>>
    %dma_wait3A_1405 = tpu.memref_squeeze %dma_wait3A_1404 : memref<1x1x80xi32, #tpu.memory_space<vmem>> -> memref<80xi32, #tpu.memory_space<vmem>>
    %dma_wait3A_1406 = arith.constant 0 : i32
    %dma_wait3A_1407 = arith.constant 0 : i32
    %dma_wait3A_1408 = tpu.memref_slice %arg2[%dma_wait3A_1406, %dma_wait3A_1407] : memref<1000000x64xf32, #tpu.memory_space<hbm>> -> memref<1000000x64xf32, #tpu.memory_space<hbm>>
    tpu.wait_indirect_dma semaphore(%arg17 : memref<!tpu.dma_semaphore, #tpu.memory_space<semaphore_mem>>) src(%dma_wait3A_1408 : memref<1000000x64xf32, #tpu.memory_space<hbm>>) dst(%arg11 : memref<80x64xf32, #tpu.memory_space<vmem>>)
    %dma_start3A_1409 = arith.constant 3 : i32
    %dma_start3A_1410 = arith.constant 16 : i32
    %dma_start3A_1411 = arith.constant 0 : i32
    %dma_start3A_1412 = tpu.memref_slice %arg7[%dma_start3A_1409, %dma_start3A_1410, %dma_start3A_1411] : memref<4x20x80xi32, #tpu.memory_space<vmem>> -> memref<1x1x80xi32, #tpu.memory_space<vmem>>
    %dma_start3A_1413 = tpu.memref_squeeze %dma_start3A_1412 : memref<1x1x80xi32, #tpu.memory_space<vmem>> -> memref<80xi32, #tpu.memory_space<vmem>>
    %dma_start3A_1414 = arith.constant 0 : i32
    %dma_start3A_1415 = arith.constant 0 : i32
    %dma_start3A_1416 = tpu.memref_slice %arg3[%dma_start3A_1414, %dma_start3A_1415] : memref<1000x64xf32, #tpu.memory_space<hbm>> -> memref<1000x64xf32, #tpu.memory_space<hbm>>
    tpu.enqueue_indirect_dma source(%dma_start3A_1416 : memref<1000x64xf32, #tpu.memory_space<hbm>>) target(%arg11 : memref<80x64xf32, #tpu.memory_space<vmem>>) offsets(%dma_start3A_1413 : memref<80xi32, #tpu.memory_space<vmem>>) semaphore(%arg17 : memref<!tpu.dma_semaphore, #tpu.memory_space<semaphore_mem>>) {add = true}
    %dma_wait3A_1417 = arith.constant 3 : i32
    %dma_wait3A_1418 = arith.constant 15 : i32
    %dma_wait3A_1419 = arith.constant 0 : i32
    %dma_wait3A_1420 = tpu.memref_slice %arg7[%dma_wait3A_1417, %dma_wait3A_1418, %dma_wait3A_1419] : memref<4x20x80xi32, #tpu.memory_space<vmem>> -> memref<1x1x80xi32, #tpu.memory_space<vmem>>
    %dma_wait3A_1421 = tpu.memref_squeeze %dma_wait3A_1420 : memref<1x1x80xi32, #tpu.memory_space<vmem>> -> memref<80xi32, #tpu.memory_space<vmem>>
    %dma_wait3A_1422 = arith.constant 0 : i32
    %dma_wait3A_1423 = arith.constant 0 : i32
    %dma_wait3A_1424 = tpu.memref_slice %arg3[%dma_wait3A_1422, %dma_wait3A_1423] : memref<1000x64xf32, #tpu.memory_space<hbm>> -> memref<1000x64xf32, #tpu.memory_space<hbm>>
    tpu.wait_indirect_dma semaphore(%arg15 : memref<!tpu.dma_semaphore, #tpu.memory_space<semaphore_mem>>) src(%dma_wait3A_1424 : memref<1000x64xf32, #tpu.memory_space<hbm>>) dst(%arg9 : memref<80x64xf32, #tpu.memory_space<vmem>>)
    %add3A_1425 = arith.constant 1200 : i32
    %add3A_1426 = arith.addi %mul3A_2, %add3A_1425 : i32
    %multiple_of3A_1427 = tpu.assume_multiple %add3A_1426, 8 : i32
    %dma_start3A_1428 = arith.constant 0 : i32
    %dma_start3A_1429 = tpu.memref_slice %arg6[%multiple_of3A_1427, %dma_start3A_1428] : memref<51200x64xf32, #tpu.memory_space<hbm>> -> memref<80x64xf32, #tpu.memory_space<hbm>>
    %dma_start3A_1430 = arith.constant 0 : i32
    %dma_start3A_1431 = tpu.memref_slice %arg6[%multiple_of3A_1427, %dma_start3A_1430] : memref<51200x64xf32, #tpu.memory_space<hbm>> -> memref<80x64xf32, #tpu.memory_space<hbm>>
    tpu.enqueue_dma source(%arg9 : memref<80x64xf32, #tpu.memory_space<vmem>>) target(%dma_start3A_1431 : memref<80x64xf32, #tpu.memory_space<hbm>>) target_semaphore(%arg21 : memref<!tpu.dma_semaphore, #tpu.memory_space<semaphore_mem>>)
    %dma_wait3A_1432 = arith.constant 0 : i32
    %dma_wait3A_1433 = tpu.memref_slice %arg5[%multiple_of3A_1384, %dma_wait3A_1432] : memref<51200x64xf32, #tpu.memory_space<hbm>> -> memref<80x64xf32, #tpu.memory_space<hbm>>
    %dma_wait3A_1434 = arith.constant 0 : i32
    %dma_wait3A_1435 = tpu.memref_slice %arg5[%multiple_of3A_1384, %dma_wait3A_1434] : memref<51200x64xf32, #tpu.memory_space<hbm>> -> memref<80x64xf32, #tpu.memory_space<hbm>>
    tpu.wait_dma2 semaphore(%arg20 : memref<!tpu.dma_semaphore, #tpu.memory_space<semaphore_mem>>) src(%arg8 : memref<80x64xf32, #tpu.memory_space<vmem>>) dst(%dma_wait3A_1435 : memref<80x64xf32, #tpu.memory_space<hbm>>)
    %dma_start3A_1436 = arith.constant 0 : i32
    %dma_start3A_1437 = arith.constant 18 : i32
    %dma_start3A_1438 = arith.constant 0 : i32
    %dma_start3A_1439 = tpu.memref_slice %arg7[%dma_start3A_1436, %dma_start3A_1437, %dma_start3A_1438] : memref<4x20x80xi32, #tpu.memory_space<vmem>> -> memref<1x1x80xi32, #tpu.memory_space<vmem>>
    %dma_start3A_1440 = tpu.memref_squeeze %dma_start3A_1439 : memref<1x1x80xi32, #tpu.memory_space<vmem>> -> memref<80xi32, #tpu.memory_space<vmem>>
    %dma_start3A_1441 = arith.constant 0 : i32
    %dma_start3A_1442 = arith.constant 0 : i32
    %dma_start3A_1443 = tpu.memref_slice %arg2[%dma_start3A_1441, %dma_start3A_1442] : memref<1000000x64xf32, #tpu.memory_space<hbm>> -> memref<1000000x64xf32, #tpu.memory_space<hbm>>
    tpu.enqueue_indirect_dma source(%dma_start3A_1443 : memref<1000000x64xf32, #tpu.memory_space<hbm>>) target(%arg8 : memref<80x64xf32, #tpu.memory_space<vmem>>) offsets(%dma_start3A_1440 : memref<80xi32, #tpu.memory_space<vmem>>) semaphore(%arg14 : memref<!tpu.dma_semaphore, #tpu.memory_space<semaphore_mem>>)
    %dma_wait3A_1444 = arith.constant 0 : i32
    %dma_wait3A_1445 = arith.constant 17 : i32
    %dma_wait3A_1446 = arith.constant 0 : i32
    %dma_wait3A_1447 = tpu.memref_slice %arg7[%dma_wait3A_1444, %dma_wait3A_1445, %dma_wait3A_1446] : memref<4x20x80xi32, #tpu.memory_space<vmem>> -> memref<1x1x80xi32, #tpu.memory_space<vmem>>
    %dma_wait3A_1448 = tpu.memref_squeeze %dma_wait3A_1447 : memref<1x1x80xi32, #tpu.memory_space<vmem>> -> memref<80xi32, #tpu.memory_space<vmem>>
    %dma_wait3A_1449 = arith.constant 0 : i32
    %dma_wait3A_1450 = arith.constant 0 : i32
    %dma_wait3A_1451 = tpu.memref_slice %arg2[%dma_wait3A_1449, %dma_wait3A_1450] : memref<1000000x64xf32, #tpu.memory_space<hbm>> -> memref<1000000x64xf32, #tpu.memory_space<hbm>>
    tpu.wait_indirect_dma semaphore(%arg18 : memref<!tpu.dma_semaphore, #tpu.memory_space<semaphore_mem>>) src(%dma_wait3A_1451 : memref<1000000x64xf32, #tpu.memory_space<hbm>>) dst(%arg12 : memref<80x64xf32, #tpu.memory_space<vmem>>)
    %dma_start3A_1452 = arith.constant 1 : i32
    %dma_start3A_1453 = arith.constant 17 : i32
    %dma_start3A_1454 = arith.constant 0 : i32
    %dma_start3A_1455 = tpu.memref_slice %arg7[%dma_start3A_1452, %dma_start3A_1453, %dma_start3A_1454] : memref<4x20x80xi32, #tpu.memory_space<vmem>> -> memref<1x1x80xi32, #tpu.memory_space<vmem>>
    %dma_start3A_1456 = tpu.memref_squeeze %dma_start3A_1455 : memref<1x1x80xi32, #tpu.memory_space<vmem>> -> memref<80xi32, #tpu.memory_space<vmem>>
    %dma_start3A_1457 = arith.constant 0 : i32
    %dma_start3A_1458 = arith.constant 0 : i32
    %dma_start3A_1459 = tpu.memref_slice %arg3[%dma_start3A_1457, %dma_start3A_1458] : memref<1000x64xf32, #tpu.memory_space<hbm>> -> memref<1000x64xf32, #tpu.memory_space<hbm>>
    tpu.enqueue_indirect_dma source(%dma_start3A_1459 : memref<1000x64xf32, #tpu.memory_space<hbm>>) target(%arg12 : memref<80x64xf32, #tpu.memory_space<vmem>>) offsets(%dma_start3A_1456 : memref<80xi32, #tpu.memory_space<vmem>>) semaphore(%arg18 : memref<!tpu.dma_semaphore, #tpu.memory_space<semaphore_mem>>) {add = true}
    %dma_wait3A_1460 = arith.constant 1 : i32
    %dma_wait3A_1461 = arith.constant 16 : i32
    %dma_wait3A_1462 = arith.constant 0 : i32
    %dma_wait3A_1463 = tpu.memref_slice %arg7[%dma_wait3A_1460, %dma_wait3A_1461, %dma_wait3A_1462] : memref<4x20x80xi32, #tpu.memory_space<vmem>> -> memref<1x1x80xi32, #tpu.memory_space<vmem>>
    %dma_wait3A_1464 = tpu.memref_squeeze %dma_wait3A_1463 : memref<1x1x80xi32, #tpu.memory_space<vmem>> -> memref<80xi32, #tpu.memory_space<vmem>>
    %dma_wait3A_1465 = arith.constant 0 : i32
    %dma_wait3A_1466 = arith.constant 0 : i32
    %dma_wait3A_1467 = tpu.memref_slice %arg3[%dma_wait3A_1465, %dma_wait3A_1466] : memref<1000x64xf32, #tpu.memory_space<hbm>> -> memref<1000x64xf32, #tpu.memory_space<hbm>>
    tpu.wait_indirect_dma semaphore(%arg16 : memref<!tpu.dma_semaphore, #tpu.memory_space<semaphore_mem>>) src(%dma_wait3A_1467 : memref<1000x64xf32, #tpu.memory_space<hbm>>) dst(%arg10 : memref<80x64xf32, #tpu.memory_space<vmem>>)
    %add3A_1468 = arith.constant 1280 : i32
    %add3A_1469 = arith.addi %mul3A_2, %add3A_1468 : i32
    %multiple_of3A_1470 = tpu.assume_multiple %add3A_1469, 8 : i32
    %dma_start3A_1471 = arith.constant 0 : i32
    %dma_start3A_1472 = tpu.memref_slice %arg5[%multiple_of3A_1470, %dma_start3A_1471] : memref<51200x64xf32, #tpu.memory_space<hbm>> -> memref<80x64xf32, #tpu.memory_space<hbm>>
    %dma_start3A_1473 = arith.constant 0 : i32
    %dma_start3A_1474 = tpu.memref_slice %arg5[%multiple_of3A_1470, %dma_start3A_1473] : memref<51200x64xf32, #tpu.memory_space<hbm>> -> memref<80x64xf32, #tpu.memory_space<hbm>>
    tpu.enqueue_dma source(%arg10 : memref<80x64xf32, #tpu.memory_space<vmem>>) target(%dma_start3A_1474 : memref<80x64xf32, #tpu.memory_space<hbm>>) target_semaphore(%arg22 : memref<!tpu.dma_semaphore, #tpu.memory_space<semaphore_mem>>)
    %dma_wait3A_1475 = arith.constant 0 : i32
    %dma_wait3A_1476 = tpu.memref_slice %arg6[%multiple_of3A_1427, %dma_wait3A_1475] : memref<51200x64xf32, #tpu.memory_space<hbm>> -> memref<80x64xf32, #tpu.memory_space<hbm>>
    %dma_wait3A_1477 = arith.constant 0 : i32
    %dma_wait3A_1478 = tpu.memref_slice %arg6[%multiple_of3A_1427, %dma_wait3A_1477] : memref<51200x64xf32, #tpu.memory_space<hbm>> -> memref<80x64xf32, #tpu.memory_space<hbm>>
    tpu.wait_dma2 semaphore(%arg21 : memref<!tpu.dma_semaphore, #tpu.memory_space<semaphore_mem>>) src(%arg9 : memref<80x64xf32, #tpu.memory_space<vmem>>) dst(%dma_wait3A_1478 : memref<80x64xf32, #tpu.memory_space<hbm>>)
    %dma_start3A_1479 = arith.constant 2 : i32
    %dma_start3A_1480 = arith.constant 18 : i32
    %dma_start3A_1481 = arith.constant 0 : i32
    %dma_start3A_1482 = tpu.memref_slice %arg7[%dma_start3A_1479, %dma_start3A_1480, %dma_start3A_1481] : memref<4x20x80xi32, #tpu.memory_space<vmem>> -> memref<1x1x80xi32, #tpu.memory_space<vmem>>
    %dma_start3A_1483 = tpu.memref_squeeze %dma_start3A_1482 : memref<1x1x80xi32, #tpu.memory_space<vmem>> -> memref<80xi32, #tpu.memory_space<vmem>>
    %dma_start3A_1484 = arith.constant 0 : i32
    %dma_start3A_1485 = arith.constant 0 : i32
    %dma_start3A_1486 = tpu.memref_slice %arg2[%dma_start3A_1484, %dma_start3A_1485] : memref<1000000x64xf32, #tpu.memory_space<hbm>> -> memref<1000000x64xf32, #tpu.memory_space<hbm>>
    tpu.enqueue_indirect_dma source(%dma_start3A_1486 : memref<1000000x64xf32, #tpu.memory_space<hbm>>) target(%arg9 : memref<80x64xf32, #tpu.memory_space<vmem>>) offsets(%dma_start3A_1483 : memref<80xi32, #tpu.memory_space<vmem>>) semaphore(%arg15 : memref<!tpu.dma_semaphore, #tpu.memory_space<semaphore_mem>>)
    %dma_wait3A_1487 = arith.constant 2 : i32
    %dma_wait3A_1488 = arith.constant 17 : i32
    %dma_wait3A_1489 = arith.constant 0 : i32
    %dma_wait3A_1490 = tpu.memref_slice %arg7[%dma_wait3A_1487, %dma_wait3A_1488, %dma_wait3A_1489] : memref<4x20x80xi32, #tpu.memory_space<vmem>> -> memref<1x1x80xi32, #tpu.memory_space<vmem>>
    %dma_wait3A_1491 = tpu.memref_squeeze %dma_wait3A_1490 : memref<1x1x80xi32, #tpu.memory_space<vmem>> -> memref<80xi32, #tpu.memory_space<vmem>>
    %dma_wait3A_1492 = arith.constant 0 : i32
    %dma_wait3A_1493 = arith.constant 0 : i32
    %dma_wait3A_1494 = tpu.memref_slice %arg2[%dma_wait3A_1492, %dma_wait3A_1493] : memref<1000000x64xf32, #tpu.memory_space<hbm>> -> memref<1000000x64xf32, #tpu.memory_space<hbm>>
    tpu.wait_indirect_dma semaphore(%arg19 : memref<!tpu.dma_semaphore, #tpu.memory_space<semaphore_mem>>) src(%dma_wait3A_1494 : memref<1000000x64xf32, #tpu.memory_space<hbm>>) dst(%arg13 : memref<80x64xf32, #tpu.memory_space<vmem>>)
    %dma_start3A_1495 = arith.constant 3 : i32
    %dma_start3A_1496 = arith.constant 17 : i32
    %dma_start3A_1497 = arith.constant 0 : i32
    %dma_start3A_1498 = tpu.memref_slice %arg7[%dma_start3A_1495, %dma_start3A_1496, %dma_start3A_1497] : memref<4x20x80xi32, #tpu.memory_space<vmem>> -> memref<1x1x80xi32, #tpu.memory_space<vmem>>
    %dma_start3A_1499 = tpu.memref_squeeze %dma_start3A_1498 : memref<1x1x80xi32, #tpu.memory_space<vmem>> -> memref<80xi32, #tpu.memory_space<vmem>>
    %dma_start3A_1500 = arith.constant 0 : i32
    %dma_start3A_1501 = arith.constant 0 : i32
    %dma_start3A_1502 = tpu.memref_slice %arg3[%dma_start3A_1500, %dma_start3A_1501] : memref<1000x64xf32, #tpu.memory_space<hbm>> -> memref<1000x64xf32, #tpu.memory_space<hbm>>
    tpu.enqueue_indirect_dma source(%dma_start3A_1502 : memref<1000x64xf32, #tpu.memory_space<hbm>>) target(%arg13 : memref<80x64xf32, #tpu.memory_space<vmem>>) offsets(%dma_start3A_1499 : memref<80xi32, #tpu.memory_space<vmem>>) semaphore(%arg19 : memref<!tpu.dma_semaphore, #tpu.memory_space<semaphore_mem>>) {add = true}
    %dma_wait3A_1503 = arith.constant 3 : i32
    %dma_wait3A_1504 = arith.constant 16 : i32
    %dma_wait3A_1505 = arith.constant 0 : i32
    %dma_wait3A_1506 = tpu.memref_slice %arg7[%dma_wait3A_1503, %dma_wait3A_1504, %dma_wait3A_1505] : memref<4x20x80xi32, #tpu.memory_space<vmem>> -> memref<1x1x80xi32, #tpu.memory_space<vmem>>
    %dma_wait3A_1507 = tpu.memref_squeeze %dma_wait3A_1506 : memref<1x1x80xi32, #tpu.memory_space<vmem>> -> memref<80xi32, #tpu.memory_space<vmem>>
    %dma_wait3A_1508 = arith.constant 0 : i32
    %dma_wait3A_1509 = arith.constant 0 : i32
    %dma_wait3A_1510 = tpu.memref_slice %arg3[%dma_wait3A_1508, %dma_wait3A_1509] : memref<1000x64xf32, #tpu.memory_space<hbm>> -> memref<1000x64xf32, #tpu.memory_space<hbm>>
    tpu.wait_indirect_dma semaphore(%arg17 : memref<!tpu.dma_semaphore, #tpu.memory_space<semaphore_mem>>) src(%dma_wait3A_1510 : memref<1000x64xf32, #tpu.memory_space<hbm>>) dst(%arg11 : memref<80x64xf32, #tpu.memory_space<vmem>>)
    %add3A_1511 = arith.constant 1280 : i32
    %add3A_1512 = arith.addi %mul3A_2, %add3A_1511 : i32
    %multiple_of3A_1513 = tpu.assume_multiple %add3A_1512, 8 : i32
    %dma_start3A_1514 = arith.constant 0 : i32
    %dma_start3A_1515 = tpu.memref_slice %arg6[%multiple_of3A_1513, %dma_start3A_1514] : memref<51200x64xf32, #tpu.memory_space<hbm>> -> memref<80x64xf32, #tpu.memory_space<hbm>>
    %dma_start3A_1516 = arith.constant 0 : i32
    %dma_start3A_1517 = tpu.memref_slice %arg6[%multiple_of3A_1513, %dma_start3A_1516] : memref<51200x64xf32, #tpu.memory_space<hbm>> -> memref<80x64xf32, #tpu.memory_space<hbm>>
    tpu.enqueue_dma source(%arg11 : memref<80x64xf32, #tpu.memory_space<vmem>>) target(%dma_start3A_1517 : memref<80x64xf32, #tpu.memory_space<hbm>>) target_semaphore(%arg23 : memref<!tpu.dma_semaphore, #tpu.memory_space<semaphore_mem>>)
    %dma_wait3A_1518 = arith.constant 0 : i32
    %dma_wait3A_1519 = tpu.memref_slice %arg5[%multiple_of3A_1470, %dma_wait3A_1518] : memref<51200x64xf32, #tpu.memory_space<hbm>> -> memref<80x64xf32, #tpu.memory_space<hbm>>
    %dma_wait3A_1520 = arith.constant 0 : i32
    %dma_wait3A_1521 = tpu.memref_slice %arg5[%multiple_of3A_1470, %dma_wait3A_1520] : memref<51200x64xf32, #tpu.memory_space<hbm>> -> memref<80x64xf32, #tpu.memory_space<hbm>>
    tpu.wait_dma2 semaphore(%arg22 : memref<!tpu.dma_semaphore, #tpu.memory_space<semaphore_mem>>) src(%arg10 : memref<80x64xf32, #tpu.memory_space<vmem>>) dst(%dma_wait3A_1521 : memref<80x64xf32, #tpu.memory_space<hbm>>)
    %dma_start3A_1522 = arith.constant 0 : i32
    %dma_start3A_1523 = arith.constant 19 : i32
    %dma_start3A_1524 = arith.constant 0 : i32
    %dma_start3A_1525 = tpu.memref_slice %arg7[%dma_start3A_1522, %dma_start3A_1523, %dma_start3A_1524] : memref<4x20x80xi32, #tpu.memory_space<vmem>> -> memref<1x1x80xi32, #tpu.memory_space<vmem>>
    %dma_start3A_1526 = tpu.memref_squeeze %dma_start3A_1525 : memref<1x1x80xi32, #tpu.memory_space<vmem>> -> memref<80xi32, #tpu.memory_space<vmem>>
    %dma_start3A_1527 = arith.constant 0 : i32
    %dma_start3A_1528 = arith.constant 0 : i32
    %dma_start3A_1529 = tpu.memref_slice %arg2[%dma_start3A_1527, %dma_start3A_1528] : memref<1000000x64xf32, #tpu.memory_space<hbm>> -> memref<1000000x64xf32, #tpu.memory_space<hbm>>
    tpu.enqueue_indirect_dma source(%dma_start3A_1529 : memref<1000000x64xf32, #tpu.memory_space<hbm>>) target(%arg10 : memref<80x64xf32, #tpu.memory_space<vmem>>) offsets(%dma_start3A_1526 : memref<80xi32, #tpu.memory_space<vmem>>) semaphore(%arg16 : memref<!tpu.dma_semaphore, #tpu.memory_space<semaphore_mem>>)
    %dma_wait3A_1530 = arith.constant 0 : i32
    %dma_wait3A_1531 = arith.constant 18 : i32
    %dma_wait3A_1532 = arith.constant 0 : i32
    %dma_wait3A_1533 = tpu.memref_slice %arg7[%dma_wait3A_1530, %dma_wait3A_1531, %dma_wait3A_1532] : memref<4x20x80xi32, #tpu.memory_space<vmem>> -> memref<1x1x80xi32, #tpu.memory_space<vmem>>
    %dma_wait3A_1534 = tpu.memref_squeeze %dma_wait3A_1533 : memref<1x1x80xi32, #tpu.memory_space<vmem>> -> memref<80xi32, #tpu.memory_space<vmem>>
    %dma_wait3A_1535 = arith.constant 0 : i32
    %dma_wait3A_1536 = arith.constant 0 : i32
    %dma_wait3A_1537 = tpu.memref_slice %arg2[%dma_wait3A_1535, %dma_wait3A_1536] : memref<1000000x64xf32, #tpu.memory_space<hbm>> -> memref<1000000x64xf32, #tpu.memory_space<hbm>>
    tpu.wait_indirect_dma semaphore(%arg14 : memref<!tpu.dma_semaphore, #tpu.memory_space<semaphore_mem>>) src(%dma_wait3A_1537 : memref<1000000x64xf32, #tpu.memory_space<hbm>>) dst(%arg8 : memref<80x64xf32, #tpu.memory_space<vmem>>)
    %dma_start3A_1538 = arith.constant 1 : i32
    %dma_start3A_1539 = arith.constant 18 : i32
    %dma_start3A_1540 = arith.constant 0 : i32
    %dma_start3A_1541 = tpu.memref_slice %arg7[%dma_start3A_1538, %dma_start3A_1539, %dma_start3A_1540] : memref<4x20x80xi32, #tpu.memory_space<vmem>> -> memref<1x1x80xi32, #tpu.memory_space<vmem>>
    %dma_start3A_1542 = tpu.memref_squeeze %dma_start3A_1541 : memref<1x1x80xi32, #tpu.memory_space<vmem>> -> memref<80xi32, #tpu.memory_space<vmem>>
    %dma_start3A_1543 = arith.constant 0 : i32
    %dma_start3A_1544 = arith.constant 0 : i32
    %dma_start3A_1545 = tpu.memref_slice %arg3[%dma_start3A_1543, %dma_start3A_1544] : memref<1000x64xf32, #tpu.memory_space<hbm>> -> memref<1000x64xf32, #tpu.memory_space<hbm>>
    tpu.enqueue_indirect_dma source(%dma_start3A_1545 : memref<1000x64xf32, #tpu.memory_space<hbm>>) target(%arg8 : memref<80x64xf32, #tpu.memory_space<vmem>>) offsets(%dma_start3A_1542 : memref<80xi32, #tpu.memory_space<vmem>>) semaphore(%arg14 : memref<!tpu.dma_semaphore, #tpu.memory_space<semaphore_mem>>) {add = true}
    %dma_wait3A_1546 = arith.constant 1 : i32
    %dma_wait3A_1547 = arith.constant 17 : i32
    %dma_wait3A_1548 = arith.constant 0 : i32
    %dma_wait3A_1549 = tpu.memref_slice %arg7[%dma_wait3A_1546, %dma_wait3A_1547, %dma_wait3A_1548] : memref<4x20x80xi32, #tpu.memory_space<vmem>> -> memref<1x1x80xi32, #tpu.memory_space<vmem>>
    %dma_wait3A_1550 = tpu.memref_squeeze %dma_wait3A_1549 : memref<1x1x80xi32, #tpu.memory_space<vmem>> -> memref<80xi32, #tpu.memory_space<vmem>>
    %dma_wait3A_1551 = arith.constant 0 : i32
    %dma_wait3A_1552 = arith.constant 0 : i32
    %dma_wait3A_1553 = tpu.memref_slice %arg3[%dma_wait3A_1551, %dma_wait3A_1552] : memref<1000x64xf32, #tpu.memory_space<hbm>> -> memref<1000x64xf32, #tpu.memory_space<hbm>>
    tpu.wait_indirect_dma semaphore(%arg18 : memref<!tpu.dma_semaphore, #tpu.memory_space<semaphore_mem>>) src(%dma_wait3A_1553 : memref<1000x64xf32, #tpu.memory_space<hbm>>) dst(%arg12 : memref<80x64xf32, #tpu.memory_space<vmem>>)
    %add3A_1554 = arith.constant 1360 : i32
    %add3A_1555 = arith.addi %mul3A_2, %add3A_1554 : i32
    %multiple_of3A_1556 = tpu.assume_multiple %add3A_1555, 8 : i32
    %dma_start3A_1557 = arith.constant 0 : i32
    %dma_start3A_1558 = tpu.memref_slice %arg5[%multiple_of3A_1556, %dma_start3A_1557] : memref<51200x64xf32, #tpu.memory_space<hbm>> -> memref<80x64xf32, #tpu.memory_space<hbm>>
    %dma_start3A_1559 = arith.constant 0 : i32
    %dma_start3A_1560 = tpu.memref_slice %arg5[%multiple_of3A_1556, %dma_start3A_1559] : memref<51200x64xf32, #tpu.memory_space<hbm>> -> memref<80x64xf32, #tpu.memory_space<hbm>>
    tpu.enqueue_dma source(%arg12 : memref<80x64xf32, #tpu.memory_space<vmem>>) target(%dma_start3A_1560 : memref<80x64xf32, #tpu.memory_space<hbm>>) target_semaphore(%arg24 : memref<!tpu.dma_semaphore, #tpu.memory_space<semaphore_mem>>)
    %dma_wait3A_1561 = arith.constant 0 : i32
    %dma_wait3A_1562 = tpu.memref_slice %arg6[%multiple_of3A_1513, %dma_wait3A_1561] : memref<51200x64xf32, #tpu.memory_space<hbm>> -> memref<80x64xf32, #tpu.memory_space<hbm>>
    %dma_wait3A_1563 = arith.constant 0 : i32
    %dma_wait3A_1564 = tpu.memref_slice %arg6[%multiple_of3A_1513, %dma_wait3A_1563] : memref<51200x64xf32, #tpu.memory_space<hbm>> -> memref<80x64xf32, #tpu.memory_space<hbm>>
    tpu.wait_dma2 semaphore(%arg23 : memref<!tpu.dma_semaphore, #tpu.memory_space<semaphore_mem>>) src(%arg11 : memref<80x64xf32, #tpu.memory_space<vmem>>) dst(%dma_wait3A_1564 : memref<80x64xf32, #tpu.memory_space<hbm>>)
    %dma_start3A_1565 = arith.constant 2 : i32
    %dma_start3A_1566 = arith.constant 19 : i32
    %dma_start3A_1567 = arith.constant 0 : i32
    %dma_start3A_1568 = tpu.memref_slice %arg7[%dma_start3A_1565, %dma_start3A_1566, %dma_start3A_1567] : memref<4x20x80xi32, #tpu.memory_space<vmem>> -> memref<1x1x80xi32, #tpu.memory_space<vmem>>
    %dma_start3A_1569 = tpu.memref_squeeze %dma_start3A_1568 : memref<1x1x80xi32, #tpu.memory_space<vmem>> -> memref<80xi32, #tpu.memory_space<vmem>>
    %dma_start3A_1570 = arith.constant 0 : i32
    %dma_start3A_1571 = arith.constant 0 : i32
    %dma_start3A_1572 = tpu.memref_slice %arg2[%dma_start3A_1570, %dma_start3A_1571] : memref<1000000x64xf32, #tpu.memory_space<hbm>> -> memref<1000000x64xf32, #tpu.memory_space<hbm>>
    tpu.enqueue_indirect_dma source(%dma_start3A_1572 : memref<1000000x64xf32, #tpu.memory_space<hbm>>) target(%arg11 : memref<80x64xf32, #tpu.memory_space<vmem>>) offsets(%dma_start3A_1569 : memref<80xi32, #tpu.memory_space<vmem>>) semaphore(%arg17 : memref<!tpu.dma_semaphore, #tpu.memory_space<semaphore_mem>>)
    %dma_wait3A_1573 = arith.constant 2 : i32
    %dma_wait3A_1574 = arith.constant 18 : i32
    %dma_wait3A_1575 = arith.constant 0 : i32
    %dma_wait3A_1576 = tpu.memref_slice %arg7[%dma_wait3A_1573, %dma_wait3A_1574, %dma_wait3A_1575] : memref<4x20x80xi32, #tpu.memory_space<vmem>> -> memref<1x1x80xi32, #tpu.memory_space<vmem>>
    %dma_wait3A_1577 = tpu.memref_squeeze %dma_wait3A_1576 : memref<1x1x80xi32, #tpu.memory_space<vmem>> -> memref<80xi32, #tpu.memory_space<vmem>>
    %dma_wait3A_1578 = arith.constant 0 : i32
    %dma_wait3A_1579 = arith.constant 0 : i32
    %dma_wait3A_1580 = tpu.memref_slice %arg2[%dma_wait3A_1578, %dma_wait3A_1579] : memref<1000000x64xf32, #tpu.memory_space<hbm>> -> memref<1000000x64xf32, #tpu.memory_space<hbm>>
    tpu.wait_indirect_dma semaphore(%arg15 : memref<!tpu.dma_semaphore, #tpu.memory_space<semaphore_mem>>) src(%dma_wait3A_1580 : memref<1000000x64xf32, #tpu.memory_space<hbm>>) dst(%arg9 : memref<80x64xf32, #tpu.memory_space<vmem>>)
    %dma_start3A_1581 = arith.constant 3 : i32
    %dma_start3A_1582 = arith.constant 18 : i32
    %dma_start3A_1583 = arith.constant 0 : i32
    %dma_start3A_1584 = tpu.memref_slice %arg7[%dma_start3A_1581, %dma_start3A_1582, %dma_start3A_1583] : memref<4x20x80xi32, #tpu.memory_space<vmem>> -> memref<1x1x80xi32, #tpu.memory_space<vmem>>
    %dma_start3A_1585 = tpu.memref_squeeze %dma_start3A_1584 : memref<1x1x80xi32, #tpu.memory_space<vmem>> -> memref<80xi32, #tpu.memory_space<vmem>>
    %dma_start3A_1586 = arith.constant 0 : i32
    %dma_start3A_1587 = arith.constant 0 : i32
    %dma_start3A_1588 = tpu.memref_slice %arg3[%dma_start3A_1586, %dma_start3A_1587] : memref<1000x64xf32, #tpu.memory_space<hbm>> -> memref<1000x64xf32, #tpu.memory_space<hbm>>
    tpu.enqueue_indirect_dma source(%dma_start3A_1588 : memref<1000x64xf32, #tpu.memory_space<hbm>>) target(%arg9 : memref<80x64xf32, #tpu.memory_space<vmem>>) offsets(%dma_start3A_1585 : memref<80xi32, #tpu.memory_space<vmem>>) semaphore(%arg15 : memref<!tpu.dma_semaphore, #tpu.memory_space<semaphore_mem>>) {add = true}
    %dma_wait3A_1589 = arith.constant 3 : i32
    %dma_wait3A_1590 = arith.constant 17 : i32
    %dma_wait3A_1591 = arith.constant 0 : i32
    %dma_wait3A_1592 = tpu.memref_slice %arg7[%dma_wait3A_1589, %dma_wait3A_1590, %dma_wait3A_1591] : memref<4x20x80xi32, #tpu.memory_space<vmem>> -> memref<1x1x80xi32, #tpu.memory_space<vmem>>
    %dma_wait3A_1593 = tpu.memref_squeeze %dma_wait3A_1592 : memref<1x1x80xi32, #tpu.memory_space<vmem>> -> memref<80xi32, #tpu.memory_space<vmem>>
    %dma_wait3A_1594 = arith.constant 0 : i32
    %dma_wait3A_1595 = arith.constant 0 : i32
    %dma_wait3A_1596 = tpu.memref_slice %arg3[%dma_wait3A_1594, %dma_wait3A_1595] : memref<1000x64xf32, #tpu.memory_space<hbm>> -> memref<1000x64xf32, #tpu.memory_space<hbm>>
    tpu.wait_indirect_dma semaphore(%arg19 : memref<!tpu.dma_semaphore, #tpu.memory_space<semaphore_mem>>) src(%dma_wait3A_1596 : memref<1000x64xf32, #tpu.memory_space<hbm>>) dst(%arg13 : memref<80x64xf32, #tpu.memory_space<vmem>>)
    %add3A_1597 = arith.constant 1360 : i32
    %add3A_1598 = arith.addi %mul3A_2, %add3A_1597 : i32
    %multiple_of3A_1599 = tpu.assume_multiple %add3A_1598, 8 : i32
    %dma_start3A_1600 = arith.constant 0 : i32
    %dma_start3A_1601 = tpu.memref_slice %arg6[%multiple_of3A_1599, %dma_start3A_1600] : memref<51200x64xf32, #tpu.memory_space<hbm>> -> memref<80x64xf32, #tpu.memory_space<hbm>>
    %dma_start3A_1602 = arith.constant 0 : i32
    %dma_start3A_1603 = tpu.memref_slice %arg6[%multiple_of3A_1599, %dma_start3A_1602] : memref<51200x64xf32, #tpu.memory_space<hbm>> -> memref<80x64xf32, #tpu.memory_space<hbm>>
    tpu.enqueue_dma source(%arg13 : memref<80x64xf32, #tpu.memory_space<vmem>>) target(%dma_start3A_1603 : memref<80x64xf32, #tpu.memory_space<hbm>>) target_semaphore(%arg25 : memref<!tpu.dma_semaphore, #tpu.memory_space<semaphore_mem>>)
    %dma_wait3A_1604 = arith.constant 0 : i32
    %dma_wait3A_1605 = arith.constant 19 : i32
    %dma_wait3A_1606 = arith.constant 0 : i32
    %dma_wait3A_1607 = tpu.memref_slice %arg7[%dma_wait3A_1604, %dma_wait3A_1605, %dma_wait3A_1606] : memref<4x20x80xi32, #tpu.memory_space<vmem>> -> memref<1x1x80xi32, #tpu.memory_space<vmem>>
    %dma_wait3A_1608 = tpu.memref_squeeze %dma_wait3A_1607 : memref<1x1x80xi32, #tpu.memory_space<vmem>> -> memref<80xi32, #tpu.memory_space<vmem>>
    %dma_wait3A_1609 = arith.constant 0 : i32
    %dma_wait3A_1610 = arith.constant 0 : i32
    %dma_wait3A_1611 = tpu.memref_slice %arg2[%dma_wait3A_1609, %dma_wait3A_1610] : memref<1000000x64xf32, #tpu.memory_space<hbm>> -> memref<1000000x64xf32, #tpu.memory_space<hbm>>
    tpu.wait_indirect_dma semaphore(%arg16 : memref<!tpu.dma_semaphore, #tpu.memory_space<semaphore_mem>>) src(%dma_wait3A_1611 : memref<1000000x64xf32, #tpu.memory_space<hbm>>) dst(%arg10 : memref<80x64xf32, #tpu.memory_space<vmem>>)
    %dma_start3A_1612 = arith.constant 1 : i32
    %dma_start3A_1613 = arith.constant 19 : i32
    %dma_start3A_1614 = arith.constant 0 : i32
    %dma_start3A_1615 = tpu.memref_slice %arg7[%dma_start3A_1612, %dma_start3A_1613, %dma_start3A_1614] : memref<4x20x80xi32, #tpu.memory_space<vmem>> -> memref<1x1x80xi32, #tpu.memory_space<vmem>>
    %dma_start3A_1616 = tpu.memref_squeeze %dma_start3A_1615 : memref<1x1x80xi32, #tpu.memory_space<vmem>> -> memref<80xi32, #tpu.memory_space<vmem>>
    %dma_start3A_1617 = arith.constant 0 : i32
    %dma_start3A_1618 = arith.constant 0 : i32
    %dma_start3A_1619 = tpu.memref_slice %arg3[%dma_start3A_1617, %dma_start3A_1618] : memref<1000x64xf32, #tpu.memory_space<hbm>> -> memref<1000x64xf32, #tpu.memory_space<hbm>>
    tpu.enqueue_indirect_dma source(%dma_start3A_1619 : memref<1000x64xf32, #tpu.memory_space<hbm>>) target(%arg10 : memref<80x64xf32, #tpu.memory_space<vmem>>) offsets(%dma_start3A_1616 : memref<80xi32, #tpu.memory_space<vmem>>) semaphore(%arg16 : memref<!tpu.dma_semaphore, #tpu.memory_space<semaphore_mem>>) {add = true}
    %dma_wait3A_1620 = arith.constant 1 : i32
    %dma_wait3A_1621 = arith.constant 18 : i32
    %dma_wait3A_1622 = arith.constant 0 : i32
    %dma_wait3A_1623 = tpu.memref_slice %arg7[%dma_wait3A_1620, %dma_wait3A_1621, %dma_wait3A_1622] : memref<4x20x80xi32, #tpu.memory_space<vmem>> -> memref<1x1x80xi32, #tpu.memory_space<vmem>>
    %dma_wait3A_1624 = tpu.memref_squeeze %dma_wait3A_1623 : memref<1x1x80xi32, #tpu.memory_space<vmem>> -> memref<80xi32, #tpu.memory_space<vmem>>
    %dma_wait3A_1625 = arith.constant 0 : i32
    %dma_wait3A_1626 = arith.constant 0 : i32
    %dma_wait3A_1627 = tpu.memref_slice %arg3[%dma_wait3A_1625, %dma_wait3A_1626] : memref<1000x64xf32, #tpu.memory_space<hbm>> -> memref<1000x64xf32, #tpu.memory_space<hbm>>
    tpu.wait_indirect_dma semaphore(%arg14 : memref<!tpu.dma_semaphore, #tpu.memory_space<semaphore_mem>>) src(%dma_wait3A_1627 : memref<1000x64xf32, #tpu.memory_space<hbm>>) dst(%arg8 : memref<80x64xf32, #tpu.memory_space<vmem>>)
    %add3A_1628 = arith.constant 1440 : i32
    %add3A_1629 = arith.addi %mul3A_2, %add3A_1628 : i32
    %multiple_of3A_1630 = tpu.assume_multiple %add3A_1629, 8 : i32
    %dma_start3A_1631 = arith.constant 0 : i32
    %dma_start3A_1632 = tpu.memref_slice %arg5[%multiple_of3A_1630, %dma_start3A_1631] : memref<51200x64xf32, #tpu.memory_space<hbm>> -> memref<80x64xf32, #tpu.memory_space<hbm>>
    %dma_start3A_1633 = arith.constant 0 : i32
    %dma_start3A_1634 = tpu.memref_slice %arg5[%multiple_of3A_1630, %dma_start3A_1633] : memref<51200x64xf32, #tpu.memory_space<hbm>> -> memref<80x64xf32, #tpu.memory_space<hbm>>
    tpu.enqueue_dma source(%arg8 : memref<80x64xf32, #tpu.memory_space<vmem>>) target(%dma_start3A_1634 : memref<80x64xf32, #tpu.memory_space<hbm>>) target_semaphore(%arg20 : memref<!tpu.dma_semaphore, #tpu.memory_space<semaphore_mem>>)
    %dma_wait3A_1635 = arith.constant 2 : i32
    %dma_wait3A_1636 = arith.constant 19 : i32
    %dma_wait3A_1637 = arith.constant 0 : i32
    %dma_wait3A_1638 = tpu.memref_slice %arg7[%dma_wait3A_1635, %dma_wait3A_1636, %dma_wait3A_1637] : memref<4x20x80xi32, #tpu.memory_space<vmem>> -> memref<1x1x80xi32, #tpu.memory_space<vmem>>
    %dma_wait3A_1639 = tpu.memref_squeeze %dma_wait3A_1638 : memref<1x1x80xi32, #tpu.memory_space<vmem>> -> memref<80xi32, #tpu.memory_space<vmem>>
    %dma_wait3A_1640 = arith.constant 0 : i32
    %dma_wait3A_1641 = arith.constant 0 : i32
    %dma_wait3A_1642 = tpu.memref_slice %arg2[%dma_wait3A_1640, %dma_wait3A_1641] : memref<1000000x64xf32, #tpu.memory_space<hbm>> -> memref<1000000x64xf32, #tpu.memory_space<hbm>>
    tpu.wait_indirect_dma semaphore(%arg17 : memref<!tpu.dma_semaphore, #tpu.memory_space<semaphore_mem>>) src(%dma_wait3A_1642 : memref<1000000x64xf32, #tpu.memory_space<hbm>>) dst(%arg11 : memref<80x64xf32, #tpu.memory_space<vmem>>)
    %dma_start3A_1643 = arith.constant 3 : i32
    %dma_start3A_1644 = arith.constant 19 : i32
    %dma_start3A_1645 = arith.constant 0 : i32
    %dma_start3A_1646 = tpu.memref_slice %arg7[%dma_start3A_1643, %dma_start3A_1644, %dma_start3A_1645] : memref<4x20x80xi32, #tpu.memory_space<vmem>> -> memref<1x1x80xi32, #tpu.memory_space<vmem>>
    %dma_start3A_1647 = tpu.memref_squeeze %dma_start3A_1646 : memref<1x1x80xi32, #tpu.memory_space<vmem>> -> memref<80xi32, #tpu.memory_space<vmem>>
    %dma_start3A_1648 = arith.constant 0 : i32
    %dma_start3A_1649 = arith.constant 0 : i32
    %dma_start3A_1650 = tpu.memref_slice %arg3[%dma_start3A_1648, %dma_start3A_1649] : memref<1000x64xf32, #tpu.memory_space<hbm>> -> memref<1000x64xf32, #tpu.memory_space<hbm>>
    tpu.enqueue_indirect_dma source(%dma_start3A_1650 : memref<1000x64xf32, #tpu.memory_space<hbm>>) target(%arg11 : memref<80x64xf32, #tpu.memory_space<vmem>>) offsets(%dma_start3A_1647 : memref<80xi32, #tpu.memory_space<vmem>>) semaphore(%arg17 : memref<!tpu.dma_semaphore, #tpu.memory_space<semaphore_mem>>) {add = true}
    %dma_wait3A_1651 = arith.constant 3 : i32
    %dma_wait3A_1652 = arith.constant 18 : i32
    %dma_wait3A_1653 = arith.constant 0 : i32
    %dma_wait3A_1654 = tpu.memref_slice %arg7[%dma_wait3A_1651, %dma_wait3A_1652, %dma_wait3A_1653] : memref<4x20x80xi32, #tpu.memory_space<vmem>> -> memref<1x1x80xi32, #tpu.memory_space<vmem>>
    %dma_wait3A_1655 = tpu.memref_squeeze %dma_wait3A_1654 : memref<1x1x80xi32, #tpu.memory_space<vmem>> -> memref<80xi32, #tpu.memory_space<vmem>>
    %dma_wait3A_1656 = arith.constant 0 : i32
    %dma_wait3A_1657 = arith.constant 0 : i32
    %dma_wait3A_1658 = tpu.memref_slice %arg3[%dma_wait3A_1656, %dma_wait3A_1657] : memref<1000x64xf32, #tpu.memory_space<hbm>> -> memref<1000x64xf32, #tpu.memory_space<hbm>>
    tpu.wait_indirect_dma semaphore(%arg15 : memref<!tpu.dma_semaphore, #tpu.memory_space<semaphore_mem>>) src(%dma_wait3A_1658 : memref<1000x64xf32, #tpu.memory_space<hbm>>) dst(%arg9 : memref<80x64xf32, #tpu.memory_space<vmem>>)
    %add3A_1659 = arith.constant 1440 : i32
    %add3A_1660 = arith.addi %mul3A_2, %add3A_1659 : i32
    %multiple_of3A_1661 = tpu.assume_multiple %add3A_1660, 8 : i32
    %dma_start3A_1662 = arith.constant 0 : i32
    %dma_start3A_1663 = tpu.memref_slice %arg6[%multiple_of3A_1661, %dma_start3A_1662] : memref<51200x64xf32, #tpu.memory_space<hbm>> -> memref<80x64xf32, #tpu.memory_space<hbm>>
    %dma_start3A_1664 = arith.constant 0 : i32
    %dma_start3A_1665 = tpu.memref_slice %arg6[%multiple_of3A_1661, %dma_start3A_1664] : memref<51200x64xf32, #tpu.memory_space<hbm>> -> memref<80x64xf32, #tpu.memory_space<hbm>>
    tpu.enqueue_dma source(%arg9 : memref<80x64xf32, #tpu.memory_space<vmem>>) target(%dma_start3A_1665 : memref<80x64xf32, #tpu.memory_space<hbm>>) target_semaphore(%arg21 : memref<!tpu.dma_semaphore, #tpu.memory_space<semaphore_mem>>)
    %dma_wait3A_1666 = arith.constant 1 : i32
    %dma_wait3A_1667 = arith.constant 19 : i32
    %dma_wait3A_1668 = arith.constant 0 : i32
    %dma_wait3A_1669 = tpu.memref_slice %arg7[%dma_wait3A_1666, %dma_wait3A_1667, %dma_wait3A_1668] : memref<4x20x80xi32, #tpu.memory_space<vmem>> -> memref<1x1x80xi32, #tpu.memory_space<vmem>>
    %dma_wait3A_1670 = tpu.memref_squeeze %dma_wait3A_1669 : memref<1x1x80xi32, #tpu.memory_space<vmem>> -> memref<80xi32, #tpu.memory_space<vmem>>
    %dma_wait3A_1671 = arith.constant 0 : i32
    %dma_wait3A_1672 = arith.constant 0 : i32
    %dma_wait3A_1673 = tpu.memref_slice %arg3[%dma_wait3A_1671, %dma_wait3A_1672] : memref<1000x64xf32, #tpu.memory_space<hbm>> -> memref<1000x64xf32, #tpu.memory_space<hbm>>
    tpu.wait_indirect_dma semaphore(%arg16 : memref<!tpu.dma_semaphore, #tpu.memory_space<semaphore_mem>>) src(%dma_wait3A_1673 : memref<1000x64xf32, #tpu.memory_space<hbm>>) dst(%arg10 : memref<80x64xf32, #tpu.memory_space<vmem>>)
    %add3A_1674 = arith.constant 1520 : i32
    %add3A_1675 = arith.addi %mul3A_2, %add3A_1674 : i32
    %multiple_of3A_1676 = tpu.assume_multiple %add3A_1675, 8 : i32
    %dma_start3A_1677 = arith.constant 0 : i32
    %dma_start3A_1678 = tpu.memref_slice %arg5[%multiple_of3A_1676, %dma_start3A_1677] : memref<51200x64xf32, #tpu.memory_space<hbm>> -> memref<80x64xf32, #tpu.memory_space<hbm>>
    %dma_start3A_1679 = arith.constant 0 : i32
    %dma_start3A_1680 = tpu.memref_slice %arg5[%multiple_of3A_1676, %dma_start3A_1679] : memref<51200x64xf32, #tpu.memory_space<hbm>> -> memref<80x64xf32, #tpu.memory_space<hbm>>
    tpu.enqueue_dma source(%arg10 : memref<80x64xf32, #tpu.memory_space<vmem>>) target(%dma_start3A_1680 : memref<80x64xf32, #tpu.memory_space<hbm>>) target_semaphore(%arg22 : memref<!tpu.dma_semaphore, #tpu.memory_space<semaphore_mem>>)
    %dma_wait3A_1681 = arith.constant 3 : i32
    %dma_wait3A_1682 = arith.constant 19 : i32
    %dma_wait3A_1683 = arith.constant 0 : i32
    %dma_wait3A_1684 = tpu.memref_slice %arg7[%dma_wait3A_1681, %dma_wait3A_1682, %dma_wait3A_1683] : memref<4x20x80xi32, #tpu.memory_space<vmem>> -> memref<1x1x80xi32, #tpu.memory_space<vmem>>
    %dma_wait3A_1685 = tpu.memref_squeeze %dma_wait3A_1684 : memref<1x1x80xi32, #tpu.memory_space<vmem>> -> memref<80xi32, #tpu.memory_space<vmem>>
    %dma_wait3A_1686 = arith.constant 0 : i32
    %dma_wait3A_1687 = arith.constant 0 : i32
    %dma_wait3A_1688 = tpu.memref_slice %arg3[%dma_wait3A_1686, %dma_wait3A_1687] : memref<1000x64xf32, #tpu.memory_space<hbm>> -> memref<1000x64xf32, #tpu.memory_space<hbm>>
    tpu.wait_indirect_dma semaphore(%arg17 : memref<!tpu.dma_semaphore, #tpu.memory_space<semaphore_mem>>) src(%dma_wait3A_1688 : memref<1000x64xf32, #tpu.memory_space<hbm>>) dst(%arg11 : memref<80x64xf32, #tpu.memory_space<vmem>>)
    %add3A_1689 = arith.constant 1520 : i32
    %add3A_1690 = arith.addi %mul3A_2, %add3A_1689 : i32
    %multiple_of3A_1691 = tpu.assume_multiple %add3A_1690, 8 : i32
    %dma_start3A_1692 = arith.constant 0 : i32
    %dma_start3A_1693 = tpu.memref_slice %arg6[%multiple_of3A_1691, %dma_start3A_1692] : memref<51200x64xf32, #tpu.memory_space<hbm>> -> memref<80x64xf32, #tpu.memory_space<hbm>>
    %dma_start3A_1694 = arith.constant 0 : i32
    %dma_start3A_1695 = tpu.memref_slice %arg6[%multiple_of3A_1691, %dma_start3A_1694] : memref<51200x64xf32, #tpu.memory_space<hbm>> -> memref<80x64xf32, #tpu.memory_space<hbm>>
    tpu.enqueue_dma source(%arg11 : memref<80x64xf32, #tpu.memory_space<vmem>>) target(%dma_start3A_1695 : memref<80x64xf32, #tpu.memory_space<hbm>>) target_semaphore(%arg23 : memref<!tpu.dma_semaphore, #tpu.memory_space<semaphore_mem>>)
    %dma_wait3A_1696 = arith.constant 0 : i32
    %dma_wait3A_1697 = tpu.memref_slice %arg5[%multiple_of3A_1556, %dma_wait3A_1696] : memref<51200x64xf32, #tpu.memory_space<hbm>> -> memref<80x64xf32, #tpu.memory_space<hbm>>
    %dma_wait3A_1698 = arith.constant 0 : i32
    %dma_wait3A_1699 = tpu.memref_slice %arg5[%multiple_of3A_1556, %dma_wait3A_1698] : memref<51200x64xf32, #tpu.memory_space<hbm>> -> memref<80x64xf32, #tpu.memory_space<hbm>>
    tpu.wait_dma2 semaphore(%arg24 : memref<!tpu.dma_semaphore, #tpu.memory_space<semaphore_mem>>) src(%arg12 : memref<80x64xf32, #tpu.memory_space<vmem>>) dst(%dma_wait3A_1699 : memref<80x64xf32, #tpu.memory_space<hbm>>)
    %dma_wait3A_1700 = arith.constant 0 : i32
    %dma_wait3A_1701 = tpu.memref_slice %arg6[%multiple_of3A_1599, %dma_wait3A_1700] : memref<51200x64xf32, #tpu.memory_space<hbm>> -> memref<80x64xf32, #tpu.memory_space<hbm>>
    %dma_wait3A_1702 = arith.constant 0 : i32
    %dma_wait3A_1703 = tpu.memref_slice %arg6[%multiple_of3A_1599, %dma_wait3A_1702] : memref<51200x64xf32, #tpu.memory_space<hbm>> -> memref<80x64xf32, #tpu.memory_space<hbm>>
    tpu.wait_dma2 semaphore(%arg25 : memref<!tpu.dma_semaphore, #tpu.memory_space<semaphore_mem>>) src(%arg13 : memref<80x64xf32, #tpu.memory_space<vmem>>) dst(%dma_wait3A_1703 : memref<80x64xf32, #tpu.memory_space<hbm>>)
    %dma_wait3A_1704 = arith.constant 0 : i32
    %dma_wait3A_1705 = tpu.memref_slice %arg5[%multiple_of3A_1630, %dma_wait3A_1704] : memref<51200x64xf32, #tpu.memory_space<hbm>> -> memref<80x64xf32, #tpu.memory_space<hbm>>
    %dma_wait3A_1706 = arith.constant 0 : i32
    %dma_wait3A_1707 = tpu.memref_slice %arg5[%multiple_of3A_1630, %dma_wait3A_1706] : memref<51200x64xf32, #tpu.memory_space<hbm>> -> memref<80x64xf32, #tpu.memory_space<hbm>>
    tpu.wait_dma2 semaphore(%arg20 : memref<!tpu.dma_semaphore, #tpu.memory_space<semaphore_mem>>) src(%arg8 : memref<80x64xf32, #tpu.memory_space<vmem>>) dst(%dma_wait3A_1707 : memref<80x64xf32, #tpu.memory_space<hbm>>)
    %dma_wait3A_1708 = arith.constant 0 : i32
    %dma_wait3A_1709 = tpu.memref_slice %arg6[%multiple_of3A_1661, %dma_wait3A_1708] : memref<51200x64xf32, #tpu.memory_space<hbm>> -> memref<80x64xf32, #tpu.memory_space<hbm>>
    %dma_wait3A_1710 = arith.constant 0 : i32
    %dma_wait3A_1711 = tpu.memref_slice %arg6[%multiple_of3A_1661, %dma_wait3A_1710] : memref<51200x64xf32, #tpu.memory_space<hbm>> -> memref<80x64xf32, #tpu.memory_space<hbm>>
    tpu.wait_dma2 semaphore(%arg21 : memref<!tpu.dma_semaphore, #tpu.memory_space<semaphore_mem>>) src(%arg9 : memref<80x64xf32, #tpu.memory_space<vmem>>) dst(%dma_wait3A_1711 : memref<80x64xf32, #tpu.memory_space<hbm>>)
    %dma_wait3A_1712 = arith.constant 0 : i32
    %dma_wait3A_1713 = tpu.memref_slice %arg5[%multiple_of3A_1676, %dma_wait3A_1712] : memref<51200x64xf32, #tpu.memory_space<hbm>> -> memref<80x64xf32, #tpu.memory_space<hbm>>
    %dma_wait3A_1714 = arith.constant 0 : i32
    %dma_wait3A_1715 = tpu.memref_slice %arg5[%multiple_of3A_1676, %dma_wait3A_1714] : memref<51200x64xf32, #tpu.memory_space<hbm>> -> memref<80x64xf32, #tpu.memory_space<hbm>>
    tpu.wait_dma2 semaphore(%arg22 : memref<!tpu.dma_semaphore, #tpu.memory_space<semaphore_mem>>) src(%arg10 : memref<80x64xf32, #tpu.memory_space<vmem>>) dst(%dma_wait3A_1715 : memref<80x64xf32, #tpu.memory_space<hbm>>)
    %dma_wait3A_1716 = arith.constant 0 : i32
    %dma_wait3A_1717 = tpu.memref_slice %arg6[%multiple_of3A_1691, %dma_wait3A_1716] : memref<51200x64xf32, #tpu.memory_space<hbm>> -> memref<80x64xf32, #tpu.memory_space<hbm>>
    %dma_wait3A_1718 = arith.constant 0 : i32
    %dma_wait3A_1719 = tpu.memref_slice %arg6[%multiple_of3A_1691, %dma_wait3A_1718] : memref<51200x64xf32, #tpu.memory_space<hbm>> -> memref<80x64xf32, #tpu.memory_space<hbm>>
    tpu.wait_dma2 semaphore(%arg23 : memref<!tpu.dma_semaphore, #tpu.memory_space<semaphore_mem>>) src(%arg11 : memref<80x64xf32, #tpu.memory_space<vmem>>) dst(%dma_wait3A_1719 : memref<80x64xf32, #tpu.memory_space<hbm>>)
    return
  }
}

module attributes {stable_mosaic.version = 14 : i64} {
  func.func @_tc_body(%arg0: i32, %arg1: memref<2x1024x768xf32, #tpu.memory_space<vmem>>, %arg2: memref<2x1024x768xf32, #tpu.memory_space<vmem>>, %arg3: memref<2x1x1024xf32, #tpu.memory_space<vmem>>, %arg4: memref<2x1x1024xi32, #tpu.memory_space<vmem>>, %arg5: memref<2x1024x64xf32, #tpu.memory_space<vmem>>, %arg6: memref<2x1024x64xf32, #tpu.memory_space<vmem>>, %arg7: memref<2x1x64xf32, #tpu.memory_space<vmem>>, %arg8: memref<768x64xf32, #tpu.memory_space<vmem>>, %arg9: memref<1x64xf32, #tpu.memory_space<vmem>>, %arg10: memref<1x64xf32, #tpu.memory_space<vmem>>, %arg11: memref<1x64xf32, #tpu.memory_space<vmem>>, %arg12: memref<4x64xf32, #tpu.memory_space<vmem>>, %arg13: memref<2x64x1024xf32, #tpu.memory_space<vmem>>, %arg14: memref<2x64x1024xf32, #tpu.memory_space<vmem>>, %arg15: memref<2x64x1024xf32, #tpu.memory_space<vmem>>) attributes {dimension_semantics = [#tpu.dimension_semantics<arbitrary>], iteration_bounds = array<i64: 25>, scalar_prefetch = 0 : i64, scratch_operands = 0 : i64, tpu.core_type = #tpu.core_type<tc>, window_params = [{transform_indices = @transform_0, window_bounds = array<i64: 2, 1024, 768>}, {transform_indices = @transform_1, window_bounds = array<i64: 2, 1024, 768>}, {transform_indices = @transform_2, window_bounds = array<i64: 2, 1, 1024>}, {transform_indices = @transform_3, window_bounds = array<i64: 2, 1, 1024>}, {transform_indices = @transform_4, window_bounds = array<i64: 2, 1024, 64>}, {transform_indices = @transform_5, window_bounds = array<i64: 2, 1024, 64>}, {transform_indices = @transform_6, window_bounds = array<i64: 2, 1, 64>}, {pipeline_mode = #tpu.pipeline_mode<synchronous>, transform_indices = @transform_7, window_bounds = array<i64: 768, 64>}, {pipeline_mode = #tpu.pipeline_mode<synchronous>, transform_indices = @transform_8, window_bounds = array<i64: 1, 64>}, {pipeline_mode = #tpu.pipeline_mode<synchronous>, transform_indices = @transform_9, window_bounds = array<i64: 1, 64>}, {pipeline_mode = #tpu.pipeline_mode<synchronous>, transform_indices = @transform_10, window_bounds = array<i64: 1, 64>}, {pipeline_mode = #tpu.pipeline_mode<synchronous>, transform_indices = @transform_11, window_bounds = array<i64: 4, 64>}, {transform_indices = @transform_12, window_bounds = array<i64: 2, 64, 1024>}, {transform_indices = @transform_13, window_bounds = array<i64: 2, 64, 1024>}, {transform_indices = @transform_14, window_bounds = array<i64: 2, 64, 1024>}]} {
    %get3A = arith.constant 0 : index
    %get3A_0 = arith.constant 0 : index
    %get3A_1 = vector.load %arg8[%get3A, %get3A_0] : memref<768x64xf32, #tpu.memory_space<vmem>>, vector<768x64xf32>
    %get3A_2 = arith.constant 0 : index
    %get3A_3 = arith.constant 0 : index
    %get3A_4 = vector.load %arg9[%get3A_2, %get3A_3] : memref<1x64xf32, #tpu.memory_space<vmem>>, vector<1x64xf32>
    %get3A_5 = arith.constant 0 : index
    %get3A_6 = arith.constant 0 : index
    %get3A_7 = arith.constant 0 : index
    %get3A_8 = vector.load %arg7[%get3A_5, %get3A_6, %get3A_7] : memref<2x1x64xf32, #tpu.memory_space<vmem>>, vector<1x1x64xf32>
    %get3A_9 = vector.shape_cast %get3A_8 : vector<1x1x64xf32> to vector<1x64xf32>
    %get3A_10 = arith.constant 0 : index
    %get3A_11 = arith.constant 0 : index
    %get3A_12 = arith.constant 0 : index
    %get3A_13 = vector.load %arg1[%get3A_10, %get3A_11, %get3A_12] : memref<2x1024x768xf32, #tpu.memory_space<vmem>>, vector<1x1024x768xf32>
    %get3A_14 = vector.shape_cast %get3A_13 : vector<1x1024x768xf32> to vector<1024x768xf32>
    %dot_general3A = arith.constant dense<0.000000e+00> : vector<1024x64xf32>
    %dot_general3A_15 = tpu.matmul %get3A_14, %get3A_1, %dot_general3A {dimension_numbers = #tpu.dot_dimension_numbers<[1], [0], [0], [1], [0, 0, 1, 1], [], []>, transpose_lhs_hint = false} : vector<1024x768xf32>, vector<768x64xf32>, vector<1024x64xf32> -> vector<1024x64xf32>
    %add3A = vector.broadcast %get3A_4 : vector<1x64xf32> to vector<1024x64xf32>
    %add3A_16 = arith.addf %dot_general3A_15, %add3A : vector<1024x64xf32>
    %add3A_17 = vector.broadcast %get3A_9 : vector<1x64xf32> to vector<1024x64xf32>
    %add3A_18 = arith.addf %add3A_16, %add3A_17 : vector<1024x64xf32>
    %get3A_19 = arith.constant 0 : index
    %get3A_20 = arith.constant 0 : index
    %get3A_21 = arith.constant 0 : index
    %get3A_22 = vector.load %arg5[%get3A_19, %get3A_20, %get3A_21] : memref<2x1024x64xf32, #tpu.memory_space<vmem>>, vector<1x1024x64xf32>
    %get3A_23 = vector.shape_cast %get3A_22 : vector<1x1024x64xf32> to vector<1024x64xf32>
    %add3A_24 = arith.addf %add3A_18, %get3A_23 : vector<1024x64xf32>
    %transpose3A = tpu.transpose %add3A_24, [1, 0] : vector<1024x64xf32> -> vector<64x1024xf32>
    %swap3A = arith.constant 0 : index
    %swap3A_25 = arith.constant 0 : index
    %swap3A_26 = arith.constant 0 : index
    %swap3A_27 = vector.load %arg13[%swap3A, %swap3A_25, %swap3A_26] : memref<2x64x1024xf32, #tpu.memory_space<vmem>>, vector<1x64x1024xf32>
    %swap3A_28 = vector.shape_cast %swap3A_27 : vector<1x64x1024xf32> to vector<64x1024xf32>
    %swap3A_29 = vector.shape_cast %transpose3A : vector<64x1024xf32> to vector<1x64x1024xf32>
    tpu.vector_store %arg13[%swap3A, %swap3A_25, %swap3A_26], %swap3A_29 {strides = array<i32>} : memref<2x64x1024xf32, #tpu.memory_space<vmem>>, vector<1x64x1024xf32>,
    %get3A_30 = arith.constant 0 : index
    %get3A_31 = arith.constant 0 : index
    %get3A_32 = arith.constant 0 : index
    %get3A_33 = vector.load %arg3[%get3A_30, %get3A_31, %get3A_32] : memref<2x1x1024xf32, #tpu.memory_space<vmem>>, vector<1x1x1024xf32>
    %get3A_34 = vector.shape_cast %get3A_33 : vector<1x1x1024xf32> to vector<1x1024xf32>
    %reshape3A = vector.shape_cast %get3A_34 : vector<1x1024xf32> to vector<1024x1xf32>
    %get3A_35 = arith.constant 0 : index
    %get3A_36 = arith.constant 0 : index
    %get3A_37 = arith.constant 0 : index
    %get3A_38 = vector.load %arg4[%get3A_35, %get3A_36, %get3A_37] : memref<2x1x1024xi32, #tpu.memory_space<vmem>>, vector<1x1x1024xi32>
    %get3A_39 = vector.shape_cast %get3A_38 : vector<1x1x1024xi32> to vector<1x1024xi32>
    %reshape3A_40 = vector.shape_cast %get3A_39 : vector<1x1024xi32> to vector<1024x1xi32>
    %iota3A = tpu.iota {dimensions = array<i32: 1>} : vector<1x4xi32>
    %eq3A = vector.broadcast %reshape3A_40 : vector<1024x1xi32> to vector<1024x4xi32>
    %eq3A_41 = vector.broadcast %iota3A : vector<1x4xi32> to vector<1024x4xi32>
    %eq3A_42 = arith.cmpi eq, %eq3A, %eq3A_41 : vector<1024x4xi32>
    %convert_element_type3A = arith.extui %eq3A_42 : vector<1024x4xi1> to vector<1024x4xi32>
    %convert_element_type3A_43 = arith.sitofp %convert_element_type3A : vector<1024x4xi32> to vector<1024x4xf32>
    %get3A_44 = arith.constant 0 : index
    %get3A_45 = arith.constant 0 : index
    %get3A_46 = vector.load %arg12[%get3A_44, %get3A_45] : memref<4x64xf32, #tpu.memory_space<vmem>>, vector<4x64xf32>
    %dot_general3A_47 = arith.constant dense<0.000000e+00> : vector<1024x64xf32>
    %dot_general3A_48 = tpu.matmul %convert_element_type3A_43, %get3A_46, %dot_general3A_47 {dimension_numbers = #tpu.dot_dimension_numbers<[1], [0], [0], [1], [0, 0, 1, 1], [], []>, transpose_lhs_hint = false} : vector<1024x4xf32>, vector<4x64xf32>, vector<1024x64xf32> -> vector<1024x64xf32>
    %get3A_49 = arith.constant 0 : index
    %get3A_50 = arith.constant 0 : index
    %get3A_51 = vector.load %arg10[%get3A_49, %get3A_50] : memref<1x64xf32, #tpu.memory_space<vmem>>, vector<1x64xf32>
    %mul3A = vector.broadcast %reshape3A : vector<1024x1xf32> to vector<1024x64xf32>
    %mul3A_52 = vector.broadcast %get3A_51 : vector<1x64xf32> to vector<1024x64xf32>
    %mul3A_53 = arith.mulf %mul3A, %mul3A_52 : vector<1024x64xf32>
    %get3A_54 = arith.constant 0 : index
    %get3A_55 = arith.constant 0 : index
    %get3A_56 = vector.load %arg11[%get3A_54, %get3A_55] : memref<1x64xf32, #tpu.memory_space<vmem>>, vector<1x64xf32>
    %add3A_57 = vector.broadcast %get3A_56 : vector<1x64xf32> to vector<1024x64xf32>
    %add3A_58 = arith.addf %mul3A_53, %add3A_57 : vector<1024x64xf32>
    %add3A_59 = vector.broadcast %get3A_9 : vector<1x64xf32> to vector<1024x64xf32>
    %add3A_60 = arith.addf %add3A_58, %add3A_59 : vector<1024x64xf32>
    %add3A_61 = arith.addf %add3A_60, %dot_general3A_48 : vector<1024x64xf32>
    %transpose3A_62 = tpu.transpose %add3A_61, [1, 0] : vector<1024x64xf32> -> vector<64x1024xf32>
    %swap3A_63 = arith.constant 0 : index
    %swap3A_64 = arith.constant 0 : index
    %swap3A_65 = arith.constant 0 : index
    %swap3A_66 = vector.load %arg14[%swap3A_63, %swap3A_64, %swap3A_65] : memref<2x64x1024xf32, #tpu.memory_space<vmem>>, vector<1x64x1024xf32>
    %swap3A_67 = vector.shape_cast %swap3A_66 : vector<1x64x1024xf32> to vector<64x1024xf32>
    %swap3A_68 = vector.shape_cast %transpose3A_62 : vector<64x1024xf32> to vector<1x64x1024xf32>
    tpu.vector_store %arg14[%swap3A_63, %swap3A_64, %swap3A_65], %swap3A_68 {strides = array<i32>} : memref<2x64x1024xf32, #tpu.memory_space<vmem>>, vector<1x64x1024xf32>,
    %get3A_69 = arith.constant 0 : index
    %get3A_70 = arith.constant 0 : index
    %get3A_71 = arith.constant 0 : index
    %get3A_72 = vector.load %arg2[%get3A_69, %get3A_70, %get3A_71] : memref<2x1024x768xf32, #tpu.memory_space<vmem>>, vector<1x1024x768xf32>
    %get3A_73 = vector.shape_cast %get3A_72 : vector<1x1024x768xf32> to vector<1024x768xf32>
    %dot_general3A_74 = arith.constant dense<0.000000e+00> : vector<1024x64xf32>
    %dot_general3A_75 = tpu.matmul %get3A_73, %get3A_1, %dot_general3A_74 {dimension_numbers = #tpu.dot_dimension_numbers<[1], [0], [0], [1], [0, 0, 1, 1], [], []>, transpose_lhs_hint = false} : vector<1024x768xf32>, vector<768x64xf32>, vector<1024x64xf32> -> vector<1024x64xf32>
    %add3A_76 = vector.broadcast %get3A_4 : vector<1x64xf32> to vector<1024x64xf32>
    %add3A_77 = arith.addf %dot_general3A_75, %add3A_76 : vector<1024x64xf32>
    %get3A_78 = arith.constant 0 : index
    %get3A_79 = arith.constant 0 : index
    %get3A_80 = arith.constant 0 : index
    %get3A_81 = vector.load %arg6[%get3A_78, %get3A_79, %get3A_80] : memref<2x1024x64xf32, #tpu.memory_space<vmem>>, vector<1x1024x64xf32>
    %get3A_82 = vector.shape_cast %get3A_81 : vector<1x1024x64xf32> to vector<1024x64xf32>
    %add3A_83 = arith.addf %add3A_77, %get3A_82 : vector<1024x64xf32>
    %transpose3A_84 = tpu.transpose %add3A_83, [1, 0] : vector<1024x64xf32> -> vector<64x1024xf32>
    %swap3A_85 = arith.constant 0 : index
    %swap3A_86 = arith.constant 0 : index
    %swap3A_87 = arith.constant 0 : index
    %swap3A_88 = vector.load %arg15[%swap3A_85, %swap3A_86, %swap3A_87] : memref<2x64x1024xf32, #tpu.memory_space<vmem>>, vector<1x64x1024xf32>
    %swap3A_89 = vector.shape_cast %swap3A_88 : vector<1x64x1024xf32> to vector<64x1024xf32>
    %swap3A_90 = vector.shape_cast %transpose3A_84 : vector<64x1024xf32> to vector<1x64x1024xf32>
    tpu.vector_store %arg15[%swap3A_85, %swap3A_86, %swap3A_87], %swap3A_90 {strides = array<i32>} : memref<2x64x1024xf32, #tpu.memory_space<vmem>>, vector<1x64x1024xf32>,
    %get3A_91 = arith.constant 1 : index
    %get3A_92 = arith.constant 0 : index
    %get3A_93 = arith.constant 0 : index
    %get3A_94 = vector.load %arg7[%get3A_91, %get3A_92, %get3A_93] : memref<2x1x64xf32, #tpu.memory_space<vmem>>, vector<1x1x64xf32>
    %get3A_95 = vector.shape_cast %get3A_94 : vector<1x1x64xf32> to vector<1x64xf32>
    %get3A_96 = arith.constant 1 : index
    %get3A_97 = arith.constant 0 : index
    %get3A_98 = arith.constant 0 : index
    %get3A_99 = vector.load %arg1[%get3A_96, %get3A_97, %get3A_98] : memref<2x1024x768xf32, #tpu.memory_space<vmem>>, vector<1x1024x768xf32>
    %get3A_100 = vector.shape_cast %get3A_99 : vector<1x1024x768xf32> to vector<1024x768xf32>
    %dot_general3A_101 = arith.constant dense<0.000000e+00> : vector<1024x64xf32>
    %dot_general3A_102 = tpu.matmul %get3A_100, %get3A_1, %dot_general3A_101 {dimension_numbers = #tpu.dot_dimension_numbers<[1], [0], [0], [1], [0, 0, 1, 1], [], []>, transpose_lhs_hint = false} : vector<1024x768xf32>, vector<768x64xf32>, vector<1024x64xf32> -> vector<1024x64xf32>
    %add3A_103 = vector.broadcast %get3A_4 : vector<1x64xf32> to vector<1024x64xf32>
    %add3A_104 = arith.addf %dot_general3A_102, %add3A_103 : vector<1024x64xf32>
    %add3A_105 = vector.broadcast %get3A_95 : vector<1x64xf32> to vector<1024x64xf32>
    %add3A_106 = arith.addf %add3A_104, %add3A_105 : vector<1024x64xf32>
    %get3A_107 = arith.constant 1 : index
    %get3A_108 = arith.constant 0 : index
    %get3A_109 = arith.constant 0 : index
    %get3A_110 = vector.load %arg5[%get3A_107, %get3A_108, %get3A_109] : memref<2x1024x64xf32, #tpu.memory_space<vmem>>, vector<1x1024x64xf32>
    %get3A_111 = vector.shape_cast %get3A_110 : vector<1x1024x64xf32> to vector<1024x64xf32>
    %add3A_112 = arith.addf %add3A_106, %get3A_111 : vector<1024x64xf32>
    %transpose3A_113 = tpu.transpose %add3A_112, [1, 0] : vector<1024x64xf32> -> vector<64x1024xf32>
    %swap3A_114 = arith.constant 1 : index
    %swap3A_115 = arith.constant 0 : index
    %swap3A_116 = arith.constant 0 : index
    %swap3A_117 = vector.load %arg13[%swap3A_114, %swap3A_115, %swap3A_116] : memref<2x64x1024xf32, #tpu.memory_space<vmem>>, vector<1x64x1024xf32>
    %swap3A_118 = vector.shape_cast %swap3A_117 : vector<1x64x1024xf32> to vector<64x1024xf32>
    %swap3A_119 = vector.shape_cast %transpose3A_113 : vector<64x1024xf32> to vector<1x64x1024xf32>
    tpu.vector_store %arg13[%swap3A_114, %swap3A_115, %swap3A_116], %swap3A_119 {strides = array<i32>} : memref<2x64x1024xf32, #tpu.memory_space<vmem>>, vector<1x64x1024xf32>,
    %get3A_120 = arith.constant 1 : index
    %get3A_121 = arith.constant 0 : index
    %get3A_122 = arith.constant 0 : index
    %get3A_123 = vector.load %arg3[%get3A_120, %get3A_121, %get3A_122] : memref<2x1x1024xf32, #tpu.memory_space<vmem>>, vector<1x1x1024xf32>
    %get3A_124 = vector.shape_cast %get3A_123 : vector<1x1x1024xf32> to vector<1x1024xf32>
    %reshape3A_125 = vector.shape_cast %get3A_124 : vector<1x1024xf32> to vector<1024x1xf32>
    %get3A_126 = arith.constant 1 : index
    %get3A_127 = arith.constant 0 : index
    %get3A_128 = arith.constant 0 : index
    %get3A_129 = vector.load %arg4[%get3A_126, %get3A_127, %get3A_128] : memref<2x1x1024xi32, #tpu.memory_space<vmem>>, vector<1x1x1024xi32>
    %get3A_130 = vector.shape_cast %get3A_129 : vector<1x1x1024xi32> to vector<1x1024xi32>
    %reshape3A_131 = vector.shape_cast %get3A_130 : vector<1x1024xi32> to vector<1024x1xi32>
    %iota3A_132 = tpu.iota {dimensions = array<i32: 1>} : vector<1x4xi32>
    %eq3A_133 = vector.broadcast %reshape3A_131 : vector<1024x1xi32> to vector<1024x4xi32>
    %eq3A_134 = vector.broadcast %iota3A_132 : vector<1x4xi32> to vector<1024x4xi32>
    %eq3A_135 = arith.cmpi eq, %eq3A_133, %eq3A_134 : vector<1024x4xi32>
    %convert_element_type3A_136 = arith.extui %eq3A_135 : vector<1024x4xi1> to vector<1024x4xi32>
    %convert_element_type3A_137 = arith.sitofp %convert_element_type3A_136 : vector<1024x4xi32> to vector<1024x4xf32>
    %get3A_138 = arith.constant 0 : index
    %get3A_139 = arith.constant 0 : index
    %get3A_140 = vector.load %arg12[%get3A_138, %get3A_139] : memref<4x64xf32, #tpu.memory_space<vmem>>, vector<4x64xf32>
    %dot_general3A_141 = arith.constant dense<0.000000e+00> : vector<1024x64xf32>
    %dot_general3A_142 = tpu.matmul %convert_element_type3A_137, %get3A_140, %dot_general3A_141 {dimension_numbers = #tpu.dot_dimension_numbers<[1], [0], [0], [1], [0, 0, 1, 1], [], []>, transpose_lhs_hint = false} : vector<1024x4xf32>, vector<4x64xf32>, vector<1024x64xf32> -> vector<1024x64xf32>
    %get3A_143 = arith.constant 0 : index
    %get3A_144 = arith.constant 0 : index
    %get3A_145 = vector.load %arg10[%get3A_143, %get3A_144] : memref<1x64xf32, #tpu.memory_space<vmem>>, vector<1x64xf32>
    %mul3A_146 = vector.broadcast %reshape3A_125 : vector<1024x1xf32> to vector<1024x64xf32>
    %mul3A_147 = vector.broadcast %get3A_145 : vector<1x64xf32> to vector<1024x64xf32>
    %mul3A_148 = arith.mulf %mul3A_146, %mul3A_147 : vector<1024x64xf32>
    %get3A_149 = arith.constant 0 : index
    %get3A_150 = arith.constant 0 : index
    %get3A_151 = vector.load %arg11[%get3A_149, %get3A_150] : memref<1x64xf32, #tpu.memory_space<vmem>>, vector<1x64xf32>
    %add3A_152 = vector.broadcast %get3A_151 : vector<1x64xf32> to vector<1024x64xf32>
    %add3A_153 = arith.addf %mul3A_148, %add3A_152 : vector<1024x64xf32>
    %add3A_154 = vector.broadcast %get3A_95 : vector<1x64xf32> to vector<1024x64xf32>
    %add3A_155 = arith.addf %add3A_153, %add3A_154 : vector<1024x64xf32>
    %add3A_156 = arith.addf %add3A_155, %dot_general3A_142 : vector<1024x64xf32>
    %transpose3A_157 = tpu.transpose %add3A_156, [1, 0] : vector<1024x64xf32> -> vector<64x1024xf32>
    %swap3A_158 = arith.constant 1 : index
    %swap3A_159 = arith.constant 0 : index
    %swap3A_160 = arith.constant 0 : index
    %swap3A_161 = vector.load %arg14[%swap3A_158, %swap3A_159, %swap3A_160] : memref<2x64x1024xf32, #tpu.memory_space<vmem>>, vector<1x64x1024xf32>
    %swap3A_162 = vector.shape_cast %swap3A_161 : vector<1x64x1024xf32> to vector<64x1024xf32>
    %swap3A_163 = vector.shape_cast %transpose3A_157 : vector<64x1024xf32> to vector<1x64x1024xf32>
    tpu.vector_store %arg14[%swap3A_158, %swap3A_159, %swap3A_160], %swap3A_163 {strides = array<i32>} : memref<2x64x1024xf32, #tpu.memory_space<vmem>>, vector<1x64x1024xf32>,
    %get3A_164 = arith.constant 1 : index
    %get3A_165 = arith.constant 0 : index
    %get3A_166 = arith.constant 0 : index
    %get3A_167 = vector.load %arg2[%get3A_164, %get3A_165, %get3A_166] : memref<2x1024x768xf32, #tpu.memory_space<vmem>>, vector<1x1024x768xf32>
    %get3A_168 = vector.shape_cast %get3A_167 : vector<1x1024x768xf32> to vector<1024x768xf32>
    %dot_general3A_169 = arith.constant dense<0.000000e+00> : vector<1024x64xf32>
    %dot_general3A_170 = tpu.matmul %get3A_168, %get3A_1, %dot_general3A_169 {dimension_numbers = #tpu.dot_dimension_numbers<[1], [0], [0], [1], [0, 0, 1, 1], [], []>, transpose_lhs_hint = false} : vector<1024x768xf32>, vector<768x64xf32>, vector<1024x64xf32> -> vector<1024x64xf32>
    %add3A_171 = vector.broadcast %get3A_4 : vector<1x64xf32> to vector<1024x64xf32>
    %add3A_172 = arith.addf %dot_general3A_170, %add3A_171 : vector<1024x64xf32>
    %get3A_173 = arith.constant 1 : index
    %get3A_174 = arith.constant 0 : index
    %get3A_175 = arith.constant 0 : index
    %get3A_176 = vector.load %arg6[%get3A_173, %get3A_174, %get3A_175] : memref<2x1024x64xf32, #tpu.memory_space<vmem>>, vector<1x1024x64xf32>
    %get3A_177 = vector.shape_cast %get3A_176 : vector<1x1024x64xf32> to vector<1024x64xf32>
    %add3A_178 = arith.addf %add3A_172, %get3A_177 : vector<1024x64xf32>
    %transpose3A_179 = tpu.transpose %add3A_178, [1, 0] : vector<1024x64xf32> -> vector<64x1024xf32>
    %swap3A_180 = arith.constant 1 : index
    %swap3A_181 = arith.constant 0 : index
    %swap3A_182 = arith.constant 0 : index
    %swap3A_183 = vector.load %arg15[%swap3A_180, %swap3A_181, %swap3A_182] : memref<2x64x1024xf32, #tpu.memory_space<vmem>>, vector<1x64x1024xf32>
    %swap3A_184 = vector.shape_cast %swap3A_183 : vector<1x64x1024xf32> to vector<64x1024xf32>
    %swap3A_185 = vector.shape_cast %transpose3A_179 : vector<64x1024xf32> to vector<1x64x1024xf32>
    tpu.vector_store %arg15[%swap3A_180, %swap3A_181, %swap3A_182], %swap3A_185 {strides = array<i32>} : memref<2x64x1024xf32, #tpu.memory_space<vmem>>, vector<1x64x1024xf32>,
    return
  }
  func.func @transform_0(%arg0: i32) -> (i32, i32, i32) {
    %c0_i32 = arith.constant 0 : i32
    %c0_i32_0 = arith.constant 0 : i32
    %c0_i32_1 = arith.constant 0 : i32
    return %arg0, %c0_i32, %c0_i32_0 : i32, i32, i32
  }
  func.func @transform_1(%arg0: i32) -> (i32, i32, i32) {
    %c0_i32 = arith.constant 0 : i32
    %c0_i32_0 = arith.constant 0 : i32
    %c0_i32_1 = arith.constant 0 : i32
    return %arg0, %c0_i32, %c0_i32_0 : i32, i32, i32
  }
  func.func @transform_2(%arg0: i32) -> (i32, i32, i32) {
    %c0_i32 = arith.constant 0 : i32
    %c0_i32_0 = arith.constant 0 : i32
    %c0_i32_1 = arith.constant 0 : i32
    return %arg0, %c0_i32, %c0_i32_0 : i32, i32, i32
  }
  func.func @transform_3(%arg0: i32) -> (i32, i32, i32) {
    %c0_i32 = arith.constant 0 : i32
    %c0_i32_0 = arith.constant 0 : i32
    %c0_i32_1 = arith.constant 0 : i32
    return %arg0, %c0_i32, %c0_i32_0 : i32, i32, i32
  }
  func.func @transform_4(%arg0: i32) -> (i32, i32, i32) {
    %c0_i32 = arith.constant 0 : i32
    %c0_i32_0 = arith.constant 0 : i32
    %c0_i32_1 = arith.constant 0 : i32
    return %arg0, %c0_i32, %c0_i32_0 : i32, i32, i32
  }
  func.func @transform_5(%arg0: i32) -> (i32, i32, i32) {
    %c0_i32 = arith.constant 0 : i32
    %c0_i32_0 = arith.constant 0 : i32
    %c0_i32_1 = arith.constant 0 : i32
    return %arg0, %c0_i32, %c0_i32_0 : i32, i32, i32
  }
  func.func @transform_6(%arg0: i32) -> (i32, i32, i32) {
    %c0_i32 = arith.constant 0 : i32
    %c0_i32_0 = arith.constant 0 : i32
    %c0_i32_1 = arith.constant 0 : i32
    return %arg0, %c0_i32, %c0_i32_0 : i32, i32, i32
  }
  func.func @transform_7(%arg0: i32) -> (i32, i32) {
    %c0_i32 = arith.constant 0 : i32
    %c0_i32_0 = arith.constant 0 : i32
    %c0_i32_1 = arith.constant 0 : i32
    return %c0_i32, %c0_i32_0 : i32, i32
  }
  func.func @transform_8(%arg0: i32) -> (i32, i32) {
    %c0_i32 = arith.constant 0 : i32
    %c0_i32_0 = arith.constant 0 : i32
    %c0_i32_1 = arith.constant 0 : i32
    return %c0_i32, %c0_i32_0 : i32, i32
  }
  func.func @transform_9(%arg0: i32) -> (i32, i32) {
    %c0_i32 = arith.constant 0 : i32
    %c0_i32_0 = arith.constant 0 : i32
    %c0_i32_1 = arith.constant 0 : i32
    return %c0_i32, %c0_i32_0 : i32, i32
  }
  func.func @transform_10(%arg0: i32) -> (i32, i32) {
    %c0_i32 = arith.constant 0 : i32
    %c0_i32_0 = arith.constant 0 : i32
    %c0_i32_1 = arith.constant 0 : i32
    return %c0_i32, %c0_i32_0 : i32, i32
  }
  func.func @transform_11(%arg0: i32) -> (i32, i32) {
    %c0_i32 = arith.constant 0 : i32
    %c0_i32_0 = arith.constant 0 : i32
    %c0_i32_1 = arith.constant 0 : i32
    return %c0_i32, %c0_i32_0 : i32, i32
  }
  func.func @transform_12(%arg0: i32) -> (i32, i32, i32) {
    %c0_i32 = arith.constant 0 : i32
    %c0_i32_0 = arith.constant 0 : i32
    %c0_i32_1 = arith.constant 0 : i32
    return %arg0, %c0_i32, %c0_i32_0 : i32, i32, i32
  }
  func.func @transform_13(%arg0: i32) -> (i32, i32, i32) {
    %c0_i32 = arith.constant 0 : i32
    %c0_i32_0 = arith.constant 0 : i32
    %c0_i32_1 = arith.constant 0 : i32
    return %arg0, %c0_i32, %c0_i32_0 : i32, i32, i32
  }
  func.func @transform_14(%arg0: i32) -> (i32, i32, i32) {
    %c0_i32 = arith.constant 0 : i32
    %c0_i32_0 = arith.constant 0 : i32
    %c0_i32_1 = arith.constant 0 : i32
    return %arg0, %c0_i32, %c0_i32_0 : i32, i32, i32
  }
}

</mosaic_0001>

<sc_bundles>
// kernel: kernel.4.cloned.1.call-start
scs
__scs_entry_jumppad:
0x0: {  	(pc) =	sbr.rel $0x88, $3  }
0x1: {  	(tag) =	ssettag $0x0;
	lr =	simm.s32 $0x1  }
0x2: {  	[smem:$0x3F91] =	sst lr;
	_ =	strace $0xD0000000  }
0x3: {  	_ = 	snop  }
0x4: {  	_ = 	snop  }
0x5: {  	_ = 	snop  }
0x6: {  	_ = 	snop  }
0x7: {  	_ = 	snop  }
__scs_overlays_trampoline_lowered:
0x8: {  	[smem:$0x3FA0] =	sst s0  }
0x9: {  	[smem:$0x3FA1] =	sst s1  }
0xa: {  	[smem:$0x3FA2] =	sst s2  }
0xb: {  	[smem:$0x3FA3] =	sst s3  }
0xc: {  	[smem:$0x3FA4] =	sst s4  }
0xd: {  	[smem:$0x3FA5] =	sst s5  }
0xe: {  	[smem:$0x3FA6] =	sst s6  }
0xf: {  	[smem:$0x3FA7] =	sst s7  }
0x10: {  	[smem:$0x3FA8] =	sst s8  }
0x11: {  	[smem:$0x3FA9] =	sst s9;
	s0 =	simm.s32 @!p0 $0x0  }
0x12: {  	s1 =	sld [smem:$0x3F8F];
	s0 =	simm.s32 @p0 $0x1  }
0x13: {  	[smem:$0x3FAA] =	sst s0;
	s0 =	simm.s32 @!p1 $0x0  }
0x14: {  	s2 =	sld [smem:$0x3F8E];
	s0 =	simm.s32 @p1 $0x1  }
0x15: {  	[smem:$0x3FAB] =	sst s0;
	s0 =	simm.s32 @!p2 $0x0  }
0x16: {  	s3 =	sld [smem:$0x3FDB];
	s0 =	simm.s32 @p2 $0x1  }
0x17: {  	s4 =	simm.s32 $0x1BF5;
	[smem:$0x3FAD] =	sst s0  }
0x18: {  	s0 =	sld [smem:$0x3F90];
	_ =	swait.ge [sflag:s4], $0x0  }
0x19: {  	s7 =	sld [smem:$0x3F91]  }
0x1a: {  	s8 =	sadd.s32 $0xFFFFE003, lr  }
0x1b: {  	s9 =	sadd.s32 $0xFFFFFEF7, lr;
	s5 =	simm.s32 $0xFFFFFFFF;
	p2 =	slt.u32 s8, $0xFFFFF086  }
0x1c: {  	p1 =	slt.u32 s9, $0xF7A;
	s5 =	simm.s32 @!p2 $0x0  }
0x1d: {  	s5 =	simm.s32 @p1 $0x1;
	p0 =	seq.s32 s7, s2  }
0x1e: {  	s7 =	smul.u32 @!p0 $0xF7A, s2;
	p2 =	seq.s32 @!p0 s5, $0x0  }
0x1f: {  	s9 =	smul.u32 $0xF7A, s1;
	s8 =	simm.s32 @!p0 $0x1BF5;
	p2 =	por !p2, p0  }
0x20: {  	[sflag:s8] =	ssyncset.s32 @!p0 $0xFFFFF086;
	s6 =	sadd.s32 @!p0 s3, s7;
	s7 =	simm.s32 @!p0 $0x108  }
0x21: {  	s3 =	sadd.s32 s3, s9;
	s6 =	sadd.s32 @!p0 $0x88, s6;
	s7 =	simm.s32 @p2 $0x1082  }
0x22: {  	[simem:s7], [sflag:s8] =	dma.local @!p0 [hbm:s6], $0xF7A  }
0x23: {  	s9 =	sor.u32 $0xD0000000, s2;
	s6 =	simm.s32 $0x108;
	_ =	swait.ge @!p0 [sflag:s8], $0x0  }
0x24: {  	s3 =	sadd.s32 $0x88, s3;
	s6 =	simm.s32 @!p1 $0x1082;
	[sflag:s4] =	ssyncset.s32 $0xFFFFF086  }
0x25: {  	[simem:s6], [sflag:s4] =	dma.local [hbm:s3], $0xF7A  }
0x26: {  	[smem:$0x3F91] =	sst s1;
	(tag) =	ssettag s2;
	_ =	strace s9  }
0x27: {  	s1 =	sld [smem:$0x3FA1]  }
0x28: {  	s2 =	sld [smem:$0x3FA2]  }
0x29: {  	s4 =	sld [smem:$0x3FA4]  }
0x2a: {  	p0 =	seq.s32 s5, $0x0;
	s5 =	sld [smem:$0x3FA5]  }
0x2b: {  	s6 =	sld [smem:$0x3FA6]  }
0x2c: {  	s7 =	sld [smem:$0x3FA7]  }
0x2d: {  	s3 =	simm.s32 $0x108;
	s8 =	sld [smem:$0x3FA8]  }
0x2e: {  	s3 =	simm.s32 @!p0 $0x1082;
	s9 =	sld [smem:$0x3FA9]  }
0x2f: {  	lr =	sadd.s32 s0, s3;
	s0 =	sld [smem:$0x3FA0]  }
0x30: {  	s3 =	sld [smem:$0x3FA3]  }
0x31: {  	[smem:$0x3FAC] =	sst s10  }
0x32: {  	s10 =	sld [smem:$0x3FAA];
	_ =	sdelay $0x3  }
0x33: {  	p0 =	seq.s32 s10, $0x1;
	s10 =	sld [smem:$0x3FAC];
	_ =	sdelay $0x3  }
0x34: {  	[smem:$0x3FAC] =	sst s10  }
0x35: {  	s10 =	sld [smem:$0x3FAB];
	_ =	sdelay $0x3  }
0x36: {  	p1 =	seq.s32 s10, $0x1;
	s10 =	sld [smem:$0x3FAC];
	_ =	sdelay $0x3  }
0x37: {  	[smem:$0x3FAC] =	sst s10  }
0x38: {  	s10 =	sld [smem:$0x3FAD]  }
0x39: {  	_ = 	snop;
	(pc) =	sbr.ind lr, $3  }
0x3a: {  	_ = 	snop  }
0x3b: {  	_ = 	snop  }
0x3c: {  	p2 =	seq.s32 s10, $0x1;
	s10 =	sld [smem:$0x3FAC]  }
0x3d: {  	_ =	shalt  }
0x3e: {  	_ =	shalt  }
0x3f: {  	_ =	shalt  }
0x40: {  	_ =	shalt  }
0x41: {  	_ =	shalt  }
0x42: {  	_ =	shalt  }
0x43: {  	_ =	shalt  }
0x44: {  	_ =	shalt  }
0x45: {  	_ =	shalt  }
0x46: {  	_ =	shalt  }
0x47: {  	_ =	shalt  }
0x48: {  	_ =	shalt  }
0x49: {  	_ =	shalt  }
0x4a: {  	_ =	shalt  }
0x4b: {  	_ =	shalt  }
0x4c: {  	_ =	shalt  }
0x4d: {  	_ =	shalt  }
0x4e: {  	_ =	shalt  }
0x4f: {  	_ =	shalt  }
0x50: {  	_ =	shalt  }
0x51: {  	_ =	shalt  }
0x52: {  	_ =	shalt  }
0x53: {  	_ =	shalt  }
0x54: {  	_ =	shalt  }
0x55: {  	_ =	shalt  }
0x56: {  	_ =	shalt  }
0x57: {  	_ =	shalt  }
0x58: {  	_ =	shalt  }
0x59: {  	_ =	shalt  }
0x5a: {  	_ =	shalt  }
0x5b: {  	_ =	shalt  }
0x5c: {  	_ =	shalt  }
0x5d: {  	_ =	shalt  }
0x5e: {  	_ =	shalt  }
0x5f: {  	_ =	shalt  }
0x60: {  	_ =	shalt  }
0x61: {  	_ =	shalt  }
0x62: {  	_ =	shalt  }
0x63: {  	_ =	shalt  }
0x64: {  	_ =	shalt  }
0x65: {  	_ =	shalt  }
0x66: {  	_ =	shalt  }
0x67: {  	_ =	shalt  }
0x68: {  	_ =	shalt  }
0x69: {  	_ =	shalt  }
0x6a: {  	_ =	shalt  }
0x6b: {  	_ =	shalt  }
0x6c: {  	_ =	shalt  }
0x6d: {  	_ =	shalt  }
0x6e: {  	_ =	shalt  }
0x6f: {  	_ =	shalt  }
0x70: {  	_ =	shalt  }
0x71: {  	_ =	shalt  }
0x72: {  	_ =	shalt  }
0x73: {  	_ =	shalt  }
0x74: {  	_ =	shalt  }
0x75: {  	_ =	shalt  }
0x76: {  	_ =	shalt  }
0x77: {  	_ =	shalt  }
0x78: {  	_ =	shalt  }
0x79: {  	_ =	shalt  }
0x7a: {  	_ =	shalt  }
0x7b: {  	_ =	shalt  }
0x7c: {  	_ =	shalt  }
0x7d: {  	_ =	shalt  }
0x7e: {  	_ =	shalt  }
0x7f: {  	_ =	shalt  }
0x80: {  	_ =	shalt  }
0x81: {  	_ =	shalt  }
0x82: {  	_ =	shalt  }
0x83: {  	_ =	shalt  }
0x84: {  	_ =	shalt  }
0x85: {  	_ =	shalt  }
0x86: {  	_ =	shalt  }
0x87: {  	_ =	shalt  }
.Lfunc_end0:
.L_simem_size_0:
called_computation_lowered:
.L_overlay_start_0:
0x88: {  	s2 =	sld [smem:$0x3FD9]  }
0x89: {  	s3 =	sld [smem:$0x3FFE];
	_ =	sdelay $0x1  }
0x8a: {  	s1 =	srdreg.scid  }
0x8b: {  	s0 =	sand.u32 $0x1, s1  }
0x8c: {  	s14 =	sshll.u32 s0, $0xA;
	s2 =	sadd.s32 s3, s2  }
0x8d: {  	s2 =	sadd.s32 s2, s14  }
0x8e: {  	[smem:$0x3FB8] =	sst s2  }
0x8f: {  	_ = 	snop  }
0x90: {  	s2 =	sld [smem:$0x3FD0];
	_ =	sdelay $0x2  }
0x91: {  	s15 =	simm.s32 $0xA;
	s4 =	simm.s32 $0x10  }
0x92: {  	[smem:s4], [sflag:s15] =	dma.local [hbm:s2], $0x1  }
0x93: {  	_ =	swait.eq [sflag:s15], $0x1  }
0x94: {  	s16 =	sld [smem:$0x10];
	[sflag:s15] =	ssyncset.done $0x0  }
0x95: {  	s17 =	sld [smem:$0x11];
	[sflag:s15] =	ssyncadd.s32 $0xFFFFFFFF  }
0x96: {  	s18 =	sld [smem:$0x12];
	(tm) =	ssettm $0x1  }
0x97: {  	s5 =	sld [smem:$0x3FFB];
	_ =	sdelay $0x3  }
0x98: {  	_ =	strace s5  }
0x99: {  	s5 =	sld [smem:$0x3FFC];
	_ =	sdelay $0x3  }
0x9a: {  	_ =	strace s5  }
0x9b: {  	s5 =	sld [smem:$0x3FFD];
	_ =	sdelay $0x3  }
0x9c: {  	_ =	strace s5  }
0x9d: {  	_ =	strace $0x8FFFFFFF  }
0x9e: {  	s19 =	sld [smem:$0x3FDB];
	_ =	sdelay $0x1  }
0x9f: {  	s6 =	simm.s32 $_scs_section_size  }
0xa0: {  	s7 =	simm.s32 $_size__tile_overlayer_lowered;
	s8 =	simm.s32 $_tile_overlayer_lowered  }
0xa1: {  	s22 =	simm.s32 $0x1BFF;
	s21 =	sshll.u32 s8, $0x1;
	s5 =	sadd.s32 s6, s19  }
0xa2: {  	s9 =	simm.s32 $0x0;
	s20 =	sshll.u32 s7, $0x1;
	s7 =	sadd.s32 s21, s5  }
0xa3: {  	[timem:s9], [sflag:s22] =	dma.local [hbm:s7], s20  }
0xa4: {  	_ =	swait.ge [sflag:s22], s20  }
0xa5: {  	s6 =	ssub.s32 $0x0, s20;
	[sflag:s22] =	ssyncset.done $0x0  }
0xa6: {  	[sflag:s22] =	ssyncadd.s32 s6;
	_ =	sdelay $0x1  }
0xa7: {  	s23 =	simm.s32 $0x1B8B  }
0xa8: {  	_ =	swait.ge [sflag:s23], $0x1  }
0xa9: {  	[sflag:s23] =	ssyncset.done $0x0  }
0xaa: {  	s25 =	simm.s32 $0x1B8E;
	s24 =	sld [smem:$0x3FFE];
	[sflag:s23] =	ssyncadd.s32 $0xFFFFFFFF  }
0xab: {  	s26 =	simm.s32 $execute0_lowered;
	[smem:$0x3FD2] =	sst s25  }
0xac: {  	s7 =	sshll.u32 s26, $0x1;
	_ =	strace $0x80000046;
	[dreg:$0x1] =	wrdreg $0xFFFFFFFF  }
0xad: {  	s28 =	simm.s32 $_size_execute0_lowered;
	s5 =	sadd.s32 s5, s7;
	[dreg:$0x0] =	wrdreg $0x0  }
0xae: {  	s7 =	sshll.u32 s28, $0x1;
	[dreg:$0x2] =	wrdreg s5  }
0xaf: {  	[dreg:$0x3] =	wrdreg s7  }
0xb0: {  	[dreg:$0x4] =	wrdreg $0xC0  }
0xb1: {  	_ =	task [dreg:s9], $0x5FFFF  }
0xb2: {  	[dreg:$0x1] =	wrdreg $0xFFFFFFFF  }
0xb3: {  	[dreg:$0x0] =	wrdreg $0x60  }
0xb4: {  	[dreg:$0x2] =	wrdreg s24  }
0xb5: {  	[dreg:$0x3] =	wrdreg s16  }
0xb6: {  	[dreg:$0x4] =	wrdreg s18  }
0xb7: {  	[dreg:$0x5] =	wrdreg s17  }
0xb8: {  	[dreg:$0x6] =	wrdreg $0x9  }
0xb9: {  	_ =	task.clear_ibuf [dreg:s9], $0x7FFFF;
	_ =	strace $0x90000046  }
0xba: {  	s29 =	simm.s32 $0x9;
	_ =	strace $0x80000048  }
0xbb: {  	_ =	swait.ge [sflag:s29], $0x1  }
0xbc: {  	[sflag:s29] =	ssyncadd.s32 $0xFFFFFFFF  }
0xbd: {  	_ =	strace $0x90000048  }
0xbe: {  	_ =	sfence  }
0xbf: {  	s30 =	sld [smem:$0x0];
	_ =	sdelay $0x2  }
0xc0: {  	s31 =	sshll.u32 s1, $0xD;
	s1 =	sshrl.u32 s1, $0x2  }
0xc1: {  	s3 =	sand.u32 $0x4000, s31;
	s1 =	sadd.s32 s1, s30  }
0xc2: {  	s0 =	sor.u32 s3, s0;
	s1 =	sshll.u32 s1, $0x11  }
0xc3: {  	s0 =	sor.u32 s1, s0  }
0xc4: {  	s0 =	sadd.s32 $0x8F2B, s0  }
0xc5: {  	[sflag:s0] =	ssyncadd.remote.s32 $0x1  }
0xc6: {  	_ =	sfence.sel $0xFFFF  }
0xc7: {  	[dreg:$0x0] =	wrdreg $0xFFFFFFFF;
	(pc) =	sbr.abs _section_cstart, $3  }
0xc8: {  	[dreg:$0x1] =	wrdreg $0xFFFFFFFF  }
0xc9: {  	_ =	task.clear_ibuf [dreg:s9], $0x2FFFF;
	_ =	strace $0x9FFFFFFF  }
0xca: {  	(tm) =	ssettm $0x7FFFFFFF  }
0xcb: {  	_ =	shalt  }
tec
execute0_lowered:
.L_overlay_start_1:
0x0: {  	(tag) =	ssettag $0x1  }
0x1: {  	s0 =	srdreg.scid;
	s24 =	stileid.u32  }
0x2: {  	s1 =	rddreg [dreg:$0x0];
	s4 =	sand.u32 $0x1, s0;
	s18 =	sshll.u32 s24, $0x1  }
0x3: {  	s6 =	rddreg [dreg:$0x1];
	s0 =	sor.u32 s4, s18  }
0x4: {  	s3 =	rddreg [dreg:$0x2];
	s7 =	smul.u32 $0x320, s0  }
0x5: {  	s5 =	rddreg [dreg:$0x3];
	s2 =	simm.s32 $0x0;
	s8 =	smul.u32 $0x3200, s0  }
0x6: {  	[smem:$0x7FF] =	sst s2;
	s0 =	smul.u32 $0x19000, s0;
	s6 =	sadd.s32 s6, s7  }
0x7: {  	_ =	strace $0x80000047;
	s19 =	sadd.s32 s3, s8;
	[dreg:$0x5] =	wrdreg s6  }
0x8: {  	s20 =	sadd.s32 s5, s8;
	s6 =	sshrl.u32 s0, $0x3;
	[dreg:$0x6] =	wrdreg s19  }
0x9: {  	[dreg:$0x7] =	wrdreg s20;
	s21 =	sadd.s32 $0x280, s6  }
0xa: {  	s0 =	rddreg [dreg:$0x5];
	s22 =	sadd.s32 s3, s21  }
0xb: {  	s25 =	sadd.s32 $0x500, s6;
	s23 =	sadd.s32 s5, s21;
	[dreg:$0x8] =	wrdreg s22  }
0xc: {  	s26 =	sadd.s32 s3, s25;
	[dreg:$0x9] =	wrdreg s23  }
0xd: {  	s9 =	sadd.s32 $0x780, s6;
	s8 =	sadd.s32 s5, s25;
	[dreg:$0xa] =	wrdreg s26  }
0xe: {  	s10 =	sadd.s32 s3, s9;
	[dreg:$0xb] =	wrdreg s8  }
0xf: {  	s12 =	sadd.s32 $0xA00, s6;
	s11 =	sadd.s32 s5, s9;
	[dreg:$0xc] =	wrdreg s10  }
0x10: {  	s13 =	sadd.s32 s3, s12;
	[dreg:$0xd] =	wrdreg s11  }
0x11: {  	s15 =	sadd.s32 $0xC80, s6;
	s14 =	sadd.s32 s5, s12;
	[dreg:$0xe] =	wrdreg s13  }
0x12: {  	s16 =	sadd.s32 s3, s15;
	[dreg:$0xf] =	wrdreg s14  }
0x13: {  	s18 =	sadd.s32 $0xF00, s6;
	s17 =	sadd.s32 s5, s15;
	[dreg:$0x10] =	wrdreg s16  }
0x14: {  	s19 =	sadd.s32 s3, s18;
	[dreg:$0x11] =	wrdreg s17  }
0x15: {  	s20 =	sadd.s32 s5, s18;
	s21 =	sadd.s32 $0x1180, s6;
	[dreg:$0x12] =	wrdreg s19  }
0x16: {  	[dreg:$0x13] =	wrdreg s20;
	s22 =	sadd.s32 s3, s21  }
0x17: {  	s25 =	sadd.s32 $0x1400, s6;
	s23 =	sadd.s32 s5, s21;
	[dreg:$0x14] =	wrdreg s22  }
0x18: {  	s26 =	sadd.s32 s3, s25;
	[dreg:$0x15] =	wrdreg s23  }
0x19: {  	s9 =	sadd.s32 $0x1680, s6;
	s8 =	sadd.s32 s5, s25;
	[dreg:$0x16] =	wrdreg s26  }
0x1a: {  	s10 =	sadd.s32 s3, s9;
	[dreg:$0x17] =	wrdreg s8  }
0x1b: {  	s12 =	sadd.s32 $0x1900, s6;
	s11 =	sadd.s32 s5, s9;
	[dreg:$0x18] =	wrdreg s10  }
0x1c: {  	s13 =	sadd.s32 s3, s12;
	[dreg:$0x19] =	wrdreg s11  }
0x1d: {  	s15 =	sadd.s32 $0x1B80, s6;
	s14 =	sadd.s32 s5, s12;
	[dreg:$0x1a] =	wrdreg s13  }
0x1e: {  	s16 =	sadd.s32 s3, s15;
	[dreg:$0x1b] =	wrdreg s14  }
0x1f: {  	s18 =	sadd.s32 $0x1E00, s6;
	s17 =	sadd.s32 s5, s15;
	[dreg:$0x1c] =	wrdreg s16  }
0x20: {  	s19 =	sadd.s32 s3, s18;
	[dreg:$0x1d] =	wrdreg s17  }
0x21: {  	s20 =	sadd.s32 s5, s18;
	s21 =	sadd.s32 $0x2080, s6;
	[dreg:$0x1e] =	wrdreg s19  }
0x22: {  	[dreg:$0x1f] =	wrdreg s20;
	s22 =	sadd.s32 s3, s21  }
0x23: {  	s25 =	sadd.s32 $0x2300, s6;
	s23 =	sadd.s32 s5, s21;
	[smem:$0x7A8] =	sst s22  }
0x24: {  	s26 =	sadd.s32 s3, s25;
	[smem:$0x7A9] =	sst s23  }
0x25: {  	s7 =	sadd.s32 s5, s25;
	[smem:$0x7AA] =	sst s26  }
0x26: {  	s8 =	sadd.s32 $0x2580, s6;
	s25 =	simm.s32 $0xCD0;
	[smem:$0x7AB] =	sst s7  }
0x27: {  	s9 =	sadd.s32 s3, s8;
	[smem:$0x7B8] =	sst s25  }
0x28: {  	s11 =	sadd.s32 $0x2800, s6;
	s10 =	sadd.s32 s5, s8;
	[smem:$0x7AC] =	sst s9  }
0x29: {  	s12 =	sadd.s32 s3, s11;
	[smem:$0x7AD] =	sst s10  }
0x2a: {  	s14 =	sadd.s32 $0x2A80, s6;
	s13 =	sadd.s32 s5, s11;
	[smem:$0x7AE] =	sst s12  }
0x2b: {  	s15 =	sadd.s32 s3, s14;
	[smem:$0x7AF] =	sst s13  }
0x2c: {  	s17 =	sadd.s32 $0x2D00, s6;
	s16 =	sadd.s32 s5, s14;
	[smem:$0x7B0] =	sst s15  }
0x2d: {  	s18 =	sadd.s32 s3, s17;
	[smem:$0x7B1] =	sst s16  }
0x2e: {  	s6 =	sadd.s32 $0x2F80, s6;
	s19 =	sadd.s32 s5, s17;
	[smem:$0x7B2] =	sst s18  }
0x2f: {  	s20 =	sadd.s32 s3, s6;
	[smem:$0x7B3] =	sst s19  }
0x30: {  	s21 =	sadd.s32 s5, s6;
	[smem:$0x7B4] =	sst s20  }
0x31: {  	s22 =	simm.s32 $0xC80;
	[smem:$0x7B5] =	sst s21  }
0x32: {  	s23 =	simm.s32 $0x640;
	[smem:$0x7B6] =	sst s22  }
0x33: {  	s26 =	simm.s32 $0x12C0;
	[smem:$0x7B7] =	sst s23  }
0x34: {  	s3 =	simm.s32 $0xA0;
	[smem:$0x7B9] =	sst s26  }
0x35: {  	s5 =	simm.s32 $0x690;
	[smem:$0x7BA] =	sst s3  }
0x36: {  	s6 =	simm.s32 $0xD20;
	[smem:$0x7BB] =	sst s5  }
0x37: {  	s7 =	simm.s32 $0x1310;
	[smem:$0x7BC] =	sst s6  }
0x38: {  	s8 =	simm.s32 $0xF0;
	[smem:$0x7BD] =	sst s7  }
0x39: {  	s11 =	simm.s32 $0x1360;
	[smem:$0x7BE] =	sst s8  }
0x3a: {  	s14 =	simm.s32 $0xDC0;
	[smem:$0x7C1] =	sst s11  }
0x3b: {  	s17 =	simm.s32 $0x780;
	[smem:$0x7C4] =	sst s14  }
0x3c: {  	s25 =	simm.s32 $0x230;
	[smem:$0x7C7] =	sst s17  }
0x3d: {  	s9 =	simm.s32 $0x6E0;
	[smem:$0x7CE] =	sst s25  }
0x3e: {  	s10 =	simm.s32 $0xD70;
	[smem:$0x7BF] =	sst s9  }
0x3f: {  	s12 =	simm.s32 $0x140;
	[smem:$0x7C0] =	sst s10  }
0x40: {  	s13 =	simm.s32 $0x730;
	[smem:$0x7C2] =	sst s12  }
0x41: {  	s15 =	simm.s32 $0x13B0;
	[smem:$0x7C3] =	sst s13  }
0x42: {  	s16 =	simm.s32 $0x190;
	[smem:$0x7C5] =	sst s15  }
0x43: {  	s18 =	simm.s32 $0xE10;
	[smem:$0x7C6] =	sst s16  }
0x44: {  	s19 =	simm.s32 $0x1400;
	[smem:$0x7C8] =	sst s18  }
0x45: {  	s20 =	simm.s32 $0x1E0;
	[smem:$0x7C9] =	sst s19  }
0x46: {  	s21 =	simm.s32 $0x7D0;
	[smem:$0x7CA] =	sst s20  }
0x47: {  	s22 =	simm.s32 $0xE60;
	[smem:$0x7CB] =	sst s21  }
0x48: {  	s23 =	simm.s32 $0x1450;
	[smem:$0x7CC] =	sst s22  }
0x49: {  	s26 =	simm.s32 $0x820;
	[smem:$0x7CD] =	sst s23  }
0x4a: {  	s3 =	simm.s32 $0xEB0;
	[smem:$0x7CF] =	sst s26  }
0x4b: {  	s5 =	simm.s32 $0x14A0;
	[smem:$0x7D0] =	sst s3  }
0x4c: {  	s6 =	simm.s32 $0x280;
	[smem:$0x7D1] =	sst s5  }
0x4d: {  	s7 =	simm.s32 $0x870;
	[smem:$0x7D2] =	sst s6  }
0x4e: {  	s8 =	simm.s32 $0xF00;
	[smem:$0x7D3] =	sst s7  }
0x4f: {  	s11 =	simm.s32 $0x8C0;
	[smem:$0x7D4] =	sst s8  }
0x50: {  	s14 =	simm.s32 $0x320;
	[smem:$0x7D7] =	sst s11  }
0x51: {  	s17 =	simm.s32 $0x1590;
	[smem:$0x7DA] =	sst s14  }
0x52: {  	s25 =	simm.s32 $0x1040;
	[smem:$0x7DD] =	sst s17  }
0x53: {  	s9 =	simm.s32 $0x14F0;
	[smem:$0x7E4] =	sst s25  }
0x54: {  	s10 =	simm.s32 $0x2D0;
	[smem:$0x7D5] =	sst s9  }
0x55: {  	s12 =	simm.s32 $0xF50;
	[smem:$0x7D6] =	sst s10  }
0x56: {  	s13 =	simm.s32 $0x1540;
	[smem:$0x7D8] =	sst s12  }
0x57: {  	s15 =	simm.s32 $0x910;
	[smem:$0x7D9] =	sst s13  }
0x58: {  	s16 =	simm.s32 $0xFA0;
	[smem:$0x7DB] =	sst s15  }
0x59: {  	s18 =	simm.s32 $0x370;
	[smem:$0x7DC] =	sst s16  }
0x5a: {  	s31 =	simm.s32 $0xD;
	s19 =	simm.s32 $0x960;
	[smem:$0x7DE] =	sst s18  }
0x5b: {  	p0 =	por $0x0, $0x0;
	s20 =	simm.s32 $0xFF0;
	[smem:$0x7DF] =	sst s19  }
0x5c: {  	s30 =	simm.s32 $0xBE0;
	s21 =	simm.s32 $0x15E0;
	[smem:$0x7E0] =	sst s20  }
0x5d: {  	s29 =	simm.s32 $0x1270;
	s22 =	simm.s32 $0x3C0;
	[smem:$0x7E1] =	sst s21  }
0x5e: {  	s28 =	simm.s32 $0x1860;
	s23 =	simm.s32 $0x9B0;
	[smem:$0x7E2] =	sst s22  }
0x5f: {  	s7 =	sadd.s32 $0xF44200, s1;
	s26 =	simm.s32 $0x1630;
	[smem:$0x7E3] =	sst s23  }
0x60: {  	s3 =	sadd.s32 $0x1E00, s1;
	s5 =	simm.s32 $0x410;
	[smem:$0x7E5] =	sst s26  }
0x61: {  	s6 =	ssub.s32 $0x2, s4;
	s8 =	simm.s32 $0xA00;
	[smem:$0x7E6] =	sst s5  }
0x62: {  	s11 =	simm.s32 $0x460;
	s14 =	simm.s32 $0x16D0;
	[smem:$0x7E7] =	sst s8  }
0x63: {  	s17 =	simm.s32 $0x1;
	s25 =	simm.s32 $0x1770;
	[smem:$0x7EA] =	sst s11  }
0x64: {  	s4 =	sshrl.u32 s6, $0x1;
	s9 =	simm.s32 $0x1090;
	[smem:$0x7ED] =	sst s14  }
0x65: {  	s10 =	simm.s32 $0x1680;
	s12 =	simm.s32 $0xA50;
	[smem:$0x7F5] =	sst s25  }
0x66: {  	s5 =	simm.s32 $0x50;
	s13 =	simm.s32 $0x10E0;
	[smem:$0x7E8] =	sst s9  }
0x67: {  	s8 =	simm.s32 $0x2D00;
	s15 =	simm.s32 $0x4B0;
	[smem:$0x7E9] =	sst s10  }
0x68: {  	s16 =	simm.s32 $0xAA0;
	s18 =	simm.s32 $0x1130;
	[smem:$0x7EB] =	sst s12  }
0x69: {  	s19 =	simm.s32 $0x1720;
	s20 =	simm.s32 $0x500;
	[smem:$0x7EC] =	sst s13  }
0x6a: {  	s21 =	simm.s32 $0x6900;
	s22 =	simm.s32 $0xAF0;
	[smem:$0x7EE] =	sst s15  }
0x6b: {  	s23 =	simm.s32 $0x1180;
	s26 =	simm.s32 $0x550;
	[smem:$0x7EF] =	sst s16  }
0x6c: {  	s11 =	simm.s32 $0xB40;
	s14 =	simm.s32 $0x11D0;
	[smem:$0x7F0] =	sst s18  }
0x6d: {  	s25 =	simm.s32 $0x1220;
	s1 =	ssub.s32 s6, s4;
	[smem:$0x7F1] =	sst s19  }
0x6e: {  	s9 =	simm.s32 $0x1900;
	s4 =	simm.s32 $0x4100;
	[smem:$0x7F2] =	sst s20  }
0x6f: {  	s6 =	simm.s32 $0x5500;
	s12 =	simm.s32 $0x2;
	[smem:$0x7F3] =	sst s22  }
0x70: {  	s13 =	simm.s32 $0x3;
	s20 =	simm.s32 $0x7D00;
	[smem:$0x7F4] =	sst s23  }
0x71: {  	s16 =	simm.s32 $0x4;
	s10 =	simm.s32 $0x7;
	[smem:$0x7F6] =	sst s26  }
0x72: {  	s23 =	simm.s32 $0x5;
	[smem:$0x7F7] =	sst s11;
	s11 =	simm.s32 $0x8  }
0x73: {  	[smem:$0x7F8] =	sst s14;
	s15 =	simm.s32 $0x17C0;
	s1 =	smax.u32 s1, $0x1  }
0x74: {  	s22 =	simm.s32 $0x6;
	[smem:$0x7FC] =	sst s25;
	p1 =	sne.s32 s1, $0x1  }
.Ltmp0:
0x75: {  	s18 =	simm.s32 $0x5A0;
	[smem:$0x7F9] =	sst s15;
	(pc) =	sbr.rel @!p1 .LBB2_1-.Ltmp0, $4  }
0x76: {  	s14 =	simm.s32 $0x9;
	s19 =	simm.s32 $0xB90;
	[smem:$0x7FA] =	sst s18  }
0x77: {  	s26 =	simm.s32 $0x1810;
	s25 =	simm.s32 $0x18B0;
	[smem:$0x7FB] =	sst s19  }
0x78: {  	s15 =	simm.s32 $0xA;
	s18 =	simm.s32 $0xB;
	[smem:$0x7FD] =	sst s26  }
0x79: {  	s19 =	simm.s32 $0xC;
	s26 =	simm.s32 $0xC30;
	s1 =	sadd.s32 $0xFFFFFFFF, s1  }
0x7a: {  	[tilespmem:s2], [sflag:$0xD] =	stream.linear.gather [hbm4b:s0+s2], $0x1900, $0x38;
	[tilespmem:$0x9100] =	vst v63  }
0x7b: {  	_ =	swait.ge [sflag:s31], $0x1900  }
0x7c: {  	[sflag:s31] =	ssyncset.done $0x0  }
0x7d: {  	s24 =	sld [smem:$0x7B6];
	[sflag:s31] =	ssyncadd.s32 $0xFFFFE700  }
0x7e: {  	[tilespmem:s9], [sflag:$0x1] =	stream.indirect.gather [hbm4b:s7+s5], $0x40, s2, s5, $0xb8;
	[tilespmem:$0x9100] =	vst v63  }
0x7f: {  	_ = 	snop  }
0x80: {  	[tilespmem:s8], [sflag:$0x2] =	stream.indirect.gather [hbm4b:s7+s5], $0x40, s24, s5, $0xb8;
	[tilespmem:$0x9100] =	vst v63  }
0x81: {  	_ = 	snop  }
0x82: {  	[tilespmem:s4], [sflag:$0x3] =	stream.indirect.gather [hbm4b:s7+s5], $0x40, s5, s5, $0xb8;
	[tilespmem:$0x9100] =	vst v63  }
0x83: {  	_ =	swait.ge [sflag:s17], $0x1400  }
0x84: {  	s0 =	sld [smem:$0x7B7]  }
0x85: {  	[sflag:s17] =	ssyncset.done $0x0  }
0x86: {  	s24 =	smov.u32 s1;
	s1 =	sld [smem:$0x7B8];
	[sflag:s17] =	ssyncadd.s32 $0xFFFFEC00  }
0x87: {  	[tilespmem:s9], [sflag:$0x1] =	stream.indirect.gather.add.f32 [hbm:s3], $0x40, s0, s5, $0xb8;
	[tilespmem:$0x9100] =	vst v63  }
0x88: {  	_ = 	snop  }
0x89: {  	[tilespmem:s6], [sflag:$0x4] =	stream.indirect.gather [hbm4b:s7+s5], $0x40, s1, s5, $0xb8;
	[tilespmem:$0x9100] =	vst v63  }
0x8a: {  	_ =	swait.ge [sflag:s12], $0x1400  }
0x8b: {  	s0 =	sld [smem:$0x7B9]  }
0x8c: {  	[sflag:s12] =	ssyncset.done $0x0  }
0x8d: {  	s1 =	sld [smem:$0x7BA];
	[sflag:s12] =	ssyncadd.s32 $0xFFFFEC00  }
0x8e: {  	[tilespmem:s8], [sflag:$0x2] =	stream.indirect.gather.add.f32 [hbm:s3], $0x40, s0, s5, $0xb8;
	[tilespmem:$0x9100] =	vst v63  }
0x8f: {  	_ = 	snop  }
0x90: {  	[tilespmem:s21], [sflag:$0x5] =	stream.indirect.gather [hbm4b:s7+s5], $0x40, s1, s5, $0xb8;
	[tilespmem:$0x9100] =	vst v63  }
0x91: {  	_ =	swait.ge [sflag:s13], $0x1400  }
0x92: {  	s1 =	sld [smem:$0x7BB]  }
0x93: {  	[sflag:s13] =	ssyncset.done $0x0  }
0x94: {  	[sflag:s13] =	ssyncadd.s32 $0xFFFFEC00  }
0x95: {  	[tilespmem:s4], [sflag:$0x3] =	stream.indirect.gather.add.f32 [hbm:s3], $0x40, s1, s5, $0xb8;
	[tilespmem:$0x9100] =	vst v63  }
0x96: {  	_ =	swait.ge [sflag:s17], $0x1400  }
0x97: {  	s0 =	rddreg [dreg:$0x6];
	[sflag:s17] =	ssyncset.done $0x0  }
0x98: {  	s1 =	sld [smem:$0x7BC];
	[sflag:s17] =	ssyncadd.s32 $0xFFFFEC00  }
0x99: {  	[hbm4b:s0+s2] =	stream.linear.scatter [tilespmem:s9], [sflag:$0x7], $0x1400, $0x38;
	[tilespmem:$0x9100] =	vst v63  }
0x9a: {  	_ = 	snop  }
0x9b: {  	[tilespmem:s20], [sflag:$0x6] =	stream.indirect.gather [hbm4b:s7+s5], $0x40, s1, s5, $0xb8;
	[tilespmem:$0x9100] =	vst v63  }
0x9c: {  	_ =	swait.ge [sflag:s16], $0x1400  }
0x9d: {  	s1 =	sld [smem:$0x7BD]  }
0x9e: {  	[sflag:s16] =	ssyncset.done $0x0  }
0x9f: {  	[sflag:s16] =	ssyncadd.s32 $0xFFFFEC00  }
0xa0: {  	[tilespmem:s6], [sflag:$0x4] =	stream.indirect.gather.add.f32 [hbm:s3], $0x40, s1, s5, $0xb8;
	[tilespmem:$0x9100] =	vst v63  }
0xa1: {  	_ =	swait.ge [sflag:s12], $0x1400  }
0xa2: {  	[sflag:s12] =	ssyncset.done $0x0  }
0xa3: {  	s1 =	rddreg [dreg:$0x7];
	[sflag:s12] =	ssyncadd.s32 $0xFFFFEC00  }
0xa4: {  	[hbm4b:s1+s2] =	stream.linear.scatter [tilespmem:s8], [sflag:$0x8], $0x1400, $0x38;
	[tilespmem:$0x9100] =	vst v63  }
0xa5: {  	_ =	swait.ge [sflag:s10], $0x1400  }
0xa6: {  	s1 =	sld [smem:$0x7BE]  }
0xa7: {  	[sflag:s10] =	ssyncset.done $0x0  }
0xa8: {  	[sflag:s10] =	ssyncadd.s32 $0xFFFFEC00  }
0xa9: {  	[tilespmem:s9], [sflag:$0x1] =	stream.indirect.gather [hbm4b:s7+s5], $0x40, s1, s5, $0xb8;
	[tilespmem:$0x9100] =	vst v63  }
0xaa: {  	_ =	swait.ge [sflag:s23], $0x1400  }
0xab: {  	s1 =	sld [smem:$0x7BF]  }
0xac: {  	[sflag:s23] =	ssyncset.done $0x0  }
0xad: {  	[sflag:s23] =	ssyncadd.s32 $0xFFFFEC00  }
0xae: {  	[tilespmem:s21], [sflag:$0x5] =	stream.indirect.gather.add.f32 [hbm:s3], $0x40, s1, s5, $0xb8;
	[tilespmem:$0x9100] =	vst v63  }
0xaf: {  	_ =	swait.ge [sflag:s13], $0x1400  }
0xb0: {  	[sflag:s13] =	ssyncset.done $0x0  }
0xb1: {  	s1 =	rddreg [dreg:$0x8];
	[sflag:s13] =	ssyncadd.s32 $0xFFFFEC00  }
0xb2: {  	[hbm4b:s1+s2] =	stream.linear.scatter [tilespmem:s4], [sflag:$0x9], $0x1400, $0x38;
	[tilespmem:$0x9100] =	vst v63  }
0xb3: {  	_ =	swait.ge [sflag:s11], $0x1400  }
0xb4: {  	s1 =	sld [smem:$0x7C0]  }
0xb5: {  	[sflag:s11] =	ssyncset.done $0x0  }
0xb6: {  	[sflag:s11] =	ssyncadd.s32 $0xFFFFEC00  }
0xb7: {  	[tilespmem:s8], [sflag:$0x2] =	stream.indirect.gather [hbm4b:s7+s5], $0x40, s1, s5, $0xb8;
	[tilespmem:$0x9100] =	vst v63  }
0xb8: {  	_ =	swait.ge [sflag:s22], $0x1400  }
0xb9: {  	s1 =	sld [smem:$0x7C1]  }
0xba: {  	[sflag:s22] =	ssyncset.done $0x0  }
0xbb: {  	[sflag:s22] =	ssyncadd.s32 $0xFFFFEC00  }
0xbc: {  	[tilespmem:s20], [sflag:$0x6] =	stream.indirect.gather.add.f32 [hbm:s3], $0x40, s1, s5, $0xb8;
	[tilespmem:$0x9100] =	vst v63  }
0xbd: {  	_ =	swait.ge [sflag:s16], $0x1400  }
0xbe: {  	[sflag:s16] =	ssyncset.done $0x0  }
0xbf: {  	s1 =	rddreg [dreg:$0x9];
	[sflag:s16] =	ssyncadd.s32 $0xFFFFEC00  }
0xc0: {  	[hbm4b:s1+s2] =	stream.linear.scatter [tilespmem:s6], [sflag:$0xA], $0x1400, $0x38;
	[tilespmem:$0x9100] =	vst v63  }
0xc1: {  	_ =	swait.ge [sflag:s14], $0x1400  }
0xc2: {  	s1 =	sld [smem:$0x7C2]  }
0xc3: {  	[sflag:s14] =	ssyncset.done $0x0  }
0xc4: {  	[sflag:s14] =	ssyncadd.s32 $0xFFFFEC00  }
0xc5: {  	[tilespmem:s4], [sflag:$0x3] =	stream.indirect.gather [hbm4b:s7+s5], $0x40, s1, s5, $0xb8;
	[tilespmem:$0x9100] =	vst v63  }
0xc6: {  	_ =	swait.ge [sflag:s17], $0x1400  }
0xc7: {  	s1 =	sld [smem:$0x7C3]  }
0xc8: {  	[sflag:s17] =	ssyncset.done $0x0  }
0xc9: {  	[sflag:s17] =	ssyncadd.s32 $0xFFFFEC00  }
0xca: {  	[tilespmem:s9], [sflag:$0x1] =	stream.indirect.gather.add.f32 [hbm:s3], $0x40, s1, s5, $0xb8;
	[tilespmem:$0x9100] =	vst v63  }
0xcb: {  	_ =	swait.ge [sflag:s23], $0x1400  }
0xcc: {  	[sflag:s23] =	ssyncset.done $0x0  }
0xcd: {  	s1 =	rddreg [dreg:$0xa];
	[sflag:s23] =	ssyncadd.s32 $0xFFFFEC00  }
0xce: {  	[hbm4b:s1+s2] =	stream.linear.scatter [tilespmem:s21], [sflag:$0xB], $0x1400, $0x38;
	[tilespmem:$0x9100] =	vst v63  }
0xcf: {  	_ =	swait.ge [sflag:s15], $0x1400  }
0xd0: {  	s1 =	sld [smem:$0x7C4]  }
0xd1: {  	[sflag:s15] =	ssyncset.done $0x0  }
0xd2: {  	[sflag:s15] =	ssyncadd.s32 $0xFFFFEC00  }
0xd3: {  	[tilespmem:s6], [sflag:$0x4] =	stream.indirect.gather [hbm4b:s7+s5], $0x40, s1, s5, $0xb8;
	[tilespmem:$0x9100] =	vst v63  }
0xd4: {  	_ =	swait.ge [sflag:s12], $0x1400  }
0xd5: {  	s1 =	sld [smem:$0x7C5]  }
0xd6: {  	[sflag:s12] =	ssyncset.done $0x0  }
0xd7: {  	[sflag:s12] =	ssyncadd.s32 $0xFFFFEC00  }
0xd8: {  	[tilespmem:s8], [sflag:$0x2] =	stream.indirect.gather.add.f32 [hbm:s3], $0x40, s1, s5, $0xb8;
	[tilespmem:$0x9100] =	vst v63  }
0xd9: {  	_ =	swait.ge [sflag:s22], $0x1400  }
0xda: {  	[sflag:s22] =	ssyncset.done $0x0  }
0xdb: {  	s1 =	rddreg [dreg:$0xb];
	[sflag:s22] =	ssyncadd.s32 $0xFFFFEC00  }
0xdc: {  	[hbm4b:s1+s2] =	stream.linear.scatter [tilespmem:s20], [sflag:$0xC], $0x1400, $0x38;
	[tilespmem:$0x9100] =	vst v63  }
0xdd: {  	_ =	swait.ge [sflag:s18], $0x1400  }
0xde: {  	s1 =	sld [smem:$0x7C6]  }
0xdf: {  	[sflag:s18] =	ssyncset.done $0x0  }
0xe0: {  	[sflag:s18] =	ssyncadd.s32 $0xFFFFEC00  }
0xe1: {  	[tilespmem:s21], [sflag:$0x5] =	stream.indirect.gather [hbm4b:s7+s5], $0x40, s1, s5, $0xb8;
	[tilespmem:$0x9100] =	vst v63  }
0xe2: {  	_ =	swait.ge [sflag:s13], $0x1400  }
0xe3: {  	s1 =	sld [smem:$0x7C7]  }
0xe4: {  	[sflag:s13] =	ssyncset.done $0x0  }
0xe5: {  	[sflag:s13] =	ssyncadd.s32 $0xFFFFEC00  }
0xe6: {  	[tilespmem:s4], [sflag:$0x3] =	stream.indirect.gather.add.f32 [hbm:s3], $0x40, s1, s5, $0xb8;
	[tilespmem:$0x9100] =	vst v63  }
0xe7: {  	_ =	swait.ge [sflag:s17], $0x1400  }
0xe8: {  	[sflag:s17] =	ssyncset.done $0x0  }
0xe9: {  	s1 =	rddreg [dreg:$0xc];
	[sflag:s17] =	ssyncadd.s32 $0xFFFFEC00  }
0xea: {  	[hbm4b:s1+s2] =	stream.linear.scatter [tilespmem:s9], [sflag:$0x7], $0x1400, $0x38;
	[tilespmem:$0x9100] =	vst v63  }
0xeb: {  	_ =	swait.ge [sflag:s19], $0x1400  }
0xec: {  	s1 =	sld [smem:$0x7C8]  }
0xed: {  	[sflag:s19] =	ssyncset.done $0x0  }
0xee: {  	[sflag:s19] =	ssyncadd.s32 $0xFFFFEC00  }
0xef: {  	[tilespmem:s20], [sflag:$0x6] =	stream.indirect.gather [hbm4b:s7+s5], $0x40, s1, s5, $0xb8;
	[tilespmem:$0x9100] =	vst v63  }
0xf0: {  	_ =	swait.ge [sflag:s16], $0x1400  }
0xf1: {  	s1 =	sld [smem:$0x7C9]  }
0xf2: {  	[sflag:s16] =	ssyncset.done $0x0  }
0xf3: {  	[sflag:s16] =	ssyncadd.s32 $0xFFFFEC00  }
0xf4: {  	[tilespmem:s6], [sflag:$0x4] =	stream.indirect.gather.add.f32 [hbm:s3], $0x40, s1, s5, $0xb8;
	[tilespmem:$0x9100] =	vst v63  }
0xf5: {  	_ =	swait.ge [sflag:s12], $0x1400  }
0xf6: {  	[sflag:s12] =	ssyncset.done $0x0  }
0xf7: {  	s1 =	rddreg [dreg:$0xd];
	[sflag:s12] =	ssyncadd.s32 $0xFFFFEC00  }
0xf8: {  	[hbm4b:s1+s2] =	stream.linear.scatter [tilespmem:s8], [sflag:$0x8], $0x1400, $0x38;
	[tilespmem:$0x9100] =	vst v63  }
0xf9: {  	_ =	swait.ge [sflag:s10], $0x1400  }
0xfa: {  	s1 =	sld [smem:$0x7CA]  }
0xfb: {  	[sflag:s10] =	ssyncset.done $0x0  }
0xfc: {  	[sflag:s10] =	ssyncadd.s32 $0xFFFFEC00  }
0xfd: {  	[tilespmem:s9], [sflag:$0x1] =	stream.indirect.gather [hbm4b:s7+s5], $0x40, s1, s5, $0xb8;
	[tilespmem:$0x9100] =	vst v63  }
0xfe: {  	_ =	swait.ge [sflag:s23], $0x1400  }
0xff: {  	s1 =	sld [smem:$0x7CB]  }
0x100: {  	[sflag:s23] =	ssyncset.done $0x0  }
0x101: {  	[sflag:s23] =	ssyncadd.s32 $0xFFFFEC00  }
0x102: {  	[tilespmem:s21], [sflag:$0x5] =	stream.indirect.gather.add.f32 [hbm:s3], $0x40, s1, s5, $0xb8;
	[tilespmem:$0x9100] =	vst v63  }
0x103: {  	_ =	swait.ge [sflag:s13], $0x1400  }
0x104: {  	[sflag:s13] =	ssyncset.done $0x0  }
0x105: {  	s1 =	rddreg [dreg:$0xe];
	[sflag:s13] =	ssyncadd.s32 $0xFFFFEC00  }
0x106: {  	[hbm4b:s1+s2] =	stream.linear.scatter [tilespmem:s4], [sflag:$0x9], $0x1400, $0x38;
	[tilespmem:$0x9100] =	vst v63  }
0x107: {  	_ =	swait.ge [sflag:s11], $0x1400  }
0x108: {  	s1 =	sld [smem:$0x7CC]  }
0x109: {  	[sflag:s11] =	ssyncset.done $0x0  }
0x10a: {  	[sflag:s11] =	ssyncadd.s32 $0xFFFFEC00  }
0x10b: {  	[tilespmem:s8], [sflag:$0x2] =	stream.indirect.gather [hbm4b:s7+s5], $0x40, s1, s5, $0xb8;
	[tilespmem:$0x9100] =	vst v63  }
0x10c: {  	_ =	swait.ge [sflag:s22], $0x1400  }
0x10d: {  	s1 =	sld [smem:$0x7CD]  }
0x10e: {  	[sflag:s22] =	ssyncset.done $0x0  }
0x10f: {  	[sflag:s22] =	ssyncadd.s32 $0xFFFFEC00  }
0x110: {  	[tilespmem:s20], [sflag:$0x6] =	stream.indirect.gather.add.f32 [hbm:s3], $0x40, s1, s5, $0xb8;
	[tilespmem:$0x9100] =	vst v63  }
0x111: {  	_ =	swait.ge [sflag:s16], $0x1400  }
0x112: {  	[sflag:s16] =	ssyncset.done $0x0  }
0x113: {  	s1 =	rddreg [dreg:$0xf];
	[sflag:s16] =	ssyncadd.s32 $0xFFFFEC00  }
0x114: {  	[hbm4b:s1+s2] =	stream.linear.scatter [tilespmem:s6], [sflag:$0xA], $0x1400, $0x38;
	[tilespmem:$0x9100] =	vst v63  }
0x115: {  	_ =	swait.ge [sflag:s14], $0x1400  }
0x116: {  	s1 =	sld [smem:$0x7CE]  }
0x117: {  	[sflag:s14] =	ssyncset.done $0x0  }
0x118: {  	[sflag:s14] =	ssyncadd.s32 $0xFFFFEC00  }
0x119: {  	[tilespmem:s4], [sflag:$0x3] =	stream.indirect.gather [hbm4b:s7+s5], $0x40, s1, s5, $0xb8;
	[tilespmem:$0x9100] =	vst v63  }
0x11a: {  	_ =	swait.ge [sflag:s17], $0x1400  }
0x11b: {  	s1 =	sld [smem:$0x7CF]  }
0x11c: {  	[sflag:s17] =	ssyncset.done $0x0  }
0x11d: {  	[sflag:s17] =	ssyncadd.s32 $0xFFFFEC00  }
0x11e: {  	[tilespmem:s9], [sflag:$0x1] =	stream.indirect.gather.add.f32 [hbm:s3], $0x40, s1, s5, $0xb8;
	[tilespmem:$0x9100] =	vst v63  }
0x11f: {  	_ =	swait.ge [sflag:s23], $0x1400  }
0x120: {  	[sflag:s23] =	ssyncset.done $0x0  }
0x121: {  	s1 =	rddreg [dreg:$0x10];
	[sflag:s23] =	ssyncadd.s32 $0xFFFFEC00  }
0x122: {  	[hbm4b:s1+s2] =	stream.linear.scatter [tilespmem:s21], [sflag:$0xB], $0x1400, $0x38;
	[tilespmem:$0x9100] =	vst v63  }
0x123: {  	_ =	swait.ge [sflag:s15], $0x1400  }
0x124: {  	s1 =	sld [smem:$0x7D0]  }
0x125: {  	[sflag:s15] =	ssyncset.done $0x0  }
0x126: {  	[sflag:s15] =	ssyncadd.s32 $0xFFFFEC00  }
0x127: {  	[tilespmem:s6], [sflag:$0x4] =	stream.indirect.gather [hbm4b:s7+s5], $0x40, s1, s5, $0xb8;
	[tilespmem:$0x9100] =	vst v63  }
0x128: {  	_ =	swait.ge [sflag:s12], $0x1400  }
0x129: {  	s1 =	sld [smem:$0x7D1]  }
0x12a: {  	[sflag:s12] =	ssyncset.done $0x0  }
0x12b: {  	[sflag:s12] =	ssyncadd.s32 $0xFFFFEC00  }
0x12c: {  	[tilespmem:s8], [sflag:$0x2] =	stream.indirect.gather.add.f32 [hbm:s3], $0x40, s1, s5, $0xb8;
	[tilespmem:$0x9100] =	vst v63  }
0x12d: {  	_ =	swait.ge [sflag:s22], $0x1400  }
0x12e: {  	[sflag:s22] =	ssyncset.done $0x0  }
0x12f: {  	s1 =	rddreg [dreg:$0x11];
	[sflag:s22] =	ssyncadd.s32 $0xFFFFEC00  }
0x130: {  	[hbm4b:s1+s2] =	stream.linear.scatter [tilespmem:s20], [sflag:$0xC], $0x1400, $0x38;
	[tilespmem:$0x9100] =	vst v63  }
0x131: {  	_ =	swait.ge [sflag:s18], $0x1400  }
0x132: {  	s1 =	sld [smem:$0x7D2]  }
0x133: {  	[sflag:s18] =	ssyncset.done $0x0  }
0x134: {  	[sflag:s18] =	ssyncadd.s32 $0xFFFFEC00  }
0x135: {  	[tilespmem:s21], [sflag:$0x5] =	stream.indirect.gather [hbm4b:s7+s5], $0x40, s1, s5, $0xb8;
	[tilespmem:$0x9100] =	vst v63  }
0x136: {  	_ =	swait.ge [sflag:s13], $0x1400  }
0x137: {  	s1 =	sld [smem:$0x7D3]  }
0x138: {  	[sflag:s13] =	ssyncset.done $0x0  }
0x139: {  	[sflag:s13] =	ssyncadd.s32 $0xFFFFEC00  }
0x13a: {  	[tilespmem:s4], [sflag:$0x3] =	stream.indirect.gather.add.f32 [hbm:s3], $0x40, s1, s5, $0xb8;
	[tilespmem:$0x9100] =	vst v63  }
0x13b: {  	_ =	swait.ge [sflag:s17], $0x1400  }
0x13c: {  	[sflag:s17] =	ssyncset.done $0x0  }
0x13d: {  	s1 =	rddreg [dreg:$0x12];
	[sflag:s17] =	ssyncadd.s32 $0xFFFFEC00  }
0x13e: {  	[hbm4b:s1+s2] =	stream.linear.scatter [tilespmem:s9], [sflag:$0x7], $0x1400, $0x38;
	[tilespmem:$0x9100] =	vst v63  }
0x13f: {  	_ =	swait.ge [sflag:s19], $0x1400  }
0x140: {  	s1 =	sld [smem:$0x7D4]  }
0x141: {  	[sflag:s19] =	ssyncset.done $0x0  }
0x142: {  	[sflag:s19] =	ssyncadd.s32 $0xFFFFEC00  }
0x143: {  	[tilespmem:s20], [sflag:$0x6] =	stream.indirect.gather [hbm4b:s7+s5], $0x40, s1, s5, $0xb8;
	[tilespmem:$0x9100] =	vst v63  }
0x144: {  	_ =	swait.ge [sflag:s16], $0x1400  }
0x145: {  	s1 =	sld [smem:$0x7D5]  }
0x146: {  	[sflag:s16] =	ssyncset.done $0x0  }
0x147: {  	[sflag:s16] =	ssyncadd.s32 $0xFFFFEC00  }
0x148: {  	[tilespmem:s6], [sflag:$0x4] =	stream.indirect.gather.add.f32 [hbm:s3], $0x40, s1, s5, $0xb8;
	[tilespmem:$0x9100] =	vst v63  }
0x149: {  	_ =	swait.ge [sflag:s12], $0x1400  }
0x14a: {  	[sflag:s12] =	ssyncset.done $0x0  }
0x14b: {  	s1 =	rddreg [dreg:$0x13];
	[sflag:s12] =	ssyncadd.s32 $0xFFFFEC00  }
0x14c: {  	[hbm4b:s1+s2] =	stream.linear.scatter [tilespmem:s8], [sflag:$0x8], $0x1400, $0x38;
	[tilespmem:$0x9100] =	vst v63  }
0x14d: {  	_ =	swait.ge [sflag:s10], $0x1400  }
0x14e: {  	s1 =	sld [smem:$0x7D6]  }
0x14f: {  	[sflag:s10] =	ssyncset.done $0x0  }
0x150: {  	[sflag:s10] =	ssyncadd.s32 $0xFFFFEC00  }
0x151: {  	[tilespmem:s9], [sflag:$0x1] =	stream.indirect.gather [hbm4b:s7+s5], $0x40, s1, s5, $0xb8;
	[tilespmem:$0x9100] =	vst v63  }
0x152: {  	_ =	swait.ge [sflag:s23], $0x1400  }
0x153: {  	s1 =	sld [smem:$0x7D7]  }
0x154: {  	[sflag:s23] =	ssyncset.done $0x0  }
0x155: {  	[sflag:s23] =	ssyncadd.s32 $0xFFFFEC00  }
0x156: {  	[tilespmem:s21], [sflag:$0x5] =	stream.indirect.gather.add.f32 [hbm:s3], $0x40, s1, s5, $0xb8;
	[tilespmem:$0x9100] =	vst v63  }
0x157: {  	_ =	swait.ge [sflag:s13], $0x1400  }
0x158: {  	[sflag:s13] =	ssyncset.done $0x0  }
0x159: {  	s1 =	rddreg [dreg:$0x14];
	[sflag:s13] =	ssyncadd.s32 $0xFFFFEC00  }
0x15a: {  	[hbm4b:s1+s2] =	stream.linear.scatter [tilespmem:s4], [sflag:$0x9], $0x1400, $0x38;
	[tilespmem:$0x9100] =	vst v63  }
0x15b: {  	_ =	swait.ge [sflag:s11], $0x1400  }
0x15c: {  	s1 =	sld [smem:$0x7D8]  }
0x15d: {  	[sflag:s11] =	ssyncset.done $0x0  }
0x15e: {  	[sflag:s11] =	ssyncadd.s32 $0xFFFFEC00  }
0x15f: {  	[tilespmem:s8], [sflag:$0x2] =	stream.indirect.gather [hbm4b:s7+s5], $0x40, s1, s5, $0xb8;
	[tilespmem:$0x9100] =	vst v63  }
0x160: {  	_ =	swait.ge [sflag:s22], $0x1400  }
0x161: {  	s1 =	sld [smem:$0x7D9]  }
0x162: {  	[sflag:s22] =	ssyncset.done $0x0  }
0x163: {  	[sflag:s22] =	ssyncadd.s32 $0xFFFFEC00  }
0x164: {  	[tilespmem:s20], [sflag:$0x6] =	stream.indirect.gather.add.f32 [hbm:s3], $0x40, s1, s5, $0xb8;
	[tilespmem:$0x9100] =	vst v63  }
0x165: {  	_ =	swait.ge [sflag:s16], $0x1400  }
0x166: {  	[sflag:s16] =	ssyncset.done $0x0  }
0x167: {  	s1 =	rddreg [dreg:$0x15];
	[sflag:s16] =	ssyncadd.s32 $0xFFFFEC00  }
0x168: {  	[hbm4b:s1+s2] =	stream.linear.scatter [tilespmem:s6], [sflag:$0xA], $0x1400, $0x38;
	[tilespmem:$0x9100] =	vst v63  }
0x169: {  	_ =	swait.ge [sflag:s14], $0x1400  }
0x16a: {  	s1 =	sld [smem:$0x7DA]  }
0x16b: {  	[sflag:s14] =	ssyncset.done $0x0  }
0x16c: {  	[sflag:s14] =	ssyncadd.s32 $0xFFFFEC00  }
0x16d: {  	[tilespmem:s4], [sflag:$0x3] =	stream.indirect.gather [hbm4b:s7+s5], $0x40, s1, s5, $0xb8;
	[tilespmem:$0x9100] =	vst v63  }
0x16e: {  	_ =	swait.ge [sflag:s17], $0x1400  }
0x16f: {  	s1 =	sld [smem:$0x7DB]  }
0x170: {  	[sflag:s17] =	ssyncset.done $0x0  }
0x171: {  	[sflag:s17] =	ssyncadd.s32 $0xFFFFEC00  }
0x172: {  	[tilespmem:s9], [sflag:$0x1] =	stream.indirect.gather.add.f32 [hbm:s3], $0x40, s1, s5, $0xb8;
	[tilespmem:$0x9100] =	vst v63  }
0x173: {  	_ =	swait.ge [sflag:s23], $0x1400  }
0x174: {  	[sflag:s23] =	ssyncset.done $0x0  }
0x175: {  	s1 =	rddreg [dreg:$0x16];
	[sflag:s23] =	ssyncadd.s32 $0xFFFFEC00  }
0x176: {  	[hbm4b:s1+s2] =	stream.linear.scatter [tilespmem:s21], [sflag:$0xB], $0x1400, $0x38;
	[tilespmem:$0x9100] =	vst v63  }
0x177: {  	_ =	swait.ge [sflag:s15], $0x1400  }
0x178: {  	s1 =	sld [smem:$0x7DC]  }
0x179: {  	[sflag:s15] =	ssyncset.done $0x0  }
0x17a: {  	[sflag:s15] =	ssyncadd.s32 $0xFFFFEC00  }
0x17b: {  	[tilespmem:s6], [sflag:$0x4] =	stream.indirect.gather [hbm4b:s7+s5], $0x40, s1, s5, $0xb8;
	[tilespmem:$0x9100] =	vst v63  }
0x17c: {  	_ =	swait.ge [sflag:s12], $0x1400  }
0x17d: {  	s1 =	sld [smem:$0x7DD]  }
0x17e: {  	[sflag:s12] =	ssyncset.done $0x0  }
0x17f: {  	[sflag:s12] =	ssyncadd.s32 $0xFFFFEC00  }
0x180: {  	[tilespmem:s8], [sflag:$0x2] =	stream.indirect.gather.add.f32 [hbm:s3], $0x40, s1, s5, $0xb8;
	[tilespmem:$0x9100] =	vst v63  }
0x181: {  	_ =	swait.ge [sflag:s22], $0x1400  }
0x182: {  	[sflag:s22] =	ssyncset.done $0x0  }
0x183: {  	s1 =	rddreg [dreg:$0x17];
	[sflag:s22] =	ssyncadd.s32 $0xFFFFEC00  }
0x184: {  	[hbm4b:s1+s2] =	stream.linear.scatter [tilespmem:s20], [sflag:$0xC], $0x1400, $0x38;
	[tilespmem:$0x9100] =	vst v63  }
0x185: {  	_ =	swait.ge [sflag:s18], $0x1400  }
0x186: {  	s1 =	sld [smem:$0x7DE]  }
0x187: {  	[sflag:s18] =	ssyncset.done $0x0  }
0x188: {  	[sflag:s18] =	ssyncadd.s32 $0xFFFFEC00  }
0x189: {  	[tilespmem:s21], [sflag:$0x5] =	stream.indirect.gather [hbm4b:s7+s5], $0x40, s1, s5, $0xb8;
	[tilespmem:$0x9100] =	vst v63  }
0x18a: {  	_ =	swait.ge [sflag:s13], $0x1400  }
0x18b: {  	s1 =	sld [smem:$0x7DF]  }
0x18c: {  	[sflag:s13] =	ssyncset.done $0x0  }
0x18d: {  	[sflag:s13] =	ssyncadd.s32 $0xFFFFEC00  }
0x18e: {  	[tilespmem:s4], [sflag:$0x3] =	stream.indirect.gather.add.f32 [hbm:s3], $0x40, s1, s5, $0xb8;
	[tilespmem:$0x9100] =	vst v63  }
0x18f: {  	_ =	swait.ge [sflag:s17], $0x1400  }
0x190: {  	[sflag:s17] =	ssyncset.done $0x0  }
0x191: {  	s1 =	rddreg [dreg:$0x18];
	[sflag:s17] =	ssyncadd.s32 $0xFFFFEC00  }
0x192: {  	[hbm4b:s1+s2] =	stream.linear.scatter [tilespmem:s9], [sflag:$0x7], $0x1400, $0x38;
	[tilespmem:$0x9100] =	vst v63  }
0x193: {  	_ =	swait.ge [sflag:s19], $0x1400  }
0x194: {  	s1 =	sld [smem:$0x7E0]  }
0x195: {  	[sflag:s19] =	ssyncset.done $0x0  }
0x196: {  	[sflag:s19] =	ssyncadd.s32 $0xFFFFEC00  }
0x197: {  	[tilespmem:s20], [sflag:$0x6] =	stream.indirect.gather [hbm4b:s7+s5], $0x40, s1, s5, $0xb8;
	[tilespmem:$0x9100] =	vst v63  }
0x198: {  	_ =	swait.ge [sflag:s16], $0x1400  }
0x199: {  	s1 =	sld [smem:$0x7E1]  }
0x19a: {  	[sflag:s16] =	ssyncset.done $0x0  }
0x19b: {  	[sflag:s16] =	ssyncadd.s32 $0xFFFFEC00  }
0x19c: {  	[tilespmem:s6], [sflag:$0x4] =	stream.indirect.gather.add.f32 [hbm:s3], $0x40, s1, s5, $0xb8;
	[tilespmem:$0x9100] =	vst v63  }
0x19d: {  	_ =	swait.ge [sflag:s12], $0x1400  }
0x19e: {  	[sflag:s12] =	ssyncset.done $0x0  }
0x19f: {  	s1 =	rddreg [dreg:$0x19];
	[sflag:s12] =	ssyncadd.s32 $0xFFFFEC00  }
0x1a0: {  	[hbm4b:s1+s2] =	stream.linear.scatter [tilespmem:s8], [sflag:$0x8], $0x1400, $0x38;
	[tilespmem:$0x9100] =	vst v63  }
0x1a1: {  	_ =	swait.ge [sflag:s10], $0x1400  }
0x1a2: {  	s1 =	sld [smem:$0x7E2]  }
0x1a3: {  	[sflag:s10] =	ssyncset.done $0x0  }
0x1a4: {  	[sflag:s10] =	ssyncadd.s32 $0xFFFFEC00  }
0x1a5: {  	[tilespmem:s9], [sflag:$0x1] =	stream.indirect.gather [hbm4b:s7+s5], $0x40, s1, s5, $0xb8;
	[tilespmem:$0x9100] =	vst v63  }
0x1a6: {  	_ =	swait.ge [sflag:s23], $0x1400  }
0x1a7: {  	s1 =	sld [smem:$0x7E3]  }
0x1a8: {  	[sflag:s23] =	ssyncset.done $0x0  }
0x1a9: {  	[sflag:s23] =	ssyncadd.s32 $0xFFFFEC00  }
0x1aa: {  	[tilespmem:s21], [sflag:$0x5] =	stream.indirect.gather.add.f32 [hbm:s3], $0x40, s1, s5, $0xb8;
	[tilespmem:$0x9100] =	vst v63  }
0x1ab: {  	_ =	swait.ge [sflag:s13], $0x1400  }
0x1ac: {  	[sflag:s13] =	ssyncset.done $0x0  }
0x1ad: {  	s1 =	rddreg [dreg:$0x1a];
	[sflag:s13] =	ssyncadd.s32 $0xFFFFEC00  }
0x1ae: {  	[hbm4b:s1+s2] =	stream.linear.scatter [tilespmem:s4], [sflag:$0x9], $0x1400, $0x38;
	[tilespmem:$0x9100] =	vst v63  }
0x1af: {  	_ =	swait.ge [sflag:s11], $0x1400  }
0x1b0: {  	s1 =	sld [smem:$0x7E4]  }
0x1b1: {  	[sflag:s11] =	ssyncset.done $0x0  }
0x1b2: {  	[sflag:s11] =	ssyncadd.s32 $0xFFFFEC00  }
0x1b3: {  	[tilespmem:s8], [sflag:$0x2] =	stream.indirect.gather [hbm4b:s7+s5], $0x40, s1, s5, $0xb8;
	[tilespmem:$0x9100] =	vst v63  }
0x1b4: {  	_ =	swait.ge [sflag:s22], $0x1400  }
0x1b5: {  	s1 =	sld [smem:$0x7E5]  }
0x1b6: {  	[sflag:s22] =	ssyncset.done $0x0  }
0x1b7: {  	[sflag:s22] =	ssyncadd.s32 $0xFFFFEC00  }
0x1b8: {  	[tilespmem:s20], [sflag:$0x6] =	stream.indirect.gather.add.f32 [hbm:s3], $0x40, s1, s5, $0xb8;
	[tilespmem:$0x9100] =	vst v63  }
0x1b9: {  	_ =	swait.ge [sflag:s16], $0x1400  }
0x1ba: {  	[sflag:s16] =	ssyncset.done $0x0  }
0x1bb: {  	s1 =	rddreg [dreg:$0x1b];
	[sflag:s16] =	ssyncadd.s32 $0xFFFFEC00  }
0x1bc: {  	[hbm4b:s1+s2] =	stream.linear.scatter [tilespmem:s6], [sflag:$0xA], $0x1400, $0x38;
	[tilespmem:$0x9100] =	vst v63  }
0x1bd: {  	_ =	swait.ge [sflag:s14], $0x1400  }
0x1be: {  	s1 =	sld [smem:$0x7E6]  }
0x1bf: {  	[sflag:s14] =	ssyncset.done $0x0  }
0x1c0: {  	[sflag:s14] =	ssyncadd.s32 $0xFFFFEC00  }
0x1c1: {  	[tilespmem:s4], [sflag:$0x3] =	stream.indirect.gather [hbm4b:s7+s5], $0x40, s1, s5, $0xb8;
	[tilespmem:$0x9100] =	vst v63  }
0x1c2: {  	_ =	swait.ge [sflag:s17], $0x1400  }
0x1c3: {  	s1 =	sld [smem:$0x7E7]  }
0x1c4: {  	[sflag:s17] =	ssyncset.done $0x0  }
0x1c5: {  	[sflag:s17] =	ssyncadd.s32 $0xFFFFEC00  }
0x1c6: {  	[tilespmem:s9], [sflag:$0x1] =	stream.indirect.gather.add.f32 [hbm:s3], $0x40, s1, s5, $0xb8;
	[tilespmem:$0x9100] =	vst v63  }
0x1c7: {  	_ =	swait.ge [sflag:s23], $0x1400  }
0x1c8: {  	[sflag:s23] =	ssyncset.done $0x0  }
0x1c9: {  	s1 =	rddreg [dreg:$0x1c];
	[sflag:s23] =	ssyncadd.s32 $0xFFFFEC00  }
0x1ca: {  	[hbm4b:s1+s2] =	stream.linear.scatter [tilespmem:s21], [sflag:$0xB], $0x1400, $0x38;
	[tilespmem:$0x9100] =	vst v63  }
0x1cb: {  	_ =	swait.ge [sflag:s15], $0x1400  }
0x1cc: {  	s1 =	sld [smem:$0x7E8]  }
0x1cd: {  	[sflag:s15] =	ssyncset.done $0x0  }
0x1ce: {  	[sflag:s15] =	ssyncadd.s32 $0xFFFFEC00  }
0x1cf: {  	[tilespmem:s6], [sflag:$0x4] =	stream.indirect.gather [hbm4b:s7+s5], $0x40, s1, s5, $0xb8;
	[tilespmem:$0x9100] =	vst v63  }
0x1d0: {  	_ =	swait.ge [sflag:s12], $0x1400  }
0x1d1: {  	s1 =	sld [smem:$0x7E9]  }
0x1d2: {  	[sflag:s12] =	ssyncset.done $0x0  }
0x1d3: {  	[sflag:s12] =	ssyncadd.s32 $0xFFFFEC00  }
0x1d4: {  	[tilespmem:s8], [sflag:$0x2] =	stream.indirect.gather.add.f32 [hbm:s3], $0x40, s1, s5, $0xb8;
	[tilespmem:$0x9100] =	vst v63  }
0x1d5: {  	_ =	swait.ge [sflag:s22], $0x1400  }
0x1d6: {  	[sflag:s22] =	ssyncset.done $0x0  }
0x1d7: {  	s1 =	rddreg [dreg:$0x1d];
	[sflag:s22] =	ssyncadd.s32 $0xFFFFEC00  }
0x1d8: {  	[hbm4b:s1+s2] =	stream.linear.scatter [tilespmem:s20], [sflag:$0xC], $0x1400, $0x38;
	[tilespmem:$0x9100] =	vst v63  }
0x1d9: {  	_ =	swait.ge [sflag:s18], $0x1400  }
0x1da: {  	s1 =	sld [smem:$0x7EA]  }
0x1db: {  	[sflag:s18] =	ssyncset.done $0x0  }
0x1dc: {  	[sflag:s18] =	ssyncadd.s32 $0xFFFFEC00  }
0x1dd: {  	[tilespmem:s21], [sflag:$0x5] =	stream.indirect.gather [hbm4b:s7+s5], $0x40, s1, s5, $0xb8;
	[tilespmem:$0x9100] =	vst v63  }
0x1de: {  	_ =	swait.ge [sflag:s13], $0x1400  }
0x1df: {  	s1 =	sld [smem:$0x7EB]  }
0x1e0: {  	[sflag:s13] =	ssyncset.done $0x0  }
0x1e1: {  	[sflag:s13] =	ssyncadd.s32 $0xFFFFEC00  }
0x1e2: {  	[tilespmem:s4], [sflag:$0x3] =	stream.indirect.gather.add.f32 [hbm:s3], $0x40, s1, s5, $0xb8;
	[tilespmem:$0x9100] =	vst v63  }
0x1e3: {  	_ =	swait.ge [sflag:s17], $0x1400  }
0x1e4: {  	[sflag:s17] =	ssyncset.done $0x0  }
0x1e5: {  	s1 =	rddreg [dreg:$0x1e];
	[sflag:s17] =	ssyncadd.s32 $0xFFFFEC00  }
0x1e6: {  	[hbm4b:s1+s2] =	stream.linear.scatter [tilespmem:s9], [sflag:$0x7], $0x1400, $0x38;
	[tilespmem:$0x9100] =	vst v63  }
0x1e7: {  	_ =	swait.ge [sflag:s19], $0x1400  }
0x1e8: {  	s1 =	sld [smem:$0x7EC]  }
0x1e9: {  	[sflag:s19] =	ssyncset.done $0x0  }
0x1ea: {  	[sflag:s19] =	ssyncadd.s32 $0xFFFFEC00  }
0x1eb: {  	[tilespmem:s20], [sflag:$0x6] =	stream.indirect.gather [hbm4b:s7+s5], $0x40, s1, s5, $0xb8;
	[tilespmem:$0x9100] =	vst v63  }
0x1ec: {  	_ =	swait.ge [sflag:s16], $0x1400  }
0x1ed: {  	s1 =	sld [smem:$0x7ED]  }
0x1ee: {  	[sflag:s16] =	ssyncset.done $0x0  }
0x1ef: {  	[sflag:s16] =	ssyncadd.s32 $0xFFFFEC00  }
0x1f0: {  	[tilespmem:s6], [sflag:$0x4] =	stream.indirect.gather.add.f32 [hbm:s3], $0x40, s1, s5, $0xb8;
	[tilespmem:$0x9100] =	vst v63  }
0x1f1: {  	_ =	swait.ge [sflag:s12], $0x1400  }
0x1f2: {  	[sflag:s12] =	ssyncset.done $0x0  }
0x1f3: {  	s1 =	rddreg [dreg:$0x1f];
	[sflag:s12] =	ssyncadd.s32 $0xFFFFEC00  }
0x1f4: {  	[hbm4b:s1+s2] =	stream.linear.scatter [tilespmem:s8], [sflag:$0x8], $0x1400, $0x38;
	[tilespmem:$0x9100] =	vst v63  }
0x1f5: {  	_ =	swait.ge [sflag:s10], $0x1400  }
0x1f6: {  	s1 =	sld [smem:$0x7EE]  }
0x1f7: {  	[sflag:s10] =	ssyncset.done $0x0  }
0x1f8: {  	[sflag:s10] =	ssyncadd.s32 $0xFFFFEC00  }
0x1f9: {  	[tilespmem:s9], [sflag:$0x1] =	stream.indirect.gather [hbm4b:s7+s5], $0x40, s1, s5, $0xb8;
	[tilespmem:$0x9100] =	vst v63  }
0x1fa: {  	_ =	swait.ge [sflag:s23], $0x1400  }
0x1fb: {  	s1 =	sld [smem:$0x7EF]  }
0x1fc: {  	[sflag:s23] =	ssyncset.done $0x0  }
0x1fd: {  	[sflag:s23] =	ssyncadd.s32 $0xFFFFEC00  }
0x1fe: {  	[tilespmem:s21], [sflag:$0x5] =	stream.indirect.gather.add.f32 [hbm:s3], $0x40, s1, s5, $0xb8;
	[tilespmem:$0x9100] =	vst v63  }
0x1ff: {  	_ =	swait.ge [sflag:s13], $0x1400  }
0x200: {  	s1 =	sld [smem:$0x7A8]  }
0x201: {  	[sflag:s13] =	ssyncset.done $0x0  }
0x202: {  	[sflag:s13] =	ssyncadd.s32 $0xFFFFEC00  }
0x203: {  	[hbm4b:s1+s2] =	stream.linear.scatter [tilespmem:s4], [sflag:$0x9], $0x1400, $0x38;
	[tilespmem:$0x9100] =	vst v63  }
0x204: {  	_ =	swait.ge [sflag:s11], $0x1400  }
0x205: {  	s1 =	sld [smem:$0x7F0]  }
0x206: {  	[sflag:s11] =	ssyncset.done $0x0  }
0x207: {  	[sflag:s11] =	ssyncadd.s32 $0xFFFFEC00  }
0x208: {  	[tilespmem:s8], [sflag:$0x2] =	stream.indirect.gather [hbm4b:s7+s5], $0x40, s1, s5, $0xb8;
	[tilespmem:$0x9100] =	vst v63  }
0x209: {  	_ =	swait.ge [sflag:s22], $0x1400  }
0x20a: {  	s1 =	sld [smem:$0x7F1]  }
0x20b: {  	[sflag:s22] =	ssyncset.done $0x0  }
0x20c: {  	[sflag:s22] =	ssyncadd.s32 $0xFFFFEC00  }
0x20d: {  	[tilespmem:s20], [sflag:$0x6] =	stream.indirect.gather.add.f32 [hbm:s3], $0x40, s1, s5, $0xb8;
	[tilespmem:$0x9100] =	vst v63  }
0x20e: {  	_ =	swait.ge [sflag:s16], $0x1400  }
0x20f: {  	s1 =	sld [smem:$0x7A9]  }
0x210: {  	[sflag:s16] =	ssyncset.done $0x0  }
0x211: {  	[sflag:s16] =	ssyncadd.s32 $0xFFFFEC00  }
0x212: {  	[hbm4b:s1+s2] =	stream.linear.scatter [tilespmem:s6], [sflag:$0xA], $0x1400, $0x38;
	[tilespmem:$0x9100] =	vst v63  }
0x213: {  	_ =	swait.ge [sflag:s14], $0x1400  }
0x214: {  	s1 =	sld [smem:$0x7F2]  }
0x215: {  	[sflag:s14] =	ssyncset.done $0x0  }
0x216: {  	[sflag:s14] =	ssyncadd.s32 $0xFFFFEC00  }
0x217: {  	[tilespmem:s4], [sflag:$0x3] =	stream.indirect.gather [hbm4b:s7+s5], $0x40, s1, s5, $0xb8;
	[tilespmem:$0x9100] =	vst v63  }
0x218: {  	_ =	swait.ge [sflag:s17], $0x1400  }
0x219: {  	s1 =	sld [smem:$0x7F3]  }
0x21a: {  	[sflag:s17] =	ssyncset.done $0x0  }
0x21b: {  	[sflag:s17] =	ssyncadd.s32 $0xFFFFEC00  }
0x21c: {  	[tilespmem:s9], [sflag:$0x1] =	stream.indirect.gather.add.f32 [hbm:s3], $0x40, s1, s5, $0xb8;
	[tilespmem:$0x9100] =	vst v63  }
0x21d: {  	_ =	swait.ge [sflag:s23], $0x1400  }
0x21e: {  	s1 =	sld [smem:$0x7AA]  }
0x21f: {  	[sflag:s23] =	ssyncset.done $0x0  }
0x220: {  	[sflag:s23] =	ssyncadd.s32 $0xFFFFEC00  }
0x221: {  	[hbm4b:s1+s2] =	stream.linear.scatter [tilespmem:s21], [sflag:$0xB], $0x1400, $0x38;
	[tilespmem:$0x9100] =	vst v63  }
0x222: {  	_ =	swait.ge [sflag:s15], $0x1400  }
0x223: {  	s1 =	sld [smem:$0x7F4]  }
0x224: {  	[sflag:s15] =	ssyncset.done $0x0  }
0x225: {  	[sflag:s15] =	ssyncadd.s32 $0xFFFFEC00  }
0x226: {  	[tilespmem:s6], [sflag:$0x4] =	stream.indirect.gather [hbm4b:s7+s5], $0x40, s1, s5, $0xb8;
	[tilespmem:$0x9100] =	vst v63  }
0x227: {  	_ =	swait.ge [sflag:s12], $0x1400  }
0x228: {  	s1 =	sld [smem:$0x7F5]  }
0x229: {  	[sflag:s12] =	ssyncset.done $0x0  }
0x22a: {  	[sflag:s12] =	ssyncadd.s32 $0xFFFFEC00  }
0x22b: {  	[tilespmem:s8], [sflag:$0x2] =	stream.indirect.gather.add.f32 [hbm:s3], $0x40, s1, s5, $0xb8;
	[tilespmem:$0x9100] =	vst v63  }
0x22c: {  	_ =	swait.ge [sflag:s22], $0x1400  }
0x22d: {  	s1 =	sld [smem:$0x7AB]  }
0x22e: {  	[sflag:s22] =	ssyncset.done $0x0  }
0x22f: {  	[sflag:s22] =	ssyncadd.s32 $0xFFFFEC00  }
0x230: {  	[hbm4b:s1+s2] =	stream.linear.scatter [tilespmem:s20], [sflag:$0xC], $0x1400, $0x38;
	[tilespmem:$0x9100] =	vst v63  }
0x231: {  	_ =	swait.ge [sflag:s18], $0x1400  }
0x232: {  	s1 =	sld [smem:$0x7F6]  }
0x233: {  	[sflag:s18] =	ssyncset.done $0x0  }
0x234: {  	[sflag:s18] =	ssyncadd.s32 $0xFFFFEC00  }
0x235: {  	[tilespmem:s21], [sflag:$0x5] =	stream.indirect.gather [hbm4b:s7+s5], $0x40, s1, s5, $0xb8;
	[tilespmem:$0x9100] =	vst v63  }
0x236: {  	_ =	swait.ge [sflag:s13], $0x1400  }
0x237: {  	s1 =	sld [smem:$0x7F7]  }
0x238: {  	[sflag:s13] =	ssyncset.done $0x0  }
0x239: {  	[sflag:s13] =	ssyncadd.s32 $0xFFFFEC00  }
0x23a: {  	[tilespmem:s4], [sflag:$0x3] =	stream.indirect.gather.add.f32 [hbm:s3], $0x40, s1, s5, $0xb8;
	[tilespmem:$0x9100] =	vst v63  }
0x23b: {  	_ =	swait.ge [sflag:s17], $0x1400  }
0x23c: {  	s1 =	sld [smem:$0x7AC]  }
0x23d: {  	[sflag:s17] =	ssyncset.done $0x0  }
0x23e: {  	[sflag:s17] =	ssyncadd.s32 $0xFFFFEC00  }
0x23f: {  	[hbm4b:s1+s2] =	stream.linear.scatter [tilespmem:s9], [sflag:$0x7], $0x1400, $0x38;
	[tilespmem:$0x9100] =	vst v63  }
0x240: {  	_ =	swait.ge [sflag:s19], $0x1400  }
0x241: {  	s1 =	sld [smem:$0x7F8]  }
0x242: {  	[sflag:s19] =	ssyncset.done $0x0  }
0x243: {  	[sflag:s19] =	ssyncadd.s32 $0xFFFFEC00  }
0x244: {  	[tilespmem:s20], [sflag:$0x6] =	stream.indirect.gather [hbm4b:s7+s5], $0x40, s1, s5, $0xb8;
	[tilespmem:$0x9100] =	vst v63  }
0x245: {  	_ =	swait.ge [sflag:s16], $0x1400  }
0x246: {  	s1 =	sld [smem:$0x7F9]  }
0x247: {  	[sflag:s16] =	ssyncset.done $0x0  }
0x248: {  	[sflag:s16] =	ssyncadd.s32 $0xFFFFEC00  }
0x249: {  	[tilespmem:s6], [sflag:$0x4] =	stream.indirect.gather.add.f32 [hbm:s3], $0x40, s1, s5, $0xb8;
	[tilespmem:$0x9100] =	vst v63  }
0x24a: {  	_ =	swait.ge [sflag:s12], $0x1400  }
0x24b: {  	s1 =	sld [smem:$0x7AD]  }
0x24c: {  	[sflag:s12] =	ssyncset.done $0x0  }
0x24d: {  	[sflag:s12] =	ssyncadd.s32 $0xFFFFEC00  }
0x24e: {  	[hbm4b:s1+s2] =	stream.linear.scatter [tilespmem:s8], [sflag:$0x8], $0x1400, $0x38;
	[tilespmem:$0x9100] =	vst v63  }
0x24f: {  	_ =	swait.ge [sflag:s10], $0x1400  }
0x250: {  	s1 =	sld [smem:$0x7FA]  }
0x251: {  	[sflag:s10] =	ssyncset.done $0x0  }
0x252: {  	[sflag:s10] =	ssyncadd.s32 $0xFFFFEC00  }
0x253: {  	[tilespmem:s9], [sflag:$0x1] =	stream.indirect.gather [hbm4b:s7+s5], $0x40, s1, s5, $0xb8;
	[tilespmem:$0x9100] =	vst v63  }
0x254: {  	_ =	swait.ge [sflag:s23], $0x1400  }
0x255: {  	s1 =	sld [smem:$0x7FB]  }
0x256: {  	[sflag:s23] =	ssyncset.done $0x0  }
0x257: {  	[sflag:s23] =	ssyncadd.s32 $0xFFFFEC00  }
0x258: {  	[tilespmem:s21], [sflag:$0x5] =	stream.indirect.gather.add.f32 [hbm:s3], $0x40, s1, s5, $0xb8;
	[tilespmem:$0x9100] =	vst v63  }
0x259: {  	_ =	swait.ge [sflag:s13], $0x1400  }
0x25a: {  	s1 =	sld [smem:$0x7AE]  }
0x25b: {  	[sflag:s13] =	ssyncset.done $0x0  }
0x25c: {  	[sflag:s13] =	ssyncadd.s32 $0xFFFFEC00  }
0x25d: {  	[hbm4b:s1+s2] =	stream.linear.scatter [tilespmem:s4], [sflag:$0x9], $0x1400, $0x38;
	[tilespmem:$0x9100] =	vst v63  }
0x25e: {  	_ =	swait.ge [sflag:s11], $0x1400  }
0x25f: {  	s1 =	sld [smem:$0x7FC]  }
0x260: {  	[sflag:s11] =	ssyncset.done $0x0  }
0x261: {  	[sflag:s11] =	ssyncadd.s32 $0xFFFFEC00  }
0x262: {  	[tilespmem:s8], [sflag:$0x2] =	stream.indirect.gather [hbm4b:s7+s5], $0x40, s1, s5, $0xb8;
	[tilespmem:$0x9100] =	vst v63  }
0x263: {  	_ =	swait.ge [sflag:s22], $0x1400  }
0x264: {  	s1 =	sld [smem:$0x7FD]  }
0x265: {  	[sflag:s22] =	ssyncset.done $0x0  }
0x266: {  	[sflag:s22] =	ssyncadd.s32 $0xFFFFEC00  }
0x267: {  	[tilespmem:s20], [sflag:$0x6] =	stream.indirect.gather.add.f32 [hbm:s3], $0x40, s1, s5, $0xb8;
	[tilespmem:$0x9100] =	vst v63  }
0x268: {  	_ =	swait.ge [sflag:s16], $0x1400  }
0x269: {  	s1 =	sld [smem:$0x7AF]  }
0x26a: {  	[sflag:s16] =	ssyncset.done $0x0  }
0x26b: {  	[sflag:s16] =	ssyncadd.s32 $0xFFFFEC00  }
0x26c: {  	[hbm4b:s1+s2] =	stream.linear.scatter [tilespmem:s6], [sflag:$0xA], $0x1400, $0x38;
	[tilespmem:$0x9100] =	vst v63  }
0x26d: {  	_ =	swait.ge [sflag:s14], $0x1400  }
0x26e: {  	[sflag:s14] =	ssyncset.done $0x0  }
0x26f: {  	s1 =	simm.s32 $0x5F0;
	[sflag:s14] =	ssyncadd.s32 $0xFFFFEC00  }
0x270: {  	[tilespmem:s4], [sflag:$0x3] =	stream.indirect.gather [hbm4b:s7+s5], $0x40, s1, s5, $0xb8;
	[tilespmem:$0x9100] =	vst v63  }
0x271: {  	_ =	swait.ge [sflag:s17], $0x1400  }
0x272: {  	[sflag:s17] =	ssyncset.done $0x0  }
0x273: {  	[sflag:s17] =	ssyncadd.s32 $0xFFFFEC00  }
0x274: {  	[tilespmem:s9], [sflag:$0x1] =	stream.indirect.gather.add.f32 [hbm:s3], $0x40, s30, s5, $0xb8;
	[tilespmem:$0x9100] =	vst v63  }
0x275: {  	_ =	swait.ge [sflag:s23], $0x1400  }
0x276: {  	s1 =	sld [smem:$0x7B0]  }
0x277: {  	[sflag:s23] =	ssyncset.done $0x0  }
0x278: {  	[sflag:s23] =	ssyncadd.s32 $0xFFFFEC00  }
0x279: {  	[hbm4b:s1+s2] =	stream.linear.scatter [tilespmem:s21], [sflag:$0xB], $0x1400, $0x38;
	[tilespmem:$0x9100] =	vst v63  }
0x27a: {  	_ =	swait.ge [sflag:s15], $0x1400  }
0x27b: {  	[sflag:s15] =	ssyncset.done $0x0  }
0x27c: {  	[sflag:s15] =	ssyncadd.s32 $0xFFFFEC00  }
0x27d: {  	[tilespmem:s6], [sflag:$0x4] =	stream.indirect.gather [hbm4b:s7+s5], $0x40, s29, s5, $0xb8;
	[tilespmem:$0x9100] =	vst v63  }
0x27e: {  	_ =	swait.ge [sflag:s12], $0x1400  }
0x27f: {  	[sflag:s12] =	ssyncset.done $0x0  }
0x280: {  	[sflag:s12] =	ssyncadd.s32 $0xFFFFEC00  }
0x281: {  	[tilespmem:s8], [sflag:$0x2] =	stream.indirect.gather.add.f32 [hbm:s3], $0x40, s28, s5, $0xb8;
	[tilespmem:$0x9100] =	vst v63  }
0x282: {  	_ =	swait.ge [sflag:s22], $0x1400  }
0x283: {  	s1 =	sld [smem:$0x7B1]  }
0x284: {  	[sflag:s22] =	ssyncset.done $0x0  }
0x285: {  	[sflag:s22] =	ssyncadd.s32 $0xFFFFEC00  }
0x286: {  	[hbm4b:s1+s2] =	stream.linear.scatter [tilespmem:s20], [sflag:$0xC], $0x1400, $0x38;
	[tilespmem:$0x9100] =	vst v63  }
0x287: {  	_ =	swait.ge [sflag:s13], $0x1400  }
0x288: {  	[sflag:s13] =	ssyncset.done $0x0  }
0x289: {  	[sflag:s13] =	ssyncadd.s32 $0xFFFFEC00  }
0x28a: {  	[tilespmem:s4], [sflag:$0x3] =	stream.indirect.gather.add.f32 [hbm:s3], $0x40, s26, s5, $0xb8;
	[tilespmem:$0x9100] =	vst v63  }
0x28b: {  	_ =	swait.ge [sflag:s17], $0x1400  }
0x28c: {  	s1 =	sld [smem:$0x7B2]  }
0x28d: {  	[sflag:s17] =	ssyncset.done $0x0  }
0x28e: {  	[sflag:s17] =	ssyncadd.s32 $0xFFFFEC00  }
0x28f: {  	[hbm4b:s1+s2] =	stream.linear.scatter [tilespmem:s9], [sflag:$0x7], $0x1400, $0x38;
	[tilespmem:$0x9100] =	vst v63  }
0x290: {  	_ =	swait.ge [sflag:s16], $0x1400  }
0x291: {  	[sflag:s16] =	ssyncset.done $0x0  }
0x292: {  	[sflag:s16] =	ssyncadd.s32 $0xFFFFEC00  }
0x293: {  	[tilespmem:s6], [sflag:$0x4] =	stream.indirect.gather.add.f32 [hbm:s3], $0x40, s25, s5, $0xb8;
	[tilespmem:$0x9100] =	vst v63  }
0x294: {  	_ =	swait.ge [sflag:s12], $0x1400  }
0x295: {  	s1 =	sld [smem:$0x7B3]  }
0x296: {  	[sflag:s12] =	ssyncset.done $0x0  }
0x297: {  	[sflag:s12] =	ssyncadd.s32 $0xFFFFEC00  }
0x298: {  	[hbm4b:s1+s2] =	stream.linear.scatter [tilespmem:s8], [sflag:$0x8], $0x1400, $0x38;
	[tilespmem:$0x9100] =	vst v63  }
0x299: {  	_ =	swait.ge [sflag:s13], $0x1400  }
0x29a: {  	s1 =	sld [smem:$0x7B4]  }
0x29b: {  	[sflag:s13] =	ssyncset.done $0x0  }
0x29c: {  	[sflag:s13] =	ssyncadd.s32 $0xFFFFEC00  }
0x29d: {  	[hbm4b:s1+s2] =	stream.linear.scatter [tilespmem:s4], [sflag:$0x9], $0x1400, $0x38;
	[tilespmem:$0x9100] =	vst v63  }
0x29e: {  	_ =	swait.ge [sflag:s16], $0x1400  }
0x29f: {  	s1 =	sld [smem:$0x7B5]  }
0x2a0: {  	[sflag:s16] =	ssyncset.done $0x0  }
0x2a1: {  	[sflag:s16] =	ssyncadd.s32 $0xFFFFEC00  }
0x2a2: {  	[hbm4b:s1+s2] =	stream.linear.scatter [tilespmem:s6], [sflag:$0xA], $0x1400, $0x38;
	[tilespmem:$0x9100] =	vst v63  }
0x2a3: {  	_ =	swait.ge [sflag:s18], $0x1400  }
0x2a4: {  	[sflag:s18] =	ssyncset.done $0x0  }
0x2a5: {  	[sflag:s18] =	ssyncadd.s32 $0xFFFFEC00  }
0x2a6: {  	_ =	swait.ge [sflag:s19], $0x1400  }
0x2a7: {  	[sflag:s19] =	ssyncset.done $0x0  }
0x2a8: {  	[sflag:s19] =	ssyncadd.s32 $0xFFFFEC00  }
0x2a9: {  	_ =	swait.ge [sflag:s10], $0x1400  }
0x2aa: {  	[sflag:s10] =	ssyncset.done $0x0  }
0x2ab: {  	[sflag:s10] =	ssyncadd.s32 $0xFFFFEC00  }
0x2ac: {  	_ =	swait.ge [sflag:s11], $0x1400  }
0x2ad: {  	[sflag:s11] =	ssyncset.done $0x0  }
0x2ae: {  	p1 =	sne.s32 s24, $0x1;
	[sflag:s11] =	ssyncadd.s32 $0xFFFFEC00  }
.Ltmp1:
0x2af: {  	_ =	swait.ge [sflag:s14], $0x1400;
	(pc) =	sbr.rel @!p1 .LBB2_3-.Ltmp1, $4  }
0x2b0: {  	[sflag:s14] =	ssyncset.done $0x0  }
0x2b1: {  	[sflag:s14] =	ssyncadd.s32 $0xFFFFEC00  }
0x2b2: {  	p0 =	por $0x1, $0x1;
	_ =	swait.ge [sflag:s15], $0x1400  }
0x2b3: {  	s1 =	sadd.s32 $0xFFFFFFFF, s24;
	s0 =	rddreg [dreg:$0x5];
	[sflag:s15] =	ssyncset.done $0x0  }
.LBB2_4:
0x2b4: {  	[sflag:s15] =	ssyncadd.s32 $0xFFFFEC00  }
0x2b5: {  	[tilespmem:s2], [sflag:$0xD] =	stream.linear.gather [hbm4b:s0+s2], $0x1900, $0x38;
	[tilespmem:$0x9100] =	vst v63  }
0x2b6: {  	_ =	swait.ge [sflag:s31], $0x1900  }
0x2b7: {  	[sflag:s31] =	ssyncset.done $0x0  }
0x2b8: {  	s24 =	sld [smem:$0x7B6];
	[sflag:s31] =	ssyncadd.s32 $0xFFFFE700  }
0x2b9: {  	[tilespmem:s9], [sflag:$0x1] =	stream.indirect.gather [hbm4b:s7+s5], $0x40, s2, s5, $0xb8;
	[tilespmem:$0x9100] =	vst v63  }
0x2ba: {  	_ = 	snop  }
0x2bb: {  	[tilespmem:s8], [sflag:$0x2] =	stream.indirect.gather [hbm4b:s7+s5], $0x40, s24, s5, $0xb8;
	[tilespmem:$0x9100] =	vst v63  }
0x2bc: {  	_ = 	snop  }
0x2bd: {  	[tilespmem:s4], [sflag:$0x3] =	stream.indirect.gather [hbm4b:s7+s5], $0x40, s5, s5, $0xb8;
	[tilespmem:$0x9100] =	vst v63  }
0x2be: {  	_ =	swait.ge [sflag:s17], $0x1400  }
0x2bf: {  	s0 =	sld [smem:$0x7B7]  }
0x2c0: {  	[sflag:s17] =	ssyncset.done $0x0  }
0x2c1: {  	s24 =	sld [smem:$0x7B8];
	[sflag:s17] =	ssyncadd.s32 $0xFFFFEC00  }
0x2c2: {  	[tilespmem:s9], [sflag:$0x1] =	stream.indirect.gather.add.f32 [hbm:s3], $0x40, s0, s5, $0xb8;
	[tilespmem:$0x9100] =	vst v63  }
0x2c3: {  	_ = 	snop  }
0x2c4: {  	[tilespmem:s6], [sflag:$0x4] =	stream.indirect.gather [hbm4b:s7+s5], $0x40, s24, s5, $0xb8;
	[tilespmem:$0x9100] =	vst v63  }
0x2c5: {  	_ =	swait.ge [sflag:s12], $0x1400  }
0x2c6: {  	s0 =	sld [smem:$0x7B9]  }
0x2c7: {  	[sflag:s12] =	ssyncset.done $0x0  }
0x2c8: {  	s24 =	sld [smem:$0x7BA];
	[sflag:s12] =	ssyncadd.s32 $0xFFFFEC00  }
0x2c9: {  	[tilespmem:s8], [sflag:$0x2] =	stream.indirect.gather.add.f32 [hbm:s3], $0x40, s0, s5, $0xb8;
	[tilespmem:$0x9100] =	vst v63  }
0x2ca: {  	_ = 	snop  }
0x2cb: {  	[tilespmem:s21], [sflag:$0x5] =	stream.indirect.gather [hbm4b:s7+s5], $0x40, s24, s5, $0xb8;
	[tilespmem:$0x9100] =	vst v63  }
0x2cc: {  	_ =	swait.ge [sflag:s13], $0x1400  }
0x2cd: {  	s24 =	sld [smem:$0x7BB]  }
0x2ce: {  	[sflag:s13] =	ssyncset.done $0x0  }
0x2cf: {  	[sflag:s13] =	ssyncadd.s32 $0xFFFFEC00  }
0x2d0: {  	[tilespmem:s4], [sflag:$0x3] =	stream.indirect.gather.add.f32 [hbm:s3], $0x40, s24, s5, $0xb8;
	[tilespmem:$0x9100] =	vst v63  }
0x2d1: {  	_ =	swait.ge [sflag:s17], $0x1400  }
0x2d2: {  	s0 =	rddreg [dreg:$0x6];
	[sflag:s17] =	ssyncset.done $0x0  }
0x2d3: {  	s24 =	sld [smem:$0x7BC];
	[sflag:s17] =	ssyncadd.s32 $0xFFFFEC00  }
0x2d4: {  	[hbm4b:s0+s2] =	stream.linear.scatter [tilespmem:s9], [sflag:$0x7], $0x1400, $0x38;
	[tilespmem:$0x9100] =	vst v63  }
0x2d5: {  	_ = 	snop  }
0x2d6: {  	[tilespmem:s20], [sflag:$0x6] =	stream.indirect.gather [hbm4b:s7+s5], $0x40, s24, s5, $0xb8;
	[tilespmem:$0x9100] =	vst v63  }
0x2d7: {  	_ =	swait.ge [sflag:s16], $0x1400  }
0x2d8: {  	s24 =	sld [smem:$0x7BD]  }
0x2d9: {  	[sflag:s16] =	ssyncset.done $0x0  }
0x2da: {  	[sflag:s16] =	ssyncadd.s32 $0xFFFFEC00  }
0x2db: {  	[tilespmem:s6], [sflag:$0x4] =	stream.indirect.gather.add.f32 [hbm:s3], $0x40, s24, s5, $0xb8;
	[tilespmem:$0x9100] =	vst v63  }
0x2dc: {  	_ =	swait.ge [sflag:s12], $0x1400  }
0x2dd: {  	[sflag:s12] =	ssyncset.done $0x0  }
0x2de: {  	s24 =	rddreg [dreg:$0x7];
	[sflag:s12] =	ssyncadd.s32 $0xFFFFEC00  }
0x2df: {  	[hbm4b:s24+s2] =	stream.linear.scatter [tilespmem:s8], [sflag:$0x8], $0x1400, $0x38;
	[tilespmem:$0x9100] =	vst v63  }
0x2e0: {  	_ =	swait.ge [sflag:s10], $0x1400  }
0x2e1: {  	s24 =	sld [smem:$0x7BE]  }
0x2e2: {  	[sflag:s10] =	ssyncset.done $0x0  }
0x2e3: {  	[sflag:s10] =	ssyncadd.s32 $0xFFFFEC00  }
0x2e4: {  	[tilespmem:s9], [sflag:$0x1] =	stream.indirect.gather [hbm4b:s7+s5], $0x40, s24, s5, $0xb8;
	[tilespmem:$0x9100] =	vst v63  }
0x2e5: {  	_ =	swait.ge [sflag:s23], $0x1400  }
0x2e6: {  	s24 =	sld [smem:$0x7BF]  }
0x2e7: {  	[sflag:s23] =	ssyncset.done $0x0  }
0x2e8: {  	[sflag:s23] =	ssyncadd.s32 $0xFFFFEC00  }
0x2e9: {  	[tilespmem:s21], [sflag:$0x5] =	stream.indirect.gather.add.f32 [hbm:s3], $0x40, s24, s5, $0xb8;
	[tilespmem:$0x9100] =	vst v63  }
0x2ea: {  	_ =	swait.ge [sflag:s13], $0x1400  }
0x2eb: {  	[sflag:s13] =	ssyncset.done $0x0  }
0x2ec: {  	s24 =	rddreg [dreg:$0x8];
	[sflag:s13] =	ssyncadd.s32 $0xFFFFEC00  }
0x2ed: {  	[hbm4b:s24+s2] =	stream.linear.scatter [tilespmem:s4], [sflag:$0x9], $0x1400, $0x38;
	[tilespmem:$0x9100] =	vst v63  }
0x2ee: {  	_ =	swait.ge [sflag:s11], $0x1400  }
0x2ef: {  	s24 =	sld [smem:$0x7C0]  }
0x2f0: {  	[sflag:s11] =	ssyncset.done $0x0  }
0x2f1: {  	[sflag:s11] =	ssyncadd.s32 $0xFFFFEC00  }
0x2f2: {  	[tilespmem:s8], [sflag:$0x2] =	stream.indirect.gather [hbm4b:s7+s5], $0x40, s24, s5, $0xb8;
	[tilespmem:$0x9100] =	vst v63  }
0x2f3: {  	_ =	swait.ge [sflag:s22], $0x1400  }
0x2f4: {  	s24 =	sld [smem:$0x7C1]  }
0x2f5: {  	[sflag:s22] =	ssyncset.done $0x0  }
0x2f6: {  	[sflag:s22] =	ssyncadd.s32 $0xFFFFEC00  }
0x2f7: {  	[tilespmem:s20], [sflag:$0x6] =	stream.indirect.gather.add.f32 [hbm:s3], $0x40, s24, s5, $0xb8;
	[tilespmem:$0x9100] =	vst v63  }
0x2f8: {  	_ =	swait.ge [sflag:s16], $0x1400  }
0x2f9: {  	[sflag:s16] =	ssyncset.done $0x0  }
0x2fa: {  	s24 =	rddreg [dreg:$0x9];
	[sflag:s16] =	ssyncadd.s32 $0xFFFFEC00  }
0x2fb: {  	[hbm4b:s24+s2] =	stream.linear.scatter [tilespmem:s6], [sflag:$0xA], $0x1400, $0x38;
	[tilespmem:$0x9100] =	vst v63  }
0x2fc: {  	_ =	swait.ge [sflag:s14], $0x1400  }
0x2fd: {  	s24 =	sld [smem:$0x7C2]  }
0x2fe: {  	[sflag:s14] =	ssyncset.done $0x0  }
0x2ff: {  	[sflag:s14] =	ssyncadd.s32 $0xFFFFEC00  }
0x300: {  	[tilespmem:s4], [sflag:$0x3] =	stream.indirect.gather [hbm4b:s7+s5], $0x40, s24, s5, $0xb8;
	[tilespmem:$0x9100] =	vst v63  }
0x301: {  	_ =	swait.ge [sflag:s17], $0x1400  }
0x302: {  	s24 =	sld [smem:$0x7C3]  }
0x303: {  	[sflag:s17] =	ssyncset.done $0x0  }
0x304: {  	[sflag:s17] =	ssyncadd.s32 $0xFFFFEC00  }
0x305: {  	[tilespmem:s9], [sflag:$0x1] =	stream.indirect.gather.add.f32 [hbm:s3], $0x40, s24, s5, $0xb8;
	[tilespmem:$0x9100] =	vst v63  }
0x306: {  	_ =	swait.ge [sflag:s23], $0x1400  }
0x307: {  	[sflag:s23] =	ssyncset.done $0x0  }
0x308: {  	s24 =	rddreg [dreg:$0xa];
	[sflag:s23] =	ssyncadd.s32 $0xFFFFEC00  }
0x309: {  	[hbm4b:s24+s2] =	stream.linear.scatter [tilespmem:s21], [sflag:$0xB], $0x1400, $0x38;
	[tilespmem:$0x9100] =	vst v63  }
0x30a: {  	_ =	swait.ge [sflag:s15], $0x1400  }
0x30b: {  	s24 =	sld [smem:$0x7C4]  }
0x30c: {  	[sflag:s15] =	ssyncset.done $0x0  }
0x30d: {  	[sflag:s15] =	ssyncadd.s32 $0xFFFFEC00  }
0x30e: {  	[tilespmem:s6], [sflag:$0x4] =	stream.indirect.gather [hbm4b:s7+s5], $0x40, s24, s5, $0xb8;
	[tilespmem:$0x9100] =	vst v63  }
0x30f: {  	_ =	swait.ge [sflag:s12], $0x1400  }
0x310: {  	s24 =	sld [smem:$0x7C5]  }
0x311: {  	[sflag:s12] =	ssyncset.done $0x0  }
0x312: {  	[sflag:s12] =	ssyncadd.s32 $0xFFFFEC00  }
0x313: {  	[tilespmem:s8], [sflag:$0x2] =	stream.indirect.gather.add.f32 [hbm:s3], $0x40, s24, s5, $0xb8;
	[tilespmem:$0x9100] =	vst v63  }
0x314: {  	_ =	swait.ge [sflag:s22], $0x1400  }
0x315: {  	[sflag:s22] =	ssyncset.done $0x0  }
0x316: {  	s24 =	rddreg [dreg:$0xb];
	[sflag:s22] =	ssyncadd.s32 $0xFFFFEC00  }
0x317: {  	[hbm4b:s24+s2] =	stream.linear.scatter [tilespmem:s20], [sflag:$0xC], $0x1400, $0x38;
	[tilespmem:$0x9100] =	vst v63  }
0x318: {  	_ =	swait.ge [sflag:s18], $0x1400  }
0x319: {  	s24 =	sld [smem:$0x7C6]  }
0x31a: {  	[sflag:s18] =	ssyncset.done $0x0  }
0x31b: {  	[sflag:s18] =	ssyncadd.s32 $0xFFFFEC00  }
0x31c: {  	[tilespmem:s21], [sflag:$0x5] =	stream.indirect.gather [hbm4b:s7+s5], $0x40, s24, s5, $0xb8;
	[tilespmem:$0x9100] =	vst v63  }
0x31d: {  	_ =	swait.ge [sflag:s13], $0x1400  }
0x31e: {  	s24 =	sld [smem:$0x7C7]  }
0x31f: {  	[sflag:s13] =	ssyncset.done $0x0  }
0x320: {  	[sflag:s13] =	ssyncadd.s32 $0xFFFFEC00  }
0x321: {  	[tilespmem:s4], [sflag:$0x3] =	stream.indirect.gather.add.f32 [hbm:s3], $0x40, s24, s5, $0xb8;
	[tilespmem:$0x9100] =	vst v63  }
0x322: {  	_ =	swait.ge [sflag:s17], $0x1400  }
0x323: {  	[sflag:s17] =	ssyncset.done $0x0  }
0x324: {  	s24 =	rddreg [dreg:$0xc];
	[sflag:s17] =	ssyncadd.s32 $0xFFFFEC00  }
0x325: {  	[hbm4b:s24+s2] =	stream.linear.scatter [tilespmem:s9], [sflag:$0x7], $0x1400, $0x38;
	[tilespmem:$0x9100] =	vst v63  }
0x326: {  	_ =	swait.ge [sflag:s19], $0x1400  }
0x327: {  	s24 =	sld [smem:$0x7C8]  }
0x328: {  	[sflag:s19] =	ssyncset.done $0x0  }
0x329: {  	[sflag:s19] =	ssyncadd.s32 $0xFFFFEC00  }
0x32a: {  	[tilespmem:s20], [sflag:$0x6] =	stream.indirect.gather [hbm4b:s7+s5], $0x40, s24, s5, $0xb8;
	[tilespmem:$0x9100] =	vst v63  }
0x32b: {  	_ =	swait.ge [sflag:s16], $0x1400  }
0x32c: {  	s24 =	sld [smem:$0x7C9]  }
0x32d: {  	[sflag:s16] =	ssyncset.done $0x0  }
0x32e: {  	[sflag:s16] =	ssyncadd.s32 $0xFFFFEC00  }
0x32f: {  	[tilespmem:s6], [sflag:$0x4] =	stream.indirect.gather.add.f32 [hbm:s3], $0x40, s24, s5, $0xb8;
	[tilespmem:$0x9100] =	vst v63  }
0x330: {  	_ =	swait.ge [sflag:s12], $0x1400  }
0x331: {  	[sflag:s12] =	ssyncset.done $0x0  }
0x332: {  	s24 =	rddreg [dreg:$0xd];
	[sflag:s12] =	ssyncadd.s32 $0xFFFFEC00  }
0x333: {  	[hbm4b:s24+s2] =	stream.linear.scatter [tilespmem:s8], [sflag:$0x8], $0x1400, $0x38;
	[tilespmem:$0x9100] =	vst v63  }
0x334: {  	_ =	swait.ge [sflag:s10], $0x1400  }
0x335: {  	s24 =	sld [smem:$0x7CA]  }
0x336: {  	[sflag:s10] =	ssyncset.done $0x0  }
0x337: {  	[sflag:s10] =	ssyncadd.s32 $0xFFFFEC00  }
0x338: {  	[tilespmem:s9], [sflag:$0x1] =	stream.indirect.gather [hbm4b:s7+s5], $0x40, s24, s5, $0xb8;
	[tilespmem:$0x9100] =	vst v63  }
0x339: {  	_ =	swait.ge [sflag:s23], $0x1400  }
0x33a: {  	s24 =	sld [smem:$0x7CB]  }
0x33b: {  	[sflag:s23] =	ssyncset.done $0x0  }
0x33c: {  	[sflag:s23] =	ssyncadd.s32 $0xFFFFEC00  }
0x33d: {  	[tilespmem:s21], [sflag:$0x5] =	stream.indirect.gather.add.f32 [hbm:s3], $0x40, s24, s5, $0xb8;
	[tilespmem:$0x9100] =	vst v63  }
0x33e: {  	_ =	swait.ge [sflag:s13], $0x1400  }
0x33f: {  	[sflag:s13] =	ssyncset.done $0x0  }
0x340: {  	s24 =	rddreg [dreg:$0xe];
	[sflag:s13] =	ssyncadd.s32 $0xFFFFEC00  }
0x341: {  	[hbm4b:s24+s2] =	stream.linear.scatter [tilespmem:s4], [sflag:$0x9], $0x1400, $0x38;
	[tilespmem:$0x9100] =	vst v63  }
0x342: {  	_ =	swait.ge [sflag:s11], $0x1400  }
0x343: {  	s24 =	sld [smem:$0x7CC]  }
0x344: {  	[sflag:s11] =	ssyncset.done $0x0  }
0x345: {  	[sflag:s11] =	ssyncadd.s32 $0xFFFFEC00  }
0x346: {  	[tilespmem:s8], [sflag:$0x2] =	stream.indirect.gather [hbm4b:s7+s5], $0x40, s24, s5, $0xb8;
	[tilespmem:$0x9100] =	vst v63  }
0x347: {  	_ =	swait.ge [sflag:s22], $0x1400  }
0x348: {  	s24 =	sld [smem:$0x7CD]  }
0x349: {  	[sflag:s22] =	ssyncset.done $0x0  }
0x34a: {  	[sflag:s22] =	ssyncadd.s32 $0xFFFFEC00  }
0x34b: {  	[tilespmem:s20], [sflag:$0x6] =	stream.indirect.gather.add.f32 [hbm:s3], $0x40, s24, s5, $0xb8;
	[tilespmem:$0x9100] =	vst v63  }
0x34c: {  	_ =	swait.ge [sflag:s16], $0x1400  }
0x34d: {  	[sflag:s16] =	ssyncset.done $0x0  }
0x34e: {  	s24 =	rddreg [dreg:$0xf];
	[sflag:s16] =	ssyncadd.s32 $0xFFFFEC00  }
0x34f: {  	[hbm4b:s24+s2] =	stream.linear.scatter [tilespmem:s6], [sflag:$0xA], $0x1400, $0x38;
	[tilespmem:$0x9100] =	vst v63  }
0x350: {  	_ =	swait.ge [sflag:s14], $0x1400  }
0x351: {  	s24 =	sld [smem:$0x7CE]  }
0x352: {  	[sflag:s14] =	ssyncset.done $0x0  }
0x353: {  	[sflag:s14] =	ssyncadd.s32 $0xFFFFEC00  }
0x354: {  	[tilespmem:s4], [sflag:$0x3] =	stream.indirect.gather [hbm4b:s7+s5], $0x40, s24, s5, $0xb8;
	[tilespmem:$0x9100] =	vst v63  }
0x355: {  	_ =	swait.ge [sflag:s17], $0x1400  }
0x356: {  	s24 =	sld [smem:$0x7CF]  }
0x357: {  	[sflag:s17] =	ssyncset.done $0x0  }
0x358: {  	[sflag:s17] =	ssyncadd.s32 $0xFFFFEC00  }
0x359: {  	[tilespmem:s9], [sflag:$0x1] =	stream.indirect.gather.add.f32 [hbm:s3], $0x40, s24, s5, $0xb8;
	[tilespmem:$0x9100] =	vst v63  }
0x35a: {  	_ =	swait.ge [sflag:s23], $0x1400  }
0x35b: {  	[sflag:s23] =	ssyncset.done $0x0  }
0x35c: {  	s24 =	rddreg [dreg:$0x10];
	[sflag:s23] =	ssyncadd.s32 $0xFFFFEC00  }
0x35d: {  	[hbm4b:s24+s2] =	stream.linear.scatter [tilespmem:s21], [sflag:$0xB], $0x1400, $0x38;
	[tilespmem:$0x9100] =	vst v63  }
0x35e: {  	_ =	swait.ge [sflag:s15], $0x1400  }
0x35f: {  	s24 =	sld [smem:$0x7D0]  }
0x360: {  	[sflag:s15] =	ssyncset.done $0x0  }
0x361: {  	[sflag:s15] =	ssyncadd.s32 $0xFFFFEC00  }
0x362: {  	[tilespmem:s6], [sflag:$0x4] =	stream.indirect.gather [hbm4b:s7+s5], $0x40, s24, s5, $0xb8;
	[tilespmem:$0x9100] =	vst v63  }
0x363: {  	_ =	swait.ge [sflag:s12], $0x1400  }
0x364: {  	s24 =	sld [smem:$0x7D1]  }
0x365: {  	[sflag:s12] =	ssyncset.done $0x0  }
0x366: {  	[sflag:s12] =	ssyncadd.s32 $0xFFFFEC00  }
0x367: {  	[tilespmem:s8], [sflag:$0x2] =	stream.indirect.gather.add.f32 [hbm:s3], $0x40, s24, s5, $0xb8;
	[tilespmem:$0x9100] =	vst v63  }
0x368: {  	_ =	swait.ge [sflag:s22], $0x1400  }
0x369: {  	[sflag:s22] =	ssyncset.done $0x0  }
0x36a: {  	s24 =	rddreg [dreg:$0x11];
	[sflag:s22] =	ssyncadd.s32 $0xFFFFEC00  }
0x36b: {  	[hbm4b:s24+s2] =	stream.linear.scatter [tilespmem:s20], [sflag:$0xC], $0x1400, $0x38;
	[tilespmem:$0x9100] =	vst v63  }
0x36c: {  	_ =	swait.ge [sflag:s18], $0x1400  }
0x36d: {  	s24 =	sld [smem:$0x7D2]  }
0x36e: {  	[sflag:s18] =	ssyncset.done $0x0  }
0x36f: {  	[sflag:s18] =	ssyncadd.s32 $0xFFFFEC00  }
0x370: {  	[tilespmem:s21], [sflag:$0x5] =	stream.indirect.gather [hbm4b:s7+s5], $0x40, s24, s5, $0xb8;
	[tilespmem:$0x9100] =	vst v63  }
0x371: {  	_ =	swait.ge [sflag:s13], $0x1400  }
0x372: {  	s24 =	sld [smem:$0x7D3]  }
0x373: {  	[sflag:s13] =	ssyncset.done $0x0  }
0x374: {  	[sflag:s13] =	ssyncadd.s32 $0xFFFFEC00  }
0x375: {  	[tilespmem:s4], [sflag:$0x3] =	stream.indirect.gather.add.f32 [hbm:s3], $0x40, s24, s5, $0xb8;
	[tilespmem:$0x9100] =	vst v63  }
0x376: {  	_ =	swait.ge [sflag:s17], $0x1400  }
0x377: {  	[sflag:s17] =	ssyncset.done $0x0  }
0x378: {  	s24 =	rddreg [dreg:$0x12];
	[sflag:s17] =	ssyncadd.s32 $0xFFFFEC00  }
0x379: {  	[hbm4b:s24+s2] =	stream.linear.scatter [tilespmem:s9], [sflag:$0x7], $0x1400, $0x38;
	[tilespmem:$0x9100] =	vst v63  }
0x37a: {  	_ =	swait.ge [sflag:s19], $0x1400  }
0x37b: {  	s24 =	sld [smem:$0x7D4]  }
0x37c: {  	[sflag:s19] =	ssyncset.done $0x0  }
0x37d: {  	[sflag:s19] =	ssyncadd.s32 $0xFFFFEC00  }
0x37e: {  	[tilespmem:s20], [sflag:$0x6] =	stream.indirect.gather [hbm4b:s7+s5], $0x40, s24, s5, $0xb8;
	[tilespmem:$0x9100] =	vst v63  }
0x37f: {  	_ =	swait.ge [sflag:s16], $0x1400  }
0x380: {  	s24 =	sld [smem:$0x7D5]  }
0x381: {  	[sflag:s16] =	ssyncset.done $0x0  }
0x382: {  	[sflag:s16] =	ssyncadd.s32 $0xFFFFEC00  }
0x383: {  	[tilespmem:s6], [sflag:$0x4] =	stream.indirect.gather.add.f32 [hbm:s3], $0x40, s24, s5, $0xb8;
	[tilespmem:$0x9100] =	vst v63  }
0x384: {  	_ =	swait.ge [sflag:s12], $0x1400  }
0x385: {  	[sflag:s12] =	ssyncset.done $0x0  }
0x386: {  	s24 =	rddreg [dreg:$0x13];
	[sflag:s12] =	ssyncadd.s32 $0xFFFFEC00  }
0x387: {  	[hbm4b:s24+s2] =	stream.linear.scatter [tilespmem:s8], [sflag:$0x8], $0x1400, $0x38;
	[tilespmem:$0x9100] =	vst v63  }
0x388: {  	_ =	swait.ge [sflag:s10], $0x1400  }
0x389: {  	s24 =	sld [smem:$0x7D6]  }
0x38a: {  	[sflag:s10] =	ssyncset.done $0x0  }
0x38b: {  	[sflag:s10] =	ssyncadd.s32 $0xFFFFEC00  }
0x38c: {  	[tilespmem:s9], [sflag:$0x1] =	stream.indirect.gather [hbm4b:s7+s5], $0x40, s24, s5, $0xb8;
	[tilespmem:$0x9100] =	vst v63  }
0x38d: {  	_ =	swait.ge [sflag:s23], $0x1400  }
0x38e: {  	s24 =	sld [smem:$0x7D7]  }
0x38f: {  	[sflag:s23] =	ssyncset.done $0x0  }
0x390: {  	[sflag:s23] =	ssyncadd.s32 $0xFFFFEC00  }
0x391: {  	[tilespmem:s21], [sflag:$0x5] =	stream.indirect.gather.add.f32 [hbm:s3], $0x40, s24, s5, $0xb8;
	[tilespmem:$0x9100] =	vst v63  }
0x392: {  	_ =	swait.ge [sflag:s13], $0x1400  }
0x393: {  	[sflag:s13] =	ssyncset.done $0x0  }
0x394: {  	s24 =	rddreg [dreg:$0x14];
	[sflag:s13] =	ssyncadd.s32 $0xFFFFEC00  }
0x395: {  	[hbm4b:s24+s2] =	stream.linear.scatter [tilespmem:s4], [sflag:$0x9], $0x1400, $0x38;
	[tilespmem:$0x9100] =	vst v63  }
0x396: {  	_ =	swait.ge [sflag:s11], $0x1400  }
0x397: {  	s24 =	sld [smem:$0x7D8]  }
0x398: {  	[sflag:s11] =	ssyncset.done $0x0  }
0x399: {  	[sflag:s11] =	ssyncadd.s32 $0xFFFFEC00  }
0x39a: {  	[tilespmem:s8], [sflag:$0x2] =	stream.indirect.gather [hbm4b:s7+s5], $0x40, s24, s5, $0xb8;
	[tilespmem:$0x9100] =	vst v63  }
0x39b: {  	_ =	swait.ge [sflag:s22], $0x1400  }
0x39c: {  	s24 =	sld [smem:$0x7D9]  }
0x39d: {  	[sflag:s22] =	ssyncset.done $0x0  }
0x39e: {  	[sflag:s22] =	ssyncadd.s32 $0xFFFFEC00  }
0x39f: {  	[tilespmem:s20], [sflag:$0x6] =	stream.indirect.gather.add.f32 [hbm:s3], $0x40, s24, s5, $0xb8;
	[tilespmem:$0x9100] =	vst v63  }
0x3a0: {  	_ =	swait.ge [sflag:s16], $0x1400  }
0x3a1: {  	[sflag:s16] =	ssyncset.done $0x0  }
0x3a2: {  	s24 =	rddreg [dreg:$0x15];
	[sflag:s16] =	ssyncadd.s32 $0xFFFFEC00  }
0x3a3: {  	[hbm4b:s24+s2] =	stream.linear.scatter [tilespmem:s6], [sflag:$0xA], $0x1400, $0x38;
	[tilespmem:$0x9100] =	vst v63  }
0x3a4: {  	_ =	swait.ge [sflag:s14], $0x1400  }
0x3a5: {  	s24 =	sld [smem:$0x7DA]  }
0x3a6: {  	[sflag:s14] =	ssyncset.done $0x0  }
0x3a7: {  	[sflag:s14] =	ssyncadd.s32 $0xFFFFEC00  }
0x3a8: {  	[tilespmem:s4], [sflag:$0x3] =	stream.indirect.gather [hbm4b:s7+s5], $0x40, s24, s5, $0xb8;
	[tilespmem:$0x9100] =	vst v63  }
0x3a9: {  	_ =	swait.ge [sflag:s17], $0x1400  }
0x3aa: {  	s24 =	sld [smem:$0x7DB]  }
0x3ab: {  	[sflag:s17] =	ssyncset.done $0x0  }
0x3ac: {  	[sflag:s17] =	ssyncadd.s32 $0xFFFFEC00  }
0x3ad: {  	[tilespmem:s9], [sflag:$0x1] =	stream.indirect.gather.add.f32 [hbm:s3], $0x40, s24, s5, $0xb8;
	[tilespmem:$0x9100] =	vst v63  }
0x3ae: {  	_ =	swait.ge [sflag:s23], $0x1400  }
0x3af: {  	[sflag:s23] =	ssyncset.done $0x0  }
0x3b0: {  	s24 =	rddreg [dreg:$0x16];
	[sflag:s23] =	ssyncadd.s32 $0xFFFFEC00  }
0x3b1: {  	[hbm4b:s24+s2] =	stream.linear.scatter [tilespmem:s21], [sflag:$0xB], $0x1400, $0x38;
	[tilespmem:$0x9100] =	vst v63  }
0x3b2: {  	_ =	swait.ge [sflag:s15], $0x1400  }
0x3b3: {  	s24 =	sld [smem:$0x7DC]  }
0x3b4: {  	[sflag:s15] =	ssyncset.done $0x0  }
0x3b5: {  	[sflag:s15] =	ssyncadd.s32 $0xFFFFEC00  }
0x3b6: {  	[tilespmem:s6], [sflag:$0x4] =	stream.indirect.gather [hbm4b:s7+s5], $0x40, s24, s5, $0xb8;
	[tilespmem:$0x9100] =	vst v63  }
0x3b7: {  	_ =	swait.ge [sflag:s12], $0x1400  }
0x3b8: {  	s24 =	sld [smem:$0x7DD]  }
0x3b9: {  	[sflag:s12] =	ssyncset.done $0x0  }
0x3ba: {  	[sflag:s12] =	ssyncadd.s32 $0xFFFFEC00  }
0x3bb: {  	[tilespmem:s8], [sflag:$0x2] =	stream.indirect.gather.add.f32 [hbm:s3], $0x40, s24, s5, $0xb8;
	[tilespmem:$0x9100] =	vst v63  }
0x3bc: {  	_ =	swait.ge [sflag:s22], $0x1400  }
0x3bd: {  	[sflag:s22] =	ssyncset.done $0x0  }
0x3be: {  	s24 =	rddreg [dreg:$0x17];
	[sflag:s22] =	ssyncadd.s32 $0xFFFFEC00  }
0x3bf: {  	[hbm4b:s24+s2] =	stream.linear.scatter [tilespmem:s20], [sflag:$0xC], $0x1400, $0x38;
	[tilespmem:$0x9100] =	vst v63  }
0x3c0: {  	_ =	swait.ge [sflag:s18], $0x1400  }
0x3c1: {  	s24 =	sld [smem:$0x7DE]  }
0x3c2: {  	[sflag:s18] =	ssyncset.done $0x0  }
0x3c3: {  	[sflag:s18] =	ssyncadd.s32 $0xFFFFEC00  }
0x3c4: {  	[tilespmem:s21], [sflag:$0x5] =	stream.indirect.gather [hbm4b:s7+s5], $0x40, s24, s5, $0xb8;
	[tilespmem:$0x9100] =	vst v63  }
0x3c5: {  	_ =	swait.ge [sflag:s13], $0x1400  }
0x3c6: {  	s24 =	sld [smem:$0x7DF]  }
0x3c7: {  	[sflag:s13] =	ssyncset.done $0x0  }
0x3c8: {  	[sflag:s13] =	ssyncadd.s32 $0xFFFFEC00  }
0x3c9: {  	[tilespmem:s4], [sflag:$0x3] =	stream.indirect.gather.add.f32 [hbm:s3], $0x40, s24, s5, $0xb8;
	[tilespmem:$0x9100] =	vst v63  }
0x3ca: {  	_ =	swait.ge [sflag:s17], $0x1400  }
0x3cb: {  	[sflag:s17] =	ssyncset.done $0x0  }
0x3cc: {  	s24 =	rddreg [dreg:$0x18];
	[sflag:s17] =	ssyncadd.s32 $0xFFFFEC00  }
0x3cd: {  	[hbm4b:s24+s2] =	stream.linear.scatter [tilespmem:s9], [sflag:$0x7], $0x1400, $0x38;
	[tilespmem:$0x9100] =	vst v63  }
0x3ce: {  	_ =	swait.ge [sflag:s19], $0x1400  }
0x3cf: {  	s24 =	sld [smem:$0x7E0]  }
0x3d0: {  	[sflag:s19] =	ssyncset.done $0x0  }
0x3d1: {  	[sflag:s19] =	ssyncadd.s32 $0xFFFFEC00  }
0x3d2: {  	[tilespmem:s20], [sflag:$0x6] =	stream.indirect.gather [hbm4b:s7+s5], $0x40, s24, s5, $0xb8;
	[tilespmem:$0x9100] =	vst v63  }
0x3d3: {  	_ =	swait.ge [sflag:s16], $0x1400  }
0x3d4: {  	s24 =	sld [smem:$0x7E1]  }
0x3d5: {  	[sflag:s16] =	ssyncset.done $0x0  }
0x3d6: {  	[sflag:s16] =	ssyncadd.s32 $0xFFFFEC00  }
0x3d7: {  	[tilespmem:s6], [sflag:$0x4] =	stream.indirect.gather.add.f32 [hbm:s3], $0x40, s24, s5, $0xb8;
	[tilespmem:$0x9100] =	vst v63  }
0x3d8: {  	_ =	swait.ge [sflag:s12], $0x1400  }
0x3d9: {  	[sflag:s12] =	ssyncset.done $0x0  }
0x3da: {  	s24 =	rddreg [dreg:$0x19];
	[sflag:s12] =	ssyncadd.s32 $0xFFFFEC00  }
0x3db: {  	[hbm4b:s24+s2] =	stream.linear.scatter [tilespmem:s8], [sflag:$0x8], $0x1400, $0x38;
	[tilespmem:$0x9100] =	vst v63  }
0x3dc: {  	_ =	swait.ge [sflag:s10], $0x1400  }
0x3dd: {  	s24 =	sld [smem:$0x7E2]  }
0x3de: {  	[sflag:s10] =	ssyncset.done $0x0  }
0x3df: {  	[sflag:s10] =	ssyncadd.s32 $0xFFFFEC00  }
0x3e0: {  	[tilespmem:s9], [sflag:$0x1] =	stream.indirect.gather [hbm4b:s7+s5], $0x40, s24, s5, $0xb8;
	[tilespmem:$0x9100] =	vst v63  }
0x3e1: {  	_ =	swait.ge [sflag:s23], $0x1400  }
0x3e2: {  	s24 =	sld [smem:$0x7E3]  }
0x3e3: {  	[sflag:s23] =	ssyncset.done $0x0  }
0x3e4: {  	[sflag:s23] =	ssyncadd.s32 $0xFFFFEC00  }
0x3e5: {  	[tilespmem:s21], [sflag:$0x5] =	stream.indirect.gather.add.f32 [hbm:s3], $0x40, s24, s5, $0xb8;
	[tilespmem:$0x9100] =	vst v63  }
0x3e6: {  	_ =	swait.ge [sflag:s13], $0x1400  }
0x3e7: {  	[sflag:s13] =	ssyncset.done $0x0  }
0x3e8: {  	s24 =	rddreg [dreg:$0x1a];
	[sflag:s13] =	ssyncadd.s32 $0xFFFFEC00  }
0x3e9: {  	[hbm4b:s24+s2] =	stream.linear.scatter [tilespmem:s4], [sflag:$0x9], $0x1400, $0x38;
	[tilespmem:$0x9100] =	vst v63  }
0x3ea: {  	_ =	swait.ge [sflag:s11], $0x1400  }
0x3eb: {  	s24 =	sld [smem:$0x7E4]  }
0x3ec: {  	[sflag:s11] =	ssyncset.done $0x0  }
0x3ed: {  	[sflag:s11] =	ssyncadd.s32 $0xFFFFEC00  }
0x3ee: {  	[tilespmem:s8], [sflag:$0x2] =	stream.indirect.gather [hbm4b:s7+s5], $0x40, s24, s5, $0xb8;
	[tilespmem:$0x9100] =	vst v63  }
0x3ef: {  	_ =	swait.ge [sflag:s22], $0x1400  }
0x3f0: {  	s24 =	sld [smem:$0x7E5]  }
0x3f1: {  	[sflag:s22] =	ssyncset.done $0x0  }
0x3f2: {  	[sflag:s22] =	ssyncadd.s32 $0xFFFFEC00  }
0x3f3: {  	[tilespmem:s20], [sflag:$0x6] =	stream.indirect.gather.add.f32 [hbm:s3], $0x40, s24, s5, $0xb8;
	[tilespmem:$0x9100] =	vst v63  }
0x3f4: {  	_ =	swait.ge [sflag:s16], $0x1400  }
0x3f5: {  	[sflag:s16] =	ssyncset.done $0x0  }
0x3f6: {  	s24 =	rddreg [dreg:$0x1b];
	[sflag:s16] =	ssyncadd.s32 $0xFFFFEC00  }
0x3f7: {  	[hbm4b:s24+s2] =	stream.linear.scatter [tilespmem:s6], [sflag:$0xA], $0x1400, $0x38;
	[tilespmem:$0x9100] =	vst v63  }
0x3f8: {  	_ =	swait.ge [sflag:s14], $0x1400  }
0x3f9: {  	s24 =	sld [smem:$0x7E6]  }
0x3fa: {  	[sflag:s14] =	ssyncset.done $0x0  }
0x3fb: {  	[sflag:s14] =	ssyncadd.s32 $0xFFFFEC00  }
0x3fc: {  	[tilespmem:s4], [sflag:$0x3] =	stream.indirect.gather [hbm4b:s7+s5], $0x40, s24, s5, $0xb8;
	[tilespmem:$0x9100] =	vst v63  }
0x3fd: {  	_ =	swait.ge [sflag:s17], $0x1400  }
0x3fe: {  	s24 =	sld [smem:$0x7E7]  }
0x3ff: {  	[sflag:s17] =	ssyncset.done $0x0  }
0x400: {  	[sflag:s17] =	ssyncadd.s32 $0xFFFFEC00  }
0x401: {  	[tilespmem:s9], [sflag:$0x1] =	stream.indirect.gather.add.f32 [hbm:s3], $0x40, s24, s5, $0xb8;
	[tilespmem:$0x9100] =	vst v63  }
0x402: {  	_ =	swait.ge [sflag:s23], $0x1400  }
0x403: {  	[sflag:s23] =	ssyncset.done $0x0  }
0x404: {  	s24 =	rddreg [dreg:$0x1c];
	[sflag:s23] =	ssyncadd.s32 $0xFFFFEC00  }
0x405: {  	[hbm4b:s24+s2] =	stream.linear.scatter [tilespmem:s21], [sflag:$0xB], $0x1400, $0x38;
	[tilespmem:$0x9100] =	vst v63  }
0x406: {  	_ =	swait.ge [sflag:s15], $0x1400  }
0x407: {  	s24 =	sld [smem:$0x7E8]  }
0x408: {  	[sflag:s15] =	ssyncset.done $0x0  }
0x409: {  	[sflag:s15] =	ssyncadd.s32 $0xFFFFEC00  }
0x40a: {  	[tilespmem:s6], [sflag:$0x4] =	stream.indirect.gather [hbm4b:s7+s5], $0x40, s24, s5, $0xb8;
	[tilespmem:$0x9100] =	vst v63  }
0x40b: {  	_ =	swait.ge [sflag:s12], $0x1400  }
0x40c: {  	s24 =	sld [smem:$0x7E9]  }
0x40d: {  	[sflag:s12] =	ssyncset.done $0x0  }
0x40e: {  	[sflag:s12] =	ssyncadd.s32 $0xFFFFEC00  }
0x40f: {  	[tilespmem:s8], [sflag:$0x2] =	stream.indirect.gather.add.f32 [hbm:s3], $0x40, s24, s5, $0xb8;
	[tilespmem:$0x9100] =	vst v63  }
0x410: {  	_ =	swait.ge [sflag:s22], $0x1400  }
0x411: {  	[sflag:s22] =	ssyncset.done $0x0  }
0x412: {  	s24 =	rddreg [dreg:$0x1d];
	[sflag:s22] =	ssyncadd.s32 $0xFFFFEC00  }
0x413: {  	[hbm4b:s24+s2] =	stream.linear.scatter [tilespmem:s20], [sflag:$0xC], $0x1400, $0x38;
	[tilespmem:$0x9100] =	vst v63  }
0x414: {  	_ =	swait.ge [sflag:s18], $0x1400  }
0x415: {  	s24 =	sld [smem:$0x7EA]  }
0x416: {  	[sflag:s18] =	ssyncset.done $0x0  }
0x417: {  	[sflag:s18] =	ssyncadd.s32 $0xFFFFEC00  }
0x418: {  	[tilespmem:s21], [sflag:$0x5] =	stream.indirect.gather [hbm4b:s7+s5], $0x40, s24, s5, $0xb8;
	[tilespmem:$0x9100] =	vst v63  }
0x419: {  	_ =	swait.ge [sflag:s13], $0x1400  }
0x41a: {  	s24 =	sld [smem:$0x7EB]  }
0x41b: {  	[sflag:s13] =	ssyncset.done $0x0  }
0x41c: {  	[sflag:s13] =	ssyncadd.s32 $0xFFFFEC00  }
0x41d: {  	[tilespmem:s4], [sflag:$0x3] =	stream.indirect.gather.add.f32 [hbm:s3], $0x40, s24, s5, $0xb8;
	[tilespmem:$0x9100] =	vst v63  }
0x41e: {  	_ =	swait.ge [sflag:s17], $0x1400  }
0x41f: {  	[sflag:s17] =	ssyncset.done $0x0  }
0x420: {  	s24 =	rddreg [dreg:$0x1e];
	[sflag:s17] =	ssyncadd.s32 $0xFFFFEC00  }
0x421: {  	[hbm4b:s24+s2] =	stream.linear.scatter [tilespmem:s9], [sflag:$0x7], $0x1400, $0x38;
	[tilespmem:$0x9100] =	vst v63  }
0x422: {  	_ =	swait.ge [sflag:s19], $0x1400  }
0x423: {  	s24 =	sld [smem:$0x7EC]  }
0x424: {  	[sflag:s19] =	ssyncset.done $0x0  }
0x425: {  	[sflag:s19] =	ssyncadd.s32 $0xFFFFEC00  }
0x426: {  	[tilespmem:s20], [sflag:$0x6] =	stream.indirect.gather [hbm4b:s7+s5], $0x40, s24, s5, $0xb8;
	[tilespmem:$0x9100] =	vst v63  }
0x427: {  	_ =	swait.ge [sflag:s16], $0x1400  }
0x428: {  	s24 =	sld [smem:$0x7ED]  }
0x429: {  	[sflag:s16] =	ssyncset.done $0x0  }
0x42a: {  	[sflag:s16] =	ssyncadd.s32 $0xFFFFEC00  }
0x42b: {  	[tilespmem:s6], [sflag:$0x4] =	stream.indirect.gather.add.f32 [hbm:s3], $0x40, s24, s5, $0xb8;
	[tilespmem:$0x9100] =	vst v63  }
0x42c: {  	_ =	swait.ge [sflag:s12], $0x1400  }
0x42d: {  	[sflag:s12] =	ssyncset.done $0x0  }
0x42e: {  	s24 =	rddreg [dreg:$0x1f];
	[sflag:s12] =	ssyncadd.s32 $0xFFFFEC00  }
0x42f: {  	[hbm4b:s24+s2] =	stream.linear.scatter [tilespmem:s8], [sflag:$0x8], $0x1400, $0x38;
	[tilespmem:$0x9100] =	vst v63  }
0x430: {  	_ =	swait.ge [sflag:s10], $0x1400  }
0x431: {  	s24 =	sld [smem:$0x7EE]  }
0x432: {  	[sflag:s10] =	ssyncset.done $0x0  }
0x433: {  	[sflag:s10] =	ssyncadd.s32 $0xFFFFEC00  }
0x434: {  	[tilespmem:s9], [sflag:$0x1] =	stream.indirect.gather [hbm4b:s7+s5], $0x40, s24, s5, $0xb8;
	[tilespmem:$0x9100] =	vst v63  }
0x435: {  	_ =	swait.ge [sflag:s23], $0x1400  }
0x436: {  	s24 =	sld [smem:$0x7EF]  }
0x437: {  	[sflag:s23] =	ssyncset.done $0x0  }
0x438: {  	[sflag:s23] =	ssyncadd.s32 $0xFFFFEC00  }
0x439: {  	[tilespmem:s21], [sflag:$0x5] =	stream.indirect.gather.add.f32 [hbm:s3], $0x40, s24, s5, $0xb8;
	[tilespmem:$0x9100] =	vst v63  }
0x43a: {  	_ =	swait.ge [sflag:s13], $0x1400  }
0x43b: {  	s24 =	sld [smem:$0x7A8]  }
0x43c: {  	[sflag:s13] =	ssyncset.done $0x0  }
0x43d: {  	[sflag:s13] =	ssyncadd.s32 $0xFFFFEC00  }
0x43e: {  	[hbm4b:s24+s2] =	stream.linear.scatter [tilespmem:s4], [sflag:$0x9], $0x1400, $0x38;
	[tilespmem:$0x9100] =	vst v63  }
0x43f: {  	_ =	swait.ge [sflag:s11], $0x1400  }
0x440: {  	s24 =	sld [smem:$0x7F0]  }
0x441: {  	[sflag:s11] =	ssyncset.done $0x0  }
0x442: {  	[sflag:s11] =	ssyncadd.s32 $0xFFFFEC00  }
0x443: {  	[tilespmem:s8], [sflag:$0x2] =	stream.indirect.gather [hbm4b:s7+s5], $0x40, s24, s5, $0xb8;
	[tilespmem:$0x9100] =	vst v63  }
0x444: {  	_ =	swait.ge [sflag:s22], $0x1400  }
0x445: {  	s24 =	sld [smem:$0x7F1]  }
0x446: {  	[sflag:s22] =	ssyncset.done $0x0  }
0x447: {  	[sflag:s22] =	ssyncadd.s32 $0xFFFFEC00  }
0x448: {  	[tilespmem:s20], [sflag:$0x6] =	stream.indirect.gather.add.f32 [hbm:s3], $0x40, s24, s5, $0xb8;
	[tilespmem:$0x9100] =	vst v63  }
0x449: {  	_ =	swait.ge [sflag:s16], $0x1400  }
0x44a: {  	s24 =	sld [smem:$0x7A9]  }
0x44b: {  	[sflag:s16] =	ssyncset.done $0x0  }
0x44c: {  	[sflag:s16] =	ssyncadd.s32 $0xFFFFEC00  }
0x44d: {  	[hbm4b:s24+s2] =	stream.linear.scatter [tilespmem:s6], [sflag:$0xA], $0x1400, $0x38;
	[tilespmem:$0x9100] =	vst v63  }
0x44e: {  	_ =	swait.ge [sflag:s14], $0x1400  }
0x44f: {  	s24 =	sld [smem:$0x7F2]  }
0x450: {  	[sflag:s14] =	ssyncset.done $0x0  }
0x451: {  	[sflag:s14] =	ssyncadd.s32 $0xFFFFEC00  }
0x452: {  	[tilespmem:s4], [sflag:$0x3] =	stream.indirect.gather [hbm4b:s7+s5], $0x40, s24, s5, $0xb8;
	[tilespmem:$0x9100] =	vst v63  }
0x453: {  	_ =	swait.ge [sflag:s17], $0x1400  }
0x454: {  	s24 =	sld [smem:$0x7F3]  }
0x455: {  	[sflag:s17] =	ssyncset.done $0x0  }
0x456: {  	[sflag:s17] =	ssyncadd.s32 $0xFFFFEC00  }
0x457: {  	[tilespmem:s9], [sflag:$0x1] =	stream.indirect.gather.add.f32 [hbm:s3], $0x40, s24, s5, $0xb8;
	[tilespmem:$0x9100] =	vst v63  }
0x458: {  	_ =	swait.ge [sflag:s23], $0x1400  }
0x459: {  	s24 =	sld [smem:$0x7AA]  }
0x45a: {  	[sflag:s23] =	ssyncset.done $0x0  }
0x45b: {  	[sflag:s23] =	ssyncadd.s32 $0xFFFFEC00  }
0x45c: {  	[hbm4b:s24+s2] =	stream.linear.scatter [tilespmem:s21], [sflag:$0xB], $0x1400, $0x38;
	[tilespmem:$0x9100] =	vst v63  }
0x45d: {  	_ =	swait.ge [sflag:s15], $0x1400  }
0x45e: {  	s24 =	sld [smem:$0x7F4]  }
0x45f: {  	[sflag:s15] =	ssyncset.done $0x0  }
0x460: {  	[sflag:s15] =	ssyncadd.s32 $0xFFFFEC00  }
0x461: {  	[tilespmem:s6], [sflag:$0x4] =	stream.indirect.gather [hbm4b:s7+s5], $0x40, s24, s5, $0xb8;
	[tilespmem:$0x9100] =	vst v63  }
0x462: {  	_ =	swait.ge [sflag:s12], $0x1400  }
0x463: {  	s24 =	sld [smem:$0x7F5]  }
0x464: {  	[sflag:s12] =	ssyncset.done $0x0  }
0x465: {  	[sflag:s12] =	ssyncadd.s32 $0xFFFFEC00  }
0x466: {  	[tilespmem:s8], [sflag:$0x2] =	stream.indirect.gather.add.f32 [hbm:s3], $0x40, s24, s5, $0xb8;
	[tilespmem:$0x9100] =	vst v63  }
0x467: {  	_ =	swait.ge [sflag:s22], $0x1400  }
0x468: {  	s24 =	sld [smem:$0x7AB]  }
0x469: {  	[sflag:s22] =	ssyncset.done $0x0  }
0x46a: {  	[sflag:s22] =	ssyncadd.s32 $0xFFFFEC00  }
0x46b: {  	[hbm4b:s24+s2] =	stream.linear.scatter [tilespmem:s20], [sflag:$0xC], $0x1400, $0x38;
	[tilespmem:$0x9100] =	vst v63  }
0x46c: {  	_ =	swait.ge [sflag:s18], $0x1400  }
0x46d: {  	s24 =	sld [smem:$0x7F6]  }
0x46e: {  	[sflag:s18] =	ssyncset.done $0x0  }
0x46f: {  	[sflag:s18] =	ssyncadd.s32 $0xFFFFEC00  }
0x470: {  	[tilespmem:s21], [sflag:$0x5] =	stream.indirect.gather [hbm4b:s7+s5], $0x40, s24, s5, $0xb8;
	[tilespmem:$0x9100] =	vst v63  }
0x471: {  	_ =	swait.ge [sflag:s13], $0x1400  }
0x472: {  	s24 =	sld [smem:$0x7F7]  }
0x473: {  	[sflag:s13] =	ssyncset.done $0x0  }
0x474: {  	[sflag:s13] =	ssyncadd.s32 $0xFFFFEC00  }
0x475: {  	[tilespmem:s4], [sflag:$0x3] =	stream.indirect.gather.add.f32 [hbm:s3], $0x40, s24, s5, $0xb8;
	[tilespmem:$0x9100] =	vst v63  }
0x476: {  	_ =	swait.ge [sflag:s17], $0x1400  }
0x477: {  	s24 =	sld [smem:$0x7AC]  }
0x478: {  	[sflag:s17] =	ssyncset.done $0x0  }
0x479: {  	[sflag:s17] =	ssyncadd.s32 $0xFFFFEC00  }
0x47a: {  	[hbm4b:s24+s2] =	stream.linear.scatter [tilespmem:s9], [sflag:$0x7], $0x1400, $0x38;
	[tilespmem:$0x9100] =	vst v63  }
0x47b: {  	_ =	swait.ge [sflag:s19], $0x1400  }
0x47c: {  	s24 =	sld [smem:$0x7F8]  }
0x47d: {  	[sflag:s19] =	ssyncset.done $0x0  }
0x47e: {  	[sflag:s19] =	ssyncadd.s32 $0xFFFFEC00  }
0x47f: {  	[tilespmem:s20], [sflag:$0x6] =	stream.indirect.gather [hbm4b:s7+s5], $0x40, s24, s5, $0xb8;
	[tilespmem:$0x9100] =	vst v63  }
0x480: {  	_ =	swait.ge [sflag:s16], $0x1400  }
0x481: {  	s24 =	sld [smem:$0x7F9]  }
0x482: {  	[sflag:s16] =	ssyncset.done $0x0  }
0x483: {  	[sflag:s16] =	ssyncadd.s32 $0xFFFFEC00  }
0x484: {  	[tilespmem:s6], [sflag:$0x4] =	stream.indirect.gather.add.f32 [hbm:s3], $0x40, s24, s5, $0xb8;
	[tilespmem:$0x9100] =	vst v63  }
0x485: {  	_ =	swait.ge [sflag:s12], $0x1400  }
0x486: {  	s24 =	sld [smem:$0x7AD]  }
0x487: {  	[sflag:s12] =	ssyncset.done $0x0  }
0x488: {  	[sflag:s12] =	ssyncadd.s32 $0xFFFFEC00  }
0x489: {  	[hbm4b:s24+s2] =	stream.linear.scatter [tilespmem:s8], [sflag:$0x8], $0x1400, $0x38;
	[tilespmem:$0x9100] =	vst v63  }
0x48a: {  	_ =	swait.ge [sflag:s10], $0x1400  }
0x48b: {  	s24 =	sld [smem:$0x7FA]  }
0x48c: {  	[sflag:s10] =	ssyncset.done $0x0  }
0x48d: {  	[sflag:s10] =	ssyncadd.s32 $0xFFFFEC00  }
0x48e: {  	[tilespmem:s9], [sflag:$0x1] =	stream.indirect.gather [hbm4b:s7+s5], $0x40, s24, s5, $0xb8;
	[tilespmem:$0x9100] =	vst v63  }
0x48f: {  	_ =	swait.ge [sflag:s23], $0x1400  }
0x490: {  	s24 =	sld [smem:$0x7FB]  }
0x491: {  	[sflag:s23] =	ssyncset.done $0x0  }
0x492: {  	[sflag:s23] =	ssyncadd.s32 $0xFFFFEC00  }
0x493: {  	[tilespmem:s21], [sflag:$0x5] =	stream.indirect.gather.add.f32 [hbm:s3], $0x40, s24, s5, $0xb8;
	[tilespmem:$0x9100] =	vst v63  }
0x494: {  	_ =	swait.ge [sflag:s13], $0x1400  }
0x495: {  	s24 =	sld [smem:$0x7AE]  }
0x496: {  	[sflag:s13] =	ssyncset.done $0x0  }
0x497: {  	[sflag:s13] =	ssyncadd.s32 $0xFFFFEC00  }
0x498: {  	[hbm4b:s24+s2] =	stream.linear.scatter [tilespmem:s4], [sflag:$0x9], $0x1400, $0x38;
	[tilespmem:$0x9100] =	vst v63  }
0x499: {  	_ =	swait.ge [sflag:s11], $0x1400  }
0x49a: {  	s24 =	sld [smem:$0x7FC]  }
0x49b: {  	[sflag:s11] =	ssyncset.done $0x0  }
0x49c: {  	[sflag:s11] =	ssyncadd.s32 $0xFFFFEC00  }
0x49d: {  	[tilespmem:s8], [sflag:$0x2] =	stream.indirect.gather [hbm4b:s7+s5], $0x40, s24, s5, $0xb8;
	[tilespmem:$0x9100] =	vst v63  }
0x49e: {  	_ =	swait.ge [sflag:s22], $0x1400  }
0x49f: {  	s24 =	sld [smem:$0x7FD]  }
0x4a0: {  	[sflag:s22] =	ssyncset.done $0x0  }
0x4a1: {  	[sflag:s22] =	ssyncadd.s32 $0xFFFFEC00  }
0x4a2: {  	[tilespmem:s20], [sflag:$0x6] =	stream.indirect.gather.add.f32 [hbm:s3], $0x40, s24, s5, $0xb8;
	[tilespmem:$0x9100] =	vst v63  }
0x4a3: {  	_ =	swait.ge [sflag:s16], $0x1400  }
0x4a4: {  	s24 =	sld [smem:$0x7AF]  }
0x4a5: {  	[sflag:s16] =	ssyncset.done $0x0  }
0x4a6: {  	[sflag:s16] =	ssyncadd.s32 $0xFFFFEC00  }
0x4a7: {  	[hbm4b:s24+s2] =	stream.linear.scatter [tilespmem:s6], [sflag:$0xA], $0x1400, $0x38;
	[tilespmem:$0x9100] =	vst v63  }
0x4a8: {  	_ =	swait.ge [sflag:s14], $0x1400  }
0x4a9: {  	[sflag:s14] =	ssyncset.done $0x0  }
0x4aa: {  	s24 =	simm.s32 $0x5F0;
	[sflag:s14] =	ssyncadd.s32 $0xFFFFEC00  }
0x4ab: {  	[tilespmem:s4], [sflag:$0x3] =	stream.indirect.gather [hbm4b:s7+s5], $0x40, s24, s5, $0xb8;
	[tilespmem:$0x9100] =	vst v63  }
0x4ac: {  	_ =	swait.ge [sflag:s17], $0x1400  }
0x4ad: {  	[sflag:s17] =	ssyncset.done $0x0  }
0x4ae: {  	[sflag:s17] =	ssyncadd.s32 $0xFFFFEC00  }
0x4af: {  	[tilespmem:s9], [sflag:$0x1] =	stream.indirect.gather.add.f32 [hbm:s3], $0x40, s30, s5, $0xb8;
	[tilespmem:$0x9100] =	vst v63  }
0x4b0: {  	_ =	swait.ge [sflag:s23], $0x1400  }
0x4b1: {  	s24 =	sld [smem:$0x7B0]  }
0x4b2: {  	[sflag:s23] =	ssyncset.done $0x0  }
0x4b3: {  	[sflag:s23] =	ssyncadd.s32 $0xFFFFEC00  }
0x4b4: {  	[hbm4b:s24+s2] =	stream.linear.scatter [tilespmem:s21], [sflag:$0xB], $0x1400, $0x38;
	[tilespmem:$0x9100] =	vst v63  }
0x4b5: {  	_ =	swait.ge [sflag:s15], $0x1400  }
0x4b6: {  	[sflag:s15] =	ssyncset.done $0x0  }
0x4b7: {  	[sflag:s15] =	ssyncadd.s32 $0xFFFFEC00  }
0x4b8: {  	[tilespmem:s6], [sflag:$0x4] =	stream.indirect.gather [hbm4b:s7+s5], $0x40, s29, s5, $0xb8;
	[tilespmem:$0x9100] =	vst v63  }
0x4b9: {  	_ =	swait.ge [sflag:s12], $0x1400  }
0x4ba: {  	[sflag:s12] =	ssyncset.done $0x0  }
0x4bb: {  	[sflag:s12] =	ssyncadd.s32 $0xFFFFEC00  }
0x4bc: {  	[tilespmem:s8], [sflag:$0x2] =	stream.indirect.gather.add.f32 [hbm:s3], $0x40, s28, s5, $0xb8;
	[tilespmem:$0x9100] =	vst v63  }
0x4bd: {  	_ =	swait.ge [sflag:s22], $0x1400  }
0x4be: {  	s24 =	sld [smem:$0x7B1]  }
0x4bf: {  	[sflag:s22] =	ssyncset.done $0x0  }
0x4c0: {  	[sflag:s22] =	ssyncadd.s32 $0xFFFFEC00  }
0x4c1: {  	[hbm4b:s24+s2] =	stream.linear.scatter [tilespmem:s20], [sflag:$0xC], $0x1400, $0x38;
	[tilespmem:$0x9100] =	vst v63  }
0x4c2: {  	_ =	swait.ge [sflag:s13], $0x1400  }
0x4c3: {  	[sflag:s13] =	ssyncset.done $0x0  }
0x4c4: {  	[sflag:s13] =	ssyncadd.s32 $0xFFFFEC00  }
0x4c5: {  	[tilespmem:s4], [sflag:$0x3] =	stream.indirect.gather.add.f32 [hbm:s3], $0x40, s26, s5, $0xb8;
	[tilespmem:$0x9100] =	vst v63  }
0x4c6: {  	_ =	swait.ge [sflag:s17], $0x1400  }
0x4c7: {  	s24 =	sld [smem:$0x7B2]  }
0x4c8: {  	[sflag:s17] =	ssyncset.done $0x0  }
0x4c9: {  	[sflag:s17] =	ssyncadd.s32 $0xFFFFEC00  }
0x4ca: {  	[hbm4b:s24+s2] =	stream.linear.scatter [tilespmem:s9], [sflag:$0x7], $0x1400, $0x38;
	[tilespmem:$0x9100] =	vst v63  }
0x4cb: {  	_ =	swait.ge [sflag:s16], $0x1400  }
0x4cc: {  	[sflag:s16] =	ssyncset.done $0x0  }
0x4cd: {  	[sflag:s16] =	ssyncadd.s32 $0xFFFFEC00  }
0x4ce: {  	[tilespmem:s6], [sflag:$0x4] =	stream.indirect.gather.add.f32 [hbm:s3], $0x40, s25, s5, $0xb8;
	[tilespmem:$0x9100] =	vst v63  }
0x4cf: {  	_ =	swait.ge [sflag:s12], $0x1400  }
0x4d0: {  	s24 =	sld [smem:$0x7B3]  }
0x4d1: {  	[sflag:s12] =	ssyncset.done $0x0  }
0x4d2: {  	[sflag:s12] =	ssyncadd.s32 $0xFFFFEC00  }
0x4d3: {  	[hbm4b:s24+s2] =	stream.linear.scatter [tilespmem:s8], [sflag:$0x8], $0x1400, $0x38;
	[tilespmem:$0x9100] =	vst v63  }
0x4d4: {  	_ =	swait.ge [sflag:s13], $0x1400  }
0x4d5: {  	s24 =	sld [smem:$0x7B4]  }
0x4d6: {  	[sflag:s13] =	ssyncset.done $0x0  }
0x4d7: {  	[sflag:s13] =	ssyncadd.s32 $0xFFFFEC00  }
0x4d8: {  	[hbm4b:s24+s2] =	stream.linear.scatter [tilespmem:s4], [sflag:$0x9], $0x1400, $0x38;
	[tilespmem:$0x9100] =	vst v63  }
0x4d9: {  	_ =	swait.ge [sflag:s16], $0x1400  }
0x4da: {  	s24 =	sld [smem:$0x7B5]  }
0x4db: {  	[sflag:s16] =	ssyncset.done $0x0  }
0x4dc: {  	[sflag:s16] =	ssyncadd.s32 $0xFFFFEC00  }
0x4dd: {  	[hbm4b:s24+s2] =	stream.linear.scatter [tilespmem:s6], [sflag:$0xA], $0x1400, $0x38;
	[tilespmem:$0x9100] =	vst v63  }
0x4de: {  	_ =	swait.ge [sflag:s18], $0x1400  }
0x4df: {  	[sflag:s18] =	ssyncset.done $0x0  }
0x4e0: {  	[sflag:s18] =	ssyncadd.s32 $0xFFFFEC00  }
0x4e1: {  	_ =	swait.ge [sflag:s19], $0x1400  }
0x4e2: {  	[sflag:s19] =	ssyncset.done $0x0  }
0x4e3: {  	[sflag:s19] =	ssyncadd.s32 $0xFFFFEC00  }
0x4e4: {  	_ =	swait.ge [sflag:s10], $0x1400  }
0x4e5: {  	[sflag:s10] =	ssyncset.done $0x0  }
0x4e6: {  	[sflag:s10] =	ssyncadd.s32 $0xFFFFEC00  }
0x4e7: {  	_ =	swait.ge [sflag:s11], $0x1400  }
0x4e8: {  	[sflag:s11] =	ssyncset.done $0x0  }
0x4e9: {  	p1 =	sne.s32 s1, $0x1;
	[sflag:s11] =	ssyncadd.s32 $0xFFFFEC00  }
.Ltmp2:
0x4ea: {  	_ =	swait.ge [sflag:s14], $0x1400;
	(pc) =	sbr.rel @p1 .LBB2_4-.Ltmp2, $4  }
0x4eb: {  	[sflag:s14] =	ssyncset.done $0x0  }
0x4ec: {  	[sflag:s14] =	ssyncadd.s32 $0xFFFFEC00  }
0x4ed: {  	_ =	swait.ge [sflag:s15], $0x1400  }
0x4ee: {  	s1 =	sadd.s32 $0xFFFFFFFF, s1;
	s0 =	rddreg [dreg:$0x5];
	[sflag:s15] =	ssyncset.done $0x0  }
0x4ef: {  	s25 =	simm.s32 $0x5F0;
	s30 =	simm.s32 $0xBE0;
	s29 =	simm.s32 $0x1270  }
0x4f0: {  	s28 =	simm.s32 $0x1860;
	s26 =	simm.s32 $0xC30;
	s24 =	stileid.u32  }
.LBB2_6:
0x4f1: {  	[sflag:s15] =	ssyncadd.s32 @p0 $0xFFFFEC00  }
0x4f2: {  	[tilespmem:s2], [sflag:$0xD] =	stream.linear.gather [hbm4b:s0+s2], $0x1900, $0x38;
	[tilespmem:$0x9100] =	vst v63  }
0x4f3: {  	_ =	swait.ge [sflag:s31], $0x1900  }
0x4f4: {  	[sflag:s31] =	ssyncset.done $0x0  }
0x4f5: {  	s1 =	sld [smem:$0x7B6];
	[sflag:s31] =	ssyncadd.s32 $0xFFFFE700  }
0x4f6: {  	[tilespmem:s9], [sflag:$0x1] =	stream.indirect.gather [hbm4b:s7+s5], $0x40, s2, s5, $0xb8;
	[tilespmem:$0x9100] =	vst v63  }
0x4f7: {  	_ = 	snop  }
0x4f8: {  	[tilespmem:s8], [sflag:$0x2] =	stream.indirect.gather [hbm4b:s7+s5], $0x40, s1, s5, $0xb8;
	[tilespmem:$0x9100] =	vst v63  }
0x4f9: {  	_ = 	snop  }
0x4fa: {  	[tilespmem:s4], [sflag:$0x3] =	stream.indirect.gather [hbm4b:s7+s5], $0x40, s5, s5, $0xb8;
	[tilespmem:$0x9100] =	vst v63  }
0x4fb: {  	_ =	swait.ge [sflag:s17], $0x1400  }
0x4fc: {  	s31 =	sld [smem:$0x7B7]  }
0x4fd: {  	[sflag:s17] =	ssyncset.done $0x0  }
0x4fe: {  	s1 =	sld [smem:$0x7B8];
	[sflag:s17] =	ssyncadd.s32 $0xFFFFEC00  }
0x4ff: {  	[tilespmem:s9], [sflag:$0x1] =	stream.indirect.gather.add.f32 [hbm:s3], $0x40, s31, s5, $0xb8;
	[tilespmem:$0x9100] =	vst v63  }
0x500: {  	_ = 	snop  }
0x501: {  	[tilespmem:s6], [sflag:$0x4] =	stream.indirect.gather [hbm4b:s7+s5], $0x40, s1, s5, $0xb8;
	[tilespmem:$0x9100] =	vst v63  }
0x502: {  	_ =	swait.ge [sflag:s12], $0x1400  }
0x503: {  	s1 =	sld [smem:$0x7B9]  }
0x504: {  	[sflag:s12] =	ssyncset.done $0x0  }
0x505: {  	s31 =	sld [smem:$0x7BA];
	[sflag:s12] =	ssyncadd.s32 $0xFFFFEC00  }
0x506: {  	[tilespmem:s8], [sflag:$0x2] =	stream.indirect.gather.add.f32 [hbm:s3], $0x40, s1, s5, $0xb8;
	[tilespmem:$0x9100] =	vst v63  }
0x507: {  	_ = 	snop  }
0x508: {  	[tilespmem:s21], [sflag:$0x5] =	stream.indirect.gather [hbm4b:s7+s5], $0x40, s31, s5, $0xb8;
	[tilespmem:$0x9100] =	vst v63  }
0x509: {  	_ =	swait.ge [sflag:s13], $0x1400  }
0x50a: {  	s31 =	sld [smem:$0x7BB]  }
0x50b: {  	[sflag:s13] =	ssyncset.done $0x0  }
0x50c: {  	[sflag:s13] =	ssyncadd.s32 $0xFFFFEC00  }
0x50d: {  	[tilespmem:s4], [sflag:$0x3] =	stream.indirect.gather.add.f32 [hbm:s3], $0x40, s31, s5, $0xb8;
	[tilespmem:$0x9100] =	vst v63  }
0x50e: {  	_ =	swait.ge [sflag:s17], $0x1400  }
0x50f: {  	s1 =	rddreg [dreg:$0x6];
	[sflag:s17] =	ssyncset.done $0x0  }
0x510: {  	s31 =	sld [smem:$0x7BC];
	[sflag:s17] =	ssyncadd.s32 $0xFFFFEC00  }
0x511: {  	[hbm4b:s1+s2] =	stream.linear.scatter [tilespmem:s9], [sflag:$0x7], $0x1400, $0x38;
	[tilespmem:$0x9100] =	vst v63  }
0x512: {  	_ = 	snop  }
0x513: {  	[tilespmem:s20], [sflag:$0x6] =	stream.indirect.gather [hbm4b:s7+s5], $0x40, s31, s5, $0xb8;
	[tilespmem:$0x9100] =	vst v63  }
0x514: {  	_ =	swait.ge [sflag:s16], $0x1400  }
0x515: {  	s1 =	sld [smem:$0x7BD]  }
0x516: {  	[sflag:s16] =	ssyncset.done $0x0  }
0x517: {  	[sflag:s16] =	ssyncadd.s32 $0xFFFFEC00  }
0x518: {  	[tilespmem:s6], [sflag:$0x4] =	stream.indirect.gather.add.f32 [hbm:s3], $0x40, s1, s5, $0xb8;
	[tilespmem:$0x9100] =	vst v63  }
0x519: {  	_ =	swait.ge [sflag:s12], $0x1400  }
0x51a: {  	[sflag:s12] =	ssyncset.done $0x0  }
0x51b: {  	s31 =	rddreg [dreg:$0x7];
	[sflag:s12] =	ssyncadd.s32 $0xFFFFEC00  }
0x51c: {  	[hbm4b:s31+s2] =	stream.linear.scatter [tilespmem:s8], [sflag:$0x8], $0x1400, $0x38;
	[tilespmem:$0x9100] =	vst v63  }
0x51d: {  	_ =	swait.ge [sflag:s10], $0x1400  }
0x51e: {  	s1 =	sld [smem:$0x7BE]  }
0x51f: {  	[sflag:s10] =	ssyncset.done $0x0  }
0x520: {  	[sflag:s10] =	ssyncadd.s32 $0xFFFFEC00  }
0x521: {  	[tilespmem:s9], [sflag:$0x1] =	stream.indirect.gather [hbm4b:s7+s5], $0x40, s1, s5, $0xb8;
	[tilespmem:$0x9100] =	vst v63  }
0x522: {  	_ =	swait.ge [sflag:s23], $0x1400  }
0x523: {  	s31 =	sld [smem:$0x7BF]  }
0x524: {  	[sflag:s23] =	ssyncset.done $0x0  }
0x525: {  	[sflag:s23] =	ssyncadd.s32 $0xFFFFEC00  }
0x526: {  	[tilespmem:s21], [sflag:$0x5] =	stream.indirect.gather.add.f32 [hbm:s3], $0x40, s31, s5, $0xb8;
	[tilespmem:$0x9100] =	vst v63  }
0x527: {  	_ =	swait.ge [sflag:s13], $0x1400  }
0x528: {  	[sflag:s13] =	ssyncset.done $0x0  }
0x529: {  	s1 =	rddreg [dreg:$0x8];
	[sflag:s13] =	ssyncadd.s32 $0xFFFFEC00  }
0x52a: {  	[hbm4b:s1+s2] =	stream.linear.scatter [tilespmem:s4], [sflag:$0x9], $0x1400, $0x38;
	[tilespmem:$0x9100] =	vst v63  }
0x52b: {  	_ =	swait.ge [sflag:s11], $0x1400  }
0x52c: {  	s31 =	sld [smem:$0x7C0]  }
0x52d: {  	[sflag:s11] =	ssyncset.done $0x0  }
0x52e: {  	[sflag:s11] =	ssyncadd.s32 $0xFFFFEC00  }
0x52f: {  	[tilespmem:s8], [sflag:$0x2] =	stream.indirect.gather [hbm4b:s7+s5], $0x40, s31, s5, $0xb8;
	[tilespmem:$0x9100] =	vst v63  }
0x530: {  	_ =	swait.ge [sflag:s22], $0x1400  }
0x531: {  	s1 =	sld [smem:$0x7C1]  }
0x532: {  	[sflag:s22] =	ssyncset.done $0x0  }
0x533: {  	[sflag:s22] =	ssyncadd.s32 $0xFFFFEC00  }
0x534: {  	[tilespmem:s20], [sflag:$0x6] =	stream.indirect.gather.add.f32 [hbm:s3], $0x40, s1, s5, $0xb8;
	[tilespmem:$0x9100] =	vst v63  }
0x535: {  	_ =	swait.ge [sflag:s16], $0x1400  }
0x536: {  	[sflag:s16] =	ssyncset.done $0x0  }
0x537: {  	s31 =	rddreg [dreg:$0x9];
	[sflag:s16] =	ssyncadd.s32 $0xFFFFEC00  }
0x538: {  	[hbm4b:s31+s2] =	stream.linear.scatter [tilespmem:s6], [sflag:$0xA], $0x1400, $0x38;
	[tilespmem:$0x9100] =	vst v63  }
0x539: {  	_ =	swait.ge [sflag:s14], $0x1400  }
0x53a: {  	s1 =	sld [smem:$0x7C2]  }
0x53b: {  	[sflag:s14] =	ssyncset.done $0x0  }
0x53c: {  	[sflag:s14] =	ssyncadd.s32 $0xFFFFEC00  }
0x53d: {  	[tilespmem:s4], [sflag:$0x3] =	stream.indirect.gather [hbm4b:s7+s5], $0x40, s1, s5, $0xb8;
	[tilespmem:$0x9100] =	vst v63  }
0x53e: {  	_ =	swait.ge [sflag:s17], $0x1400  }
0x53f: {  	s31 =	sld [smem:$0x7C3]  }
0x540: {  	[sflag:s17] =	ssyncset.done $0x0  }
0x541: {  	[sflag:s17] =	ssyncadd.s32 $0xFFFFEC00  }
0x542: {  	[tilespmem:s9], [sflag:$0x1] =	stream.indirect.gather.add.f32 [hbm:s3], $0x40, s31, s5, $0xb8;
	[tilespmem:$0x9100] =	vst v63  }
0x543: {  	_ =	swait.ge [sflag:s23], $0x1400  }
0x544: {  	[sflag:s23] =	ssyncset.done $0x0  }
0x545: {  	s1 =	rddreg [dreg:$0xa];
	[sflag:s23] =	ssyncadd.s32 $0xFFFFEC00  }
0x546: {  	[hbm4b:s1+s2] =	stream.linear.scatter [tilespmem:s21], [sflag:$0xB], $0x1400, $0x38;
	[tilespmem:$0x9100] =	vst v63  }
0x547: {  	_ =	swait.ge [sflag:s15], $0x1400  }
0x548: {  	s31 =	sld [smem:$0x7C4]  }
0x549: {  	[sflag:s15] =	ssyncset.done $0x0  }
0x54a: {  	[sflag:s15] =	ssyncadd.s32 $0xFFFFEC00  }
0x54b: {  	[tilespmem:s6], [sflag:$0x4] =	stream.indirect.gather [hbm4b:s7+s5], $0x40, s31, s5, $0xb8;
	[tilespmem:$0x9100] =	vst v63  }
0x54c: {  	_ =	swait.ge [sflag:s12], $0x1400  }
0x54d: {  	s1 =	sld [smem:$0x7C5]  }
0x54e: {  	[sflag:s12] =	ssyncset.done $0x0  }
0x54f: {  	[sflag:s12] =	ssyncadd.s32 $0xFFFFEC00  }
0x550: {  	[tilespmem:s8], [sflag:$0x2] =	stream.indirect.gather.add.f32 [hbm:s3], $0x40, s1, s5, $0xb8;
	[tilespmem:$0x9100] =	vst v63  }
0x551: {  	_ =	swait.ge [sflag:s22], $0x1400  }
0x552: {  	[sflag:s22] =	ssyncset.done $0x0  }
0x553: {  	s31 =	rddreg [dreg:$0xb];
	[sflag:s22] =	ssyncadd.s32 $0xFFFFEC00  }
0x554: {  	[hbm4b:s31+s2] =	stream.linear.scatter [tilespmem:s20], [sflag:$0xC], $0x1400, $0x38;
	[tilespmem:$0x9100] =	vst v63  }
0x555: {  	_ =	swait.ge [sflag:s18], $0x1400  }
0x556: {  	s1 =	sld [smem:$0x7C6]  }
0x557: {  	[sflag:s18] =	ssyncset.done $0x0  }
0x558: {  	[sflag:s18] =	ssyncadd.s32 $0xFFFFEC00  }
0x559: {  	[tilespmem:s21], [sflag:$0x5] =	stream.indirect.gather [hbm4b:s7+s5], $0x40, s1, s5, $0xb8;
	[tilespmem:$0x9100] =	vst v63  }
0x55a: {  	_ =	swait.ge [sflag:s13], $0x1400  }
0x55b: {  	s31 =	sld [smem:$0x7C7]  }
0x55c: {  	[sflag:s13] =	ssyncset.done $0x0  }
0x55d: {  	[sflag:s13] =	ssyncadd.s32 $0xFFFFEC00  }
0x55e: {  	[tilespmem:s4], [sflag:$0x3] =	stream.indirect.gather.add.f32 [hbm:s3], $0x40, s31, s5, $0xb8;
	[tilespmem:$0x9100] =	vst v63  }
0x55f: {  	_ =	swait.ge [sflag:s17], $0x1400  }
0x560: {  	[sflag:s17] =	ssyncset.done $0x0  }
0x561: {  	s1 =	rddreg [dreg:$0xc];
	[sflag:s17] =	ssyncadd.s32 $0xFFFFEC00  }
0x562: {  	[hbm4b:s1+s2] =	stream.linear.scatter [tilespmem:s9], [sflag:$0x7], $0x1400, $0x38;
	[tilespmem:$0x9100] =	vst v63  }
0x563: {  	_ =	swait.ge [sflag:s19], $0x1400  }
0x564: {  	s31 =	sld [smem:$0x7C8]  }
0x565: {  	[sflag:s19] =	ssyncset.done $0x0  }
0x566: {  	[sflag:s19] =	ssyncadd.s32 $0xFFFFEC00  }
0x567: {  	[tilespmem:s20], [sflag:$0x6] =	stream.indirect.gather [hbm4b:s7+s5], $0x40, s31, s5, $0xb8;
	[tilespmem:$0x9100] =	vst v63  }
0x568: {  	_ =	swait.ge [sflag:s16], $0x1400  }
0x569: {  	s1 =	sld [smem:$0x7C9]  }
0x56a: {  	[sflag:s16] =	ssyncset.done $0x0  }
0x56b: {  	[sflag:s16] =	ssyncadd.s32 $0xFFFFEC00  }
0x56c: {  	[tilespmem:s6], [sflag:$0x4] =	stream.indirect.gather.add.f32 [hbm:s3], $0x40, s1, s5, $0xb8;
	[tilespmem:$0x9100] =	vst v63  }
0x56d: {  	_ =	swait.ge [sflag:s12], $0x1400  }
0x56e: {  	[sflag:s12] =	ssyncset.done $0x0  }
0x56f: {  	s31 =	rddreg [dreg:$0xd];
	[sflag:s12] =	ssyncadd.s32 $0xFFFFEC00  }
0x570: {  	[hbm4b:s31+s2] =	stream.linear.scatter [tilespmem:s8], [sflag:$0x8], $0x1400, $0x38;
	[tilespmem:$0x9100] =	vst v63  }
0x571: {  	_ =	swait.ge [sflag:s10], $0x1400  }
0x572: {  	s1 =	sld [smem:$0x7CA]  }
0x573: {  	[sflag:s10] =	ssyncset.done $0x0  }
0x574: {  	[sflag:s10] =	ssyncadd.s32 $0xFFFFEC00  }
0x575: {  	[tilespmem:s9], [sflag:$0x1] =	stream.indirect.gather [hbm4b:s7+s5], $0x40, s1, s5, $0xb8;
	[tilespmem:$0x9100] =	vst v63  }
0x576: {  	_ =	swait.ge [sflag:s23], $0x1400  }
0x577: {  	s31 =	sld [smem:$0x7CB]  }
0x578: {  	[sflag:s23] =	ssyncset.done $0x0  }
0x579: {  	[sflag:s23] =	ssyncadd.s32 $0xFFFFEC00  }
0x57a: {  	[tilespmem:s21], [sflag:$0x5] =	stream.indirect.gather.add.f32 [hbm:s3], $0x40, s31, s5, $0xb8;
	[tilespmem:$0x9100] =	vst v63  }
0x57b: {  	_ =	swait.ge [sflag:s13], $0x1400  }
0x57c: {  	[sflag:s13] =	ssyncset.done $0x0  }
0x57d: {  	s1 =	rddreg [dreg:$0xe];
	[sflag:s13] =	ssyncadd.s32 $0xFFFFEC00  }
0x57e: {  	[hbm4b:s1+s2] =	stream.linear.scatter [tilespmem:s4], [sflag:$0x9], $0x1400, $0x38;
	[tilespmem:$0x9100] =	vst v63  }
0x57f: {  	_ =	swait.ge [sflag:s11], $0x1400  }
0x580: {  	s31 =	sld [smem:$0x7CC]  }
0x581: {  	[sflag:s11] =	ssyncset.done $0x0  }
0x582: {  	[sflag:s11] =	ssyncadd.s32 $0xFFFFEC00  }
0x583: {  	[tilespmem:s8], [sflag:$0x2] =	stream.indirect.gather [hbm4b:s7+s5], $0x40, s31, s5, $0xb8;
	[tilespmem:$0x9100] =	vst v63  }
0x584: {  	_ =	swait.ge [sflag:s22], $0x1400  }
0x585: {  	s1 =	sld [smem:$0x7CD]  }
0x586: {  	[sflag:s22] =	ssyncset.done $0x0  }
0x587: {  	[sflag:s22] =	ssyncadd.s32 $0xFFFFEC00  }
0x588: {  	[tilespmem:s20], [sflag:$0x6] =	stream.indirect.gather.add.f32 [hbm:s3], $0x40, s1, s5, $0xb8;
	[tilespmem:$0x9100] =	vst v63  }
0x589: {  	_ =	swait.ge [sflag:s16], $0x1400  }
0x58a: {  	[sflag:s16] =	ssyncset.done $0x0  }
0x58b: {  	s31 =	rddreg [dreg:$0xf];
	[sflag:s16] =	ssyncadd.s32 $0xFFFFEC00  }
0x58c: {  	[hbm4b:s31+s2] =	stream.linear.scatter [tilespmem:s6], [sflag:$0xA], $0x1400, $0x38;
	[tilespmem:$0x9100] =	vst v63  }
0x58d: {  	_ =	swait.ge [sflag:s14], $0x1400  }
0x58e: {  	s1 =	sld [smem:$0x7CE]  }
0x58f: {  	[sflag:s14] =	ssyncset.done $0x0  }
0x590: {  	[sflag:s14] =	ssyncadd.s32 $0xFFFFEC00  }
0x591: {  	[tilespmem:s4], [sflag:$0x3] =	stream.indirect.gather [hbm4b:s7+s5], $0x40, s1, s5, $0xb8;
	[tilespmem:$0x9100] =	vst v63  }
0x592: {  	_ =	swait.ge [sflag:s17], $0x1400  }
0x593: {  	s31 =	sld [smem:$0x7CF]  }
0x594: {  	[sflag:s17] =	ssyncset.done $0x0  }
0x595: {  	[sflag:s17] =	ssyncadd.s32 $0xFFFFEC00  }
0x596: {  	[tilespmem:s9], [sflag:$0x1] =	stream.indirect.gather.add.f32 [hbm:s3], $0x40, s31, s5, $0xb8;
	[tilespmem:$0x9100] =	vst v63  }
0x597: {  	_ =	swait.ge [sflag:s23], $0x1400  }
0x598: {  	[sflag:s23] =	ssyncset.done $0x0  }
0x599: {  	s1 =	rddreg [dreg:$0x10];
	[sflag:s23] =	ssyncadd.s32 $0xFFFFEC00  }
0x59a: {  	[hbm4b:s1+s2] =	stream.linear.scatter [tilespmem:s21], [sflag:$0xB], $0x1400, $0x38;
	[tilespmem:$0x9100] =	vst v63  }
0x59b: {  	_ =	swait.ge [sflag:s15], $0x1400  }
0x59c: {  	s31 =	sld [smem:$0x7D0]  }
0x59d: {  	[sflag:s15] =	ssyncset.done $0x0  }
0x59e: {  	[sflag:s15] =	ssyncadd.s32 $0xFFFFEC00  }
0x59f: {  	[tilespmem:s6], [sflag:$0x4] =	stream.indirect.gather [hbm4b:s7+s5], $0x40, s31, s5, $0xb8;
	[tilespmem:$0x9100] =	vst v63  }
0x5a0: {  	_ =	swait.ge [sflag:s12], $0x1400  }
0x5a1: {  	s1 =	sld [smem:$0x7D1]  }
0x5a2: {  	[sflag:s12] =	ssyncset.done $0x0  }
0x5a3: {  	[sflag:s12] =	ssyncadd.s32 $0xFFFFEC00  }
0x5a4: {  	[tilespmem:s8], [sflag:$0x2] =	stream.indirect.gather.add.f32 [hbm:s3], $0x40, s1, s5, $0xb8;
	[tilespmem:$0x9100] =	vst v63  }
0x5a5: {  	_ =	swait.ge [sflag:s22], $0x1400  }
0x5a6: {  	[sflag:s22] =	ssyncset.done $0x0  }
0x5a7: {  	s31 =	rddreg [dreg:$0x11];
	[sflag:s22] =	ssyncadd.s32 $0xFFFFEC00  }
0x5a8: {  	[hbm4b:s31+s2] =	stream.linear.scatter [tilespmem:s20], [sflag:$0xC], $0x1400, $0x38;
	[tilespmem:$0x9100] =	vst v63  }
0x5a9: {  	_ =	swait.ge [sflag:s18], $0x1400  }
0x5aa: {  	s1 =	sld [smem:$0x7D2]  }
0x5ab: {  	[sflag:s18] =	ssyncset.done $0x0  }
0x5ac: {  	[sflag:s18] =	ssyncadd.s32 $0xFFFFEC00  }
0x5ad: {  	[tilespmem:s21], [sflag:$0x5] =	stream.indirect.gather [hbm4b:s7+s5], $0x40, s1, s5, $0xb8;
	[tilespmem:$0x9100] =	vst v63  }
0x5ae: {  	_ =	swait.ge [sflag:s13], $0x1400  }
0x5af: {  	s31 =	sld [smem:$0x7D3]  }
0x5b0: {  	[sflag:s13] =	ssyncset.done $0x0  }
0x5b1: {  	[sflag:s13] =	ssyncadd.s32 $0xFFFFEC00  }
0x5b2: {  	[tilespmem:s4], [sflag:$0x3] =	stream.indirect.gather.add.f32 [hbm:s3], $0x40, s31, s5, $0xb8;
	[tilespmem:$0x9100] =	vst v63  }
0x5b3: {  	_ =	swait.ge [sflag:s17], $0x1400  }
0x5b4: {  	[sflag:s17] =	ssyncset.done $0x0  }
0x5b5: {  	s1 =	rddreg [dreg:$0x12];
	[sflag:s17] =	ssyncadd.s32 $0xFFFFEC00  }
0x5b6: {  	[hbm4b:s1+s2] =	stream.linear.scatter [tilespmem:s9], [sflag:$0x7], $0x1400, $0x38;
	[tilespmem:$0x9100] =	vst v63  }
0x5b7: {  	_ =	swait.ge [sflag:s19], $0x1400  }
0x5b8: {  	s31 =	sld [smem:$0x7D4]  }
0x5b9: {  	[sflag:s19] =	ssyncset.done $0x0  }
0x5ba: {  	[sflag:s19] =	ssyncadd.s32 $0xFFFFEC00  }
0x5bb: {  	[tilespmem:s20], [sflag:$0x6] =	stream.indirect.gather [hbm4b:s7+s5], $0x40, s31, s5, $0xb8;
	[tilespmem:$0x9100] =	vst v63  }
0x5bc: {  	_ =	swait.ge [sflag:s16], $0x1400  }
0x5bd: {  	s1 =	sld [smem:$0x7D5]  }
0x5be: {  	[sflag:s16] =	ssyncset.done $0x0  }
0x5bf: {  	[sflag:s16] =	ssyncadd.s32 $0xFFFFEC00  }
0x5c0: {  	[tilespmem:s6], [sflag:$0x4] =	stream.indirect.gather.add.f32 [hbm:s3], $0x40, s1, s5, $0xb8;
	[tilespmem:$0x9100] =	vst v63  }
0x5c1: {  	_ =	swait.ge [sflag:s12], $0x1400  }
0x5c2: {  	[sflag:s12] =	ssyncset.done $0x0  }
0x5c3: {  	s31 =	rddreg [dreg:$0x13];
	[sflag:s12] =	ssyncadd.s32 $0xFFFFEC00  }
0x5c4: {  	[hbm4b:s31+s2] =	stream.linear.scatter [tilespmem:s8], [sflag:$0x8], $0x1400, $0x38;
	[tilespmem:$0x9100] =	vst v63  }
0x5c5: {  	_ =	swait.ge [sflag:s10], $0x1400  }
0x5c6: {  	s1 =	sld [smem:$0x7D6]  }
0x5c7: {  	[sflag:s10] =	ssyncset.done $0x0  }
0x5c8: {  	[sflag:s10] =	ssyncadd.s32 $0xFFFFEC00  }
0x5c9: {  	[tilespmem:s9], [sflag:$0x1] =	stream.indirect.gather [hbm4b:s7+s5], $0x40, s1, s5, $0xb8;
	[tilespmem:$0x9100] =	vst v63  }
0x5ca: {  	_ =	swait.ge [sflag:s23], $0x1400  }
0x5cb: {  	s31 =	sld [smem:$0x7D7]  }
0x5cc: {  	[sflag:s23] =	ssyncset.done $0x0  }
0x5cd: {  	[sflag:s23] =	ssyncadd.s32 $0xFFFFEC00  }
0x5ce: {  	[tilespmem:s21], [sflag:$0x5] =	stream.indirect.gather.add.f32 [hbm:s3], $0x40, s31, s5, $0xb8;
	[tilespmem:$0x9100] =	vst v63  }
0x5cf: {  	_ =	swait.ge [sflag:s13], $0x1400  }
0x5d0: {  	[sflag:s13] =	ssyncset.done $0x0  }
0x5d1: {  	s1 =	rddreg [dreg:$0x14];
	[sflag:s13] =	ssyncadd.s32 $0xFFFFEC00  }
0x5d2: {  	[hbm4b:s1+s2] =	stream.linear.scatter [tilespmem:s4], [sflag:$0x9], $0x1400, $0x38;
	[tilespmem:$0x9100] =	vst v63  }
0x5d3: {  	_ =	swait.ge [sflag:s11], $0x1400  }
0x5d4: {  	s31 =	sld [smem:$0x7D8]  }
0x5d5: {  	[sflag:s11] =	ssyncset.done $0x0  }
0x5d6: {  	[sflag:s11] =	ssyncadd.s32 $0xFFFFEC00  }
0x5d7: {  	[tilespmem:s8], [sflag:$0x2] =	stream.indirect.gather [hbm4b:s7+s5], $0x40, s31, s5, $0xb8;
	[tilespmem:$0x9100] =	vst v63  }
0x5d8: {  	_ =	swait.ge [sflag:s22], $0x1400  }
0x5d9: {  	s1 =	sld [smem:$0x7D9]  }
0x5da: {  	[sflag:s22] =	ssyncset.done $0x0  }
0x5db: {  	[sflag:s22] =	ssyncadd.s32 $0xFFFFEC00  }
0x5dc: {  	[tilespmem:s20], [sflag:$0x6] =	stream.indirect.gather.add.f32 [hbm:s3], $0x40, s1, s5, $0xb8;
	[tilespmem:$0x9100] =	vst v63  }
0x5dd: {  	_ =	swait.ge [sflag:s16], $0x1400  }
0x5de: {  	[sflag:s16] =	ssyncset.done $0x0  }
0x5df: {  	s31 =	rddreg [dreg:$0x15];
	[sflag:s16] =	ssyncadd.s32 $0xFFFFEC00  }
0x5e0: {  	[hbm4b:s31+s2] =	stream.linear.scatter [tilespmem:s6], [sflag:$0xA], $0x1400, $0x38;
	[tilespmem:$0x9100] =	vst v63  }
0x5e1: {  	_ =	swait.ge [sflag:s14], $0x1400  }
0x5e2: {  	s1 =	sld [smem:$0x7DA]  }
0x5e3: {  	[sflag:s14] =	ssyncset.done $0x0  }
0x5e4: {  	[sflag:s14] =	ssyncadd.s32 $0xFFFFEC00  }
0x5e5: {  	[tilespmem:s4], [sflag:$0x3] =	stream.indirect.gather [hbm4b:s7+s5], $0x40, s1, s5, $0xb8;
	[tilespmem:$0x9100] =	vst v63  }
0x5e6: {  	_ =	swait.ge [sflag:s17], $0x1400  }
0x5e7: {  	s31 =	sld [smem:$0x7DB]  }
0x5e8: {  	[sflag:s17] =	ssyncset.done $0x0  }
0x5e9: {  	[sflag:s17] =	ssyncadd.s32 $0xFFFFEC00  }
0x5ea: {  	[tilespmem:s9], [sflag:$0x1] =	stream.indirect.gather.add.f32 [hbm:s3], $0x40, s31, s5, $0xb8;
	[tilespmem:$0x9100] =	vst v63  }
0x5eb: {  	_ =	swait.ge [sflag:s23], $0x1400  }
0x5ec: {  	[sflag:s23] =	ssyncset.done $0x0  }
0x5ed: {  	s1 =	rddreg [dreg:$0x16];
	[sflag:s23] =	ssyncadd.s32 $0xFFFFEC00  }
0x5ee: {  	[hbm4b:s1+s2] =	stream.linear.scatter [tilespmem:s21], [sflag:$0xB], $0x1400, $0x38;
	[tilespmem:$0x9100] =	vst v63  }
0x5ef: {  	_ =	swait.ge [sflag:s15], $0x1400  }
0x5f0: {  	s31 =	sld [smem:$0x7DC]  }
0x5f1: {  	[sflag:s15] =	ssyncset.done $0x0  }
0x5f2: {  	[sflag:s15] =	ssyncadd.s32 $0xFFFFEC00  }
0x5f3: {  	[tilespmem:s6], [sflag:$0x4] =	stream.indirect.gather [hbm4b:s7+s5], $0x40, s31, s5, $0xb8;
	[tilespmem:$0x9100] =	vst v63  }
0x5f4: {  	_ =	swait.ge [sflag:s12], $0x1400  }
0x5f5: {  	s1 =	sld [smem:$0x7DD]  }
0x5f6: {  	[sflag:s12] =	ssyncset.done $0x0  }
0x5f7: {  	[sflag:s12] =	ssyncadd.s32 $0xFFFFEC00  }
0x5f8: {  	[tilespmem:s8], [sflag:$0x2] =	stream.indirect.gather.add.f32 [hbm:s3], $0x40, s1, s5, $0xb8;
	[tilespmem:$0x9100] =	vst v63  }
0x5f9: {  	_ =	swait.ge [sflag:s22], $0x1400  }
0x5fa: {  	[sflag:s22] =	ssyncset.done $0x0  }
0x5fb: {  	s31 =	rddreg [dreg:$0x17];
	[sflag:s22] =	ssyncadd.s32 $0xFFFFEC00  }
0x5fc: {  	[hbm4b:s31+s2] =	stream.linear.scatter [tilespmem:s20], [sflag:$0xC], $0x1400, $0x38;
	[tilespmem:$0x9100] =	vst v63  }
0x5fd: {  	_ =	swait.ge [sflag:s18], $0x1400  }
0x5fe: {  	s1 =	sld [smem:$0x7DE]  }
0x5ff: {  	[sflag:s18] =	ssyncset.done $0x0  }
0x600: {  	[sflag:s18] =	ssyncadd.s32 $0xFFFFEC00  }
0x601: {  	[tilespmem:s21], [sflag:$0x5] =	stream.indirect.gather [hbm4b:s7+s5], $0x40, s1, s5, $0xb8;
	[tilespmem:$0x9100] =	vst v63  }
0x602: {  	_ =	swait.ge [sflag:s13], $0x1400  }
0x603: {  	s31 =	sld [smem:$0x7DF]  }
0x604: {  	[sflag:s13] =	ssyncset.done $0x0  }
0x605: {  	[sflag:s13] =	ssyncadd.s32 $0xFFFFEC00  }
0x606: {  	[tilespmem:s4], [sflag:$0x3] =	stream.indirect.gather.add.f32 [hbm:s3], $0x40, s31, s5, $0xb8;
	[tilespmem:$0x9100] =	vst v63  }
0x607: {  	_ =	swait.ge [sflag:s17], $0x1400  }
0x608: {  	[sflag:s17] =	ssyncset.done $0x0  }
0x609: {  	s1 =	rddreg [dreg:$0x18];
	[sflag:s17] =	ssyncadd.s32 $0xFFFFEC00  }
0x60a: {  	[hbm4b:s1+s2] =	stream.linear.scatter [tilespmem:s9], [sflag:$0x7], $0x1400, $0x38;
	[tilespmem:$0x9100] =	vst v63  }
0x60b: {  	_ =	swait.ge [sflag:s19], $0x1400  }
0x60c: {  	s31 =	sld [smem:$0x7E0]  }
0x60d: {  	[sflag:s19] =	ssyncset.done $0x0  }
0x60e: {  	[sflag:s19] =	ssyncadd.s32 $0xFFFFEC00  }
0x60f: {  	[tilespmem:s20], [sflag:$0x6] =	stream.indirect.gather [hbm4b:s7+s5], $0x40, s31, s5, $0xb8;
	[tilespmem:$0x9100] =	vst v63  }
0x610: {  	_ =	swait.ge [sflag:s16], $0x1400  }
0x611: {  	s1 =	sld [smem:$0x7E1]  }
0x612: {  	[sflag:s16] =	ssyncset.done $0x0  }
0x613: {  	[sflag:s16] =	ssyncadd.s32 $0xFFFFEC00  }
0x614: {  	[tilespmem:s6], [sflag:$0x4] =	stream.indirect.gather.add.f32 [hbm:s3], $0x40, s1, s5, $0xb8;
	[tilespmem:$0x9100] =	vst v63  }
0x615: {  	_ =	swait.ge [sflag:s12], $0x1400  }
0x616: {  	[sflag:s12] =	ssyncset.done $0x0  }
0x617: {  	s31 =	rddreg [dreg:$0x19];
	[sflag:s12] =	ssyncadd.s32 $0xFFFFEC00  }
0x618: {  	[hbm4b:s31+s2] =	stream.linear.scatter [tilespmem:s8], [sflag:$0x8], $0x1400, $0x38;
	[tilespmem:$0x9100] =	vst v63  }
0x619: {  	_ =	swait.ge [sflag:s10], $0x1400  }
0x61a: {  	s1 =	sld [smem:$0x7E2]  }
0x61b: {  	[sflag:s10] =	ssyncset.done $0x0  }
0x61c: {  	[sflag:s10] =	ssyncadd.s32 $0xFFFFEC00  }
0x61d: {  	[tilespmem:s9], [sflag:$0x1] =	stream.indirect.gather [hbm4b:s7+s5], $0x40, s1, s5, $0xb8;
	[tilespmem:$0x9100] =	vst v63  }
0x61e: {  	_ =	swait.ge [sflag:s23], $0x1400  }
0x61f: {  	s31 =	sld [smem:$0x7E3]  }
0x620: {  	[sflag:s23] =	ssyncset.done $0x0  }
0x621: {  	[sflag:s23] =	ssyncadd.s32 $0xFFFFEC00  }
0x622: {  	[tilespmem:s21], [sflag:$0x5] =	stream.indirect.gather.add.f32 [hbm:s3], $0x40, s31, s5, $0xb8;
	[tilespmem:$0x9100] =	vst v63  }
0x623: {  	_ =	swait.ge [sflag:s13], $0x1400  }
0x624: {  	[sflag:s13] =	ssyncset.done $0x0  }
0x625: {  	s1 =	rddreg [dreg:$0x1a];
	[sflag:s13] =	ssyncadd.s32 $0xFFFFEC00  }
0x626: {  	[hbm4b:s1+s2] =	stream.linear.scatter [tilespmem:s4], [sflag:$0x9], $0x1400, $0x38;
	[tilespmem:$0x9100] =	vst v63  }
0x627: {  	_ =	swait.ge [sflag:s11], $0x1400  }
0x628: {  	s31 =	sld [smem:$0x7E4]  }
0x629: {  	[sflag:s11] =	ssyncset.done $0x0  }
0x62a: {  	[sflag:s11] =	ssyncadd.s32 $0xFFFFEC00  }
0x62b: {  	[tilespmem:s8], [sflag:$0x2] =	stream.indirect.gather [hbm4b:s7+s5], $0x40, s31, s5, $0xb8;
	[tilespmem:$0x9100] =	vst v63  }
0x62c: {  	_ =	swait.ge [sflag:s22], $0x1400  }
0x62d: {  	s1 =	sld [smem:$0x7E5]  }
0x62e: {  	[sflag:s22] =	ssyncset.done $0x0  }
0x62f: {  	[sflag:s22] =	ssyncadd.s32 $0xFFFFEC00  }
0x630: {  	[tilespmem:s20], [sflag:$0x6] =	stream.indirect.gather.add.f32 [hbm:s3], $0x40, s1, s5, $0xb8;
	[tilespmem:$0x9100] =	vst v63  }
0x631: {  	_ =	swait.ge [sflag:s16], $0x1400  }
0x632: {  	[sflag:s16] =	ssyncset.done $0x0  }
0x633: {  	s31 =	rddreg [dreg:$0x1b];
	[sflag:s16] =	ssyncadd.s32 $0xFFFFEC00  }
0x634: {  	[hbm4b:s31+s2] =	stream.linear.scatter [tilespmem:s6], [sflag:$0xA], $0x1400, $0x38;
	[tilespmem:$0x9100] =	vst v63  }
0x635: {  	_ =	swait.ge [sflag:s14], $0x1400  }
0x636: {  	s1 =	sld [smem:$0x7E6]  }
0x637: {  	[sflag:s14] =	ssyncset.done $0x0  }
0x638: {  	[sflag:s14] =	ssyncadd.s32 $0xFFFFEC00  }
0x639: {  	[tilespmem:s4], [sflag:$0x3] =	stream.indirect.gather [hbm4b:s7+s5], $0x40, s1, s5, $0xb8;
	[tilespmem:$0x9100] =	vst v63  }
0x63a: {  	_ =	swait.ge [sflag:s17], $0x1400  }
0x63b: {  	s31 =	sld [smem:$0x7E7]  }
0x63c: {  	[sflag:s17] =	ssyncset.done $0x0  }
0x63d: {  	[sflag:s17] =	ssyncadd.s32 $0xFFFFEC00  }
0x63e: {  	[tilespmem:s9], [sflag:$0x1] =	stream.indirect.gather.add.f32 [hbm:s3], $0x40, s31, s5, $0xb8;
	[tilespmem:$0x9100] =	vst v63  }
0x63f: {  	_ =	swait.ge [sflag:s23], $0x1400  }
0x640: {  	[sflag:s23] =	ssyncset.done $0x0  }
0x641: {  	s1 =	rddreg [dreg:$0x1c];
	[sflag:s23] =	ssyncadd.s32 $0xFFFFEC00  }
0x642: {  	[hbm4b:s1+s2] =	stream.linear.scatter [tilespmem:s21], [sflag:$0xB], $0x1400, $0x38;
	[tilespmem:$0x9100] =	vst v63  }
0x643: {  	_ =	swait.ge [sflag:s15], $0x1400  }
0x644: {  	s31 =	sld [smem:$0x7E8]  }
0x645: {  	[sflag:s15] =	ssyncset.done $0x0  }
0x646: {  	[sflag:s15] =	ssyncadd.s32 $0xFFFFEC00  }
0x647: {  	[tilespmem:s6], [sflag:$0x4] =	stream.indirect.gather [hbm4b:s7+s5], $0x40, s31, s5, $0xb8;
	[tilespmem:$0x9100] =	vst v63  }
0x648: {  	_ =	swait.ge [sflag:s12], $0x1400  }
0x649: {  	s1 =	sld [smem:$0x7E9]  }
0x64a: {  	[sflag:s12] =	ssyncset.done $0x0  }
0x64b: {  	[sflag:s12] =	ssyncadd.s32 $0xFFFFEC00  }
0x64c: {  	[tilespmem:s8], [sflag:$0x2] =	stream.indirect.gather.add.f32 [hbm:s3], $0x40, s1, s5, $0xb8;
	[tilespmem:$0x9100] =	vst v63  }
0x64d: {  	_ =	swait.ge [sflag:s22], $0x1400  }
0x64e: {  	[sflag:s22] =	ssyncset.done $0x0  }
0x64f: {  	s31 =	rddreg [dreg:$0x1d];
	[sflag:s22] =	ssyncadd.s32 $0xFFFFEC00  }
0x650: {  	[hbm4b:s31+s2] =	stream.linear.scatter [tilespmem:s20], [sflag:$0xC], $0x1400, $0x38;
	[tilespmem:$0x9100] =	vst v63  }
0x651: {  	_ =	swait.ge [sflag:s18], $0x1400  }
0x652: {  	s1 =	sld [smem:$0x7EA]  }
0x653: {  	[sflag:s18] =	ssyncset.done $0x0  }
0x654: {  	[sflag:s18] =	ssyncadd.s32 $0xFFFFEC00  }
0x655: {  	[tilespmem:s21], [sflag:$0x5] =	stream.indirect.gather [hbm4b:s7+s5], $0x40, s1, s5, $0xb8;
	[tilespmem:$0x9100] =	vst v63  }
0x656: {  	_ =	swait.ge [sflag:s13], $0x1400  }
0x657: {  	s31 =	sld [smem:$0x7EB]  }
0x658: {  	[sflag:s13] =	ssyncset.done $0x0  }
0x659: {  	[sflag:s13] =	ssyncadd.s32 $0xFFFFEC00  }
0x65a: {  	[tilespmem:s4], [sflag:$0x3] =	stream.indirect.gather.add.f32 [hbm:s3], $0x40, s31, s5, $0xb8;
	[tilespmem:$0x9100] =	vst v63  }
0x65b: {  	_ =	swait.ge [sflag:s17], $0x1400  }
0x65c: {  	[sflag:s17] =	ssyncset.done $0x0  }
0x65d: {  	s1 =	rddreg [dreg:$0x1e];
	[sflag:s17] =	ssyncadd.s32 $0xFFFFEC00  }
0x65e: {  	[hbm4b:s1+s2] =	stream.linear.scatter [tilespmem:s9], [sflag:$0x7], $0x1400, $0x38;
	[tilespmem:$0x9100] =	vst v63  }
0x65f: {  	_ =	swait.ge [sflag:s19], $0x1400  }
0x660: {  	s31 =	sld [smem:$0x7EC]  }
0x661: {  	[sflag:s19] =	ssyncset.done $0x0  }
0x662: {  	[sflag:s19] =	ssyncadd.s32 $0xFFFFEC00  }
0x663: {  	[tilespmem:s20], [sflag:$0x6] =	stream.indirect.gather [hbm4b:s7+s5], $0x40, s31, s5, $0xb8;
	[tilespmem:$0x9100] =	vst v63  }
0x664: {  	_ =	swait.ge [sflag:s16], $0x1400  }
0x665: {  	s1 =	sld [smem:$0x7ED]  }
0x666: {  	[sflag:s16] =	ssyncset.done $0x0  }
0x667: {  	[sflag:s16] =	ssyncadd.s32 $0xFFFFEC00  }
0x668: {  	[tilespmem:s6], [sflag:$0x4] =	stream.indirect.gather.add.f32 [hbm:s3], $0x40, s1, s5, $0xb8;
	[tilespmem:$0x9100] =	vst v63  }
0x669: {  	_ =	swait.ge [sflag:s12], $0x1400  }
0x66a: {  	[sflag:s12] =	ssyncset.done $0x0  }
0x66b: {  	s31 =	rddreg [dreg:$0x1f];
	[sflag:s12] =	ssyncadd.s32 $0xFFFFEC00  }
0x66c: {  	[hbm4b:s31+s2] =	stream.linear.scatter [tilespmem:s8], [sflag:$0x8], $0x1400, $0x38;
	[tilespmem:$0x9100] =	vst v63  }
0x66d: {  	_ =	swait.ge [sflag:s10], $0x1400  }
0x66e: {  	s1 =	sld [smem:$0x7EE]  }
0x66f: {  	[sflag:s10] =	ssyncset.done $0x0  }
0x670: {  	[sflag:s10] =	ssyncadd.s32 $0xFFFFEC00  }
0x671: {  	[tilespmem:s9], [sflag:$0x1] =	stream.indirect.gather [hbm4b:s7+s5], $0x40, s1, s5, $0xb8;
	[tilespmem:$0x9100] =	vst v63  }
0x672: {  	_ =	swait.ge [sflag:s23], $0x1400  }
0x673: {  	s31 =	sld [smem:$0x7EF]  }
0x674: {  	[sflag:s23] =	ssyncset.done $0x0  }
0x675: {  	[sflag:s23] =	ssyncadd.s32 $0xFFFFEC00  }
0x676: {  	[tilespmem:s21], [sflag:$0x5] =	stream.indirect.gather.add.f32 [hbm:s3], $0x40, s31, s5, $0xb8;
	[tilespmem:$0x9100] =	vst v63  }
0x677: {  	_ =	swait.ge [sflag:s13], $0x1400  }
0x678: {  	s1 =	sld [smem:$0x7A8]  }
0x679: {  	[sflag:s13] =	ssyncset.done $0x0  }
0x67a: {  	[sflag:s13] =	ssyncadd.s32 $0xFFFFEC00  }
0x67b: {  	[hbm4b:s1+s2] =	stream.linear.scatter [tilespmem:s4], [sflag:$0x9], $0x1400, $0x38;
	[tilespmem:$0x9100] =	vst v63  }
0x67c: {  	_ =	swait.ge [sflag:s11], $0x1400  }
0x67d: {  	s31 =	sld [smem:$0x7F0]  }
0x67e: {  	[sflag:s11] =	ssyncset.done $0x0  }
0x67f: {  	[sflag:s11] =	ssyncadd.s32 $0xFFFFEC00  }
0x680: {  	[tilespmem:s8], [sflag:$0x2] =	stream.indirect.gather [hbm4b:s7+s5], $0x40, s31, s5, $0xb8;
	[tilespmem:$0x9100] =	vst v63  }
0x681: {  	_ =	swait.ge [sflag:s22], $0x1400  }
0x682: {  	s1 =	sld [smem:$0x7F1]  }
0x683: {  	[sflag:s22] =	ssyncset.done $0x0  }
0x684: {  	[sflag:s22] =	ssyncadd.s32 $0xFFFFEC00  }
0x685: {  	[tilespmem:s20], [sflag:$0x6] =	stream.indirect.gather.add.f32 [hbm:s3], $0x40, s1, s5, $0xb8;
	[tilespmem:$0x9100] =	vst v63  }
0x686: {  	_ =	swait.ge [sflag:s16], $0x1400  }
0x687: {  	s31 =	sld [smem:$0x7A9]  }
0x688: {  	[sflag:s16] =	ssyncset.done $0x0  }
0x689: {  	[sflag:s16] =	ssyncadd.s32 $0xFFFFEC00  }
0x68a: {  	[hbm4b:s31+s2] =	stream.linear.scatter [tilespmem:s6], [sflag:$0xA], $0x1400, $0x38;
	[tilespmem:$0x9100] =	vst v63  }
0x68b: {  	_ =	swait.ge [sflag:s14], $0x1400  }
0x68c: {  	s1 =	sld [smem:$0x7F2]  }
0x68d: {  	[sflag:s14] =	ssyncset.done $0x0  }
0x68e: {  	[sflag:s14] =	ssyncadd.s32 $0xFFFFEC00  }
0x68f: {  	[tilespmem:s4], [sflag:$0x3] =	stream.indirect.gather [hbm4b:s7+s5], $0x40, s1, s5, $0xb8;
	[tilespmem:$0x9100] =	vst v63  }
0x690: {  	_ =	swait.ge [sflag:s17], $0x1400  }
0x691: {  	s31 =	sld [smem:$0x7F3]  }
0x692: {  	[sflag:s17] =	ssyncset.done $0x0  }
0x693: {  	[sflag:s17] =	ssyncadd.s32 $0xFFFFEC00  }
0x694: {  	[tilespmem:s9], [sflag:$0x1] =	stream.indirect.gather.add.f32 [hbm:s3], $0x40, s31, s5, $0xb8;
	[tilespmem:$0x9100] =	vst v63  }
0x695: {  	_ =	swait.ge [sflag:s23], $0x1400  }
0x696: {  	s1 =	sld [smem:$0x7AA]  }
0x697: {  	[sflag:s23] =	ssyncset.done $0x0  }
0x698: {  	[sflag:s23] =	ssyncadd.s32 $0xFFFFEC00  }
0x699: {  	[hbm4b:s1+s2] =	stream.linear.scatter [tilespmem:s21], [sflag:$0xB], $0x1400, $0x38;
	[tilespmem:$0x9100] =	vst v63  }
0x69a: {  	_ =	swait.ge [sflag:s15], $0x1400  }
0x69b: {  	s31 =	sld [smem:$0x7F4]  }
0x69c: {  	[sflag:s15] =	ssyncset.done $0x0  }
0x69d: {  	[sflag:s15] =	ssyncadd.s32 $0xFFFFEC00  }
0x69e: {  	[tilespmem:s6], [sflag:$0x4] =	stream.indirect.gather [hbm4b:s7+s5], $0x40, s31, s5, $0xb8;
	[tilespmem:$0x9100] =	vst v63  }
0x69f: {  	_ =	swait.ge [sflag:s12], $0x1400  }
0x6a0: {  	s1 =	sld [smem:$0x7F5]  }
0x6a1: {  	[sflag:s12] =	ssyncset.done $0x0  }
0x6a2: {  	[sflag:s12] =	ssyncadd.s32 $0xFFFFEC00  }
0x6a3: {  	[tilespmem:s8], [sflag:$0x2] =	stream.indirect.gather.add.f32 [hbm:s3], $0x40, s1, s5, $0xb8;
	[tilespmem:$0x9100] =	vst v63  }
0x6a4: {  	_ =	swait.ge [sflag:s22], $0x1400  }
0x6a5: {  	s31 =	sld [smem:$0x7AB]  }
0x6a6: {  	[sflag:s22] =	ssyncset.done $0x0  }
0x6a7: {  	[sflag:s22] =	ssyncadd.s32 $0xFFFFEC00  }
0x6a8: {  	[hbm4b:s31+s2] =	stream.linear.scatter [tilespmem:s20], [sflag:$0xC], $0x1400, $0x38;
	[tilespmem:$0x9100] =	vst v63  }
0x6a9: {  	_ =	swait.ge [sflag:s18], $0x1400  }
0x6aa: {  	s1 =	sld [smem:$0x7F6]  }
0x6ab: {  	[sflag:s18] =	ssyncset.done $0x0  }
0x6ac: {  	[sflag:s18] =	ssyncadd.s32 $0xFFFFEC00  }
0x6ad: {  	[tilespmem:s21], [sflag:$0x5] =	stream.indirect.gather [hbm4b:s7+s5], $0x40, s1, s5, $0xb8;
	[tilespmem:$0x9100] =	vst v63  }
0x6ae: {  	_ =	swait.ge [sflag:s13], $0x1400  }
0x6af: {  	s31 =	sld [smem:$0x7F7]  }
0x6b0: {  	[sflag:s13] =	ssyncset.done $0x0  }
0x6b1: {  	[sflag:s13] =	ssyncadd.s32 $0xFFFFEC00  }
0x6b2: {  	[tilespmem:s4], [sflag:$0x3] =	stream.indirect.gather.add.f32 [hbm:s3], $0x40, s31, s5, $0xb8;
	[tilespmem:$0x9100] =	vst v63  }
0x6b3: {  	_ =	swait.ge [sflag:s17], $0x1400  }
0x6b4: {  	s1 =	sld [smem:$0x7AC]  }
0x6b5: {  	[sflag:s17] =	ssyncset.done $0x0  }
0x6b6: {  	[sflag:s17] =	ssyncadd.s32 $0xFFFFEC00  }
0x6b7: {  	[hbm4b:s1+s2] =	stream.linear.scatter [tilespmem:s9], [sflag:$0x7], $0x1400, $0x38;
	[tilespmem:$0x9100] =	vst v63  }
0x6b8: {  	_ =	swait.ge [sflag:s19], $0x1400  }
0x6b9: {  	s31 =	sld [smem:$0x7F8]  }
0x6ba: {  	[sflag:s19] =	ssyncset.done $0x0  }
0x6bb: {  	[sflag:s19] =	ssyncadd.s32 $0xFFFFEC00  }
0x6bc: {  	[tilespmem:s20], [sflag:$0x6] =	stream.indirect.gather [hbm4b:s7+s5], $0x40, s31, s5, $0xb8;
	[tilespmem:$0x9100] =	vst v63  }
0x6bd: {  	_ =	swait.ge [sflag:s16], $0x1400  }
0x6be: {  	s1 =	sld [smem:$0x7F9]  }
0x6bf: {  	[sflag:s16] =	ssyncset.done $0x0  }
0x6c0: {  	[sflag:s16] =	ssyncadd.s32 $0xFFFFEC00  }
0x6c1: {  	[tilespmem:s6], [sflag:$0x4] =	stream.indirect.gather.add.f32 [hbm:s3], $0x40, s1, s5, $0xb8;
	[tilespmem:$0x9100] =	vst v63  }
0x6c2: {  	_ =	swait.ge [sflag:s12], $0x1400  }
0x6c3: {  	s31 =	sld [smem:$0x7AD]  }
0x6c4: {  	[sflag:s12] =	ssyncset.done $0x0  }
0x6c5: {  	[sflag:s12] =	ssyncadd.s32 $0xFFFFEC00  }
0x6c6: {  	[hbm4b:s31+s2] =	stream.linear.scatter [tilespmem:s8], [sflag:$0x8], $0x1400, $0x38;
	[tilespmem:$0x9100] =	vst v63  }
0x6c7: {  	_ =	swait.ge [sflag:s10], $0x1400  }
0x6c8: {  	s1 =	sld [smem:$0x7FA]  }
0x6c9: {  	[sflag:s10] =	ssyncset.done $0x0  }
0x6ca: {  	[sflag:s10] =	ssyncadd.s32 $0xFFFFEC00  }
0x6cb: {  	[tilespmem:s9], [sflag:$0x1] =	stream.indirect.gather [hbm4b:s7+s5], $0x40, s1, s5, $0xb8;
	[tilespmem:$0x9100] =	vst v63  }
0x6cc: {  	_ =	swait.ge [sflag:s23], $0x1400  }
0x6cd: {  	s31 =	sld [smem:$0x7FB]  }
0x6ce: {  	[sflag:s23] =	ssyncset.done $0x0  }
0x6cf: {  	[sflag:s23] =	ssyncadd.s32 $0xFFFFEC00  }
0x6d0: {  	[tilespmem:s21], [sflag:$0x5] =	stream.indirect.gather.add.f32 [hbm:s3], $0x40, s31, s5, $0xb8;
	[tilespmem:$0x9100] =	vst v63  }
0x6d1: {  	_ =	swait.ge [sflag:s13], $0x1400  }
0x6d2: {  	s1 =	sld [smem:$0x7AE]  }
0x6d3: {  	[sflag:s13] =	ssyncset.done $0x0  }
0x6d4: {  	[sflag:s13] =	ssyncadd.s32 $0xFFFFEC00  }
0x6d5: {  	[hbm4b:s1+s2] =	stream.linear.scatter [tilespmem:s4], [sflag:$0x9], $0x1400, $0x38;
	[tilespmem:$0x9100] =	vst v63  }
0x6d6: {  	_ =	swait.ge [sflag:s11], $0x1400  }
0x6d7: {  	s31 =	sld [smem:$0x7FC]  }
0x6d8: {  	[sflag:s11] =	ssyncset.done $0x0  }
0x6d9: {  	[sflag:s11] =	ssyncadd.s32 $0xFFFFEC00  }
0x6da: {  	[tilespmem:s8], [sflag:$0x2] =	stream.indirect.gather [hbm4b:s7+s5], $0x40, s31, s5, $0xb8;
	[tilespmem:$0x9100] =	vst v63  }
0x6db: {  	_ =	swait.ge [sflag:s22], $0x1400  }
0x6dc: {  	s1 =	sld [smem:$0x7FD]  }
0x6dd: {  	[sflag:s22] =	ssyncset.done $0x0  }
0x6de: {  	[sflag:s22] =	ssyncadd.s32 $0xFFFFEC00  }
0x6df: {  	[tilespmem:s20], [sflag:$0x6] =	stream.indirect.gather.add.f32 [hbm:s3], $0x40, s1, s5, $0xb8;
	[tilespmem:$0x9100] =	vst v63  }
0x6e0: {  	_ =	swait.ge [sflag:s16], $0x1400  }
0x6e1: {  	s31 =	sld [smem:$0x7AF]  }
0x6e2: {  	[sflag:s16] =	ssyncset.done $0x0  }
0x6e3: {  	[sflag:s16] =	ssyncadd.s32 $0xFFFFEC00  }
0x6e4: {  	[hbm4b:s31+s2] =	stream.linear.scatter [tilespmem:s6], [sflag:$0xA], $0x1400, $0x38;
	[tilespmem:$0x9100] =	vst v63  }
0x6e5: {  	_ =	swait.ge [sflag:s14], $0x1400  }
0x6e6: {  	[sflag:s14] =	ssyncset.done $0x0  }
0x6e7: {  	[sflag:s14] =	ssyncadd.s32 $0xFFFFEC00  }
0x6e8: {  	[tilespmem:s4], [sflag:$0x3] =	stream.indirect.gather [hbm4b:s7+s5], $0x40, s25, s5, $0xb8;
	[tilespmem:$0x9100] =	vst v63  }
0x6e9: {  	_ =	swait.ge [sflag:s17], $0x1400  }
0x6ea: {  	[sflag:s17] =	ssyncset.done $0x0  }
0x6eb: {  	[sflag:s17] =	ssyncadd.s32 $0xFFFFEC00  }
0x6ec: {  	[tilespmem:s9], [sflag:$0x1] =	stream.indirect.gather.add.f32 [hbm:s3], $0x40, s30, s5, $0xb8;
	[tilespmem:$0x9100] =	vst v63  }
0x6ed: {  	_ =	swait.ge [sflag:s23], $0x1400  }
0x6ee: {  	s1 =	sld [smem:$0x7B0]  }
0x6ef: {  	[sflag:s23] =	ssyncset.done $0x0  }
0x6f0: {  	[sflag:s23] =	ssyncadd.s32 $0xFFFFEC00  }
0x6f1: {  	[hbm4b:s1+s2] =	stream.linear.scatter [tilespmem:s21], [sflag:$0xB], $0x1400, $0x38;
	[tilespmem:$0x9100] =	vst v63  }
0x6f2: {  	_ =	swait.ge [sflag:s15], $0x1400  }
0x6f3: {  	[sflag:s15] =	ssyncset.done $0x0  }
0x6f4: {  	[sflag:s15] =	ssyncadd.s32 $0xFFFFEC00  }
0x6f5: {  	[tilespmem:s6], [sflag:$0x4] =	stream.indirect.gather [hbm4b:s7+s5], $0x40, s29, s5, $0xb8;
	[tilespmem:$0x9100] =	vst v63  }
0x6f6: {  	_ =	swait.ge [sflag:s12], $0x1400  }
0x6f7: {  	[sflag:s12] =	ssyncset.done $0x0  }
0x6f8: {  	[sflag:s12] =	ssyncadd.s32 $0xFFFFEC00  }
0x6f9: {  	[tilespmem:s8], [sflag:$0x2] =	stream.indirect.gather.add.f32 [hbm:s3], $0x40, s28, s5, $0xb8;
	[tilespmem:$0x9100] =	vst v63  }
0x6fa: {  	_ =	swait.ge [sflag:s22], $0x1400  }
0x6fb: {  	s25 =	sld [smem:$0x7B1]  }
0x6fc: {  	[sflag:s22] =	ssyncset.done $0x0  }
0x6fd: {  	[sflag:s22] =	ssyncadd.s32 $0xFFFFEC00  }
0x6fe: {  	[hbm4b:s25+s2] =	stream.linear.scatter [tilespmem:s20], [sflag:$0xC], $0x1400, $0x38;
	[tilespmem:$0x9100] =	vst v63  }
0x6ff: {  	_ =	swait.ge [sflag:s13], $0x1400  }
0x700: {  	[sflag:s13] =	ssyncset.done $0x0  }
0x701: {  	[sflag:s13] =	ssyncadd.s32 $0xFFFFEC00  }
0x702: {  	[tilespmem:s4], [sflag:$0x3] =	stream.indirect.gather.add.f32 [hbm:s3], $0x40, s26, s5, $0xb8;
	[tilespmem:$0x9100] =	vst v63  }
0x703: {  	_ =	swait.ge [sflag:s17], $0x1400  }
0x704: {  	s26 =	sld [smem:$0x7B2]  }
0x705: {  	[sflag:s17] =	ssyncset.done $0x0  }
0x706: {  	[sflag:s17] =	ssyncadd.s32 $0xFFFFEC00  }
0x707: {  	[hbm4b:s26+s2] =	stream.linear.scatter [tilespmem:s9], [sflag:$0x7], $0x1400, $0x38;
	[tilespmem:$0x9100] =	vst v63  }
0x708: {  	_ =	swait.ge [sflag:s16], $0x1400  }
0x709: {  	[sflag:s16] =	ssyncset.done $0x0  }
0x70a: {  	s28 =	simm.s32 $0x18B0;
	[sflag:s16] =	ssyncadd.s32 $0xFFFFEC00  }
0x70b: {  	[tilespmem:s6], [sflag:$0x4] =	stream.indirect.gather.add.f32 [hbm:s3], $0x40, s28, s5, $0xb8;
	[tilespmem:$0x9100] =	vst v63  }
0x70c: {  	_ =	swait.ge [sflag:s12], $0x1400  }
0x70d: {  	s29 =	sld [smem:$0x7B3]  }
0x70e: {  	[sflag:s12] =	ssyncset.done $0x0  }
0x70f: {  	[sflag:s12] =	ssyncadd.s32 $0xFFFFEC00  }
0x710: {  	[hbm4b:s29+s2] =	stream.linear.scatter [tilespmem:s8], [sflag:$0x8], $0x1400, $0x38;
	[tilespmem:$0x9100] =	vst v63  }
0x711: {  	_ =	swait.ge [sflag:s13], $0x1400  }
0x712: {  	s30 =	sld [smem:$0x7B4]  }
0x713: {  	[sflag:s13] =	ssyncset.done $0x0  }
0x714: {  	[sflag:s13] =	ssyncadd.s32 $0xFFFFEC00  }
0x715: {  	[hbm4b:s30+s2] =	stream.linear.scatter [tilespmem:s4], [sflag:$0x9], $0x1400, $0x38;
	[tilespmem:$0x9100] =	vst v63  }
0x716: {  	_ =	swait.ge [sflag:s16], $0x1400  }
0x717: {  	s31 =	sld [smem:$0x7B5]  }
0x718: {  	[sflag:s16] =	ssyncset.done $0x0  }
0x719: {  	[sflag:s16] =	ssyncadd.s32 $0xFFFFEC00  }
0x71a: {  	[hbm4b:s31+s2] =	stream.linear.scatter [tilespmem:s6], [sflag:$0xA], $0x1400, $0x38;
	[tilespmem:$0x9100] =	vst v63  }
0x71b: {  	_ =	swait.ge [sflag:s18], $0x1400  }
0x71c: {  	[sflag:s18] =	ssyncset.done $0x0  }
0x71d: {  	[sflag:s18] =	ssyncadd.s32 $0xFFFFEC00  }
0x71e: {  	_ =	swait.ge [sflag:s19], $0x1400  }
0x71f: {  	[sflag:s19] =	ssyncset.done $0x0  }
0x720: {  	[sflag:s19] =	ssyncadd.s32 $0xFFFFEC00  }
0x721: {  	_ =	swait.ge [sflag:s10], $0x1400  }
0x722: {  	[sflag:s10] =	ssyncset.done $0x0  }
0x723: {  	[sflag:s10] =	ssyncadd.s32 $0xFFFFEC00  }
0x724: {  	_ =	swait.ge [sflag:s11], $0x1400  }
0x725: {  	[sflag:s11] =	ssyncset.done $0x0  }
0x726: {  	[sflag:s11] =	ssyncadd.s32 $0xFFFFEC00  }
0x727: {  	_ =	swait.ge [sflag:s14], $0x1400  }
0x728: {  	[sflag:s14] =	ssyncset.done $0x0  }
0x729: {  	[sflag:s14] =	ssyncadd.s32 $0xFFFFEC00  }
0x72a: {  	_ =	swait.ge [sflag:s15], $0x1400  }
0x72b: {  	[sflag:s15] =	ssyncset.done $0x0  }
0x72c: {  	[sflag:s15] =	ssyncadd.s32 $0xFFFFEC00  }
0x72d: {  	_ =	sfence.sel $0x180000  }
0x72e: {  	[bflag:$0x0] =	sbarrier.arrive $0xFFFF  }
0x72f: {  	_ =	strace $0x90000047  }
0x730: {  	[bflag:$0x2] =	sbarrier.arrive $0xFFFF  }
0x731: {  	p0 =	sne.s32 s24, $0x0;
	s0 =	rddreg [dreg:$0x4]  }
0x732: {  	s0 =	sadd.s32 @!p0 $0x100000, s0  }
0x733: {  	[sflag:s0] =	ssyncadd.tile.s32 @!p0 $0x1;
	_ =	shalt  }
.LBB2_1:
.Ltmp3:
0x734: {  	(pc) =	sbr.rel .LBB2_6-.Ltmp3, $3  }
0x735: {  	_ =	sdelay $0x1  }
0x736: {  	s25 =	simm.s32 $0x5F0;
	s30 =	simm.s32 $0xBE0  }
0x737: {  	s29 =	simm.s32 $0x1270;
	s28 =	simm.s32 $0x1860;
	s26 =	simm.s32 $0xC30  }
.LBB2_3:
.Ltmp4:
0x738: {  	(pc) =	sbr.rel .LBB2_6-.Ltmp4, $3  }
0x739: {  	_ =	sdelay $0x1  }
0x73a: {  	s25 =	simm.s32 $0x5F0;
	s30 =	simm.s32 $0xBE0;
	s29 =	simm.s32 $0x1270  }
0x73b: {  	s28 =	simm.s32 $0x1860;
	s26 =	simm.s32 $0xC30;
	s24 =	stileid.u32  }
.Lfunc_end2:
_tile_overlayer_lowered:
.L_overlay_start_2:
0x73c: {  	(tag) =	ssettag $0x2  }
0x73d: {  	s0 =	rddreg [dreg:$0x0];
	s2 =	stileid.u32  }
0x73e: {  	s1 =	rddreg [dreg:$0x1];
	p0 =	sne.s32 s2, $0x0  }
0x73f: {  	s3 =	rddreg [dreg:$0x2];
	[bflag:$0x3] =	sbarrier.arrive $0xFFFF;
	s2 =	simm.s32 @!p0 $0x1C0D  }
0x740: {  	[timem:s3], [sflag:s2] =	dma.local @!p0 [hbm:s0], s1  }
0x741: {  	s0 =	simm.s32 @!p0 $0xD  }
0x742: {  	_ =	swait.ge @!p0 [sflag:s0], s1  }
0x743: {  	s1 =	ssub.s32 @!p0 $0x0, s1;
	[sflag:s0] =	ssyncset.done @!p0 $0x0  }
0x744: {  	[sflag:s0] =	ssyncadd.s32 @!p0 s1  }
0x745: {  	[bflag:$0x3] =	sbarrier.arrive $0xFFFF  }
0x746: {  	_ =	shalt  }

</sc_bundles>
